<compile_context>
chip_gen: v7x
topology: tpu7x:2x2x1
jax: 0.10.2.dev20260603
libtpu: 0.0.44.dev20260713+nightly
codegen_flags: <defaults>
</compile_context>

<pallas_src>
import functools

import jax
import jax.numpy as jnp
from jax import lax
from jax.experimental import pallas as pl
from jax.experimental.pallas import tpu as pltpu
from jax.experimental.pallas import tpu_sc as plsc

N = 10000
E = 160000
BLK = 1000
NB = N // BLK
CH = 80
NCHUNK = E // CH
NSUB = 16
CPT = NCHUNK // NSUB
RPT = 640
NPAD = NSUB * RPT
RLAST = N - 15 * RPT
CHP = 80
NCP = 128
EPAD = NSUB * NCP * CHP
DUMMY = 10008

_HI = lax.Precision.DEFAULT


def _dot(a, b):
    return jnp.dot(a, b, precision=_HI, preferred_element_type=jnp.float32)


def _gelu(x):
    return jax.nn.gelu(x)


def _pre_body(x_ref, pos_ref, lng_ref, lnb_ref,
              pw0_ref, pb0_ref, pw1_ref, pb1_ref, pw2_ref, pb2_ref,
              pw3_ref, pb3_ref, iw0a_ref, iw0b_ref, ib0_ref, iw1_ref, ib1_ref,
              out_ref):
    xb = x_ref[...]
    mu = jnp.mean(xb, axis=1, keepdims=True)
    xc = xb - mu
    va = jnp.mean(xc * xc, axis=1, keepdims=True)
    h = xc / jnp.sqrt(va + 1e-6) * lng_ref[...] + lnb_ref[...]
    pe = pos_ref[...]
    pe = _gelu(_dot(pe, pw0_ref[...]) + pb0_ref[...])
    pe = _gelu(_dot(pe, pw1_ref[...]) + pb1_ref[...])
    pe = _gelu(_dot(pe, pw2_ref[...]) + pb2_ref[...])
    pe = _dot(pe, pw3_ref[...]) + pb3_ref[...]
    t = _gelu(_dot(h, iw0a_ref[...]) + _dot(pe, iw0b_ref[...]) + ib0_ref[...])
    h1 = _gelu(_dot(t, iw1_ref[...]) + ib1_ref[...])
    out_ref[0] = h1[:, :128]
    out_ref[1] = h1[:, 128:]


def _full(shape):
    nd = len(shape)
    return pl.BlockSpec(shape, lambda i, _nd=nd: (0,) * _nd)


def _pre(x, pos, lng, lnb, pws, pbs, iw0a, iw0b, ib0, iw1, ib1):
    specs = [
        pl.BlockSpec((BLK, 256), lambda i: (i, 0)),
        pl.BlockSpec((BLK, 256), lambda i: (i, 0)),
        _full((1, 256)), _full((1, 256)),
        _full((256, 256)), _full((1, 256)),
        _full((256, 256)), _full((1, 256)),
        _full((256, 256)), _full((1, 256)),
        _full((256, 64)), _full((1, 64)),
        _full((256, 512)), _full((64, 512)), _full((1, 512)),
        _full((512, 256)), _full((1, 256)),
    ]
    return pl.pallas_call(
        _pre_body,
        grid=(NB,),
        in_specs=specs,
        out_specs=pl.BlockSpec((2, BLK, 128), lambda i: (0, i, 0)),
        out_shape=jax.ShapeDtypeStruct((2, N, 128), jnp.float32),
    )(x, pos, lng, lnb, pws[0], pbs[0], pws[1], pbs[1], pws[2], pbs[2],
      pws[3], pbs[3], iw0a, iw0b, ib0, iw1, ib1)


def _combine_block(i, hs_ref, sbb_ref, sct_ref, cb_ref, cc_ref, wrefs, hraw_v,
                   st_v):
    (wlb0_ref, wlb1_ref, wrb0_ref, wrb1_ref, bb_ref,
     wlc0_ref, wlc1_ref, wrc0_ref, wrc1_ref, bc_ref) = wrefs
    h0 = hs_ref[0]
    h1 = hs_ref[1]
    nb = jnp.maximum(cb_ref[...][:, 0:1], 1.0)
    nc = jnp.maximum(cc_ref[...][:, 0:1], 1.0)
    mb0 = sbb_ref[0] / nb
    mb1 = sbb_ref[1] / nb
    mc0 = sct_ref[0] / nc
    mc1 = sct_ref[1] / nc
    hraw = (_dot(h0, wlb0_ref[...]) + _dot(h1, wlb1_ref[...])
            + _dot(mb0, wrb0_ref[...]) + _dot(mb1, wrb1_ref[...]) + bb_ref[...]
            + _dot(h0, wlc0_ref[...]) + _dot(h1, wlc1_ref[...])
            + _dot(mc0, wrc0_ref[...]) + _dot(mc1, wrc1_ref[...]) + bc_ref[...])
    hraw_v[pl.ds(i * BLK, BLK), :] = hraw

    @pl.when(i == 0)
    def _():
        st_v[...] = jnp.zeros((8, 256), jnp.float32)

    st_v[0:1, :] += jnp.sum(hraw, axis=0, keepdims=True)
    st_v[1:2, :] += jnp.sum(hraw * hraw, axis=0, keepdims=True)


def _gn_apply(ii, st_v, g_ref, b_ref, a_ref, hraw_v):
    a = a_ref[...]
    mu2 = st_v[0:1, :] * (1.0 / N)
    eh2 = st_v[1:2, :] * (1.0 / N)
    va2 = eh2 - (2.0 * a - a * a) * mu2 * mu2
    sub = hraw_v[pl.ds(ii * BLK, BLK), :] - a * mu2
    return _gelu(g_ref[...] * sub / jnp.sqrt(va2 + 1e-5) + b_ref[...])


def _cg_body(hs_ref, sbb_ref, sct_ref, cb_ref, cc_ref,
             wlb0_ref, wlb1_ref, wrb0_ref, wrb1_ref, bb_ref,
             wlc0_ref, wlc1_ref, wrc0_ref, wrc1_ref, bc_ref,
             g_ref, b_ref, a_ref, out_ref, hraw_v, st_v):
    i = pl.program_id(0)

    @pl.when(i < NB)
    def _():
        _combine_block(i, hs_ref, sbb_ref, sct_ref, cb_ref, cc_ref,
                       (wlb0_ref, wlb1_ref, wrb0_ref, wrb1_ref, bb_ref,
                        wlc0_ref, wlc1_ref, wrc0_ref, wrc1_ref, bc_ref),
                       hraw_v, st_v)

    @pl.when(i >= NB)
    def _():
        h = _gn_apply(i - NB, st_v, g_ref, b_ref, a_ref, hraw_v)
        out_ref[0] = h[:, :128]
        out_ref[1] = h[:, 128:]


def _combine_gn(hs, sbb, sct, cnt_bb, cnt_ct, wlb0, wlb1, wrb0, wrb1, bb,
                wlc0, wlc1, wrc0, wrc1, bc, g, b, a):
    ix = lambda i: (0, jnp.where(i < NB, i, i - NB), 0)
    ir = lambda i: (jnp.where(i < NB, i, i - NB), 0)
    specs = [
        pl.BlockSpec((2, BLK, 128), ix),
        pl.BlockSpec((2, BLK, 128), ix),
        pl.BlockSpec((2, BLK, 128), ix),
        pl.BlockSpec((BLK, 16), ir),
        pl.BlockSpec((BLK, 16), ir),
        _full((128, 256)), _full((128, 256)),
        _full((128, 256)), _full((128, 256)), _full((1, 256)),
        _full((128, 256)), _full((128, 256)),
        _full((128, 256)), _full((128, 256)), _full((1, 256)),
        _full((1, 256)), _full((1, 256)), _full((1, 256)),
    ]
    return pl.pallas_call(
        _cg_body,
        grid=(2 * NB,),
        in_specs=specs,
        out_specs=pl.BlockSpec((2, BLK, 128),
                               lambda i: (0, jnp.maximum(i - NB, 0), 0)),
        out_shape=jax.ShapeDtypeStruct((2, N, 128), jnp.float32),
        scratch_shapes=[pltpu.VMEM((N, 256), jnp.float32),
                        pltpu.VMEM((8, 256), jnp.float32)],
    )(hs, sbb, sct, cnt_bb, cnt_ct, wlb0, wlb1, wrb0, wrb1, bb,
      wlc0, wlc1, wrc0, wrc1, bc, g, b, a)


def _ch_body(h1s_ref, sbb_ref, sct_ref, cb2_ref, cc2_ref,
             wlb0_ref, wlb1_ref, wrb0_ref, wrb1_ref, bb2_ref,
             wlc0_ref, wlc1_ref, wrc0_ref, wrc1_ref, bc2_ref,
             g_ref, b_ref, a_ref,
             hw0a0_ref, hw0a1_ref, hw0b_ref, hb0_ref, hw1_ref, hb1_ref,
             aa_ref, ow0a_ref, ow0b_ref, ob0_ref, ow1_ref, ob1_ref,
             ow2_ref, ob2_ref, cbv_ref, out_ref, hraw_v, st_v):
    i = pl.program_id(0)

    @pl.when(i < NB)
    def _():
        _combine_block(i, h1s_ref, sbb_ref, sct_ref, cb2_ref, cc2_ref,
                       (wlb0_ref, wlb1_ref, wrb0_ref, wrb1_ref, bb2_ref,
                        wlc0_ref, wlc1_ref, wrc0_ref, wrc1_ref, bc2_ref),
                       hraw_v, st_v)

    @pl.when(i >= NB)
    def _():
        h2 = _gn_apply(i - NB, st_v, g_ref, b_ref, a_ref, hraw_v)
        t = _gelu(_dot(h1s_ref[0], hw0a0_ref[...])
                  + _dot(h1s_ref[1], hw0a1_ref[...])
                  + _dot(h2, hw0b_ref[...]) + hb0_ref[...])
        t = _gelu(_dot(t, hw1_ref[...]) + hb1_ref[...])
        u = _gelu(_dot(t, ow0a_ref[...]) + _dot(aa_ref[...], ow0b_ref[...])
                  + ob0_ref[...])
        u = _gelu(_dot(u, ow1_ref[...]) + ob1_ref[...])
        z = jnp.tanh(_dot(u, ow2_ref[...]) + ob2_ref[...])
        cbt = cbv_ref[...]
        cc = jnp.sum(cbt * cbt, axis=0, keepdims=True)
        scores = _dot(z, cbt)
        d = cc - 2.0 * scores
        m = jnp.min(d, axis=1, keepdims=True)
        kidx = lax.broadcasted_iota(jnp.int32, d.shape, 1)
        idx = jnp.min(jnp.where(d == m, kidx, 512), axis=1, keepdims=True)
        oh = (kidx == idx).astype(jnp.float32)
        q = lax.dot_general(oh, cbt, (((1,), (1,)), ((), ())),
                            precision=_HI, preferred_element_type=jnp.float32)
        out_ref[...] = z + (q - z)


def _head(h1s, sbb, sct, cnt_bb, cnt_ct,
          wlb0, wlb1, wrb0, wrb1, bb2, wlc0, wlc1, wrc0, wrc1, bc2,
          g, b, a, hw0a0, hw0a1, hw0b, hb0, hw1, hb1,
          aa, ow0a, ow0b, ob0, ow1, ob1, ow2, ob2, cbv):
    ix = lambda i: (0, jnp.where(i < NB, i, i - NB), 0)
    ir = lambda i: (jnp.where(i < NB, i, i - NB), 0)
    return pl.pallas_call(
        _ch_body,
        grid=(2 * NB,),
        in_specs=[
            pl.BlockSpec((2, BLK, 128), ix),
            pl.BlockSpec((2, BLK, 128), ix),
            pl.BlockSpec((2, BLK, 128), ix),
            pl.BlockSpec((BLK, 16), ir),
            pl.BlockSpec((BLK, 16), ir),
            _full((128, 256)), _full((128, 256)),
            _full((128, 256)), _full((128, 256)), _full((1, 256)),
            _full((128, 256)), _full((128, 256)),
            _full((128, 256)), _full((128, 256)), _full((1, 256)),
            _full((1, 256)), _full((1, 256)), _full((1, 256)),
            _full((128, 100)), _full((128, 100)), _full((256, 100)),
            _full((1, 100)), _full((100, 100)), _full((1, 100)),
            pl.BlockSpec((BLK, 20), ir),
            _full((100, 100)), _full((20, 100)), _full((1, 100)),
            _full((100, 100)), _full((1, 100)),
            _full((100, 128)), _full((1, 128)),
            _full((128, 512)),
        ],
        out_specs=pl.BlockSpec((BLK, 128),
                               lambda i: (jnp.maximum(i - NB, 0), 0)),
        out_shape=jax.ShapeDtypeStruct((N, 128), jnp.float32),
        scratch_shapes=[pltpu.VMEM((N, 256), jnp.float32),
                        pltpu.VMEM((8, 256), jnp.float32)],
    )(h1s, sbb, sct, cnt_bb, cnt_ct,
      wlb0, wlb1, wrb0, wrb1, bb2, wlc0, wlc1, wrc0, wrc1, bc2,
      g, b, a, hw0a0, hw0a1, hw0b, hb0, hw1, hb1,
      aa, ow0a, ow0b, ob0, ow1, ob1, ow2, ob2, cbv)


def _counts(dst_all, z16):
    mesh = plsc.VectorSubcoreMesh(core_axis_name="c", subcore_axis_name="s")

    @functools.partial(
        pl.kernel, mesh=mesh,
        out_type=jax.ShapeDtypeStruct((2, N, 16), jnp.float32),
        scratch_types=[
            pltpu.VMEM((CPT, CH), jnp.int32),
            pltpu.VMEM((CH, 16), jnp.float32),
            pltpu.VMEM_SHARED((NPAD, 16), jnp.float32),
            pltpu.SemaphoreType.DMA,
        ])
    def k(dst_hbm, zer_hbm, out_hbm, idx_v, ones_v, acc_sh, sem):
        cid = lax.axis_index("c")
        sid = lax.axis_index("s")

        @pl.loop(0, CH)
        def _(i):
            ones_v[i, :] = jnp.full((16,), 1.0, jnp.float32)

        pltpu.sync_copy(zer_hbm.at[sid], acc_sh.at[pl.ds(sid * RPT, RPT)])
        pltpu.sync_copy(dst_hbm.at[cid].at[sid], idx_v)
        plsc.subcore_barrier()

        @pl.loop(0, CPT)
        def _(j):
            pltpu.sync_copy(ones_v, acc_sh.at[idx_v.at[j]], add=True)

        plsc.subcore_barrier()

        @pl.when(sid < NSUB - 1)
        def _():
            pltpu.sync_copy(acc_sh.at[pl.ds(sid * RPT, RPT)],
                            out_hbm.at[cid].at[pl.ds(sid * RPT, RPT)])

        @pl.when(sid == NSUB - 1)
        def _():
            pltpu.sync_copy(acc_sh.at[pl.ds((NSUB - 1) * RPT, RLAST)],
                            out_hbm.at[cid].at[pl.ds((NSUB - 1) * RPT, RLAST)])

    return k(dst_all, z16)


def _segsum(hs, srcf, dst3, z128):
    mesh = plsc.VectorSubcoreMesh(core_axis_name="c", subcore_axis_name="s")

    @functools.partial(
        pl.kernel, mesh=mesh,
        out_type=jax.ShapeDtypeStruct((2, N, 128), jnp.float32),
        scratch_types=[
            pltpu.VMEM((CPT * CH,), jnp.int32),
            pltpu.VMEM((CPT, CH), jnp.int32),
            pltpu.VMEM((CH, 128), jnp.float32),
            pltpu.VMEM((CH, 128), jnp.float32),
            pltpu.VMEM_SHARED((NPAD, 128), jnp.float32),
            pltpu.SemaphoreType.DMA,
            pltpu.SemaphoreType.DMA,
        ])
    def k(hs_hbm, src_hbm, dst_hbm, zer_hbm, out_hbm,
          idxs_v, idxd_v, bufa_v, bufb_v, acc_sh, sema, semb):
        cid = lax.axis_index("c")
        sid = lax.axis_index("s")
        pltpu.sync_copy(zer_hbm.at[sid], acc_sh.at[pl.ds(sid * RPT, RPT)])
        pltpu.sync_copy(src_hbm.at[sid], idxs_v)
        pltpu.sync_copy(dst_hbm.at[sid], idxd_v)
        plsc.subcore_barrier()

        def gat(j, buf, sem):
            return pltpu.make_async_copy(
                hs_hbm.at[cid].at[idxs_v.at[pl.ds(j * CH, CH)]], buf, sem)

        gat(0, bufa_v, sema).start()

        @pl.loop(0, (CPT - 1) // 2)
        def _(p):
            j0 = 2 * p
            gat(j0 + 1, bufb_v, semb).start()
            gat(j0, bufa_v, sema).wait()
            pltpu.sync_copy(bufa_v, acc_sh.at[idxd_v.at[j0]], add=True)
            gat(j0 + 2, bufa_v, sema).start()
            gat(j0 + 1, bufb_v, semb).wait()
            pltpu.sync_copy(bufb_v, acc_sh.at[idxd_v.at[j0 + 1]], add=True)

        gat(CPT - 1, bufa_v, sema).wait()
        pltpu.sync_copy(bufa_v, acc_sh.at[idxd_v.at[CPT - 1]], add=True)
        plsc.subcore_barrier()

        @pl.when(sid < NSUB - 1)
        def _():
            pltpu.sync_copy(acc_sh.at[pl.ds(sid * RPT, RPT)],
                            out_hbm.at[cid].at[pl.ds(sid * RPT, RPT)])

        @pl.when(sid == NSUB - 1)
        def _():
            pltpu.sync_copy(acc_sh.at[pl.ds((NSUB - 1) * RPT, RLAST)],
                            out_hbm.at[cid].at[pl.ds((NSUB - 1) * RPT, RLAST)])

    return k(hs, srcf, dst3, z128)


def kernel(x, pos, aa, ei_bb, ei_ct, ln_g, ln_b,
           pw0, pb0, pw1, pb1, pw2, pb2, pw3, pb3,
           iw0, ib0, iw1, ib1,
           c0bb_wl, c0bb_wr, c0bb_b, c0ct_wl, c0ct_wr, c0ct_b,
           gn0_g, gn0_b, gn0_a,
           c1bb_wl, c1bb_wr, c1bb_b, c1ct_wl, c1ct_wr, c1ct_b,
           gn1_g, gn1_b, gn1_a,
           hw0, hb0, hw1, hb1,
           ow0, ob0, ow1, ob1, ow2, ob2, cb):
    r1 = lambda v: v.reshape(1, -1)
    src_bb = ei_bb[0].reshape(NSUB, CPT * CH)
    dst_bb = ei_bb[1].reshape(NSUB, CPT, CH)
    src_ct = ei_ct[0].reshape(NSUB, CPT * CH)
    dst_ct = ei_ct[1].reshape(NSUB, CPT, CH)
    dst_all = jnp.stack([ei_bb[1].reshape(NSUB, CPT, CH),
                         ei_ct[1].reshape(NSUB, CPT, CH)])
    z16 = jnp.zeros((NSUB, RPT, 16), jnp.float32)
    z128 = jnp.zeros((NSUB, RPT, 128), jnp.float32)

    cnts = _counts(dst_all, z16)
    cnt_bb = cnts[0]
    cnt_ct = cnts[1]

    h0s = _pre(x, pos, r1(ln_g), r1(ln_b),
               [pw0, pw1, pw2, pw3], [r1(pb0), r1(pb1), r1(pb2), r1(pb3)],
               iw0[:256], iw0[256:], r1(ib0), iw1, r1(ib1))

    s1bb = _segsum(h0s, src_bb, dst_bb, z128)
    s1ct = _segsum(h0s, src_ct, dst_ct, z128)
    h1s = _combine_gn(h0s, s1bb, s1ct, cnt_bb, cnt_ct,
                      c0bb_wl[:128], c0bb_wl[128:],
                      c0bb_wr[:128], c0bb_wr[128:], r1(c0bb_b),
                      c0ct_wl[:128], c0ct_wl[128:],
                      c0ct_wr[:128], c0ct_wr[128:], r1(c0ct_b),
                      r1(gn0_g), r1(gn0_b), r1(gn0_a))

    s2bb = _segsum(h1s, src_bb, dst_bb, z128)
    s2ct = _segsum(h1s, src_ct, dst_ct, z128)
    return _head(h1s, s2bb, s2ct, cnt_bb, cnt_ct,
                 c1bb_wl[:128], c1bb_wl[128:],
                 c1bb_wr[:128], c1bb_wr[128:], r1(c1bb_b),
                 c1ct_wl[:128], c1ct_wl[128:],
                 c1ct_wr[:128], c1ct_wr[128:], r1(c1ct_b),
                 r1(gn1_g), r1(gn1_b), r1(gn1_a),
                 hw0[:128], hw0[128:256], hw0[256:], r1(hb0), hw1, r1(hb1),
                 aa, ow0[:100], ow0[100:], r1(ob0), ow1, r1(ob1),
                 ow2, r1(ob2), cb.T)

# --- scband reference (transcript-rebuilt; emitter-appended) ---
"""Pipeline reference for scband-mk1-encoder-23003844838038 (READ-ONLY COPY).

The authoritative reference and input builder live on the scoring server;
editing this copy changes nothing except your own understanding.
"""

import jax, jax.numpy as jnp
import numpy as np

N = 10000
E = 160000
DIN = 256
H = 256
OUT = 128
K = 512

def setup_inputs(seed: int = 0):
    key = jax.random.key(seed)
    c = [0]
    def nx():
        c[0] += 1
        return jax.random.fold_in(key, c[0])
    def w(*shape):
        return jax.random.normal(nx(), shape, dtype=jnp.float32) * 0.02
    inp = {}
    inp['x'] = jax.random.normal(nx(), (N, DIN), dtype=jnp.float32)
    inp['pos'] = jax.random.normal(nx(), (N, 256), dtype=jnp.float32)
    inp['aa'] = jax.random.uniform(nx(), (N, 20), dtype=jnp.float32)
    inp['ei_bb'] = jax.random.randint(nx(), (2, E), 0, N, dtype=jnp.int32)
    inp['ei_ct'] = jax.random.randint(nx(), (2, E), 0, N, dtype=jnp.int32)
    inp['ln_g'] = jnp.ones((DIN,), jnp.float32)
    inp['ln_b'] = jnp.zeros((DIN,), jnp.float32)
    for i in range(3):
        inp['pw%d' % i] = w(256, 256)
        inp['pb%d' % i] = jnp.zeros((256,), jnp.float32)
    inp['pw3'] = w(256, 64)
    inp['pb3'] = jnp.zeros((64,), jnp.float32)
    inp['iw0'] = w(DIN + 64, 2 * H)
    inp['ib0'] = jnp.zeros((2 * H,), jnp.float32)
    inp['iw1'] = w(2 * H, H)
    inp['ib1'] = jnp.zeros((H,), jnp.float32)
    for l in range(2):
        for et in ('bb', 'ct'):
            inp['c%d%s_wl' % (l, et)] = w(H, H)
            inp['c%d%s_wr' % (l, et)] = w(H, H)
            inp['c%d%s_b' % (l, et)] = jnp.zeros((H,), jnp.float32)
        inp['gn%d_g' % l] = jnp.ones((H,), jnp.float32)
        inp['gn%d_b' % l] = jnp.zeros((H,), jnp.float32)
        inp['gn%d_a' % l] = jnp.ones((H,), jnp.float32)
    inp['hw0'] = w(2 * H, 100)
    inp['hb0'] = jnp.zeros((100,), jnp.float32)
    inp['hw1'] = w(100, 100)
    inp['hb1'] = jnp.zeros((100,), jnp.float32)
    inp['ow0'] = w(120, 100)
    inp['ob0'] = jnp.zeros((100,), jnp.float32)
    inp['ow1'] = w(100, 100)
    inp['ob1'] = jnp.zeros((100,), jnp.float32)
    inp['ow2'] = w(100, OUT)
    inp['ob2'] = jnp.zeros((OUT,), jnp.float32)
    inp['cb'] = w(K, OUT) * 50.0
    return inp

def _forward(p, ei_bb, ei_ct):
    g = jax.nn.gelu
    x = p['x']
    n = x.shape[0]
    mu = x.mean(-1, keepdims=True)
    va = x.var(-1, keepdims=True)
    h = (x - mu) / jnp.sqrt(va + 1e-6) * p['ln_g'] + p['ln_b']
    pe = p['pos']
    for i in range(3):
        pe = g(pe @ p['pw%d' % i] + p['pb%d' % i])
    pe = pe @ p['pw3'] + p['pb3']
    h = jnp.concatenate([h, pe], axis=1)
    h = g(h @ p['iw0'] + p['ib0'])
    h = g(h @ p['iw1'] + p['ib1'])
    def sage(hh, ei, wl, wr, b):
        src = ei[0]
        dst = ei[1]
        s = jax.ops.segment_sum(hh[src], dst, num_segments=n)
        cnt = jax.ops.segment_sum(jnp.ones((ei.shape[1],), hh.dtype), dst, num_segments=n)
        mean = s / jnp.clip(cnt, 1.0)[:, None]
        return hh @ wl + mean @ wr + b
    xs = []
    for l in range(2):
        h = sage(h, ei_bb, p['c%dbb_wl' % l], p['c%dbb_wr' % l], p['c%dbb_b' % l]) + sage(h, ei_ct, p['c%dct_wl' % l], p['c%dct_wr' % l], p['c%dct_b' % l])
        mu2 = h.mean(0)
        sub = h - p['gn%d_a' % l] * mu2
        va2 = (sub * sub).mean(0)
        h = p['gn%d_g' % l] * sub / jnp.sqrt(va2 + 1e-5) + p['gn%d_b' % l]
        h = g(h)
        xs.append(h)
    h = jnp.concatenate(xs, axis=1)
    h = g(h @ p['hw0'] + p['hb0'])
    h = g(h @ p['hw1'] + p['hb1'])
    h = jnp.concatenate([h, p['aa']], axis=1)
    h = g(h @ p['ow0'] + p['ob0'])
    h = g(h @ p['ow1'] + p['ob1'])
    z = jnp.tanh(h @ p['ow2'] + p['ob2'])
    cb = p['cb']
    d = (z * z).sum(1, keepdims=True) + (cb * cb).sum(1)[None, :] - 2.0 * (z @ cb.T)
    idx = jnp.argmin(d, axis=1)
    q = jnp.take(cb, idx, axis=0)
    zq = z + jax.lax.stop_gradient(q - z)
    return zq

def reference(x, pos, aa, ei_bb, ei_ct, ln_g, ln_b,
              pw0, pb0, pw1, pb1, pw2, pb2, pw3, pb3,
              iw0, ib0, iw1, ib1,
              c0bb_wl, c0bb_wr, c0bb_b, c0ct_wl, c0ct_wr, c0ct_b,
              gn0_g, gn0_b, gn0_a,
              c1bb_wl, c1bb_wr, c1bb_b, c1ct_wl, c1ct_wr, c1ct_b,
              gn1_g, gn1_b, gn1_a,
              hw0, hb0, hw1, hb1,
              ow0, ob0, ow1, ob1, ow2, ob2, cb):
    kw = dict(locals())
    ei_bb = kw.pop('ei_bb')
    ei_ct = kw.pop('ei_ct')
    return _forward(kw, ei_bb, ei_ct)

if __name__ == "__main__":
    import jax
    _d = setup_inputs()
    print(jax.jit(kernel)(*tuple(_d.values())))

</pallas_src>

<mosaic_0001>
#map = affine_map<(d0, d1) -> (0, 0, 0, 0)>
#map1 = affine_map<(d0, d1) -> (0, 0, 0)>
module attributes {stable_mosaic.version = 14 : i64} {
  func.func @k(%arg0: i32, %arg1: i32, %arg2: memref<2x16x125x80xi32, #tpu.memory_space<hbm>>, %arg3: memref<16x640x16xf32, #tpu.memory_space<hbm>>, %arg4: memref<2x10000x16xf32, #tpu.memory_space<hbm>>, %arg5: memref<125x80xi32, #tpu.memory_space<vmem>>, %arg6: memref<80x16xf32, #tpu.memory_space<vmem>>, %arg7: memref<10240x16xf32, #tpu.memory_space<vmem_shared>>, %arg8: memref<!tpu.dma_semaphore, #tpu.memory_space<semaphore_mem>>) attributes {dimension_semantics = [#tpu.dimension_semantics<core_parallel>, #tpu.dimension_semantics<subcore_parallel>], iteration_bounds = array<i64: 2, 16>, scalar_prefetch = 0 : i64, scratch_operands = 4 : i64, tpu.core_type = #tpu.core_type<sc_vector_subcore>, window_params = [{transform_indices = #map}, {transform_indices = #map1}, {transform_indices = #map1}]} {
    %scan3A = arith.constant 0 : i32
    %scan3A_0 = arith.constant 80 : i32
    %scan3A_1 = arith.addi %scan3A, %scan3A_0 : i32
    %scan3A_2 = arith.constant 1 : i32
    scf.for %scan3A_17 = %scan3A to %scan3A_1 step %scan3A_2  : i32 {
      %mul3A_18 = arith.constant 1 : i32
      %mul3A_19 = arith.muli %scan3A_17, %mul3A_18 : i32
      %add3A = arith.constant 0 : i32
      %add3A_20 = arith.addi %add3A, %mul3A_19 : i32
      %broadcast_in_dim3A = arith.constant 1.000000e+00 : f32
      %broadcast_in_dim3A_21 = vector.broadcast %broadcast_in_dim3A : f32 to vector<16xf32>
      %swap3A = arith.index_cast %add3A_20 : i32 to index
      %swap3A_22 = arith.constant 0 : index
      %swap3A_23 = tpu.vector_load %arg6[%swap3A, %swap3A_22] {strides = array<i32>} : memref<80x16xf32, #tpu.memory_space<vmem>>, vector<1x16xf32>,
      %swap3A_24 = vector.shape_cast %swap3A_23 : vector<1x16xf32> to vector<16xf32>
      %swap3A_25 = vector.shape_cast %broadcast_in_dim3A_21 : vector<16xf32> to vector<1x16xf32>
      tpu.vector_store %arg6[%swap3A, %swap3A_22], %swap3A_25 {strides = array<i32>} : memref<80x16xf32, #tpu.memory_space<vmem>>, vector<1x16xf32>,
    }
    %scan3A_3 = arith.constant 80 : i32
    %mul3A = arith.constant 640 : i32
    %mul3A_4 = arith.muli %arg1, %mul3A : i32
    "tpu.region"() ({
      %run_scoped3A = tpu.sem_alloc : memref<!tpu.dma_semaphore, #tpu.memory_space<semaphore_mem>>
      %dma_start3A = arith.constant 0 : i32
      %dma_start3A_17 = tpu.memref_slice %arg7[%mul3A_4, %dma_start3A] : memref<10240x16xf32, #tpu.memory_space<vmem_shared>> -> memref<640x16xf32, #tpu.memory_space<vmem_shared>>
      %dma_start3A_18 = arith.constant 0 : i32
      %dma_start3A_19 = arith.constant 0 : i32
      %dma_start3A_20 = tpu.memref_slice %arg3[%arg1, %dma_start3A_18, %dma_start3A_19] : memref<16x640x16xf32, #tpu.memory_space<hbm>> -> memref<1x640x16xf32, #tpu.memory_space<hbm>>
      %dma_start3A_21 = tpu.memref_squeeze %dma_start3A_20 : memref<1x640x16xf32, #tpu.memory_space<hbm>> -> memref<640x16xf32, #tpu.memory_space<hbm>>
      tpu.enqueue_dma source(%dma_start3A_21 : memref<640x16xf32, #tpu.memory_space<hbm>>) target(%dma_start3A_17 : memref<640x16xf32, #tpu.memory_space<vmem_shared>>) target_semaphore(%run_scoped3A : memref<!tpu.dma_semaphore, #tpu.memory_space<semaphore_mem>>)
      %dma_wait3A = arith.constant 0 : i32
      %dma_wait3A_22 = tpu.memref_slice %arg7[%mul3A_4, %dma_wait3A] : memref<10240x16xf32, #tpu.memory_space<vmem_shared>> -> memref<640x16xf32, #tpu.memory_space<vmem_shared>>
      %dma_wait3A_23 = arith.constant 0 : i32
      %dma_wait3A_24 = arith.constant 0 : i32
      %dma_wait3A_25 = tpu.memref_slice %arg3[%arg1, %dma_wait3A_23, %dma_wait3A_24] : memref<16x640x16xf32, #tpu.memory_space<hbm>> -> memref<1x640x16xf32, #tpu.memory_space<hbm>>
      %dma_wait3A_26 = tpu.memref_squeeze %dma_wait3A_25 : memref<1x640x16xf32, #tpu.memory_space<hbm>> -> memref<640x16xf32, #tpu.memory_space<hbm>>
      tpu.wait_dma2 semaphore(%run_scoped3A : memref<!tpu.dma_semaphore, #tpu.memory_space<semaphore_mem>>) src(%dma_wait3A_26 : memref<640x16xf32, #tpu.memory_space<hbm>>) dst(%dma_wait3A_22 : memref<640x16xf32, #tpu.memory_space<vmem_shared>>)
      tpu.yield
    }) : () -> ()
    "tpu.region"() ({
      %run_scoped3A = tpu.sem_alloc : memref<!tpu.dma_semaphore, #tpu.memory_space<semaphore_mem>>
      %dma_start3A = arith.constant 0 : i32
      %dma_start3A_17 = arith.constant 0 : i32
      %dma_start3A_18 = arith.constant 0 : i32
      %dma_start3A_19 = tpu.memref_slice %arg2[%arg0, %dma_start3A, %dma_start3A_17, %dma_start3A_18] : memref<2x16x125x80xi32, #tpu.memory_space<hbm>> -> memref<1x16x125x80xi32, #tpu.memory_space<hbm>>
      %dma_start3A_20 = tpu.memref_squeeze %dma_start3A_19 : memref<1x16x125x80xi32, #tpu.memory_space<hbm>> -> memref<16x125x80xi32, #tpu.memory_space<hbm>>
      %dma_start3A_21 = arith.constant 0 : i32
      %dma_start3A_22 = arith.constant 0 : i32
      %dma_start3A_23 = tpu.memref_slice %dma_start3A_20[%arg1, %dma_start3A_21, %dma_start3A_22] : memref<16x125x80xi32, #tpu.memory_space<hbm>> -> memref<1x125x80xi32, #tpu.memory_space<hbm>>
      %dma_start3A_24 = tpu.memref_squeeze %dma_start3A_23 : memref<1x125x80xi32, #tpu.memory_space<hbm>> -> memref<125x80xi32, #tpu.memory_space<hbm>>
      %dma_start3A_25 = arith.constant 0 : i32
      %dma_start3A_26 = arith.constant 0 : i32
      %dma_start3A_27 = arith.constant 0 : i32
      %dma_start3A_28 = tpu.memref_slice %arg2[%arg0, %dma_start3A_25, %dma_start3A_26, %dma_start3A_27] : memref<2x16x125x80xi32, #tpu.memory_space<hbm>> -> memref<1x16x125x80xi32, #tpu.memory_space<hbm>>
      %dma_start3A_29 = tpu.memref_squeeze %dma_start3A_28 : memref<1x16x125x80xi32, #tpu.memory_space<hbm>> -> memref<16x125x80xi32, #tpu.memory_space<hbm>>
      %dma_start3A_30 = arith.constant 0 : i32
      %dma_start3A_31 = arith.constant 0 : i32
      %dma_start3A_32 = tpu.memref_slice %dma_start3A_29[%arg1, %dma_start3A_30, %dma_start3A_31] : memref<16x125x80xi32, #tpu.memory_space<hbm>> -> memref<1x125x80xi32, #tpu.memory_space<hbm>>
      %dma_start3A_33 = tpu.memref_squeeze %dma_start3A_32 : memref<1x125x80xi32, #tpu.memory_space<hbm>> -> memref<125x80xi32, #tpu.memory_space<hbm>>
      tpu.enqueue_dma source(%dma_start3A_33 : memref<125x80xi32, #tpu.memory_space<hbm>>) target(%arg5 : memref<125x80xi32, #tpu.memory_space<vmem>>) target_semaphore(%run_scoped3A : memref<!tpu.dma_semaphore, #tpu.memory_space<semaphore_mem>>)
      %dma_wait3A = arith.constant 0 : i32
      %dma_wait3A_34 = arith.constant 0 : i32
      %dma_wait3A_35 = arith.constant 0 : i32
      %dma_wait3A_36 = tpu.memref_slice %arg2[%arg0, %dma_wait3A, %dma_wait3A_34, %dma_wait3A_35] : memref<2x16x125x80xi32, #tpu.memory_space<hbm>> -> memref<1x16x125x80xi32, #tpu.memory_space<hbm>>
      %dma_wait3A_37 = tpu.memref_squeeze %dma_wait3A_36 : memref<1x16x125x80xi32, #tpu.memory_space<hbm>> -> memref<16x125x80xi32, #tpu.memory_space<hbm>>
      %dma_wait3A_38 = arith.constant 0 : i32
      %dma_wait3A_39 = arith.constant 0 : i32
      %dma_wait3A_40 = tpu.memref_slice %dma_wait3A_37[%arg1, %dma_wait3A_38, %dma_wait3A_39] : memref<16x125x80xi32, #tpu.memory_space<hbm>> -> memref<1x125x80xi32, #tpu.memory_space<hbm>>
      %dma_wait3A_41 = tpu.memref_squeeze %dma_wait3A_40 : memref<1x125x80xi32, #tpu.memory_space<hbm>> -> memref<125x80xi32, #tpu.memory_space<hbm>>
      %dma_wait3A_42 = arith.constant 0 : i32
      %dma_wait3A_43 = arith.constant 0 : i32
      %dma_wait3A_44 = arith.constant 0 : i32
      %dma_wait3A_45 = tpu.memref_slice %arg2[%arg0, %dma_wait3A_42, %dma_wait3A_43, %dma_wait3A_44] : memref<2x16x125x80xi32, #tpu.memory_space<hbm>> -> memref<1x16x125x80xi32, #tpu.memory_space<hbm>>
      %dma_wait3A_46 = tpu.memref_squeeze %dma_wait3A_45 : memref<1x16x125x80xi32, #tpu.memory_space<hbm>> -> memref<16x125x80xi32, #tpu.memory_space<hbm>>
      %dma_wait3A_47 = arith.constant 0 : i32
      %dma_wait3A_48 = arith.constant 0 : i32
      %dma_wait3A_49 = tpu.memref_slice %dma_wait3A_46[%arg1, %dma_wait3A_47, %dma_wait3A_48] : memref<16x125x80xi32, #tpu.memory_space<hbm>> -> memref<1x125x80xi32, #tpu.memory_space<hbm>>
      %dma_wait3A_50 = tpu.memref_squeeze %dma_wait3A_49 : memref<1x125x80xi32, #tpu.memory_space<hbm>> -> memref<125x80xi32, #tpu.memory_space<hbm>>
      tpu.wait_dma2 semaphore(%run_scoped3A : memref<!tpu.dma_semaphore, #tpu.memory_space<semaphore_mem>>) src(%dma_wait3A_50 : memref<125x80xi32, #tpu.memory_space<hbm>>) dst(%arg5 : memref<125x80xi32, #tpu.memory_space<vmem>>)
      tpu.yield
    }) : () -> ()
    %barrier3A = arith.constant 0 : index
    tpu.barrier barrier_id(%barrier3A)
    %scan3A_5 = arith.constant 0 : i32
    %scan3A_6 = arith.constant 125 : i32
    %scan3A_7 = arith.addi %scan3A_5, %scan3A_6 : i32
    %scan3A_8 = arith.constant 1 : i32
    scf.for %scan3A_17 = %scan3A_5 to %scan3A_7 step %scan3A_8  : i32 {
      %mul3A_18 = arith.constant 1 : i32
      %mul3A_19 = arith.muli %scan3A_17, %mul3A_18 : i32
      %add3A = arith.constant 0 : i32
      %add3A_20 = arith.addi %add3A, %mul3A_19 : i32
      "tpu.region"() ({
        %run_scoped3A = tpu.sem_alloc : memref<!tpu.dma_semaphore, #tpu.memory_space<semaphore_mem>>
        %dma_start3A = arith.constant 0 : i32
        %dma_start3A_21 = tpu.memref_slice %arg5[%add3A_20, %dma_start3A] : memref<125x80xi32, #tpu.memory_space<vmem>> -> memref<1x80xi32, #tpu.memory_space<vmem>>
        %dma_start3A_22 = tpu.memref_squeeze %dma_start3A_21 : memref<1x80xi32, #tpu.memory_space<vmem>> -> memref<80xi32, #tpu.memory_space<vmem>>
        %dma_start3A_23 = arith.constant 0 : i32
        %dma_start3A_24 = arith.constant 0 : i32
        %dma_start3A_25 = tpu.memref_slice %arg7[%dma_start3A_23, %dma_start3A_24] : memref<10240x16xf32, #tpu.memory_space<vmem_shared>> -> memref<10240x16xf32, #tpu.memory_space<vmem_shared>>
        tpu.enqueue_indirect_dma source(%arg6 : memref<80x16xf32, #tpu.memory_space<vmem>>) target(%dma_start3A_25 : memref<10240x16xf32, #tpu.memory_space<vmem_shared>>) offsets(%dma_start3A_22 : memref<80xi32, #tpu.memory_space<vmem>>) semaphore(%run_scoped3A : memref<!tpu.dma_semaphore, #tpu.memory_space<semaphore_mem>>) {add = true}
        %dma_wait3A = arith.constant 0 : i32
        %dma_wait3A_26 = tpu.memref_slice %arg5[%add3A_20, %dma_wait3A] : memref<125x80xi32, #tpu.memory_space<vmem>> -> memref<1x80xi32, #tpu.memory_space<vmem>>
        %dma_wait3A_27 = tpu.memref_squeeze %dma_wait3A_26 : memref<1x80xi32, #tpu.memory_space<vmem>> -> memref<80xi32, #tpu.memory_space<vmem>>
        %dma_wait3A_28 = arith.constant 0 : i32
        %dma_wait3A_29 = arith.constant 0 : i32
        %dma_wait3A_30 = tpu.memref_slice %arg7[%dma_wait3A_28, %dma_wait3A_29] : memref<10240x16xf32, #tpu.memory_space<vmem_shared>> -> memref<10240x16xf32, #tpu.memory_space<vmem_shared>>
        tpu.wait_indirect_dma semaphore(%run_scoped3A : memref<!tpu.dma_semaphore, #tpu.memory_space<semaphore_mem>>) src(%arg6 : memref<80x16xf32, #tpu.memory_space<vmem>>) dst(%dma_wait3A_30 : memref<10240x16xf32, #tpu.memory_space<vmem_shared>>)
        tpu.yield
      }) : () -> ()
    }
    %scan3A_9 = arith.constant 125 : i32
    %barrier3A_10 = arith.constant 0 : index
    tpu.barrier barrier_id(%barrier3A_10)
    %lt3A = arith.constant 15 : i32
    %lt3A_11 = arith.cmpi slt, %arg1, %lt3A : i32
    %convert_element_type3A = arith.extui %lt3A_11 : i1 to i32
    %cond3A = arith.constant 0 : i32
    %cond3A_12 = arith.cmpi ne, %convert_element_type3A, %cond3A : i32
    scf.if %cond3A_12 {
      %mul3A_17 = arith.constant 640 : i32
      %mul3A_18 = arith.muli %arg1, %mul3A_17 : i32
      %mul3A_19 = arith.constant 640 : i32
      %mul3A_20 = arith.muli %arg1, %mul3A_19 : i32
      "tpu.region"() ({
        %run_scoped3A = tpu.sem_alloc : memref<!tpu.dma_semaphore, #tpu.memory_space<semaphore_mem>>
        %dma_start3A = arith.constant 0 : i32
        %dma_start3A_21 = arith.constant 0 : i32
        %dma_start3A_22 = tpu.memref_slice %arg4[%arg0, %dma_start3A, %dma_start3A_21] : memref<2x10000x16xf32, #tpu.memory_space<hbm>> -> memref<1x10000x16xf32, #tpu.memory_space<hbm>>
        %dma_start3A_23 = tpu.memref_squeeze %dma_start3A_22 : memref<1x10000x16xf32, #tpu.memory_space<hbm>> -> memref<10000x16xf32, #tpu.memory_space<hbm>>
        %dma_start3A_24 = arith.constant 0 : i32
        %dma_start3A_25 = tpu.memref_slice %dma_start3A_23[%mul3A_20, %dma_start3A_24] : memref<10000x16xf32, #tpu.memory_space<hbm>> -> memref<640x16xf32, #tpu.memory_space<hbm>>
        %dma_start3A_26 = arith.constant 0 : i32
        %dma_start3A_27 = tpu.memref_slice %arg7[%mul3A_18, %dma_start3A_26] : memref<10240x16xf32, #tpu.memory_space<vmem_shared>> -> memref<640x16xf32, #tpu.memory_space<vmem_shared>>
        tpu.enqueue_dma source(%dma_start3A_27 : memref<640x16xf32, #tpu.memory_space<vmem_shared>>) target(%dma_start3A_25 : memref<640x16xf32, #tpu.memory_space<hbm>>) target_semaphore(%run_scoped3A : memref<!tpu.dma_semaphore, #tpu.memory_space<semaphore_mem>>)
        %dma_wait3A = arith.constant 0 : i32
        %dma_wait3A_28 = arith.constant 0 : i32
        %dma_wait3A_29 = tpu.memref_slice %arg4[%arg0, %dma_wait3A, %dma_wait3A_28] : memref<2x10000x16xf32, #tpu.memory_space<hbm>> -> memref<1x10000x16xf32, #tpu.memory_space<hbm>>
        %dma_wait3A_30 = tpu.memref_squeeze %dma_wait3A_29 : memref<1x10000x16xf32, #tpu.memory_space<hbm>> -> memref<10000x16xf32, #tpu.memory_space<hbm>>
        %dma_wait3A_31 = arith.constant 0 : i32
        %dma_wait3A_32 = tpu.memref_slice %dma_wait3A_30[%mul3A_20, %dma_wait3A_31] : memref<10000x16xf32, #tpu.memory_space<hbm>> -> memref<640x16xf32, #tpu.memory_space<hbm>>
        %dma_wait3A_33 = arith.constant 0 : i32
        %dma_wait3A_34 = tpu.memref_slice %arg7[%mul3A_18, %dma_wait3A_33] : memref<10240x16xf32, #tpu.memory_space<vmem_shared>> -> memref<640x16xf32, #tpu.memory_space<vmem_shared>>
        tpu.wait_dma2 semaphore(%run_scoped3A : memref<!tpu.dma_semaphore, #tpu.memory_space<semaphore_mem>>) src(%dma_wait3A_34 : memref<640x16xf32, #tpu.memory_space<vmem_shared>>) dst(%dma_wait3A_32 : memref<640x16xf32, #tpu.memory_space<hbm>>)
        tpu.yield
      }) : () -> ()
    } else {
    }
    %eq3A = arith.constant 15 : i32
    %eq3A_13 = arith.cmpi eq, %arg1, %eq3A : i32
    %convert_element_type3A_14 = arith.extui %eq3A_13 : i1 to i32
    %cond3A_15 = arith.constant 0 : i32
    %cond3A_16 = arith.cmpi ne, %convert_element_type3A_14, %cond3A_15 : i32
    scf.if %cond3A_16 {
      "tpu.region"() ({
        %run_scoped3A = tpu.sem_alloc : memref<!tpu.dma_semaphore, #tpu.memory_space<semaphore_mem>>
        %dma_start3A = arith.constant 0 : i32
        %dma_start3A_17 = arith.constant 0 : i32
        %dma_start3A_18 = tpu.memref_slice %arg4[%arg0, %dma_start3A, %dma_start3A_17] : memref<2x10000x16xf32, #tpu.memory_space<hbm>> -> memref<1x10000x16xf32, #tpu.memory_space<hbm>>
        %dma_start3A_19 = tpu.memref_squeeze %dma_start3A_18 : memref<1x10000x16xf32, #tpu.memory_space<hbm>> -> memref<10000x16xf32, #tpu.memory_space<hbm>>
        %dma_start3A_20 = arith.constant 9600 : i32
        %dma_start3A_21 = arith.constant 0 : i32
        %dma_start3A_22 = tpu.memref_slice %dma_start3A_19[%dma_start3A_20, %dma_start3A_21] : memref<10000x16xf32, #tpu.memory_space<hbm>> -> memref<400x16xf32, #tpu.memory_space<hbm>>
        %dma_start3A_23 = arith.constant 9600 : i32
        %dma_start3A_24 = arith.constant 0 : i32
        %dma_start3A_25 = tpu.memref_slice %arg7[%dma_start3A_23, %dma_start3A_24] : memref<10240x16xf32, #tpu.memory_space<vmem_shared>> -> memref<400x16xf32, #tpu.memory_space<vmem_shared>>
        tpu.enqueue_dma source(%dma_start3A_25 : memref<400x16xf32, #tpu.memory_space<vmem_shared>>) target(%dma_start3A_22 : memref<400x16xf32, #tpu.memory_space<hbm>>) target_semaphore(%run_scoped3A : memref<!tpu.dma_semaphore, #tpu.memory_space<semaphore_mem>>)
        %dma_wait3A = arith.constant 0 : i32
        %dma_wait3A_26 = arith.constant 0 : i32
        %dma_wait3A_27 = tpu.memref_slice %arg4[%arg0, %dma_wait3A, %dma_wait3A_26] : memref<2x10000x16xf32, #tpu.memory_space<hbm>> -> memref<1x10000x16xf32, #tpu.memory_space<hbm>>
        %dma_wait3A_28 = tpu.memref_squeeze %dma_wait3A_27 : memref<1x10000x16xf32, #tpu.memory_space<hbm>> -> memref<10000x16xf32, #tpu.memory_space<hbm>>
        %dma_wait3A_29 = arith.constant 9600 : i32
        %dma_wait3A_30 = arith.constant 0 : i32
        %dma_wait3A_31 = tpu.memref_slice %dma_wait3A_28[%dma_wait3A_29, %dma_wait3A_30] : memref<10000x16xf32, #tpu.memory_space<hbm>> -> memref<400x16xf32, #tpu.memory_space<hbm>>
        %dma_wait3A_32 = arith.constant 9600 : i32
        %dma_wait3A_33 = arith.constant 0 : i32
        %dma_wait3A_34 = tpu.memref_slice %arg7[%dma_wait3A_32, %dma_wait3A_33] : memref<10240x16xf32, #tpu.memory_space<vmem_shared>> -> memref<400x16xf32, #tpu.memory_space<vmem_shared>>
        tpu.wait_dma2 semaphore(%run_scoped3A : memref<!tpu.dma_semaphore, #tpu.memory_space<semaphore_mem>>) src(%dma_wait3A_34 : memref<400x16xf32, #tpu.memory_space<vmem_shared>>) dst(%dma_wait3A_31 : memref<400x16xf32, #tpu.memory_space<hbm>>)
        tpu.yield
      }) : () -> ()
    } else {
    }
    return
  }
}

#map = affine_map<(d0, d1) -> (0, 0, 0)>
#map1 = affine_map<(d0, d1) -> (0, 0)>
module attributes {stable_mosaic.version = 14 : i64} {
  func.func @k(%arg0: i32, %arg1: i32, %arg2: memref<2x10000x128xf32, #tpu.memory_space<hbm>>, %arg3: memref<16x10000xi32, #tpu.memory_space<hbm>>, %arg4: memref<16x125x80xi32, #tpu.memory_space<hbm>>, %arg5: memref<16x640x128xf32, #tpu.memory_space<hbm>>, %arg6: memref<2x10000x128xf32, #tpu.memory_space<hbm>>, %arg7: memref<10000xi32, #tpu.memory_space<vmem>>, %arg8: memref<125x80xi32, #tpu.memory_space<vmem>>, %arg9: memref<80x128xf32, #tpu.memory_space<vmem>>, %arg10: memref<80x128xf32, #tpu.memory_space<vmem>>, %arg11: memref<10240x128xf32, #tpu.memory_space<vmem_shared>>, %arg12: memref<!tpu.dma_semaphore, #tpu.memory_space<semaphore_mem>>, %arg13: memref<!tpu.dma_semaphore, #tpu.memory_space<semaphore_mem>>) attributes {dimension_semantics = [#tpu.dimension_semantics<core_parallel>, #tpu.dimension_semantics<subcore_parallel>], iteration_bounds = array<i64: 2, 16>, scalar_prefetch = 0 : i64, scratch_operands = 7 : i64, tpu.core_type = #tpu.core_type<sc_vector_subcore>, window_params = [{transform_indices = #map}, {transform_indices = #map1}, {transform_indices = #map}, {transform_indices = #map}, {transform_indices = #map}]} {
    %mul3A = arith.constant 640 : i32
    %mul3A_0 = arith.muli %arg1, %mul3A : i32
    "tpu.region"() ({
      %run_scoped3A_28 = tpu.sem_alloc : memref<!tpu.dma_semaphore, #tpu.memory_space<semaphore_mem>>
      %dma_start3A_29 = arith.constant 0 : i32
      %dma_start3A_30 = tpu.memref_slice %arg11[%mul3A_0, %dma_start3A_29] : memref<10240x128xf32, #tpu.memory_space<vmem_shared>> -> memref<640x128xf32, #tpu.memory_space<vmem_shared>>
      %dma_start3A_31 = arith.constant 0 : i32
      %dma_start3A_32 = arith.constant 0 : i32
      %dma_start3A_33 = tpu.memref_slice %arg5[%arg1, %dma_start3A_31, %dma_start3A_32] : memref<16x640x128xf32, #tpu.memory_space<hbm>> -> memref<1x640x128xf32, #tpu.memory_space<hbm>>
      %dma_start3A_34 = tpu.memref_squeeze %dma_start3A_33 : memref<1x640x128xf32, #tpu.memory_space<hbm>> -> memref<640x128xf32, #tpu.memory_space<hbm>>
      tpu.enqueue_dma source(%dma_start3A_34 : memref<640x128xf32, #tpu.memory_space<hbm>>) target(%dma_start3A_30 : memref<640x128xf32, #tpu.memory_space<vmem_shared>>) target_semaphore(%run_scoped3A_28 : memref<!tpu.dma_semaphore, #tpu.memory_space<semaphore_mem>>)
      %dma_wait3A_35 = arith.constant 0 : i32
      %dma_wait3A_36 = tpu.memref_slice %arg11[%mul3A_0, %dma_wait3A_35] : memref<10240x128xf32, #tpu.memory_space<vmem_shared>> -> memref<640x128xf32, #tpu.memory_space<vmem_shared>>
      %dma_wait3A_37 = arith.constant 0 : i32
      %dma_wait3A_38 = arith.constant 0 : i32
      %dma_wait3A_39 = tpu.memref_slice %arg5[%arg1, %dma_wait3A_37, %dma_wait3A_38] : memref<16x640x128xf32, #tpu.memory_space<hbm>> -> memref<1x640x128xf32, #tpu.memory_space<hbm>>
      %dma_wait3A_40 = tpu.memref_squeeze %dma_wait3A_39 : memref<1x640x128xf32, #tpu.memory_space<hbm>> -> memref<640x128xf32, #tpu.memory_space<hbm>>
      tpu.wait_dma2 semaphore(%run_scoped3A_28 : memref<!tpu.dma_semaphore, #tpu.memory_space<semaphore_mem>>) src(%dma_wait3A_40 : memref<640x128xf32, #tpu.memory_space<hbm>>) dst(%dma_wait3A_36 : memref<640x128xf32, #tpu.memory_space<vmem_shared>>)
      tpu.yield
    }) : () -> ()
    "tpu.region"() ({
      %run_scoped3A_28 = tpu.sem_alloc : memref<!tpu.dma_semaphore, #tpu.memory_space<semaphore_mem>>
      %dma_start3A_29 = arith.constant 0 : i32
      %dma_start3A_30 = tpu.memref_slice %arg3[%arg1, %dma_start3A_29] : memref<16x10000xi32, #tpu.memory_space<hbm>> -> memref<1x10000xi32, #tpu.memory_space<hbm>>
      %dma_start3A_31 = tpu.memref_squeeze %dma_start3A_30 : memref<1x10000xi32, #tpu.memory_space<hbm>> -> memref<10000xi32, #tpu.memory_space<hbm>>
      %dma_start3A_32 = arith.constant 0 : i32
      %dma_start3A_33 = tpu.memref_slice %arg3[%arg1, %dma_start3A_32] : memref<16x10000xi32, #tpu.memory_space<hbm>> -> memref<1x10000xi32, #tpu.memory_space<hbm>>
      %dma_start3A_34 = tpu.memref_squeeze %dma_start3A_33 : memref<1x10000xi32, #tpu.memory_space<hbm>> -> memref<10000xi32, #tpu.memory_space<hbm>>
      tpu.enqueue_dma source(%dma_start3A_34 : memref<10000xi32, #tpu.memory_space<hbm>>) target(%arg7 : memref<10000xi32, #tpu.memory_space<vmem>>) target_semaphore(%run_scoped3A_28 : memref<!tpu.dma_semaphore, #tpu.memory_space<semaphore_mem>>)
      %dma_wait3A_35 = arith.constant 0 : i32
      %dma_wait3A_36 = tpu.memref_slice %arg3[%arg1, %dma_wait3A_35] : memref<16x10000xi32, #tpu.memory_space<hbm>> -> memref<1x10000xi32, #tpu.memory_space<hbm>>
      %dma_wait3A_37 = tpu.memref_squeeze %dma_wait3A_36 : memref<1x10000xi32, #tpu.memory_space<hbm>> -> memref<10000xi32, #tpu.memory_space<hbm>>
      %dma_wait3A_38 = arith.constant 0 : i32
      %dma_wait3A_39 = tpu.memref_slice %arg3[%arg1, %dma_wait3A_38] : memref<16x10000xi32, #tpu.memory_space<hbm>> -> memref<1x10000xi32, #tpu.memory_space<hbm>>
      %dma_wait3A_40 = tpu.memref_squeeze %dma_wait3A_39 : memref<1x10000xi32, #tpu.memory_space<hbm>> -> memref<10000xi32, #tpu.memory_space<hbm>>
      tpu.wait_dma2 semaphore(%run_scoped3A_28 : memref<!tpu.dma_semaphore, #tpu.memory_space<semaphore_mem>>) src(%dma_wait3A_40 : memref<10000xi32, #tpu.memory_space<hbm>>) dst(%arg7 : memref<10000xi32, #tpu.memory_space<vmem>>)
      tpu.yield
    }) : () -> ()
    "tpu.region"() ({
      %run_scoped3A_28 = tpu.sem_alloc : memref<!tpu.dma_semaphore, #tpu.memory_space<semaphore_mem>>
      %dma_start3A_29 = arith.constant 0 : i32
      %dma_start3A_30 = arith.constant 0 : i32
      %dma_start3A_31 = tpu.memref_slice %arg4[%arg1, %dma_start3A_29, %dma_start3A_30] : memref<16x125x80xi32, #tpu.memory_space<hbm>> -> memref<1x125x80xi32, #tpu.memory_space<hbm>>
      %dma_start3A_32 = tpu.memref_squeeze %dma_start3A_31 : memref<1x125x80xi32, #tpu.memory_space<hbm>> -> memref<125x80xi32, #tpu.memory_space<hbm>>
      %dma_start3A_33 = arith.constant 0 : i32
      %dma_start3A_34 = arith.constant 0 : i32
      %dma_start3A_35 = tpu.memref_slice %arg4[%arg1, %dma_start3A_33, %dma_start3A_34] : memref<16x125x80xi32, #tpu.memory_space<hbm>> -> memref<1x125x80xi32, #tpu.memory_space<hbm>>
      %dma_start3A_36 = tpu.memref_squeeze %dma_start3A_35 : memref<1x125x80xi32, #tpu.memory_space<hbm>> -> memref<125x80xi32, #tpu.memory_space<hbm>>
      tpu.enqueue_dma source(%dma_start3A_36 : memref<125x80xi32, #tpu.memory_space<hbm>>) target(%arg8 : memref<125x80xi32, #tpu.memory_space<vmem>>) target_semaphore(%run_scoped3A_28 : memref<!tpu.dma_semaphore, #tpu.memory_space<semaphore_mem>>)
      %dma_wait3A_37 = arith.constant 0 : i32
      %dma_wait3A_38 = arith.constant 0 : i32
      %dma_wait3A_39 = tpu.memref_slice %arg4[%arg1, %dma_wait3A_37, %dma_wait3A_38] : memref<16x125x80xi32, #tpu.memory_space<hbm>> -> memref<1x125x80xi32, #tpu.memory_space<hbm>>
      %dma_wait3A_40 = tpu.memref_squeeze %dma_wait3A_39 : memref<1x125x80xi32, #tpu.memory_space<hbm>> -> memref<125x80xi32, #tpu.memory_space<hbm>>
      %dma_wait3A_41 = arith.constant 0 : i32
      %dma_wait3A_42 = arith.constant 0 : i32
      %dma_wait3A_43 = tpu.memref_slice %arg4[%arg1, %dma_wait3A_41, %dma_wait3A_42] : memref<16x125x80xi32, #tpu.memory_space<hbm>> -> memref<1x125x80xi32, #tpu.memory_space<hbm>>
      %dma_wait3A_44 = tpu.memref_squeeze %dma_wait3A_43 : memref<1x125x80xi32, #tpu.memory_space<hbm>> -> memref<125x80xi32, #tpu.memory_space<hbm>>
      tpu.wait_dma2 semaphore(%run_scoped3A_28 : memref<!tpu.dma_semaphore, #tpu.memory_space<semaphore_mem>>) src(%dma_wait3A_44 : memref<125x80xi32, #tpu.memory_space<hbm>>) dst(%arg8 : memref<125x80xi32, #tpu.memory_space<vmem>>)
      tpu.yield
    }) : () -> ()
    %barrier3A = arith.constant 0 : index
    tpu.barrier barrier_id(%barrier3A)
    %dma_start3A = arith.constant 0 : i32
    %dma_start3A_1 = tpu.memref_slice %arg7[%dma_start3A] : memref<10000xi32, #tpu.memory_space<vmem>> -> memref<80xi32, #tpu.memory_space<vmem>>
    %dma_start3A_2 = arith.constant 0 : i32
    %dma_start3A_3 = arith.constant 0 : i32
    %dma_start3A_4 = tpu.memref_slice %arg2[%arg0, %dma_start3A_2, %dma_start3A_3] : memref<2x10000x128xf32, #tpu.memory_space<hbm>> -> memref<1x10000x128xf32, #tpu.memory_space<hbm>>
    %dma_start3A_5 = tpu.memref_squeeze %dma_start3A_4 : memref<1x10000x128xf32, #tpu.memory_space<hbm>> -> memref<10000x128xf32, #tpu.memory_space<hbm>>
    %dma_start3A_6 = arith.constant 0 : i32
    %dma_start3A_7 = arith.constant 0 : i32
    %dma_start3A_8 = tpu.memref_slice %dma_start3A_5[%dma_start3A_6, %dma_start3A_7] : memref<10000x128xf32, #tpu.memory_space<hbm>> -> memref<10000x128xf32, #tpu.memory_space<hbm>>
    tpu.enqueue_indirect_dma source(%dma_start3A_8 : memref<10000x128xf32, #tpu.memory_space<hbm>>) target(%arg9 : memref<80x128xf32, #tpu.memory_space<vmem>>) offsets(%dma_start3A_1 : memref<80xi32, #tpu.memory_space<vmem>>) semaphore(%arg12 : memref<!tpu.dma_semaphore, #tpu.memory_space<semaphore_mem>>)
    %scan3A = arith.constant 0 : i32
    %scan3A_9 = arith.constant 62 : i32
    %scan3A_10 = arith.addi %scan3A, %scan3A_9 : i32
    %scan3A_11 = arith.constant 1 : i32
    scf.for %scan3A_28 = %scan3A to %scan3A_10 step %scan3A_11  : i32 {
      %mul3A_29 = arith.constant 1 : i32
      %mul3A_30 = arith.muli %scan3A_28, %mul3A_29 : i32
      %add3A = arith.constant 0 : i32
      %add3A_31 = arith.addi %add3A, %mul3A_30 : i32
      %mul3A_32 = arith.constant 2 : i32
      %mul3A_33 = arith.muli %mul3A_32, %add3A_31 : i32
      %add3A_34 = arith.constant 1 : i32
      %add3A_35 = arith.addi %mul3A_33, %add3A_34 : i32
      %mul3A_36 = arith.constant 80 : i32
      %mul3A_37 = arith.muli %add3A_35, %mul3A_36 : i32
      %dma_start3A_38 = tpu.memref_slice %arg7[%mul3A_37] : memref<10000xi32, #tpu.memory_space<vmem>> -> memref<80xi32, #tpu.memory_space<vmem>>
      %dma_start3A_39 = arith.constant 0 : i32
      %dma_start3A_40 = arith.constant 0 : i32
      %dma_start3A_41 = tpu.memref_slice %arg2[%arg0, %dma_start3A_39, %dma_start3A_40] : memref<2x10000x128xf32, #tpu.memory_space<hbm>> -> memref<1x10000x128xf32, #tpu.memory_space<hbm>>
      %dma_start3A_42 = tpu.memref_squeeze %dma_start3A_41 : memref<1x10000x128xf32, #tpu.memory_space<hbm>> -> memref<10000x128xf32, #tpu.memory_space<hbm>>
      %dma_start3A_43 = arith.constant 0 : i32
      %dma_start3A_44 = arith.constant 0 : i32
      %dma_start3A_45 = tpu.memref_slice %dma_start3A_42[%dma_start3A_43, %dma_start3A_44] : memref<10000x128xf32, #tpu.memory_space<hbm>> -> memref<10000x128xf32, #tpu.memory_space<hbm>>
      tpu.enqueue_indirect_dma source(%dma_start3A_45 : memref<10000x128xf32, #tpu.memory_space<hbm>>) target(%arg10 : memref<80x128xf32, #tpu.memory_space<vmem>>) offsets(%dma_start3A_38 : memref<80xi32, #tpu.memory_space<vmem>>) semaphore(%arg13 : memref<!tpu.dma_semaphore, #tpu.memory_space<semaphore_mem>>)
      %mul3A_46 = arith.constant 80 : i32
      %mul3A_47 = arith.muli %mul3A_33, %mul3A_46 : i32
      %dma_wait3A_48 = tpu.memref_slice %arg7[%mul3A_47] : memref<10000xi32, #tpu.memory_space<vmem>> -> memref<80xi32, #tpu.memory_space<vmem>>
      %dma_wait3A_49 = arith.constant 0 : i32
      %dma_wait3A_50 = arith.constant 0 : i32
      %dma_wait3A_51 = tpu.memref_slice %arg2[%arg0, %dma_wait3A_49, %dma_wait3A_50] : memref<2x10000x128xf32, #tpu.memory_space<hbm>> -> memref<1x10000x128xf32, #tpu.memory_space<hbm>>
      %dma_wait3A_52 = tpu.memref_squeeze %dma_wait3A_51 : memref<1x10000x128xf32, #tpu.memory_space<hbm>> -> memref<10000x128xf32, #tpu.memory_space<hbm>>
      %dma_wait3A_53 = arith.constant 0 : i32
      %dma_wait3A_54 = arith.constant 0 : i32
      %dma_wait3A_55 = tpu.memref_slice %dma_wait3A_52[%dma_wait3A_53, %dma_wait3A_54] : memref<10000x128xf32, #tpu.memory_space<hbm>> -> memref<10000x128xf32, #tpu.memory_space<hbm>>
      tpu.wait_indirect_dma semaphore(%arg12 : memref<!tpu.dma_semaphore, #tpu.memory_space<semaphore_mem>>) src(%dma_wait3A_55 : memref<10000x128xf32, #tpu.memory_space<hbm>>) dst(%arg9 : memref<80x128xf32, #tpu.memory_space<vmem>>)
      "tpu.region"() ({
        %run_scoped3A_82 = tpu.sem_alloc : memref<!tpu.dma_semaphore, #tpu.memory_space<semaphore_mem>>
        %dma_start3A_83 = arith.constant 0 : i32
        %dma_start3A_84 = tpu.memref_slice %arg8[%mul3A_33, %dma_start3A_83] : memref<125x80xi32, #tpu.memory_space<vmem>> -> memref<1x80xi32, #tpu.memory_space<vmem>>
        %dma_start3A_85 = tpu.memref_squeeze %dma_start3A_84 : memref<1x80xi32, #tpu.memory_space<vmem>> -> memref<80xi32, #tpu.memory_space<vmem>>
        %dma_start3A_86 = arith.constant 0 : i32
        %dma_start3A_87 = arith.constant 0 : i32
        %dma_start3A_88 = tpu.memref_slice %arg11[%dma_start3A_86, %dma_start3A_87] : memref<10240x128xf32, #tpu.memory_space<vmem_shared>> -> memref<10240x128xf32, #tpu.memory_space<vmem_shared>>
        tpu.enqueue_indirect_dma source(%arg9 : memref<80x128xf32, #tpu.memory_space<vmem>>) target(%dma_start3A_88 : memref<10240x128xf32, #tpu.memory_space<vmem_shared>>) offsets(%dma_start3A_85 : memref<80xi32, #tpu.memory_space<vmem>>) semaphore(%run_scoped3A_82 : memref<!tpu.dma_semaphore, #tpu.memory_space<semaphore_mem>>) {add = true}
        %dma_wait3A_89 = arith.constant 0 : i32
        %dma_wait3A_90 = tpu.memref_slice %arg8[%mul3A_33, %dma_wait3A_89] : memref<125x80xi32, #tpu.memory_space<vmem>> -> memref<1x80xi32, #tpu.memory_space<vmem>>
        %dma_wait3A_91 = tpu.memref_squeeze %dma_wait3A_90 : memref<1x80xi32, #tpu.memory_space<vmem>> -> memref<80xi32, #tpu.memory_space<vmem>>
        %dma_wait3A_92 = arith.constant 0 : i32
        %dma_wait3A_93 = arith.constant 0 : i32
        %dma_wait3A_94 = tpu.memref_slice %arg11[%dma_wait3A_92, %dma_wait3A_93] : memref<10240x128xf32, #tpu.memory_space<vmem_shared>> -> memref<10240x128xf32, #tpu.memory_space<vmem_shared>>
        tpu.wait_indirect_dma semaphore(%run_scoped3A_82 : memref<!tpu.dma_semaphore, #tpu.memory_space<semaphore_mem>>) src(%arg9 : memref<80x128xf32, #tpu.memory_space<vmem>>) dst(%dma_wait3A_94 : memref<10240x128xf32, #tpu.memory_space<vmem_shared>>)
        tpu.yield
      }) : () -> ()
      %add3A_56 = arith.constant 2 : i32
      %add3A_57 = arith.addi %mul3A_33, %add3A_56 : i32
      %mul3A_58 = arith.constant 80 : i32
      %mul3A_59 = arith.muli %add3A_57, %mul3A_58 : i32
      %dma_start3A_60 = tpu.memref_slice %arg7[%mul3A_59] : memref<10000xi32, #tpu.memory_space<vmem>> -> memref<80xi32, #tpu.memory_space<vmem>>
      %dma_start3A_61 = arith.constant 0 : i32
      %dma_start3A_62 = arith.constant 0 : i32
      %dma_start3A_63 = tpu.memref_slice %arg2[%arg0, %dma_start3A_61, %dma_start3A_62] : memref<2x10000x128xf32, #tpu.memory_space<hbm>> -> memref<1x10000x128xf32, #tpu.memory_space<hbm>>
      %dma_start3A_64 = tpu.memref_squeeze %dma_start3A_63 : memref<1x10000x128xf32, #tpu.memory_space<hbm>> -> memref<10000x128xf32, #tpu.memory_space<hbm>>
      %dma_start3A_65 = arith.constant 0 : i32
      %dma_start3A_66 = arith.constant 0 : i32
      %dma_start3A_67 = tpu.memref_slice %dma_start3A_64[%dma_start3A_65, %dma_start3A_66] : memref<10000x128xf32, #tpu.memory_space<hbm>> -> memref<10000x128xf32, #tpu.memory_space<hbm>>
      tpu.enqueue_indirect_dma source(%dma_start3A_67 : memref<10000x128xf32, #tpu.memory_space<hbm>>) target(%arg9 : memref<80x128xf32, #tpu.memory_space<vmem>>) offsets(%dma_start3A_60 : memref<80xi32, #tpu.memory_space<vmem>>) semaphore(%arg12 : memref<!tpu.dma_semaphore, #tpu.memory_space<semaphore_mem>>)
      %add3A_68 = arith.constant 1 : i32
      %add3A_69 = arith.addi %mul3A_33, %add3A_68 : i32
      %mul3A_70 = arith.constant 80 : i32
      %mul3A_71 = arith.muli %add3A_69, %mul3A_70 : i32
      %dma_wait3A_72 = tpu.memref_slice %arg7[%mul3A_71] : memref<10000xi32, #tpu.memory_space<vmem>> -> memref<80xi32, #tpu.memory_space<vmem>>
      %dma_wait3A_73 = arith.constant 0 : i32
      %dma_wait3A_74 = arith.constant 0 : i32
      %dma_wait3A_75 = tpu.memref_slice %arg2[%arg0, %dma_wait3A_73, %dma_wait3A_74] : memref<2x10000x128xf32, #tpu.memory_space<hbm>> -> memref<1x10000x128xf32, #tpu.memory_space<hbm>>
      %dma_wait3A_76 = tpu.memref_squeeze %dma_wait3A_75 : memref<1x10000x128xf32, #tpu.memory_space<hbm>> -> memref<10000x128xf32, #tpu.memory_space<hbm>>
      %dma_wait3A_77 = arith.constant 0 : i32
      %dma_wait3A_78 = arith.constant 0 : i32
      %dma_wait3A_79 = tpu.memref_slice %dma_wait3A_76[%dma_wait3A_77, %dma_wait3A_78] : memref<10000x128xf32, #tpu.memory_space<hbm>> -> memref<10000x128xf32, #tpu.memory_space<hbm>>
      tpu.wait_indirect_dma semaphore(%arg13 : memref<!tpu.dma_semaphore, #tpu.memory_space<semaphore_mem>>) src(%dma_wait3A_79 : memref<10000x128xf32, #tpu.memory_space<hbm>>) dst(%arg10 : memref<80x128xf32, #tpu.memory_space<vmem>>)
      %add3A_80 = arith.constant 1 : i32
      %add3A_81 = arith.addi %mul3A_33, %add3A_80 : i32
      "tpu.region"() ({
        %run_scoped3A_82 = tpu.sem_alloc : memref<!tpu.dma_semaphore, #tpu.memory_space<semaphore_mem>>
        %dma_start3A_83 = arith.constant 0 : i32
        %dma_start3A_84 = tpu.memref_slice %arg8[%add3A_81, %dma_start3A_83] : memref<125x80xi32, #tpu.memory_space<vmem>> -> memref<1x80xi32, #tpu.memory_space<vmem>>
        %dma_start3A_85 = tpu.memref_squeeze %dma_start3A_84 : memref<1x80xi32, #tpu.memory_space<vmem>> -> memref<80xi32, #tpu.memory_space<vmem>>
        %dma_start3A_86 = arith.constant 0 : i32
        %dma_start3A_87 = arith.constant 0 : i32
        %dma_start3A_88 = tpu.memref_slice %arg11[%dma_start3A_86, %dma_start3A_87] : memref<10240x128xf32, #tpu.memory_space<vmem_shared>> -> memref<10240x128xf32, #tpu.memory_space<vmem_shared>>
        tpu.enqueue_indirect_dma source(%arg10 : memref<80x128xf32, #tpu.memory_space<vmem>>) target(%dma_start3A_88 : memref<10240x128xf32, #tpu.memory_space<vmem_shared>>) offsets(%dma_start3A_85 : memref<80xi32, #tpu.memory_space<vmem>>) semaphore(%run_scoped3A_82 : memref<!tpu.dma_semaphore, #tpu.memory_space<semaphore_mem>>) {add = true}
        %dma_wait3A_89 = arith.constant 0 : i32
        %dma_wait3A_90 = tpu.memref_slice %arg8[%add3A_81, %dma_wait3A_89] : memref<125x80xi32, #tpu.memory_space<vmem>> -> memref<1x80xi32, #tpu.memory_space<vmem>>
        %dma_wait3A_91 = tpu.memref_squeeze %dma_wait3A_90 : memref<1x80xi32, #tpu.memory_space<vmem>> -> memref<80xi32, #tpu.memory_space<vmem>>
        %dma_wait3A_92 = arith.constant 0 : i32
        %dma_wait3A_93 = arith.constant 0 : i32
        %dma_wait3A_94 = tpu.memref_slice %arg11[%dma_wait3A_92, %dma_wait3A_93] : memref<10240x128xf32, #tpu.memory_space<vmem_shared>> -> memref<10240x128xf32, #tpu.memory_space<vmem_shared>>
        tpu.wait_indirect_dma semaphore(%run_scoped3A_82 : memref<!tpu.dma_semaphore, #tpu.memory_space<semaphore_mem>>) src(%arg10 : memref<80x128xf32, #tpu.memory_space<vmem>>) dst(%dma_wait3A_94 : memref<10240x128xf32, #tpu.memory_space<vmem_shared>>)
        tpu.yield
      }) : () -> ()
    }
    %scan3A_12 = arith.constant 62 : i32
    %dma_wait3A = arith.constant 9920 : i32
    %dma_wait3A_13 = tpu.memref_slice %arg7[%dma_wait3A] : memref<10000xi32, #tpu.memory_space<vmem>> -> memref<80xi32, #tpu.memory_space<vmem>>
    %dma_wait3A_14 = arith.constant 0 : i32
    %dma_wait3A_15 = arith.constant 0 : i32
    %dma_wait3A_16 = tpu.memref_slice %arg2[%arg0, %dma_wait3A_14, %dma_wait3A_15] : memref<2x10000x128xf32, #tpu.memory_space<hbm>> -> memref<1x10000x128xf32, #tpu.memory_space<hbm>>
    %dma_wait3A_17 = tpu.memref_squeeze %dma_wait3A_16 : memref<1x10000x128xf32, #tpu.memory_space<hbm>> -> memref<10000x128xf32, #tpu.memory_space<hbm>>
    %dma_wait3A_18 = arith.constant 0 : i32
    %dma_wait3A_19 = arith.constant 0 : i32
    %dma_wait3A_20 = tpu.memref_slice %dma_wait3A_17[%dma_wait3A_18, %dma_wait3A_19] : memref<10000x128xf32, #tpu.memory_space<hbm>> -> memref<10000x128xf32, #tpu.memory_space<hbm>>
    tpu.wait_indirect_dma semaphore(%arg12 : memref<!tpu.dma_semaphore, #tpu.memory_space<semaphore_mem>>) src(%dma_wait3A_20 : memref<10000x128xf32, #tpu.memory_space<hbm>>) dst(%arg9 : memref<80x128xf32, #tpu.memory_space<vmem>>)
    %run_scoped3A = arith.constant 124 : i32
    "tpu.region"() ({
      %run_scoped3A_28 = tpu.sem_alloc : memref<!tpu.dma_semaphore, #tpu.memory_space<semaphore_mem>>
      %dma_start3A_29 = arith.constant 0 : i32
      %dma_start3A_30 = tpu.memref_slice %arg8[%run_scoped3A, %dma_start3A_29] : memref<125x80xi32, #tpu.memory_space<vmem>> -> memref<1x80xi32, #tpu.memory_space<vmem>>
      %dma_start3A_31 = tpu.memref_squeeze %dma_start3A_30 : memref<1x80xi32, #tpu.memory_space<vmem>> -> memref<80xi32, #tpu.memory_space<vmem>>
      %dma_start3A_32 = arith.constant 0 : i32
      %dma_start3A_33 = arith.constant 0 : i32
      %dma_start3A_34 = tpu.memref_slice %arg11[%dma_start3A_32, %dma_start3A_33] : memref<10240x128xf32, #tpu.memory_space<vmem_shared>> -> memref<10240x128xf32, #tpu.memory_space<vmem_shared>>
      tpu.enqueue_indirect_dma source(%arg9 : memref<80x128xf32, #tpu.memory_space<vmem>>) target(%dma_start3A_34 : memref<10240x128xf32, #tpu.memory_space<vmem_shared>>) offsets(%dma_start3A_31 : memref<80xi32, #tpu.memory_space<vmem>>) semaphore(%run_scoped3A_28 : memref<!tpu.dma_semaphore, #tpu.memory_space<semaphore_mem>>) {add = true}
      %dma_wait3A_35 = arith.constant 0 : i32
      %dma_wait3A_36 = tpu.memref_slice %arg8[%run_scoped3A, %dma_wait3A_35] : memref<125x80xi32, #tpu.memory_space<vmem>> -> memref<1x80xi32, #tpu.memory_space<vmem>>
      %dma_wait3A_37 = tpu.memref_squeeze %dma_wait3A_36 : memref<1x80xi32, #tpu.memory_space<vmem>> -> memref<80xi32, #tpu.memory_space<vmem>>
      %dma_wait3A_38 = arith.constant 0 : i32
      %dma_wait3A_39 = arith.constant 0 : i32
      %dma_wait3A_40 = tpu.memref_slice %arg11[%dma_wait3A_38, %dma_wait3A_39] : memref<10240x128xf32, #tpu.memory_space<vmem_shared>> -> memref<10240x128xf32, #tpu.memory_space<vmem_shared>>
      tpu.wait_indirect_dma semaphore(%run_scoped3A_28 : memref<!tpu.dma_semaphore, #tpu.memory_space<semaphore_mem>>) src(%arg9 : memref<80x128xf32, #tpu.memory_space<vmem>>) dst(%dma_wait3A_40 : memref<10240x128xf32, #tpu.memory_space<vmem_shared>>)
      tpu.yield
    }) : () -> ()
    %barrier3A_21 = arith.constant 0 : index
    tpu.barrier barrier_id(%barrier3A_21)
    %lt3A = arith.constant 15 : i32
    %lt3A_22 = arith.cmpi slt, %arg1, %lt3A : i32
    %convert_element_type3A = arith.extui %lt3A_22 : i1 to i32
    %cond3A = arith.constant 0 : i32
    %cond3A_23 = arith.cmpi ne, %convert_element_type3A, %cond3A : i32
    scf.if %cond3A_23 {
      %mul3A_28 = arith.constant 640 : i32
      %mul3A_29 = arith.muli %arg1, %mul3A_28 : i32
      %mul3A_30 = arith.constant 640 : i32
      %mul3A_31 = arith.muli %arg1, %mul3A_30 : i32
      "tpu.region"() ({
        %run_scoped3A_32 = tpu.sem_alloc : memref<!tpu.dma_semaphore, #tpu.memory_space<semaphore_mem>>
        %dma_start3A_33 = arith.constant 0 : i32
        %dma_start3A_34 = arith.constant 0 : i32
        %dma_start3A_35 = tpu.memref_slice %arg6[%arg0, %dma_start3A_33, %dma_start3A_34] : memref<2x10000x128xf32, #tpu.memory_space<hbm>> -> memref<1x10000x128xf32, #tpu.memory_space<hbm>>
        %dma_start3A_36 = tpu.memref_squeeze %dma_start3A_35 : memref<1x10000x128xf32, #tpu.memory_space<hbm>> -> memref<10000x128xf32, #tpu.memory_space<hbm>>
        %dma_start3A_37 = arith.constant 0 : i32
        %dma_start3A_38 = tpu.memref_slice %dma_start3A_36[%mul3A_31, %dma_start3A_37] : memref<10000x128xf32, #tpu.memory_space<hbm>> -> memref<640x128xf32, #tpu.memory_space<hbm>>
        %dma_start3A_39 = arith.constant 0 : i32
        %dma_start3A_40 = tpu.memref_slice %arg11[%mul3A_29, %dma_start3A_39] : memref<10240x128xf32, #tpu.memory_space<vmem_shared>> -> memref<640x128xf32, #tpu.memory_space<vmem_shared>>
        tpu.enqueue_dma source(%dma_start3A_40 : memref<640x128xf32, #tpu.memory_space<vmem_shared>>) target(%dma_start3A_38 : memref<640x128xf32, #tpu.memory_space<hbm>>) target_semaphore(%run_scoped3A_32 : memref<!tpu.dma_semaphore, #tpu.memory_space<semaphore_mem>>)
        %dma_wait3A_41 = arith.constant 0 : i32
        %dma_wait3A_42 = arith.constant 0 : i32
        %dma_wait3A_43 = tpu.memref_slice %arg6[%arg0, %dma_wait3A_41, %dma_wait3A_42] : memref<2x10000x128xf32, #tpu.memory_space<hbm>> -> memref<1x10000x128xf32, #tpu.memory_space<hbm>>
        %dma_wait3A_44 = tpu.memref_squeeze %dma_wait3A_43 : memref<1x10000x128xf32, #tpu.memory_space<hbm>> -> memref<10000x128xf32, #tpu.memory_space<hbm>>
        %dma_wait3A_45 = arith.constant 0 : i32
        %dma_wait3A_46 = tpu.memref_slice %dma_wait3A_44[%mul3A_31, %dma_wait3A_45] : memref<10000x128xf32, #tpu.memory_space<hbm>> -> memref<640x128xf32, #tpu.memory_space<hbm>>
        %dma_wait3A_47 = arith.constant 0 : i32
        %dma_wait3A_48 = tpu.memref_slice %arg11[%mul3A_29, %dma_wait3A_47] : memref<10240x128xf32, #tpu.memory_space<vmem_shared>> -> memref<640x128xf32, #tpu.memory_space<vmem_shared>>
        tpu.wait_dma2 semaphore(%run_scoped3A_32 : memref<!tpu.dma_semaphore, #tpu.memory_space<semaphore_mem>>) src(%dma_wait3A_48 : memref<640x128xf32, #tpu.memory_space<vmem_shared>>) dst(%dma_wait3A_46 : memref<640x128xf32, #tpu.memory_space<hbm>>)
        tpu.yield
      }) : () -> ()
    } else {
    }
    %eq3A = arith.constant 15 : i32
    %eq3A_24 = arith.cmpi eq, %arg1, %eq3A : i32
    %convert_element_type3A_25 = arith.extui %eq3A_24 : i1 to i32
    %cond3A_26 = arith.constant 0 : i32
    %cond3A_27 = arith.cmpi ne, %convert_element_type3A_25, %cond3A_26 : i32
    scf.if %cond3A_27 {
      "tpu.region"() ({
        %run_scoped3A_28 = tpu.sem_alloc : memref<!tpu.dma_semaphore, #tpu.memory_space<semaphore_mem>>
        %dma_start3A_29 = arith.constant 0 : i32
        %dma_start3A_30 = arith.constant 0 : i32
        %dma_start3A_31 = tpu.memref_slice %arg6[%arg0, %dma_start3A_29, %dma_start3A_30] : memref<2x10000x128xf32, #tpu.memory_space<hbm>> -> memref<1x10000x128xf32, #tpu.memory_space<hbm>>
        %dma_start3A_32 = tpu.memref_squeeze %dma_start3A_31 : memref<1x10000x128xf32, #tpu.memory_space<hbm>> -> memref<10000x128xf32, #tpu.memory_space<hbm>>
        %dma_start3A_33 = arith.constant 9600 : i32
        %dma_start3A_34 = arith.constant 0 : i32
        %dma_start3A_35 = tpu.memref_slice %dma_start3A_32[%dma_start3A_33, %dma_start3A_34] : memref<10000x128xf32, #tpu.memory_space<hbm>> -> memref<400x128xf32, #tpu.memory_space<hbm>>
        %dma_start3A_36 = arith.constant 9600 : i32
        %dma_start3A_37 = arith.constant 0 : i32
        %dma_start3A_38 = tpu.memref_slice %arg11[%dma_start3A_36, %dma_start3A_37] : memref<10240x128xf32, #tpu.memory_space<vmem_shared>> -> memref<400x128xf32, #tpu.memory_space<vmem_shared>>
        tpu.enqueue_dma source(%dma_start3A_38 : memref<400x128xf32, #tpu.memory_space<vmem_shared>>) target(%dma_start3A_35 : memref<400x128xf32, #tpu.memory_space<hbm>>) target_semaphore(%run_scoped3A_28 : memref<!tpu.dma_semaphore, #tpu.memory_space<semaphore_mem>>)
        %dma_wait3A_39 = arith.constant 0 : i32
        %dma_wait3A_40 = arith.constant 0 : i32
        %dma_wait3A_41 = tpu.memref_slice %arg6[%arg0, %dma_wait3A_39, %dma_wait3A_40] : memref<2x10000x128xf32, #tpu.memory_space<hbm>> -> memref<1x10000x128xf32, #tpu.memory_space<hbm>>
        %dma_wait3A_42 = tpu.memref_squeeze %dma_wait3A_41 : memref<1x10000x128xf32, #tpu.memory_space<hbm>> -> memref<10000x128xf32, #tpu.memory_space<hbm>>
        %dma_wait3A_43 = arith.constant 9600 : i32
        %dma_wait3A_44 = arith.constant 0 : i32
        %dma_wait3A_45 = tpu.memref_slice %dma_wait3A_42[%dma_wait3A_43, %dma_wait3A_44] : memref<10000x128xf32, #tpu.memory_space<hbm>> -> memref<400x128xf32, #tpu.memory_space<hbm>>
        %dma_wait3A_46 = arith.constant 9600 : i32
        %dma_wait3A_47 = arith.constant 0 : i32
        %dma_wait3A_48 = tpu.memref_slice %arg11[%dma_wait3A_46, %dma_wait3A_47] : memref<10240x128xf32, #tpu.memory_space<vmem_shared>> -> memref<400x128xf32, #tpu.memory_space<vmem_shared>>
        tpu.wait_dma2 semaphore(%run_scoped3A_28 : memref<!tpu.dma_semaphore, #tpu.memory_space<semaphore_mem>>) src(%dma_wait3A_48 : memref<400x128xf32, #tpu.memory_space<vmem_shared>>) dst(%dma_wait3A_45 : memref<400x128xf32, #tpu.memory_space<hbm>>)
        tpu.yield
      }) : () -> ()
    } else {
    }
    return
  }
}

#map = affine_map<(d0, d1) -> (0, 0, 0)>
#map1 = affine_map<(d0, d1) -> (0, 0)>
module attributes {stable_mosaic.version = 14 : i64} {
  func.func @k(%arg0: i32, %arg1: i32, %arg2: memref<2x10000x128xf32, #tpu.memory_space<hbm>>, %arg3: memref<16x10000xi32, #tpu.memory_space<hbm>>, %arg4: memref<16x125x80xi32, #tpu.memory_space<hbm>>, %arg5: memref<16x640x128xf32, #tpu.memory_space<hbm>>, %arg6: memref<2x10000x128xf32, #tpu.memory_space<hbm>>, %arg7: memref<10000xi32, #tpu.memory_space<vmem>>, %arg8: memref<125x80xi32, #tpu.memory_space<vmem>>, %arg9: memref<80x128xf32, #tpu.memory_space<vmem>>, %arg10: memref<80x128xf32, #tpu.memory_space<vmem>>, %arg11: memref<10240x128xf32, #tpu.memory_space<vmem_shared>>, %arg12: memref<!tpu.dma_semaphore, #tpu.memory_space<semaphore_mem>>, %arg13: memref<!tpu.dma_semaphore, #tpu.memory_space<semaphore_mem>>) attributes {dimension_semantics = [#tpu.dimension_semantics<core_parallel>, #tpu.dimension_semantics<subcore_parallel>], iteration_bounds = array<i64: 2, 16>, scalar_prefetch = 0 : i64, scratch_operands = 7 : i64, tpu.core_type = #tpu.core_type<sc_vector_subcore>, window_params = [{transform_indices = #map}, {transform_indices = #map1}, {transform_indices = #map}, {transform_indices = #map}, {transform_indices = #map}]} {
    %mul3A = arith.constant 640 : i32
    %mul3A_0 = arith.muli %arg1, %mul3A : i32
    "tpu.region"() ({
      %run_scoped3A_28 = tpu.sem_alloc : memref<!tpu.dma_semaphore, #tpu.memory_space<semaphore_mem>>
      %dma_start3A_29 = arith.constant 0 : i32
      %dma_start3A_30 = tpu.memref_slice %arg11[%mul3A_0, %dma_start3A_29] : memref<10240x128xf32, #tpu.memory_space<vmem_shared>> -> memref<640x128xf32, #tpu.memory_space<vmem_shared>>
      %dma_start3A_31 = arith.constant 0 : i32
      %dma_start3A_32 = arith.constant 0 : i32
      %dma_start3A_33 = tpu.memref_slice %arg5[%arg1, %dma_start3A_31, %dma_start3A_32] : memref<16x640x128xf32, #tpu.memory_space<hbm>> -> memref<1x640x128xf32, #tpu.memory_space<hbm>>
      %dma_start3A_34 = tpu.memref_squeeze %dma_start3A_33 : memref<1x640x128xf32, #tpu.memory_space<hbm>> -> memref<640x128xf32, #tpu.memory_space<hbm>>
      tpu.enqueue_dma source(%dma_start3A_34 : memref<640x128xf32, #tpu.memory_space<hbm>>) target(%dma_start3A_30 : memref<640x128xf32, #tpu.memory_space<vmem_shared>>) target_semaphore(%run_scoped3A_28 : memref<!tpu.dma_semaphore, #tpu.memory_space<semaphore_mem>>)
      %dma_wait3A_35 = arith.constant 0 : i32
      %dma_wait3A_36 = tpu.memref_slice %arg11[%mul3A_0, %dma_wait3A_35] : memref<10240x128xf32, #tpu.memory_space<vmem_shared>> -> memref<640x128xf32, #tpu.memory_space<vmem_shared>>
      %dma_wait3A_37 = arith.constant 0 : i32
      %dma_wait3A_38 = arith.constant 0 : i32
      %dma_wait3A_39 = tpu.memref_slice %arg5[%arg1, %dma_wait3A_37, %dma_wait3A_38] : memref<16x640x128xf32, #tpu.memory_space<hbm>> -> memref<1x640x128xf32, #tpu.memory_space<hbm>>
      %dma_wait3A_40 = tpu.memref_squeeze %dma_wait3A_39 : memref<1x640x128xf32, #tpu.memory_space<hbm>> -> memref<640x128xf32, #tpu.memory_space<hbm>>
      tpu.wait_dma2 semaphore(%run_scoped3A_28 : memref<!tpu.dma_semaphore, #tpu.memory_space<semaphore_mem>>) src(%dma_wait3A_40 : memref<640x128xf32, #tpu.memory_space<hbm>>) dst(%dma_wait3A_36 : memref<640x128xf32, #tpu.memory_space<vmem_shared>>)
      tpu.yield
    }) : () -> ()
    "tpu.region"() ({
      %run_scoped3A_28 = tpu.sem_alloc : memref<!tpu.dma_semaphore, #tpu.memory_space<semaphore_mem>>
      %dma_start3A_29 = arith.constant 0 : i32
      %dma_start3A_30 = tpu.memref_slice %arg3[%arg1, %dma_start3A_29] : memref<16x10000xi32, #tpu.memory_space<hbm>> -> memref<1x10000xi32, #tpu.memory_space<hbm>>
      %dma_start3A_31 = tpu.memref_squeeze %dma_start3A_30 : memref<1x10000xi32, #tpu.memory_space<hbm>> -> memref<10000xi32, #tpu.memory_space<hbm>>
      %dma_start3A_32 = arith.constant 0 : i32
      %dma_start3A_33 = tpu.memref_slice %arg3[%arg1, %dma_start3A_32] : memref<16x10000xi32, #tpu.memory_space<hbm>> -> memref<1x10000xi32, #tpu.memory_space<hbm>>
      %dma_start3A_34 = tpu.memref_squeeze %dma_start3A_33 : memref<1x10000xi32, #tpu.memory_space<hbm>> -> memref<10000xi32, #tpu.memory_space<hbm>>
      tpu.enqueue_dma source(%dma_start3A_34 : memref<10000xi32, #tpu.memory_space<hbm>>) target(%arg7 : memref<10000xi32, #tpu.memory_space<vmem>>) target_semaphore(%run_scoped3A_28 : memref<!tpu.dma_semaphore, #tpu.memory_space<semaphore_mem>>)
      %dma_wait3A_35 = arith.constant 0 : i32
      %dma_wait3A_36 = tpu.memref_slice %arg3[%arg1, %dma_wait3A_35] : memref<16x10000xi32, #tpu.memory_space<hbm>> -> memref<1x10000xi32, #tpu.memory_space<hbm>>
      %dma_wait3A_37 = tpu.memref_squeeze %dma_wait3A_36 : memref<1x10000xi32, #tpu.memory_space<hbm>> -> memref<10000xi32, #tpu.memory_space<hbm>>
      %dma_wait3A_38 = arith.constant 0 : i32
      %dma_wait3A_39 = tpu.memref_slice %arg3[%arg1, %dma_wait3A_38] : memref<16x10000xi32, #tpu.memory_space<hbm>> -> memref<1x10000xi32, #tpu.memory_space<hbm>>
      %dma_wait3A_40 = tpu.memref_squeeze %dma_wait3A_39 : memref<1x10000xi32, #tpu.memory_space<hbm>> -> memref<10000xi32, #tpu.memory_space<hbm>>
      tpu.wait_dma2 semaphore(%run_scoped3A_28 : memref<!tpu.dma_semaphore, #tpu.memory_space<semaphore_mem>>) src(%dma_wait3A_40 : memref<10000xi32, #tpu.memory_space<hbm>>) dst(%arg7 : memref<10000xi32, #tpu.memory_space<vmem>>)
      tpu.yield
    }) : () -> ()
    "tpu.region"() ({
      %run_scoped3A_28 = tpu.sem_alloc : memref<!tpu.dma_semaphore, #tpu.memory_space<semaphore_mem>>
      %dma_start3A_29 = arith.constant 0 : i32
      %dma_start3A_30 = arith.constant 0 : i32
      %dma_start3A_31 = tpu.memref_slice %arg4[%arg1, %dma_start3A_29, %dma_start3A_30] : memref<16x125x80xi32, #tpu.memory_space<hbm>> -> memref<1x125x80xi32, #tpu.memory_space<hbm>>
      %dma_start3A_32 = tpu.memref_squeeze %dma_start3A_31 : memref<1x125x80xi32, #tpu.memory_space<hbm>> -> memref<125x80xi32, #tpu.memory_space<hbm>>
      %dma_start3A_33 = arith.constant 0 : i32
      %dma_start3A_34 = arith.constant 0 : i32
      %dma_start3A_35 = tpu.memref_slice %arg4[%arg1, %dma_start3A_33, %dma_start3A_34] : memref<16x125x80xi32, #tpu.memory_space<hbm>> -> memref<1x125x80xi32, #tpu.memory_space<hbm>>
      %dma_start3A_36 = tpu.memref_squeeze %dma_start3A_35 : memref<1x125x80xi32, #tpu.memory_space<hbm>> -> memref<125x80xi32, #tpu.memory_space<hbm>>
      tpu.enqueue_dma source(%dma_start3A_36 : memref<125x80xi32, #tpu.memory_space<hbm>>) target(%arg8 : memref<125x80xi32, #tpu.memory_space<vmem>>) target_semaphore(%run_scoped3A_28 : memref<!tpu.dma_semaphore, #tpu.memory_space<semaphore_mem>>)
      %dma_wait3A_37 = arith.constant 0 : i32
      %dma_wait3A_38 = arith.constant 0 : i32
      %dma_wait3A_39 = tpu.memref_slice %arg4[%arg1, %dma_wait3A_37, %dma_wait3A_38] : memref<16x125x80xi32, #tpu.memory_space<hbm>> -> memref<1x125x80xi32, #tpu.memory_space<hbm>>
      %dma_wait3A_40 = tpu.memref_squeeze %dma_wait3A_39 : memref<1x125x80xi32, #tpu.memory_space<hbm>> -> memref<125x80xi32, #tpu.memory_space<hbm>>
      %dma_wait3A_41 = arith.constant 0 : i32
      %dma_wait3A_42 = arith.constant 0 : i32
      %dma_wait3A_43 = tpu.memref_slice %arg4[%arg1, %dma_wait3A_41, %dma_wait3A_42] : memref<16x125x80xi32, #tpu.memory_space<hbm>> -> memref<1x125x80xi32, #tpu.memory_space<hbm>>
      %dma_wait3A_44 = tpu.memref_squeeze %dma_wait3A_43 : memref<1x125x80xi32, #tpu.memory_space<hbm>> -> memref<125x80xi32, #tpu.memory_space<hbm>>
      tpu.wait_dma2 semaphore(%run_scoped3A_28 : memref<!tpu.dma_semaphore, #tpu.memory_space<semaphore_mem>>) src(%dma_wait3A_44 : memref<125x80xi32, #tpu.memory_space<hbm>>) dst(%arg8 : memref<125x80xi32, #tpu.memory_space<vmem>>)
      tpu.yield
    }) : () -> ()
    %barrier3A = arith.constant 0 : index
    tpu.barrier barrier_id(%barrier3A)
    %dma_start3A = arith.constant 0 : i32
    %dma_start3A_1 = tpu.memref_slice %arg7[%dma_start3A] : memref<10000xi32, #tpu.memory_space<vmem>> -> memref<80xi32, #tpu.memory_space<vmem>>
    %dma_start3A_2 = arith.constant 0 : i32
    %dma_start3A_3 = arith.constant 0 : i32
    %dma_start3A_4 = tpu.memref_slice %arg2[%arg0, %dma_start3A_2, %dma_start3A_3] : memref<2x10000x128xf32, #tpu.memory_space<hbm>> -> memref<1x10000x128xf32, #tpu.memory_space<hbm>>
    %dma_start3A_5 = tpu.memref_squeeze %dma_start3A_4 : memref<1x10000x128xf32, #tpu.memory_space<hbm>> -> memref<10000x128xf32, #tpu.memory_space<hbm>>
    %dma_start3A_6 = arith.constant 0 : i32
    %dma_start3A_7 = arith.constant 0 : i32
    %dma_start3A_8 = tpu.memref_slice %dma_start3A_5[%dma_start3A_6, %dma_start3A_7] : memref<10000x128xf32, #tpu.memory_space<hbm>> -> memref<10000x128xf32, #tpu.memory_space<hbm>>
    tpu.enqueue_indirect_dma source(%dma_start3A_8 : memref<10000x128xf32, #tpu.memory_space<hbm>>) target(%arg9 : memref<80x128xf32, #tpu.memory_space<vmem>>) offsets(%dma_start3A_1 : memref<80xi32, #tpu.memory_space<vmem>>) semaphore(%arg12 : memref<!tpu.dma_semaphore, #tpu.memory_space<semaphore_mem>>)
    %scan3A = arith.constant 0 : i32
    %scan3A_9 = arith.constant 62 : i32
    %scan3A_10 = arith.addi %scan3A, %scan3A_9 : i32
    %scan3A_11 = arith.constant 1 : i32
    scf.for %scan3A_28 = %scan3A to %scan3A_10 step %scan3A_11  : i32 {
      %mul3A_29 = arith.constant 1 : i32
      %mul3A_30 = arith.muli %scan3A_28, %mul3A_29 : i32
      %add3A = arith.constant 0 : i32
      %add3A_31 = arith.addi %add3A, %mul3A_30 : i32
      %mul3A_32 = arith.constant 2 : i32
      %mul3A_33 = arith.muli %mul3A_32, %add3A_31 : i32
      %add3A_34 = arith.constant 1 : i32
      %add3A_35 = arith.addi %mul3A_33, %add3A_34 : i32
      %mul3A_36 = arith.constant 80 : i32
      %mul3A_37 = arith.muli %add3A_35, %mul3A_36 : i32
      %dma_start3A_38 = tpu.memref_slice %arg7[%mul3A_37] : memref<10000xi32, #tpu.memory_space<vmem>> -> memref<80xi32, #tpu.memory_space<vmem>>
      %dma_start3A_39 = arith.constant 0 : i32
      %dma_start3A_40 = arith.constant 0 : i32
      %dma_start3A_41 = tpu.memref_slice %arg2[%arg0, %dma_start3A_39, %dma_start3A_40] : memref<2x10000x128xf32, #tpu.memory_space<hbm>> -> memref<1x10000x128xf32, #tpu.memory_space<hbm>>
      %dma_start3A_42 = tpu.memref_squeeze %dma_start3A_41 : memref<1x10000x128xf32, #tpu.memory_space<hbm>> -> memref<10000x128xf32, #tpu.memory_space<hbm>>
      %dma_start3A_43 = arith.constant 0 : i32
      %dma_start3A_44 = arith.constant 0 : i32
      %dma_start3A_45 = tpu.memref_slice %dma_start3A_42[%dma_start3A_43, %dma_start3A_44] : memref<10000x128xf32, #tpu.memory_space<hbm>> -> memref<10000x128xf32, #tpu.memory_space<hbm>>
      tpu.enqueue_indirect_dma source(%dma_start3A_45 : memref<10000x128xf32, #tpu.memory_space<hbm>>) target(%arg10 : memref<80x128xf32, #tpu.memory_space<vmem>>) offsets(%dma_start3A_38 : memref<80xi32, #tpu.memory_space<vmem>>) semaphore(%arg13 : memref<!tpu.dma_semaphore, #tpu.memory_space<semaphore_mem>>)
      %mul3A_46 = arith.constant 80 : i32
      %mul3A_47 = arith.muli %mul3A_33, %mul3A_46 : i32
      %dma_wait3A_48 = tpu.memref_slice %arg7[%mul3A_47] : memref<10000xi32, #tpu.memory_space<vmem>> -> memref<80xi32, #tpu.memory_space<vmem>>
      %dma_wait3A_49 = arith.constant 0 : i32
      %dma_wait3A_50 = arith.constant 0 : i32
      %dma_wait3A_51 = tpu.memref_slice %arg2[%arg0, %dma_wait3A_49, %dma_wait3A_50] : memref<2x10000x128xf32, #tpu.memory_space<hbm>> -> memref<1x10000x128xf32, #tpu.memory_space<hbm>>
      %dma_wait3A_52 = tpu.memref_squeeze %dma_wait3A_51 : memref<1x10000x128xf32, #tpu.memory_space<hbm>> -> memref<10000x128xf32, #tpu.memory_space<hbm>>
      %dma_wait3A_53 = arith.constant 0 : i32
      %dma_wait3A_54 = arith.constant 0 : i32
      %dma_wait3A_55 = tpu.memref_slice %dma_wait3A_52[%dma_wait3A_53, %dma_wait3A_54] : memref<10000x128xf32, #tpu.memory_space<hbm>> -> memref<10000x128xf32, #tpu.memory_space<hbm>>
      tpu.wait_indirect_dma semaphore(%arg12 : memref<!tpu.dma_semaphore, #tpu.memory_space<semaphore_mem>>) src(%dma_wait3A_55 : memref<10000x128xf32, #tpu.memory_space<hbm>>) dst(%arg9 : memref<80x128xf32, #tpu.memory_space<vmem>>)
      "tpu.region"() ({
        %run_scoped3A_82 = tpu.sem_alloc : memref<!tpu.dma_semaphore, #tpu.memory_space<semaphore_mem>>
        %dma_start3A_83 = arith.constant 0 : i32
        %dma_start3A_84 = tpu.memref_slice %arg8[%mul3A_33, %dma_start3A_83] : memref<125x80xi32, #tpu.memory_space<vmem>> -> memref<1x80xi32, #tpu.memory_space<vmem>>
        %dma_start3A_85 = tpu.memref_squeeze %dma_start3A_84 : memref<1x80xi32, #tpu.memory_space<vmem>> -> memref<80xi32, #tpu.memory_space<vmem>>
        %dma_start3A_86 = arith.constant 0 : i32
        %dma_start3A_87 = arith.constant 0 : i32
        %dma_start3A_88 = tpu.memref_slice %arg11[%dma_start3A_86, %dma_start3A_87] : memref<10240x128xf32, #tpu.memory_space<vmem_shared>> -> memref<10240x128xf32, #tpu.memory_space<vmem_shared>>
        tpu.enqueue_indirect_dma source(%arg9 : memref<80x128xf32, #tpu.memory_space<vmem>>) target(%dma_start3A_88 : memref<10240x128xf32, #tpu.memory_space<vmem_shared>>) offsets(%dma_start3A_85 : memref<80xi32, #tpu.memory_space<vmem>>) semaphore(%run_scoped3A_82 : memref<!tpu.dma_semaphore, #tpu.memory_space<semaphore_mem>>) {add = true}
        %dma_wait3A_89 = arith.constant 0 : i32
        %dma_wait3A_90 = tpu.memref_slice %arg8[%mul3A_33, %dma_wait3A_89] : memref<125x80xi32, #tpu.memory_space<vmem>> -> memref<1x80xi32, #tpu.memory_space<vmem>>
        %dma_wait3A_91 = tpu.memref_squeeze %dma_wait3A_90 : memref<1x80xi32, #tpu.memory_space<vmem>> -> memref<80xi32, #tpu.memory_space<vmem>>
        %dma_wait3A_92 = arith.constant 0 : i32
        %dma_wait3A_93 = arith.constant 0 : i32
        %dma_wait3A_94 = tpu.memref_slice %arg11[%dma_wait3A_92, %dma_wait3A_93] : memref<10240x128xf32, #tpu.memory_space<vmem_shared>> -> memref<10240x128xf32, #tpu.memory_space<vmem_shared>>
        tpu.wait_indirect_dma semaphore(%run_scoped3A_82 : memref<!tpu.dma_semaphore, #tpu.memory_space<semaphore_mem>>) src(%arg9 : memref<80x128xf32, #tpu.memory_space<vmem>>) dst(%dma_wait3A_94 : memref<10240x128xf32, #tpu.memory_space<vmem_shared>>)
        tpu.yield
      }) : () -> ()
      %add3A_56 = arith.constant 2 : i32
      %add3A_57 = arith.addi %mul3A_33, %add3A_56 : i32
      %mul3A_58 = arith.constant 80 : i32
      %mul3A_59 = arith.muli %add3A_57, %mul3A_58 : i32
      %dma_start3A_60 = tpu.memref_slice %arg7[%mul3A_59] : memref<10000xi32, #tpu.memory_space<vmem>> -> memref<80xi32, #tpu.memory_space<vmem>>
      %dma_start3A_61 = arith.constant 0 : i32
      %dma_start3A_62 = arith.constant 0 : i32
      %dma_start3A_63 = tpu.memref_slice %arg2[%arg0, %dma_start3A_61, %dma_start3A_62] : memref<2x10000x128xf32, #tpu.memory_space<hbm>> -> memref<1x10000x128xf32, #tpu.memory_space<hbm>>
      %dma_start3A_64 = tpu.memref_squeeze %dma_start3A_63 : memref<1x10000x128xf32, #tpu.memory_space<hbm>> -> memref<10000x128xf32, #tpu.memory_space<hbm>>
      %dma_start3A_65 = arith.constant 0 : i32
      %dma_start3A_66 = arith.constant 0 : i32
      %dma_start3A_67 = tpu.memref_slice %dma_start3A_64[%dma_start3A_65, %dma_start3A_66] : memref<10000x128xf32, #tpu.memory_space<hbm>> -> memref<10000x128xf32, #tpu.memory_space<hbm>>
      tpu.enqueue_indirect_dma source(%dma_start3A_67 : memref<10000x128xf32, #tpu.memory_space<hbm>>) target(%arg9 : memref<80x128xf32, #tpu.memory_space<vmem>>) offsets(%dma_start3A_60 : memref<80xi32, #tpu.memory_space<vmem>>) semaphore(%arg12 : memref<!tpu.dma_semaphore, #tpu.memory_space<semaphore_mem>>)
      %add3A_68 = arith.constant 1 : i32
      %add3A_69 = arith.addi %mul3A_33, %add3A_68 : i32
      %mul3A_70 = arith.constant 80 : i32
      %mul3A_71 = arith.muli %add3A_69, %mul3A_70 : i32
      %dma_wait3A_72 = tpu.memref_slice %arg7[%mul3A_71] : memref<10000xi32, #tpu.memory_space<vmem>> -> memref<80xi32, #tpu.memory_space<vmem>>
      %dma_wait3A_73 = arith.constant 0 : i32
      %dma_wait3A_74 = arith.constant 0 : i32
      %dma_wait3A_75 = tpu.memref_slice %arg2[%arg0, %dma_wait3A_73, %dma_wait3A_74] : memref<2x10000x128xf32, #tpu.memory_space<hbm>> -> memref<1x10000x128xf32, #tpu.memory_space<hbm>>
      %dma_wait3A_76 = tpu.memref_squeeze %dma_wait3A_75 : memref<1x10000x128xf32, #tpu.memory_space<hbm>> -> memref<10000x128xf32, #tpu.memory_space<hbm>>
      %dma_wait3A_77 = arith.constant 0 : i32
      %dma_wait3A_78 = arith.constant 0 : i32
      %dma_wait3A_79 = tpu.memref_slice %dma_wait3A_76[%dma_wait3A_77, %dma_wait3A_78] : memref<10000x128xf32, #tpu.memory_space<hbm>> -> memref<10000x128xf32, #tpu.memory_space<hbm>>
      tpu.wait_indirect_dma semaphore(%arg13 : memref<!tpu.dma_semaphore, #tpu.memory_space<semaphore_mem>>) src(%dma_wait3A_79 : memref<10000x128xf32, #tpu.memory_space<hbm>>) dst(%arg10 : memref<80x128xf32, #tpu.memory_space<vmem>>)
      %add3A_80 = arith.constant 1 : i32
      %add3A_81 = arith.addi %mul3A_33, %add3A_80 : i32
      "tpu.region"() ({
        %run_scoped3A_82 = tpu.sem_alloc : memref<!tpu.dma_semaphore, #tpu.memory_space<semaphore_mem>>
        %dma_start3A_83 = arith.constant 0 : i32
        %dma_start3A_84 = tpu.memref_slice %arg8[%add3A_81, %dma_start3A_83] : memref<125x80xi32, #tpu.memory_space<vmem>> -> memref<1x80xi32, #tpu.memory_space<vmem>>
        %dma_start3A_85 = tpu.memref_squeeze %dma_start3A_84 : memref<1x80xi32, #tpu.memory_space<vmem>> -> memref<80xi32, #tpu.memory_space<vmem>>
        %dma_start3A_86 = arith.constant 0 : i32
        %dma_start3A_87 = arith.constant 0 : i32
        %dma_start3A_88 = tpu.memref_slice %arg11[%dma_start3A_86, %dma_start3A_87] : memref<10240x128xf32, #tpu.memory_space<vmem_shared>> -> memref<10240x128xf32, #tpu.memory_space<vmem_shared>>
        tpu.enqueue_indirect_dma source(%arg10 : memref<80x128xf32, #tpu.memory_space<vmem>>) target(%dma_start3A_88 : memref<10240x128xf32, #tpu.memory_space<vmem_shared>>) offsets(%dma_start3A_85 : memref<80xi32, #tpu.memory_space<vmem>>) semaphore(%run_scoped3A_82 : memref<!tpu.dma_semaphore, #tpu.memory_space<semaphore_mem>>) {add = true}
        %dma_wait3A_89 = arith.constant 0 : i32
        %dma_wait3A_90 = tpu.memref_slice %arg8[%add3A_81, %dma_wait3A_89] : memref<125x80xi32, #tpu.memory_space<vmem>> -> memref<1x80xi32, #tpu.memory_space<vmem>>
        %dma_wait3A_91 = tpu.memref_squeeze %dma_wait3A_90 : memref<1x80xi32, #tpu.memory_space<vmem>> -> memref<80xi32, #tpu.memory_space<vmem>>
        %dma_wait3A_92 = arith.constant 0 : i32
        %dma_wait3A_93 = arith.constant 0 : i32
        %dma_wait3A_94 = tpu.memref_slice %arg11[%dma_wait3A_92, %dma_wait3A_93] : memref<10240x128xf32, #tpu.memory_space<vmem_shared>> -> memref<10240x128xf32, #tpu.memory_space<vmem_shared>>
        tpu.wait_indirect_dma semaphore(%run_scoped3A_82 : memref<!tpu.dma_semaphore, #tpu.memory_space<semaphore_mem>>) src(%arg10 : memref<80x128xf32, #tpu.memory_space<vmem>>) dst(%dma_wait3A_94 : memref<10240x128xf32, #tpu.memory_space<vmem_shared>>)
        tpu.yield
      }) : () -> ()
    }
    %scan3A_12 = arith.constant 62 : i32
    %dma_wait3A = arith.constant 9920 : i32
    %dma_wait3A_13 = tpu.memref_slice %arg7[%dma_wait3A] : memref<10000xi32, #tpu.memory_space<vmem>> -> memref<80xi32, #tpu.memory_space<vmem>>
    %dma_wait3A_14 = arith.constant 0 : i32
    %dma_wait3A_15 = arith.constant 0 : i32
    %dma_wait3A_16 = tpu.memref_slice %arg2[%arg0, %dma_wait3A_14, %dma_wait3A_15] : memref<2x10000x128xf32, #tpu.memory_space<hbm>> -> memref<1x10000x128xf32, #tpu.memory_space<hbm>>
    %dma_wait3A_17 = tpu.memref_squeeze %dma_wait3A_16 : memref<1x10000x128xf32, #tpu.memory_space<hbm>> -> memref<10000x128xf32, #tpu.memory_space<hbm>>
    %dma_wait3A_18 = arith.constant 0 : i32
    %dma_wait3A_19 = arith.constant 0 : i32
    %dma_wait3A_20 = tpu.memref_slice %dma_wait3A_17[%dma_wait3A_18, %dma_wait3A_19] : memref<10000x128xf32, #tpu.memory_space<hbm>> -> memref<10000x128xf32, #tpu.memory_space<hbm>>
    tpu.wait_indirect_dma semaphore(%arg12 : memref<!tpu.dma_semaphore, #tpu.memory_space<semaphore_mem>>) src(%dma_wait3A_20 : memref<10000x128xf32, #tpu.memory_space<hbm>>) dst(%arg9 : memref<80x128xf32, #tpu.memory_space<vmem>>)
    %run_scoped3A = arith.constant 124 : i32
    "tpu.region"() ({
      %run_scoped3A_28 = tpu.sem_alloc : memref<!tpu.dma_semaphore, #tpu.memory_space<semaphore_mem>>
      %dma_start3A_29 = arith.constant 0 : i32
      %dma_start3A_30 = tpu.memref_slice %arg8[%run_scoped3A, %dma_start3A_29] : memref<125x80xi32, #tpu.memory_space<vmem>> -> memref<1x80xi32, #tpu.memory_space<vmem>>
      %dma_start3A_31 = tpu.memref_squeeze %dma_start3A_30 : memref<1x80xi32, #tpu.memory_space<vmem>> -> memref<80xi32, #tpu.memory_space<vmem>>
      %dma_start3A_32 = arith.constant 0 : i32
      %dma_start3A_33 = arith.constant 0 : i32
      %dma_start3A_34 = tpu.memref_slice %arg11[%dma_start3A_32, %dma_start3A_33] : memref<10240x128xf32, #tpu.memory_space<vmem_shared>> -> memref<10240x128xf32, #tpu.memory_space<vmem_shared>>
      tpu.enqueue_indirect_dma source(%arg9 : memref<80x128xf32, #tpu.memory_space<vmem>>) target(%dma_start3A_34 : memref<10240x128xf32, #tpu.memory_space<vmem_shared>>) offsets(%dma_start3A_31 : memref<80xi32, #tpu.memory_space<vmem>>) semaphore(%run_scoped3A_28 : memref<!tpu.dma_semaphore, #tpu.memory_space<semaphore_mem>>) {add = true}
      %dma_wait3A_35 = arith.constant 0 : i32
      %dma_wait3A_36 = tpu.memref_slice %arg8[%run_scoped3A, %dma_wait3A_35] : memref<125x80xi32, #tpu.memory_space<vmem>> -> memref<1x80xi32, #tpu.memory_space<vmem>>
      %dma_wait3A_37 = tpu.memref_squeeze %dma_wait3A_36 : memref<1x80xi32, #tpu.memory_space<vmem>> -> memref<80xi32, #tpu.memory_space<vmem>>
      %dma_wait3A_38 = arith.constant 0 : i32
      %dma_wait3A_39 = arith.constant 0 : i32
      %dma_wait3A_40 = tpu.memref_slice %arg11[%dma_wait3A_38, %dma_wait3A_39] : memref<10240x128xf32, #tpu.memory_space<vmem_shared>> -> memref<10240x128xf32, #tpu.memory_space<vmem_shared>>
      tpu.wait_indirect_dma semaphore(%run_scoped3A_28 : memref<!tpu.dma_semaphore, #tpu.memory_space<semaphore_mem>>) src(%arg9 : memref<80x128xf32, #tpu.memory_space<vmem>>) dst(%dma_wait3A_40 : memref<10240x128xf32, #tpu.memory_space<vmem_shared>>)
      tpu.yield
    }) : () -> ()
    %barrier3A_21 = arith.constant 0 : index
    tpu.barrier barrier_id(%barrier3A_21)
    %lt3A = arith.constant 15 : i32
    %lt3A_22 = arith.cmpi slt, %arg1, %lt3A : i32
    %convert_element_type3A = arith.extui %lt3A_22 : i1 to i32
    %cond3A = arith.constant 0 : i32
    %cond3A_23 = arith.cmpi ne, %convert_element_type3A, %cond3A : i32
    scf.if %cond3A_23 {
      %mul3A_28 = arith.constant 640 : i32
      %mul3A_29 = arith.muli %arg1, %mul3A_28 : i32
      %mul3A_30 = arith.constant 640 : i32
      %mul3A_31 = arith.muli %arg1, %mul3A_30 : i32
      "tpu.region"() ({
        %run_scoped3A_32 = tpu.sem_alloc : memref<!tpu.dma_semaphore, #tpu.memory_space<semaphore_mem>>
        %dma_start3A_33 = arith.constant 0 : i32
        %dma_start3A_34 = arith.constant 0 : i32
        %dma_start3A_35 = tpu.memref_slice %arg6[%arg0, %dma_start3A_33, %dma_start3A_34] : memref<2x10000x128xf32, #tpu.memory_space<hbm>> -> memref<1x10000x128xf32, #tpu.memory_space<hbm>>
        %dma_start3A_36 = tpu.memref_squeeze %dma_start3A_35 : memref<1x10000x128xf32, #tpu.memory_space<hbm>> -> memref<10000x128xf32, #tpu.memory_space<hbm>>
        %dma_start3A_37 = arith.constant 0 : i32
        %dma_start3A_38 = tpu.memref_slice %dma_start3A_36[%mul3A_31, %dma_start3A_37] : memref<10000x128xf32, #tpu.memory_space<hbm>> -> memref<640x128xf32, #tpu.memory_space<hbm>>
        %dma_start3A_39 = arith.constant 0 : i32
        %dma_start3A_40 = tpu.memref_slice %arg11[%mul3A_29, %dma_start3A_39] : memref<10240x128xf32, #tpu.memory_space<vmem_shared>> -> memref<640x128xf32, #tpu.memory_space<vmem_shared>>
        tpu.enqueue_dma source(%dma_start3A_40 : memref<640x128xf32, #tpu.memory_space<vmem_shared>>) target(%dma_start3A_38 : memref<640x128xf32, #tpu.memory_space<hbm>>) target_semaphore(%run_scoped3A_32 : memref<!tpu.dma_semaphore, #tpu.memory_space<semaphore_mem>>)
        %dma_wait3A_41 = arith.constant 0 : i32
        %dma_wait3A_42 = arith.constant 0 : i32
        %dma_wait3A_43 = tpu.memref_slice %arg6[%arg0, %dma_wait3A_41, %dma_wait3A_42] : memref<2x10000x128xf32, #tpu.memory_space<hbm>> -> memref<1x10000x128xf32, #tpu.memory_space<hbm>>
        %dma_wait3A_44 = tpu.memref_squeeze %dma_wait3A_43 : memref<1x10000x128xf32, #tpu.memory_space<hbm>> -> memref<10000x128xf32, #tpu.memory_space<hbm>>
        %dma_wait3A_45 = arith.constant 0 : i32
        %dma_wait3A_46 = tpu.memref_slice %dma_wait3A_44[%mul3A_31, %dma_wait3A_45] : memref<10000x128xf32, #tpu.memory_space<hbm>> -> memref<640x128xf32, #tpu.memory_space<hbm>>
        %dma_wait3A_47 = arith.constant 0 : i32
        %dma_wait3A_48 = tpu.memref_slice %arg11[%mul3A_29, %dma_wait3A_47] : memref<10240x128xf32, #tpu.memory_space<vmem_shared>> -> memref<640x128xf32, #tpu.memory_space<vmem_shared>>
        tpu.wait_dma2 semaphore(%run_scoped3A_32 : memref<!tpu.dma_semaphore, #tpu.memory_space<semaphore_mem>>) src(%dma_wait3A_48 : memref<640x128xf32, #tpu.memory_space<vmem_shared>>) dst(%dma_wait3A_46 : memref<640x128xf32, #tpu.memory_space<hbm>>)
        tpu.yield
      }) : () -> ()
    } else {
    }
    %eq3A = arith.constant 15 : i32
    %eq3A_24 = arith.cmpi eq, %arg1, %eq3A : i32
    %convert_element_type3A_25 = arith.extui %eq3A_24 : i1 to i32
    %cond3A_26 = arith.constant 0 : i32
    %cond3A_27 = arith.cmpi ne, %convert_element_type3A_25, %cond3A_26 : i32
    scf.if %cond3A_27 {
      "tpu.region"() ({
        %run_scoped3A_28 = tpu.sem_alloc : memref<!tpu.dma_semaphore, #tpu.memory_space<semaphore_mem>>
        %dma_start3A_29 = arith.constant 0 : i32
        %dma_start3A_30 = arith.constant 0 : i32
        %dma_start3A_31 = tpu.memref_slice %arg6[%arg0, %dma_start3A_29, %dma_start3A_30] : memref<2x10000x128xf32, #tpu.memory_space<hbm>> -> memref<1x10000x128xf32, #tpu.memory_space<hbm>>
        %dma_start3A_32 = tpu.memref_squeeze %dma_start3A_31 : memref<1x10000x128xf32, #tpu.memory_space<hbm>> -> memref<10000x128xf32, #tpu.memory_space<hbm>>
        %dma_start3A_33 = arith.constant 9600 : i32
        %dma_start3A_34 = arith.constant 0 : i32
        %dma_start3A_35 = tpu.memref_slice %dma_start3A_32[%dma_start3A_33, %dma_start3A_34] : memref<10000x128xf32, #tpu.memory_space<hbm>> -> memref<400x128xf32, #tpu.memory_space<hbm>>
        %dma_start3A_36 = arith.constant 9600 : i32
        %dma_start3A_37 = arith.constant 0 : i32
        %dma_start3A_38 = tpu.memref_slice %arg11[%dma_start3A_36, %dma_start3A_37] : memref<10240x128xf32, #tpu.memory_space<vmem_shared>> -> memref<400x128xf32, #tpu.memory_space<vmem_shared>>
        tpu.enqueue_dma source(%dma_start3A_38 : memref<400x128xf32, #tpu.memory_space<vmem_shared>>) target(%dma_start3A_35 : memref<400x128xf32, #tpu.memory_space<hbm>>) target_semaphore(%run_scoped3A_28 : memref<!tpu.dma_semaphore, #tpu.memory_space<semaphore_mem>>)
        %dma_wait3A_39 = arith.constant 0 : i32
        %dma_wait3A_40 = arith.constant 0 : i32
        %dma_wait3A_41 = tpu.memref_slice %arg6[%arg0, %dma_wait3A_39, %dma_wait3A_40] : memref<2x10000x128xf32, #tpu.memory_space<hbm>> -> memref<1x10000x128xf32, #tpu.memory_space<hbm>>
        %dma_wait3A_42 = tpu.memref_squeeze %dma_wait3A_41 : memref<1x10000x128xf32, #tpu.memory_space<hbm>> -> memref<10000x128xf32, #tpu.memory_space<hbm>>
        %dma_wait3A_43 = arith.constant 9600 : i32
        %dma_wait3A_44 = arith.constant 0 : i32
        %dma_wait3A_45 = tpu.memref_slice %dma_wait3A_42[%dma_wait3A_43, %dma_wait3A_44] : memref<10000x128xf32, #tpu.memory_space<hbm>> -> memref<400x128xf32, #tpu.memory_space<hbm>>
        %dma_wait3A_46 = arith.constant 9600 : i32
        %dma_wait3A_47 = arith.constant 0 : i32
        %dma_wait3A_48 = tpu.memref_slice %arg11[%dma_wait3A_46, %dma_wait3A_47] : memref<10240x128xf32, #tpu.memory_space<vmem_shared>> -> memref<400x128xf32, #tpu.memory_space<vmem_shared>>
        tpu.wait_dma2 semaphore(%run_scoped3A_28 : memref<!tpu.dma_semaphore, #tpu.memory_space<semaphore_mem>>) src(%dma_wait3A_48 : memref<400x128xf32, #tpu.memory_space<vmem_shared>>) dst(%dma_wait3A_45 : memref<400x128xf32, #tpu.memory_space<hbm>>)
        tpu.yield
      }) : () -> ()
    } else {
    }
    return
  }
}

#map = affine_map<(d0, d1) -> (0, 0, 0)>
#map1 = affine_map<(d0, d1) -> (0, 0)>
module attributes {stable_mosaic.version = 14 : i64} {
  func.func @k(%arg0: i32, %arg1: i32, %arg2: memref<2x10000x128xf32, #tpu.memory_space<hbm>>, %arg3: memref<16x10000xi32, #tpu.memory_space<hbm>>, %arg4: memref<16x125x80xi32, #tpu.memory_space<hbm>>, %arg5: memref<16x640x128xf32, #tpu.memory_space<hbm>>, %arg6: memref<2x10000x128xf32, #tpu.memory_space<hbm>>, %arg7: memref<10000xi32, #tpu.memory_space<vmem>>, %arg8: memref<125x80xi32, #tpu.memory_space<vmem>>, %arg9: memref<80x128xf32, #tpu.memory_space<vmem>>, %arg10: memref<80x128xf32, #tpu.memory_space<vmem>>, %arg11: memref<10240x128xf32, #tpu.memory_space<vmem_shared>>, %arg12: memref<!tpu.dma_semaphore, #tpu.memory_space<semaphore_mem>>, %arg13: memref<!tpu.dma_semaphore, #tpu.memory_space<semaphore_mem>>) attributes {dimension_semantics = [#tpu.dimension_semantics<core_parallel>, #tpu.dimension_semantics<subcore_parallel>], iteration_bounds = array<i64: 2, 16>, scalar_prefetch = 0 : i64, scratch_operands = 7 : i64, tpu.core_type = #tpu.core_type<sc_vector_subcore>, window_params = [{transform_indices = #map}, {transform_indices = #map1}, {transform_indices = #map}, {transform_indices = #map}, {transform_indices = #map}]} {
    %mul3A = arith.constant 640 : i32
    %mul3A_0 = arith.muli %arg1, %mul3A : i32
    "tpu.region"() ({
      %run_scoped3A_28 = tpu.sem_alloc : memref<!tpu.dma_semaphore, #tpu.memory_space<semaphore_mem>>
      %dma_start3A_29 = arith.constant 0 : i32
      %dma_start3A_30 = tpu.memref_slice %arg11[%mul3A_0, %dma_start3A_29] : memref<10240x128xf32, #tpu.memory_space<vmem_shared>> -> memref<640x128xf32, #tpu.memory_space<vmem_shared>>
      %dma_start3A_31 = arith.constant 0 : i32
      %dma_start3A_32 = arith.constant 0 : i32
      %dma_start3A_33 = tpu.memref_slice %arg5[%arg1, %dma_start3A_31, %dma_start3A_32] : memref<16x640x128xf32, #tpu.memory_space<hbm>> -> memref<1x640x128xf32, #tpu.memory_space<hbm>>
      %dma_start3A_34 = tpu.memref_squeeze %dma_start3A_33 : memref<1x640x128xf32, #tpu.memory_space<hbm>> -> memref<640x128xf32, #tpu.memory_space<hbm>>
      tpu.enqueue_dma source(%dma_start3A_34 : memref<640x128xf32, #tpu.memory_space<hbm>>) target(%dma_start3A_30 : memref<640x128xf32, #tpu.memory_space<vmem_shared>>) target_semaphore(%run_scoped3A_28 : memref<!tpu.dma_semaphore, #tpu.memory_space<semaphore_mem>>)
      %dma_wait3A_35 = arith.constant 0 : i32
      %dma_wait3A_36 = tpu.memref_slice %arg11[%mul3A_0, %dma_wait3A_35] : memref<10240x128xf32, #tpu.memory_space<vmem_shared>> -> memref<640x128xf32, #tpu.memory_space<vmem_shared>>
      %dma_wait3A_37 = arith.constant 0 : i32
      %dma_wait3A_38 = arith.constant 0 : i32
      %dma_wait3A_39 = tpu.memref_slice %arg5[%arg1, %dma_wait3A_37, %dma_wait3A_38] : memref<16x640x128xf32, #tpu.memory_space<hbm>> -> memref<1x640x128xf32, #tpu.memory_space<hbm>>
      %dma_wait3A_40 = tpu.memref_squeeze %dma_wait3A_39 : memref<1x640x128xf32, #tpu.memory_space<hbm>> -> memref<640x128xf32, #tpu.memory_space<hbm>>
      tpu.wait_dma2 semaphore(%run_scoped3A_28 : memref<!tpu.dma_semaphore, #tpu.memory_space<semaphore_mem>>) src(%dma_wait3A_40 : memref<640x128xf32, #tpu.memory_space<hbm>>) dst(%dma_wait3A_36 : memref<640x128xf32, #tpu.memory_space<vmem_shared>>)
      tpu.yield
    }) : () -> ()
    "tpu.region"() ({
      %run_scoped3A_28 = tpu.sem_alloc : memref<!tpu.dma_semaphore, #tpu.memory_space<semaphore_mem>>
      %dma_start3A_29 = arith.constant 0 : i32
      %dma_start3A_30 = tpu.memref_slice %arg3[%arg1, %dma_start3A_29] : memref<16x10000xi32, #tpu.memory_space<hbm>> -> memref<1x10000xi32, #tpu.memory_space<hbm>>
      %dma_start3A_31 = tpu.memref_squeeze %dma_start3A_30 : memref<1x10000xi32, #tpu.memory_space<hbm>> -> memref<10000xi32, #tpu.memory_space<hbm>>
      %dma_start3A_32 = arith.constant 0 : i32
      %dma_start3A_33 = tpu.memref_slice %arg3[%arg1, %dma_start3A_32] : memref<16x10000xi32, #tpu.memory_space<hbm>> -> memref<1x10000xi32, #tpu.memory_space<hbm>>
      %dma_start3A_34 = tpu.memref_squeeze %dma_start3A_33 : memref<1x10000xi32, #tpu.memory_space<hbm>> -> memref<10000xi32, #tpu.memory_space<hbm>>
      tpu.enqueue_dma source(%dma_start3A_34 : memref<10000xi32, #tpu.memory_space<hbm>>) target(%arg7 : memref<10000xi32, #tpu.memory_space<vmem>>) target_semaphore(%run_scoped3A_28 : memref<!tpu.dma_semaphore, #tpu.memory_space<semaphore_mem>>)
      %dma_wait3A_35 = arith.constant 0 : i32
      %dma_wait3A_36 = tpu.memref_slice %arg3[%arg1, %dma_wait3A_35] : memref<16x10000xi32, #tpu.memory_space<hbm>> -> memref<1x10000xi32, #tpu.memory_space<hbm>>
      %dma_wait3A_37 = tpu.memref_squeeze %dma_wait3A_36 : memref<1x10000xi32, #tpu.memory_space<hbm>> -> memref<10000xi32, #tpu.memory_space<hbm>>
      %dma_wait3A_38 = arith.constant 0 : i32
      %dma_wait3A_39 = tpu.memref_slice %arg3[%arg1, %dma_wait3A_38] : memref<16x10000xi32, #tpu.memory_space<hbm>> -> memref<1x10000xi32, #tpu.memory_space<hbm>>
      %dma_wait3A_40 = tpu.memref_squeeze %dma_wait3A_39 : memref<1x10000xi32, #tpu.memory_space<hbm>> -> memref<10000xi32, #tpu.memory_space<hbm>>
      tpu.wait_dma2 semaphore(%run_scoped3A_28 : memref<!tpu.dma_semaphore, #tpu.memory_space<semaphore_mem>>) src(%dma_wait3A_40 : memref<10000xi32, #tpu.memory_space<hbm>>) dst(%arg7 : memref<10000xi32, #tpu.memory_space<vmem>>)
      tpu.yield
    }) : () -> ()
    "tpu.region"() ({
      %run_scoped3A_28 = tpu.sem_alloc : memref<!tpu.dma_semaphore, #tpu.memory_space<semaphore_mem>>
      %dma_start3A_29 = arith.constant 0 : i32
      %dma_start3A_30 = arith.constant 0 : i32
      %dma_start3A_31 = tpu.memref_slice %arg4[%arg1, %dma_start3A_29, %dma_start3A_30] : memref<16x125x80xi32, #tpu.memory_space<hbm>> -> memref<1x125x80xi32, #tpu.memory_space<hbm>>
      %dma_start3A_32 = tpu.memref_squeeze %dma_start3A_31 : memref<1x125x80xi32, #tpu.memory_space<hbm>> -> memref<125x80xi32, #tpu.memory_space<hbm>>
      %dma_start3A_33 = arith.constant 0 : i32
      %dma_start3A_34 = arith.constant 0 : i32
      %dma_start3A_35 = tpu.memref_slice %arg4[%arg1, %dma_start3A_33, %dma_start3A_34] : memref<16x125x80xi32, #tpu.memory_space<hbm>> -> memref<1x125x80xi32, #tpu.memory_space<hbm>>
      %dma_start3A_36 = tpu.memref_squeeze %dma_start3A_35 : memref<1x125x80xi32, #tpu.memory_space<hbm>> -> memref<125x80xi32, #tpu.memory_space<hbm>>
      tpu.enqueue_dma source(%dma_start3A_36 : memref<125x80xi32, #tpu.memory_space<hbm>>) target(%arg8 : memref<125x80xi32, #tpu.memory_space<vmem>>) target_semaphore(%run_scoped3A_28 : memref<!tpu.dma_semaphore, #tpu.memory_space<semaphore_mem>>)
      %dma_wait3A_37 = arith.constant 0 : i32
      %dma_wait3A_38 = arith.constant 0 : i32
      %dma_wait3A_39 = tpu.memref_slice %arg4[%arg1, %dma_wait3A_37, %dma_wait3A_38] : memref<16x125x80xi32, #tpu.memory_space<hbm>> -> memref<1x125x80xi32, #tpu.memory_space<hbm>>
      %dma_wait3A_40 = tpu.memref_squeeze %dma_wait3A_39 : memref<1x125x80xi32, #tpu.memory_space<hbm>> -> memref<125x80xi32, #tpu.memory_space<hbm>>
      %dma_wait3A_41 = arith.constant 0 : i32
      %dma_wait3A_42 = arith.constant 0 : i32
      %dma_wait3A_43 = tpu.memref_slice %arg4[%arg1, %dma_wait3A_41, %dma_wait3A_42] : memref<16x125x80xi32, #tpu.memory_space<hbm>> -> memref<1x125x80xi32, #tpu.memory_space<hbm>>
      %dma_wait3A_44 = tpu.memref_squeeze %dma_wait3A_43 : memref<1x125x80xi32, #tpu.memory_space<hbm>> -> memref<125x80xi32, #tpu.memory_space<hbm>>
      tpu.wait_dma2 semaphore(%run_scoped3A_28 : memref<!tpu.dma_semaphore, #tpu.memory_space<semaphore_mem>>) src(%dma_wait3A_44 : memref<125x80xi32, #tpu.memory_space<hbm>>) dst(%arg8 : memref<125x80xi32, #tpu.memory_space<vmem>>)
      tpu.yield
    }) : () -> ()
    %barrier3A = arith.constant 0 : index
    tpu.barrier barrier_id(%barrier3A)
    %dma_start3A = arith.constant 0 : i32
    %dma_start3A_1 = tpu.memref_slice %arg7[%dma_start3A] : memref<10000xi32, #tpu.memory_space<vmem>> -> memref<80xi32, #tpu.memory_space<vmem>>
    %dma_start3A_2 = arith.constant 0 : i32
    %dma_start3A_3 = arith.constant 0 : i32
    %dma_start3A_4 = tpu.memref_slice %arg2[%arg0, %dma_start3A_2, %dma_start3A_3] : memref<2x10000x128xf32, #tpu.memory_space<hbm>> -> memref<1x10000x128xf32, #tpu.memory_space<hbm>>
    %dma_start3A_5 = tpu.memref_squeeze %dma_start3A_4 : memref<1x10000x128xf32, #tpu.memory_space<hbm>> -> memref<10000x128xf32, #tpu.memory_space<hbm>>
    %dma_start3A_6 = arith.constant 0 : i32
    %dma_start3A_7 = arith.constant 0 : i32
    %dma_start3A_8 = tpu.memref_slice %dma_start3A_5[%dma_start3A_6, %dma_start3A_7] : memref<10000x128xf32, #tpu.memory_space<hbm>> -> memref<10000x128xf32, #tpu.memory_space<hbm>>
    tpu.enqueue_indirect_dma source(%dma_start3A_8 : memref<10000x128xf32, #tpu.memory_space<hbm>>) target(%arg9 : memref<80x128xf32, #tpu.memory_space<vmem>>) offsets(%dma_start3A_1 : memref<80xi32, #tpu.memory_space<vmem>>) semaphore(%arg12 : memref<!tpu.dma_semaphore, #tpu.memory_space<semaphore_mem>>)
    %scan3A = arith.constant 0 : i32
    %scan3A_9 = arith.constant 62 : i32
    %scan3A_10 = arith.addi %scan3A, %scan3A_9 : i32
    %scan3A_11 = arith.constant 1 : i32
    scf.for %scan3A_28 = %scan3A to %scan3A_10 step %scan3A_11  : i32 {
      %mul3A_29 = arith.constant 1 : i32
      %mul3A_30 = arith.muli %scan3A_28, %mul3A_29 : i32
      %add3A = arith.constant 0 : i32
      %add3A_31 = arith.addi %add3A, %mul3A_30 : i32
      %mul3A_32 = arith.constant 2 : i32
      %mul3A_33 = arith.muli %mul3A_32, %add3A_31 : i32
      %add3A_34 = arith.constant 1 : i32
      %add3A_35 = arith.addi %mul3A_33, %add3A_34 : i32
      %mul3A_36 = arith.constant 80 : i32
      %mul3A_37 = arith.muli %add3A_35, %mul3A_36 : i32
      %dma_start3A_38 = tpu.memref_slice %arg7[%mul3A_37] : memref<10000xi32, #tpu.memory_space<vmem>> -> memref<80xi32, #tpu.memory_space<vmem>>
      %dma_start3A_39 = arith.constant 0 : i32
      %dma_start3A_40 = arith.constant 0 : i32
      %dma_start3A_41 = tpu.memref_slice %arg2[%arg0, %dma_start3A_39, %dma_start3A_40] : memref<2x10000x128xf32, #tpu.memory_space<hbm>> -> memref<1x10000x128xf32, #tpu.memory_space<hbm>>
      %dma_start3A_42 = tpu.memref_squeeze %dma_start3A_41 : memref<1x10000x128xf32, #tpu.memory_space<hbm>> -> memref<10000x128xf32, #tpu.memory_space<hbm>>
      %dma_start3A_43 = arith.constant 0 : i32
      %dma_start3A_44 = arith.constant 0 : i32
      %dma_start3A_45 = tpu.memref_slice %dma_start3A_42[%dma_start3A_43, %dma_start3A_44] : memref<10000x128xf32, #tpu.memory_space<hbm>> -> memref<10000x128xf32, #tpu.memory_space<hbm>>
      tpu.enqueue_indirect_dma source(%dma_start3A_45 : memref<10000x128xf32, #tpu.memory_space<hbm>>) target(%arg10 : memref<80x128xf32, #tpu.memory_space<vmem>>) offsets(%dma_start3A_38 : memref<80xi32, #tpu.memory_space<vmem>>) semaphore(%arg13 : memref<!tpu.dma_semaphore, #tpu.memory_space<semaphore_mem>>)
      %mul3A_46 = arith.constant 80 : i32
      %mul3A_47 = arith.muli %mul3A_33, %mul3A_46 : i32
      %dma_wait3A_48 = tpu.memref_slice %arg7[%mul3A_47] : memref<10000xi32, #tpu.memory_space<vmem>> -> memref<80xi32, #tpu.memory_space<vmem>>
      %dma_wait3A_49 = arith.constant 0 : i32
      %dma_wait3A_50 = arith.constant 0 : i32
      %dma_wait3A_51 = tpu.memref_slice %arg2[%arg0, %dma_wait3A_49, %dma_wait3A_50] : memref<2x10000x128xf32, #tpu.memory_space<hbm>> -> memref<1x10000x128xf32, #tpu.memory_space<hbm>>
      %dma_wait3A_52 = tpu.memref_squeeze %dma_wait3A_51 : memref<1x10000x128xf32, #tpu.memory_space<hbm>> -> memref<10000x128xf32, #tpu.memory_space<hbm>>
      %dma_wait3A_53 = arith.constant 0 : i32
      %dma_wait3A_54 = arith.constant 0 : i32
      %dma_wait3A_55 = tpu.memref_slice %dma_wait3A_52[%dma_wait3A_53, %dma_wait3A_54] : memref<10000x128xf32, #tpu.memory_space<hbm>> -> memref<10000x128xf32, #tpu.memory_space<hbm>>
      tpu.wait_indirect_dma semaphore(%arg12 : memref<!tpu.dma_semaphore, #tpu.memory_space<semaphore_mem>>) src(%dma_wait3A_55 : memref<10000x128xf32, #tpu.memory_space<hbm>>) dst(%arg9 : memref<80x128xf32, #tpu.memory_space<vmem>>)
      "tpu.region"() ({
        %run_scoped3A_82 = tpu.sem_alloc : memref<!tpu.dma_semaphore, #tpu.memory_space<semaphore_mem>>
        %dma_start3A_83 = arith.constant 0 : i32
        %dma_start3A_84 = tpu.memref_slice %arg8[%mul3A_33, %dma_start3A_83] : memref<125x80xi32, #tpu.memory_space<vmem>> -> memref<1x80xi32, #tpu.memory_space<vmem>>
        %dma_start3A_85 = tpu.memref_squeeze %dma_start3A_84 : memref<1x80xi32, #tpu.memory_space<vmem>> -> memref<80xi32, #tpu.memory_space<vmem>>
        %dma_start3A_86 = arith.constant 0 : i32
        %dma_start3A_87 = arith.constant 0 : i32
        %dma_start3A_88 = tpu.memref_slice %arg11[%dma_start3A_86, %dma_start3A_87] : memref<10240x128xf32, #tpu.memory_space<vmem_shared>> -> memref<10240x128xf32, #tpu.memory_space<vmem_shared>>
        tpu.enqueue_indirect_dma source(%arg9 : memref<80x128xf32, #tpu.memory_space<vmem>>) target(%dma_start3A_88 : memref<10240x128xf32, #tpu.memory_space<vmem_shared>>) offsets(%dma_start3A_85 : memref<80xi32, #tpu.memory_space<vmem>>) semaphore(%run_scoped3A_82 : memref<!tpu.dma_semaphore, #tpu.memory_space<semaphore_mem>>) {add = true}
        %dma_wait3A_89 = arith.constant 0 : i32
        %dma_wait3A_90 = tpu.memref_slice %arg8[%mul3A_33, %dma_wait3A_89] : memref<125x80xi32, #tpu.memory_space<vmem>> -> memref<1x80xi32, #tpu.memory_space<vmem>>
        %dma_wait3A_91 = tpu.memref_squeeze %dma_wait3A_90 : memref<1x80xi32, #tpu.memory_space<vmem>> -> memref<80xi32, #tpu.memory_space<vmem>>
        %dma_wait3A_92 = arith.constant 0 : i32
        %dma_wait3A_93 = arith.constant 0 : i32
        %dma_wait3A_94 = tpu.memref_slice %arg11[%dma_wait3A_92, %dma_wait3A_93] : memref<10240x128xf32, #tpu.memory_space<vmem_shared>> -> memref<10240x128xf32, #tpu.memory_space<vmem_shared>>
        tpu.wait_indirect_dma semaphore(%run_scoped3A_82 : memref<!tpu.dma_semaphore, #tpu.memory_space<semaphore_mem>>) src(%arg9 : memref<80x128xf32, #tpu.memory_space<vmem>>) dst(%dma_wait3A_94 : memref<10240x128xf32, #tpu.memory_space<vmem_shared>>)
        tpu.yield
      }) : () -> ()
      %add3A_56 = arith.constant 2 : i32
      %add3A_57 = arith.addi %mul3A_33, %add3A_56 : i32
      %mul3A_58 = arith.constant 80 : i32
      %mul3A_59 = arith.muli %add3A_57, %mul3A_58 : i32
      %dma_start3A_60 = tpu.memref_slice %arg7[%mul3A_59] : memref<10000xi32, #tpu.memory_space<vmem>> -> memref<80xi32, #tpu.memory_space<vmem>>
      %dma_start3A_61 = arith.constant 0 : i32
      %dma_start3A_62 = arith.constant 0 : i32
      %dma_start3A_63 = tpu.memref_slice %arg2[%arg0, %dma_start3A_61, %dma_start3A_62] : memref<2x10000x128xf32, #tpu.memory_space<hbm>> -> memref<1x10000x128xf32, #tpu.memory_space<hbm>>
      %dma_start3A_64 = tpu.memref_squeeze %dma_start3A_63 : memref<1x10000x128xf32, #tpu.memory_space<hbm>> -> memref<10000x128xf32, #tpu.memory_space<hbm>>
      %dma_start3A_65 = arith.constant 0 : i32
      %dma_start3A_66 = arith.constant 0 : i32
      %dma_start3A_67 = tpu.memref_slice %dma_start3A_64[%dma_start3A_65, %dma_start3A_66] : memref<10000x128xf32, #tpu.memory_space<hbm>> -> memref<10000x128xf32, #tpu.memory_space<hbm>>
      tpu.enqueue_indirect_dma source(%dma_start3A_67 : memref<10000x128xf32, #tpu.memory_space<hbm>>) target(%arg9 : memref<80x128xf32, #tpu.memory_space<vmem>>) offsets(%dma_start3A_60 : memref<80xi32, #tpu.memory_space<vmem>>) semaphore(%arg12 : memref<!tpu.dma_semaphore, #tpu.memory_space<semaphore_mem>>)
      %add3A_68 = arith.constant 1 : i32
      %add3A_69 = arith.addi %mul3A_33, %add3A_68 : i32
      %mul3A_70 = arith.constant 80 : i32
      %mul3A_71 = arith.muli %add3A_69, %mul3A_70 : i32
      %dma_wait3A_72 = tpu.memref_slice %arg7[%mul3A_71] : memref<10000xi32, #tpu.memory_space<vmem>> -> memref<80xi32, #tpu.memory_space<vmem>>
      %dma_wait3A_73 = arith.constant 0 : i32
      %dma_wait3A_74 = arith.constant 0 : i32
      %dma_wait3A_75 = tpu.memref_slice %arg2[%arg0, %dma_wait3A_73, %dma_wait3A_74] : memref<2x10000x128xf32, #tpu.memory_space<hbm>> -> memref<1x10000x128xf32, #tpu.memory_space<hbm>>
      %dma_wait3A_76 = tpu.memref_squeeze %dma_wait3A_75 : memref<1x10000x128xf32, #tpu.memory_space<hbm>> -> memref<10000x128xf32, #tpu.memory_space<hbm>>
      %dma_wait3A_77 = arith.constant 0 : i32
      %dma_wait3A_78 = arith.constant 0 : i32
      %dma_wait3A_79 = tpu.memref_slice %dma_wait3A_76[%dma_wait3A_77, %dma_wait3A_78] : memref<10000x128xf32, #tpu.memory_space<hbm>> -> memref<10000x128xf32, #tpu.memory_space<hbm>>
      tpu.wait_indirect_dma semaphore(%arg13 : memref<!tpu.dma_semaphore, #tpu.memory_space<semaphore_mem>>) src(%dma_wait3A_79 : memref<10000x128xf32, #tpu.memory_space<hbm>>) dst(%arg10 : memref<80x128xf32, #tpu.memory_space<vmem>>)
      %add3A_80 = arith.constant 1 : i32
      %add3A_81 = arith.addi %mul3A_33, %add3A_80 : i32
      "tpu.region"() ({
        %run_scoped3A_82 = tpu.sem_alloc : memref<!tpu.dma_semaphore, #tpu.memory_space<semaphore_mem>>
        %dma_start3A_83 = arith.constant 0 : i32
        %dma_start3A_84 = tpu.memref_slice %arg8[%add3A_81, %dma_start3A_83] : memref<125x80xi32, #tpu.memory_space<vmem>> -> memref<1x80xi32, #tpu.memory_space<vmem>>
        %dma_start3A_85 = tpu.memref_squeeze %dma_start3A_84 : memref<1x80xi32, #tpu.memory_space<vmem>> -> memref<80xi32, #tpu.memory_space<vmem>>
        %dma_start3A_86 = arith.constant 0 : i32
        %dma_start3A_87 = arith.constant 0 : i32
        %dma_start3A_88 = tpu.memref_slice %arg11[%dma_start3A_86, %dma_start3A_87] : memref<10240x128xf32, #tpu.memory_space<vmem_shared>> -> memref<10240x128xf32, #tpu.memory_space<vmem_shared>>
        tpu.enqueue_indirect_dma source(%arg10 : memref<80x128xf32, #tpu.memory_space<vmem>>) target(%dma_start3A_88 : memref<10240x128xf32, #tpu.memory_space<vmem_shared>>) offsets(%dma_start3A_85 : memref<80xi32, #tpu.memory_space<vmem>>) semaphore(%run_scoped3A_82 : memref<!tpu.dma_semaphore, #tpu.memory_space<semaphore_mem>>) {add = true}
        %dma_wait3A_89 = arith.constant 0 : i32
        %dma_wait3A_90 = tpu.memref_slice %arg8[%add3A_81, %dma_wait3A_89] : memref<125x80xi32, #tpu.memory_space<vmem>> -> memref<1x80xi32, #tpu.memory_space<vmem>>
        %dma_wait3A_91 = tpu.memref_squeeze %dma_wait3A_90 : memref<1x80xi32, #tpu.memory_space<vmem>> -> memref<80xi32, #tpu.memory_space<vmem>>
        %dma_wait3A_92 = arith.constant 0 : i32
        %dma_wait3A_93 = arith.constant 0 : i32
        %dma_wait3A_94 = tpu.memref_slice %arg11[%dma_wait3A_92, %dma_wait3A_93] : memref<10240x128xf32, #tpu.memory_space<vmem_shared>> -> memref<10240x128xf32, #tpu.memory_space<vmem_shared>>
        tpu.wait_indirect_dma semaphore(%run_scoped3A_82 : memref<!tpu.dma_semaphore, #tpu.memory_space<semaphore_mem>>) src(%arg10 : memref<80x128xf32, #tpu.memory_space<vmem>>) dst(%dma_wait3A_94 : memref<10240x128xf32, #tpu.memory_space<vmem_shared>>)
        tpu.yield
      }) : () -> ()
    }
    %scan3A_12 = arith.constant 62 : i32
    %dma_wait3A = arith.constant 9920 : i32
    %dma_wait3A_13 = tpu.memref_slice %arg7[%dma_wait3A] : memref<10000xi32, #tpu.memory_space<vmem>> -> memref<80xi32, #tpu.memory_space<vmem>>
    %dma_wait3A_14 = arith.constant 0 : i32
    %dma_wait3A_15 = arith.constant 0 : i32
    %dma_wait3A_16 = tpu.memref_slice %arg2[%arg0, %dma_wait3A_14, %dma_wait3A_15] : memref<2x10000x128xf32, #tpu.memory_space<hbm>> -> memref<1x10000x128xf32, #tpu.memory_space<hbm>>
    %dma_wait3A_17 = tpu.memref_squeeze %dma_wait3A_16 : memref<1x10000x128xf32, #tpu.memory_space<hbm>> -> memref<10000x128xf32, #tpu.memory_space<hbm>>
    %dma_wait3A_18 = arith.constant 0 : i32
    %dma_wait3A_19 = arith.constant 0 : i32
    %dma_wait3A_20 = tpu.memref_slice %dma_wait3A_17[%dma_wait3A_18, %dma_wait3A_19] : memref<10000x128xf32, #tpu.memory_space<hbm>> -> memref<10000x128xf32, #tpu.memory_space<hbm>>
    tpu.wait_indirect_dma semaphore(%arg12 : memref<!tpu.dma_semaphore, #tpu.memory_space<semaphore_mem>>) src(%dma_wait3A_20 : memref<10000x128xf32, #tpu.memory_space<hbm>>) dst(%arg9 : memref<80x128xf32, #tpu.memory_space<vmem>>)
    %run_scoped3A = arith.constant 124 : i32
    "tpu.region"() ({
      %run_scoped3A_28 = tpu.sem_alloc : memref<!tpu.dma_semaphore, #tpu.memory_space<semaphore_mem>>
      %dma_start3A_29 = arith.constant 0 : i32
      %dma_start3A_30 = tpu.memref_slice %arg8[%run_scoped3A, %dma_start3A_29] : memref<125x80xi32, #tpu.memory_space<vmem>> -> memref<1x80xi32, #tpu.memory_space<vmem>>
      %dma_start3A_31 = tpu.memref_squeeze %dma_start3A_30 : memref<1x80xi32, #tpu.memory_space<vmem>> -> memref<80xi32, #tpu.memory_space<vmem>>
      %dma_start3A_32 = arith.constant 0 : i32
      %dma_start3A_33 = arith.constant 0 : i32
      %dma_start3A_34 = tpu.memref_slice %arg11[%dma_start3A_32, %dma_start3A_33] : memref<10240x128xf32, #tpu.memory_space<vmem_shared>> -> memref<10240x128xf32, #tpu.memory_space<vmem_shared>>
      tpu.enqueue_indirect_dma source(%arg9 : memref<80x128xf32, #tpu.memory_space<vmem>>) target(%dma_start3A_34 : memref<10240x128xf32, #tpu.memory_space<vmem_shared>>) offsets(%dma_start3A_31 : memref<80xi32, #tpu.memory_space<vmem>>) semaphore(%run_scoped3A_28 : memref<!tpu.dma_semaphore, #tpu.memory_space<semaphore_mem>>) {add = true}
      %dma_wait3A_35 = arith.constant 0 : i32
      %dma_wait3A_36 = tpu.memref_slice %arg8[%run_scoped3A, %dma_wait3A_35] : memref<125x80xi32, #tpu.memory_space<vmem>> -> memref<1x80xi32, #tpu.memory_space<vmem>>
      %dma_wait3A_37 = tpu.memref_squeeze %dma_wait3A_36 : memref<1x80xi32, #tpu.memory_space<vmem>> -> memref<80xi32, #tpu.memory_space<vmem>>
      %dma_wait3A_38 = arith.constant 0 : i32
      %dma_wait3A_39 = arith.constant 0 : i32
      %dma_wait3A_40 = tpu.memref_slice %arg11[%dma_wait3A_38, %dma_wait3A_39] : memref<10240x128xf32, #tpu.memory_space<vmem_shared>> -> memref<10240x128xf32, #tpu.memory_space<vmem_shared>>
      tpu.wait_indirect_dma semaphore(%run_scoped3A_28 : memref<!tpu.dma_semaphore, #tpu.memory_space<semaphore_mem>>) src(%arg9 : memref<80x128xf32, #tpu.memory_space<vmem>>) dst(%dma_wait3A_40 : memref<10240x128xf32, #tpu.memory_space<vmem_shared>>)
      tpu.yield
    }) : () -> ()
    %barrier3A_21 = arith.constant 0 : index
    tpu.barrier barrier_id(%barrier3A_21)
    %lt3A = arith.constant 15 : i32
    %lt3A_22 = arith.cmpi slt, %arg1, %lt3A : i32
    %convert_element_type3A = arith.extui %lt3A_22 : i1 to i32
    %cond3A = arith.constant 0 : i32
    %cond3A_23 = arith.cmpi ne, %convert_element_type3A, %cond3A : i32
    scf.if %cond3A_23 {
      %mul3A_28 = arith.constant 640 : i32
      %mul3A_29 = arith.muli %arg1, %mul3A_28 : i32
      %mul3A_30 = arith.constant 640 : i32
      %mul3A_31 = arith.muli %arg1, %mul3A_30 : i32
      "tpu.region"() ({
        %run_scoped3A_32 = tpu.sem_alloc : memref<!tpu.dma_semaphore, #tpu.memory_space<semaphore_mem>>
        %dma_start3A_33 = arith.constant 0 : i32
        %dma_start3A_34 = arith.constant 0 : i32
        %dma_start3A_35 = tpu.memref_slice %arg6[%arg0, %dma_start3A_33, %dma_start3A_34] : memref<2x10000x128xf32, #tpu.memory_space<hbm>> -> memref<1x10000x128xf32, #tpu.memory_space<hbm>>
        %dma_start3A_36 = tpu.memref_squeeze %dma_start3A_35 : memref<1x10000x128xf32, #tpu.memory_space<hbm>> -> memref<10000x128xf32, #tpu.memory_space<hbm>>
        %dma_start3A_37 = arith.constant 0 : i32
        %dma_start3A_38 = tpu.memref_slice %dma_start3A_36[%mul3A_31, %dma_start3A_37] : memref<10000x128xf32, #tpu.memory_space<hbm>> -> memref<640x128xf32, #tpu.memory_space<hbm>>
        %dma_start3A_39 = arith.constant 0 : i32
        %dma_start3A_40 = tpu.memref_slice %arg11[%mul3A_29, %dma_start3A_39] : memref<10240x128xf32, #tpu.memory_space<vmem_shared>> -> memref<640x128xf32, #tpu.memory_space<vmem_shared>>
        tpu.enqueue_dma source(%dma_start3A_40 : memref<640x128xf32, #tpu.memory_space<vmem_shared>>) target(%dma_start3A_38 : memref<640x128xf32, #tpu.memory_space<hbm>>) target_semaphore(%run_scoped3A_32 : memref<!tpu.dma_semaphore, #tpu.memory_space<semaphore_mem>>)
        %dma_wait3A_41 = arith.constant 0 : i32
        %dma_wait3A_42 = arith.constant 0 : i32
        %dma_wait3A_43 = tpu.memref_slice %arg6[%arg0, %dma_wait3A_41, %dma_wait3A_42] : memref<2x10000x128xf32, #tpu.memory_space<hbm>> -> memref<1x10000x128xf32, #tpu.memory_space<hbm>>
        %dma_wait3A_44 = tpu.memref_squeeze %dma_wait3A_43 : memref<1x10000x128xf32, #tpu.memory_space<hbm>> -> memref<10000x128xf32, #tpu.memory_space<hbm>>
        %dma_wait3A_45 = arith.constant 0 : i32
        %dma_wait3A_46 = tpu.memref_slice %dma_wait3A_44[%mul3A_31, %dma_wait3A_45] : memref<10000x128xf32, #tpu.memory_space<hbm>> -> memref<640x128xf32, #tpu.memory_space<hbm>>
        %dma_wait3A_47 = arith.constant 0 : i32
        %dma_wait3A_48 = tpu.memref_slice %arg11[%mul3A_29, %dma_wait3A_47] : memref<10240x128xf32, #tpu.memory_space<vmem_shared>> -> memref<640x128xf32, #tpu.memory_space<vmem_shared>>
        tpu.wait_dma2 semaphore(%run_scoped3A_32 : memref<!tpu.dma_semaphore, #tpu.memory_space<semaphore_mem>>) src(%dma_wait3A_48 : memref<640x128xf32, #tpu.memory_space<vmem_shared>>) dst(%dma_wait3A_46 : memref<640x128xf32, #tpu.memory_space<hbm>>)
        tpu.yield
      }) : () -> ()
    } else {
    }
    %eq3A = arith.constant 15 : i32
    %eq3A_24 = arith.cmpi eq, %arg1, %eq3A : i32
    %convert_element_type3A_25 = arith.extui %eq3A_24 : i1 to i32
    %cond3A_26 = arith.constant 0 : i32
    %cond3A_27 = arith.cmpi ne, %convert_element_type3A_25, %cond3A_26 : i32
    scf.if %cond3A_27 {
      "tpu.region"() ({
        %run_scoped3A_28 = tpu.sem_alloc : memref<!tpu.dma_semaphore, #tpu.memory_space<semaphore_mem>>
        %dma_start3A_29 = arith.constant 0 : i32
        %dma_start3A_30 = arith.constant 0 : i32
        %dma_start3A_31 = tpu.memref_slice %arg6[%arg0, %dma_start3A_29, %dma_start3A_30] : memref<2x10000x128xf32, #tpu.memory_space<hbm>> -> memref<1x10000x128xf32, #tpu.memory_space<hbm>>
        %dma_start3A_32 = tpu.memref_squeeze %dma_start3A_31 : memref<1x10000x128xf32, #tpu.memory_space<hbm>> -> memref<10000x128xf32, #tpu.memory_space<hbm>>
        %dma_start3A_33 = arith.constant 9600 : i32
        %dma_start3A_34 = arith.constant 0 : i32
        %dma_start3A_35 = tpu.memref_slice %dma_start3A_32[%dma_start3A_33, %dma_start3A_34] : memref<10000x128xf32, #tpu.memory_space<hbm>> -> memref<400x128xf32, #tpu.memory_space<hbm>>
        %dma_start3A_36 = arith.constant 9600 : i32
        %dma_start3A_37 = arith.constant 0 : i32
        %dma_start3A_38 = tpu.memref_slice %arg11[%dma_start3A_36, %dma_start3A_37] : memref<10240x128xf32, #tpu.memory_space<vmem_shared>> -> memref<400x128xf32, #tpu.memory_space<vmem_shared>>
        tpu.enqueue_dma source(%dma_start3A_38 : memref<400x128xf32, #tpu.memory_space<vmem_shared>>) target(%dma_start3A_35 : memref<400x128xf32, #tpu.memory_space<hbm>>) target_semaphore(%run_scoped3A_28 : memref<!tpu.dma_semaphore, #tpu.memory_space<semaphore_mem>>)
        %dma_wait3A_39 = arith.constant 0 : i32
        %dma_wait3A_40 = arith.constant 0 : i32
        %dma_wait3A_41 = tpu.memref_slice %arg6[%arg0, %dma_wait3A_39, %dma_wait3A_40] : memref<2x10000x128xf32, #tpu.memory_space<hbm>> -> memref<1x10000x128xf32, #tpu.memory_space<hbm>>
        %dma_wait3A_42 = tpu.memref_squeeze %dma_wait3A_41 : memref<1x10000x128xf32, #tpu.memory_space<hbm>> -> memref<10000x128xf32, #tpu.memory_space<hbm>>
        %dma_wait3A_43 = arith.constant 9600 : i32
        %dma_wait3A_44 = arith.constant 0 : i32
        %dma_wait3A_45 = tpu.memref_slice %dma_wait3A_42[%dma_wait3A_43, %dma_wait3A_44] : memref<10000x128xf32, #tpu.memory_space<hbm>> -> memref<400x128xf32, #tpu.memory_space<hbm>>
        %dma_wait3A_46 = arith.constant 9600 : i32
        %dma_wait3A_47 = arith.constant 0 : i32
        %dma_wait3A_48 = tpu.memref_slice %arg11[%dma_wait3A_46, %dma_wait3A_47] : memref<10240x128xf32, #tpu.memory_space<vmem_shared>> -> memref<400x128xf32, #tpu.memory_space<vmem_shared>>
        tpu.wait_dma2 semaphore(%run_scoped3A_28 : memref<!tpu.dma_semaphore, #tpu.memory_space<semaphore_mem>>) src(%dma_wait3A_48 : memref<400x128xf32, #tpu.memory_space<vmem_shared>>) dst(%dma_wait3A_45 : memref<400x128xf32, #tpu.memory_space<hbm>>)
        tpu.yield
      }) : () -> ()
    } else {
    }
    return
  }
}

#map = affine_map<(d0, d1) -> (0, 0, 0)>
#map1 = affine_map<(d0, d1) -> (0, 0)>
module attributes {stable_mosaic.version = 14 : i64} {
  func.func @k(%arg0: i32, %arg1: i32, %arg2: memref<2x10000x128xf32, #tpu.memory_space<hbm>>, %arg3: memref<16x10000xi32, #tpu.memory_space<hbm>>, %arg4: memref<16x125x80xi32, #tpu.memory_space<hbm>>, %arg5: memref<16x640x128xf32, #tpu.memory_space<hbm>>, %arg6: memref<2x10000x128xf32, #tpu.memory_space<hbm>>, %arg7: memref<10000xi32, #tpu.memory_space<vmem>>, %arg8: memref<125x80xi32, #tpu.memory_space<vmem>>, %arg9: memref<80x128xf32, #tpu.memory_space<vmem>>, %arg10: memref<80x128xf32, #tpu.memory_space<vmem>>, %arg11: memref<10240x128xf32, #tpu.memory_space<vmem_shared>>, %arg12: memref<!tpu.dma_semaphore, #tpu.memory_space<semaphore_mem>>, %arg13: memref<!tpu.dma_semaphore, #tpu.memory_space<semaphore_mem>>) attributes {dimension_semantics = [#tpu.dimension_semantics<core_parallel>, #tpu.dimension_semantics<subcore_parallel>], iteration_bounds = array<i64: 2, 16>, scalar_prefetch = 0 : i64, scratch_operands = 7 : i64, tpu.core_type = #tpu.core_type<sc_vector_subcore>, window_params = [{transform_indices = #map}, {transform_indices = #map1}, {transform_indices = #map}, {transform_indices = #map}, {transform_indices = #map}]} {
    %mul3A = arith.constant 640 : i32
    %mul3A_0 = arith.muli %arg1, %mul3A : i32
    "tpu.region"() ({
      %run_scoped3A_28 = tpu.sem_alloc : memref<!tpu.dma_semaphore, #tpu.memory_space<semaphore_mem>>
      %dma_start3A_29 = arith.constant 0 : i32
      %dma_start3A_30 = tpu.memref_slice %arg11[%mul3A_0, %dma_start3A_29] : memref<10240x128xf32, #tpu.memory_space<vmem_shared>> -> memref<640x128xf32, #tpu.memory_space<vmem_shared>>
      %dma_start3A_31 = arith.constant 0 : i32
      %dma_start3A_32 = arith.constant 0 : i32
      %dma_start3A_33 = tpu.memref_slice %arg5[%arg1, %dma_start3A_31, %dma_start3A_32] : memref<16x640x128xf32, #tpu.memory_space<hbm>> -> memref<1x640x128xf32, #tpu.memory_space<hbm>>
      %dma_start3A_34 = tpu.memref_squeeze %dma_start3A_33 : memref<1x640x128xf32, #tpu.memory_space<hbm>> -> memref<640x128xf32, #tpu.memory_space<hbm>>
      tpu.enqueue_dma source(%dma_start3A_34 : memref<640x128xf32, #tpu.memory_space<hbm>>) target(%dma_start3A_30 : memref<640x128xf32, #tpu.memory_space<vmem_shared>>) target_semaphore(%run_scoped3A_28 : memref<!tpu.dma_semaphore, #tpu.memory_space<semaphore_mem>>)
      %dma_wait3A_35 = arith.constant 0 : i32
      %dma_wait3A_36 = tpu.memref_slice %arg11[%mul3A_0, %dma_wait3A_35] : memref<10240x128xf32, #tpu.memory_space<vmem_shared>> -> memref<640x128xf32, #tpu.memory_space<vmem_shared>>
      %dma_wait3A_37 = arith.constant 0 : i32
      %dma_wait3A_38 = arith.constant 0 : i32
      %dma_wait3A_39 = tpu.memref_slice %arg5[%arg1, %dma_wait3A_37, %dma_wait3A_38] : memref<16x640x128xf32, #tpu.memory_space<hbm>> -> memref<1x640x128xf32, #tpu.memory_space<hbm>>
      %dma_wait3A_40 = tpu.memref_squeeze %dma_wait3A_39 : memref<1x640x128xf32, #tpu.memory_space<hbm>> -> memref<640x128xf32, #tpu.memory_space<hbm>>
      tpu.wait_dma2 semaphore(%run_scoped3A_28 : memref<!tpu.dma_semaphore, #tpu.memory_space<semaphore_mem>>) src(%dma_wait3A_40 : memref<640x128xf32, #tpu.memory_space<hbm>>) dst(%dma_wait3A_36 : memref<640x128xf32, #tpu.memory_space<vmem_shared>>)
      tpu.yield
    }) : () -> ()
    "tpu.region"() ({
      %run_scoped3A_28 = tpu.sem_alloc : memref<!tpu.dma_semaphore, #tpu.memory_space<semaphore_mem>>
      %dma_start3A_29 = arith.constant 0 : i32
      %dma_start3A_30 = tpu.memref_slice %arg3[%arg1, %dma_start3A_29] : memref<16x10000xi32, #tpu.memory_space<hbm>> -> memref<1x10000xi32, #tpu.memory_space<hbm>>
      %dma_start3A_31 = tpu.memref_squeeze %dma_start3A_30 : memref<1x10000xi32, #tpu.memory_space<hbm>> -> memref<10000xi32, #tpu.memory_space<hbm>>
      %dma_start3A_32 = arith.constant 0 : i32
      %dma_start3A_33 = tpu.memref_slice %arg3[%arg1, %dma_start3A_32] : memref<16x10000xi32, #tpu.memory_space<hbm>> -> memref<1x10000xi32, #tpu.memory_space<hbm>>
      %dma_start3A_34 = tpu.memref_squeeze %dma_start3A_33 : memref<1x10000xi32, #tpu.memory_space<hbm>> -> memref<10000xi32, #tpu.memory_space<hbm>>
      tpu.enqueue_dma source(%dma_start3A_34 : memref<10000xi32, #tpu.memory_space<hbm>>) target(%arg7 : memref<10000xi32, #tpu.memory_space<vmem>>) target_semaphore(%run_scoped3A_28 : memref<!tpu.dma_semaphore, #tpu.memory_space<semaphore_mem>>)
      %dma_wait3A_35 = arith.constant 0 : i32
      %dma_wait3A_36 = tpu.memref_slice %arg3[%arg1, %dma_wait3A_35] : memref<16x10000xi32, #tpu.memory_space<hbm>> -> memref<1x10000xi32, #tpu.memory_space<hbm>>
      %dma_wait3A_37 = tpu.memref_squeeze %dma_wait3A_36 : memref<1x10000xi32, #tpu.memory_space<hbm>> -> memref<10000xi32, #tpu.memory_space<hbm>>
      %dma_wait3A_38 = arith.constant 0 : i32
      %dma_wait3A_39 = tpu.memref_slice %arg3[%arg1, %dma_wait3A_38] : memref<16x10000xi32, #tpu.memory_space<hbm>> -> memref<1x10000xi32, #tpu.memory_space<hbm>>
      %dma_wait3A_40 = tpu.memref_squeeze %dma_wait3A_39 : memref<1x10000xi32, #tpu.memory_space<hbm>> -> memref<10000xi32, #tpu.memory_space<hbm>>
      tpu.wait_dma2 semaphore(%run_scoped3A_28 : memref<!tpu.dma_semaphore, #tpu.memory_space<semaphore_mem>>) src(%dma_wait3A_40 : memref<10000xi32, #tpu.memory_space<hbm>>) dst(%arg7 : memref<10000xi32, #tpu.memory_space<vmem>>)
      tpu.yield
    }) : () -> ()
    "tpu.region"() ({
      %run_scoped3A_28 = tpu.sem_alloc : memref<!tpu.dma_semaphore, #tpu.memory_space<semaphore_mem>>
      %dma_start3A_29 = arith.constant 0 : i32
      %dma_start3A_30 = arith.constant 0 : i32
      %dma_start3A_31 = tpu.memref_slice %arg4[%arg1, %dma_start3A_29, %dma_start3A_30] : memref<16x125x80xi32, #tpu.memory_space<hbm>> -> memref<1x125x80xi32, #tpu.memory_space<hbm>>
      %dma_start3A_32 = tpu.memref_squeeze %dma_start3A_31 : memref<1x125x80xi32, #tpu.memory_space<hbm>> -> memref<125x80xi32, #tpu.memory_space<hbm>>
      %dma_start3A_33 = arith.constant 0 : i32
      %dma_start3A_34 = arith.constant 0 : i32
      %dma_start3A_35 = tpu.memref_slice %arg4[%arg1, %dma_start3A_33, %dma_start3A_34] : memref<16x125x80xi32, #tpu.memory_space<hbm>> -> memref<1x125x80xi32, #tpu.memory_space<hbm>>
      %dma_start3A_36 = tpu.memref_squeeze %dma_start3A_35 : memref<1x125x80xi32, #tpu.memory_space<hbm>> -> memref<125x80xi32, #tpu.memory_space<hbm>>
      tpu.enqueue_dma source(%dma_start3A_36 : memref<125x80xi32, #tpu.memory_space<hbm>>) target(%arg8 : memref<125x80xi32, #tpu.memory_space<vmem>>) target_semaphore(%run_scoped3A_28 : memref<!tpu.dma_semaphore, #tpu.memory_space<semaphore_mem>>)
      %dma_wait3A_37 = arith.constant 0 : i32
      %dma_wait3A_38 = arith.constant 0 : i32
      %dma_wait3A_39 = tpu.memref_slice %arg4[%arg1, %dma_wait3A_37, %dma_wait3A_38] : memref<16x125x80xi32, #tpu.memory_space<hbm>> -> memref<1x125x80xi32, #tpu.memory_space<hbm>>
      %dma_wait3A_40 = tpu.memref_squeeze %dma_wait3A_39 : memref<1x125x80xi32, #tpu.memory_space<hbm>> -> memref<125x80xi32, #tpu.memory_space<hbm>>
      %dma_wait3A_41 = arith.constant 0 : i32
      %dma_wait3A_42 = arith.constant 0 : i32
      %dma_wait3A_43 = tpu.memref_slice %arg4[%arg1, %dma_wait3A_41, %dma_wait3A_42] : memref<16x125x80xi32, #tpu.memory_space<hbm>> -> memref<1x125x80xi32, #tpu.memory_space<hbm>>
      %dma_wait3A_44 = tpu.memref_squeeze %dma_wait3A_43 : memref<1x125x80xi32, #tpu.memory_space<hbm>> -> memref<125x80xi32, #tpu.memory_space<hbm>>
      tpu.wait_dma2 semaphore(%run_scoped3A_28 : memref<!tpu.dma_semaphore, #tpu.memory_space<semaphore_mem>>) src(%dma_wait3A_44 : memref<125x80xi32, #tpu.memory_space<hbm>>) dst(%arg8 : memref<125x80xi32, #tpu.memory_space<vmem>>)
      tpu.yield
    }) : () -> ()
    %barrier3A = arith.constant 0 : index
    tpu.barrier barrier_id(%barrier3A)
    %dma_start3A = arith.constant 0 : i32
    %dma_start3A_1 = tpu.memref_slice %arg7[%dma_start3A] : memref<10000xi32, #tpu.memory_space<vmem>> -> memref<80xi32, #tpu.memory_space<vmem>>
    %dma_start3A_2 = arith.constant 0 : i32
    %dma_start3A_3 = arith.constant 0 : i32
    %dma_start3A_4 = tpu.memref_slice %arg2[%arg0, %dma_start3A_2, %dma_start3A_3] : memref<2x10000x128xf32, #tpu.memory_space<hbm>> -> memref<1x10000x128xf32, #tpu.memory_space<hbm>>
    %dma_start3A_5 = tpu.memref_squeeze %dma_start3A_4 : memref<1x10000x128xf32, #tpu.memory_space<hbm>> -> memref<10000x128xf32, #tpu.memory_space<hbm>>
    %dma_start3A_6 = arith.constant 0 : i32
    %dma_start3A_7 = arith.constant 0 : i32
    %dma_start3A_8 = tpu.memref_slice %dma_start3A_5[%dma_start3A_6, %dma_start3A_7] : memref<10000x128xf32, #tpu.memory_space<hbm>> -> memref<10000x128xf32, #tpu.memory_space<hbm>>
    tpu.enqueue_indirect_dma source(%dma_start3A_8 : memref<10000x128xf32, #tpu.memory_space<hbm>>) target(%arg9 : memref<80x128xf32, #tpu.memory_space<vmem>>) offsets(%dma_start3A_1 : memref<80xi32, #tpu.memory_space<vmem>>) semaphore(%arg12 : memref<!tpu.dma_semaphore, #tpu.memory_space<semaphore_mem>>)
    %scan3A = arith.constant 0 : i32
    %scan3A_9 = arith.constant 62 : i32
    %scan3A_10 = arith.addi %scan3A, %scan3A_9 : i32
    %scan3A_11 = arith.constant 1 : i32
    scf.for %scan3A_28 = %scan3A to %scan3A_10 step %scan3A_11  : i32 {
      %mul3A_29 = arith.constant 1 : i32
      %mul3A_30 = arith.muli %scan3A_28, %mul3A_29 : i32
      %add3A = arith.constant 0 : i32
      %add3A_31 = arith.addi %add3A, %mul3A_30 : i32
      %mul3A_32 = arith.constant 2 : i32
      %mul3A_33 = arith.muli %mul3A_32, %add3A_31 : i32
      %add3A_34 = arith.constant 1 : i32
      %add3A_35 = arith.addi %mul3A_33, %add3A_34 : i32
      %mul3A_36 = arith.constant 80 : i32
      %mul3A_37 = arith.muli %add3A_35, %mul3A_36 : i32
      %dma_start3A_38 = tpu.memref_slice %arg7[%mul3A_37] : memref<10000xi32, #tpu.memory_space<vmem>> -> memref<80xi32, #tpu.memory_space<vmem>>
      %dma_start3A_39 = arith.constant 0 : i32
      %dma_start3A_40 = arith.constant 0 : i32
      %dma_start3A_41 = tpu.memref_slice %arg2[%arg0, %dma_start3A_39, %dma_start3A_40] : memref<2x10000x128xf32, #tpu.memory_space<hbm>> -> memref<1x10000x128xf32, #tpu.memory_space<hbm>>
      %dma_start3A_42 = tpu.memref_squeeze %dma_start3A_41 : memref<1x10000x128xf32, #tpu.memory_space<hbm>> -> memref<10000x128xf32, #tpu.memory_space<hbm>>
      %dma_start3A_43 = arith.constant 0 : i32
      %dma_start3A_44 = arith.constant 0 : i32
      %dma_start3A_45 = tpu.memref_slice %dma_start3A_42[%dma_start3A_43, %dma_start3A_44] : memref<10000x128xf32, #tpu.memory_space<hbm>> -> memref<10000x128xf32, #tpu.memory_space<hbm>>
      tpu.enqueue_indirect_dma source(%dma_start3A_45 : memref<10000x128xf32, #tpu.memory_space<hbm>>) target(%arg10 : memref<80x128xf32, #tpu.memory_space<vmem>>) offsets(%dma_start3A_38 : memref<80xi32, #tpu.memory_space<vmem>>) semaphore(%arg13 : memref<!tpu.dma_semaphore, #tpu.memory_space<semaphore_mem>>)
      %mul3A_46 = arith.constant 80 : i32
      %mul3A_47 = arith.muli %mul3A_33, %mul3A_46 : i32
      %dma_wait3A_48 = tpu.memref_slice %arg7[%mul3A_47] : memref<10000xi32, #tpu.memory_space<vmem>> -> memref<80xi32, #tpu.memory_space<vmem>>
      %dma_wait3A_49 = arith.constant 0 : i32
      %dma_wait3A_50 = arith.constant 0 : i32
      %dma_wait3A_51 = tpu.memref_slice %arg2[%arg0, %dma_wait3A_49, %dma_wait3A_50] : memref<2x10000x128xf32, #tpu.memory_space<hbm>> -> memref<1x10000x128xf32, #tpu.memory_space<hbm>>
      %dma_wait3A_52 = tpu.memref_squeeze %dma_wait3A_51 : memref<1x10000x128xf32, #tpu.memory_space<hbm>> -> memref<10000x128xf32, #tpu.memory_space<hbm>>
      %dma_wait3A_53 = arith.constant 0 : i32
      %dma_wait3A_54 = arith.constant 0 : i32
      %dma_wait3A_55 = tpu.memref_slice %dma_wait3A_52[%dma_wait3A_53, %dma_wait3A_54] : memref<10000x128xf32, #tpu.memory_space<hbm>> -> memref<10000x128xf32, #tpu.memory_space<hbm>>
      tpu.wait_indirect_dma semaphore(%arg12 : memref<!tpu.dma_semaphore, #tpu.memory_space<semaphore_mem>>) src(%dma_wait3A_55 : memref<10000x128xf32, #tpu.memory_space<hbm>>) dst(%arg9 : memref<80x128xf32, #tpu.memory_space<vmem>>)
      "tpu.region"() ({
        %run_scoped3A_82 = tpu.sem_alloc : memref<!tpu.dma_semaphore, #tpu.memory_space<semaphore_mem>>
        %dma_start3A_83 = arith.constant 0 : i32
        %dma_start3A_84 = tpu.memref_slice %arg8[%mul3A_33, %dma_start3A_83] : memref<125x80xi32, #tpu.memory_space<vmem>> -> memref<1x80xi32, #tpu.memory_space<vmem>>
        %dma_start3A_85 = tpu.memref_squeeze %dma_start3A_84 : memref<1x80xi32, #tpu.memory_space<vmem>> -> memref<80xi32, #tpu.memory_space<vmem>>
        %dma_start3A_86 = arith.constant 0 : i32
        %dma_start3A_87 = arith.constant 0 : i32
        %dma_start3A_88 = tpu.memref_slice %arg11[%dma_start3A_86, %dma_start3A_87] : memref<10240x128xf32, #tpu.memory_space<vmem_shared>> -> memref<10240x128xf32, #tpu.memory_space<vmem_shared>>
        tpu.enqueue_indirect_dma source(%arg9 : memref<80x128xf32, #tpu.memory_space<vmem>>) target(%dma_start3A_88 : memref<10240x128xf32, #tpu.memory_space<vmem_shared>>) offsets(%dma_start3A_85 : memref<80xi32, #tpu.memory_space<vmem>>) semaphore(%run_scoped3A_82 : memref<!tpu.dma_semaphore, #tpu.memory_space<semaphore_mem>>) {add = true}
        %dma_wait3A_89 = arith.constant 0 : i32
        %dma_wait3A_90 = tpu.memref_slice %arg8[%mul3A_33, %dma_wait3A_89] : memref<125x80xi32, #tpu.memory_space<vmem>> -> memref<1x80xi32, #tpu.memory_space<vmem>>
        %dma_wait3A_91 = tpu.memref_squeeze %dma_wait3A_90 : memref<1x80xi32, #tpu.memory_space<vmem>> -> memref<80xi32, #tpu.memory_space<vmem>>
        %dma_wait3A_92 = arith.constant 0 : i32
        %dma_wait3A_93 = arith.constant 0 : i32
        %dma_wait3A_94 = tpu.memref_slice %arg11[%dma_wait3A_92, %dma_wait3A_93] : memref<10240x128xf32, #tpu.memory_space<vmem_shared>> -> memref<10240x128xf32, #tpu.memory_space<vmem_shared>>
        tpu.wait_indirect_dma semaphore(%run_scoped3A_82 : memref<!tpu.dma_semaphore, #tpu.memory_space<semaphore_mem>>) src(%arg9 : memref<80x128xf32, #tpu.memory_space<vmem>>) dst(%dma_wait3A_94 : memref<10240x128xf32, #tpu.memory_space<vmem_shared>>)
        tpu.yield
      }) : () -> ()
      %add3A_56 = arith.constant 2 : i32
      %add3A_57 = arith.addi %mul3A_33, %add3A_56 : i32
      %mul3A_58 = arith.constant 80 : i32
      %mul3A_59 = arith.muli %add3A_57, %mul3A_58 : i32
      %dma_start3A_60 = tpu.memref_slice %arg7[%mul3A_59] : memref<10000xi32, #tpu.memory_space<vmem>> -> memref<80xi32, #tpu.memory_space<vmem>>
      %dma_start3A_61 = arith.constant 0 : i32
      %dma_start3A_62 = arith.constant 0 : i32
      %dma_start3A_63 = tpu.memref_slice %arg2[%arg0, %dma_start3A_61, %dma_start3A_62] : memref<2x10000x128xf32, #tpu.memory_space<hbm>> -> memref<1x10000x128xf32, #tpu.memory_space<hbm>>
      %dma_start3A_64 = tpu.memref_squeeze %dma_start3A_63 : memref<1x10000x128xf32, #tpu.memory_space<hbm>> -> memref<10000x128xf32, #tpu.memory_space<hbm>>
      %dma_start3A_65 = arith.constant 0 : i32
      %dma_start3A_66 = arith.constant 0 : i32
      %dma_start3A_67 = tpu.memref_slice %dma_start3A_64[%dma_start3A_65, %dma_start3A_66] : memref<10000x128xf32, #tpu.memory_space<hbm>> -> memref<10000x128xf32, #tpu.memory_space<hbm>>
      tpu.enqueue_indirect_dma source(%dma_start3A_67 : memref<10000x128xf32, #tpu.memory_space<hbm>>) target(%arg9 : memref<80x128xf32, #tpu.memory_space<vmem>>) offsets(%dma_start3A_60 : memref<80xi32, #tpu.memory_space<vmem>>) semaphore(%arg12 : memref<!tpu.dma_semaphore, #tpu.memory_space<semaphore_mem>>)
      %add3A_68 = arith.constant 1 : i32
      %add3A_69 = arith.addi %mul3A_33, %add3A_68 : i32
      %mul3A_70 = arith.constant 80 : i32
      %mul3A_71 = arith.muli %add3A_69, %mul3A_70 : i32
      %dma_wait3A_72 = tpu.memref_slice %arg7[%mul3A_71] : memref<10000xi32, #tpu.memory_space<vmem>> -> memref<80xi32, #tpu.memory_space<vmem>>
      %dma_wait3A_73 = arith.constant 0 : i32
      %dma_wait3A_74 = arith.constant 0 : i32
      %dma_wait3A_75 = tpu.memref_slice %arg2[%arg0, %dma_wait3A_73, %dma_wait3A_74] : memref<2x10000x128xf32, #tpu.memory_space<hbm>> -> memref<1x10000x128xf32, #tpu.memory_space<hbm>>
      %dma_wait3A_76 = tpu.memref_squeeze %dma_wait3A_75 : memref<1x10000x128xf32, #tpu.memory_space<hbm>> -> memref<10000x128xf32, #tpu.memory_space<hbm>>
      %dma_wait3A_77 = arith.constant 0 : i32
      %dma_wait3A_78 = arith.constant 0 : i32
      %dma_wait3A_79 = tpu.memref_slice %dma_wait3A_76[%dma_wait3A_77, %dma_wait3A_78] : memref<10000x128xf32, #tpu.memory_space<hbm>> -> memref<10000x128xf32, #tpu.memory_space<hbm>>
      tpu.wait_indirect_dma semaphore(%arg13 : memref<!tpu.dma_semaphore, #tpu.memory_space<semaphore_mem>>) src(%dma_wait3A_79 : memref<10000x128xf32, #tpu.memory_space<hbm>>) dst(%arg10 : memref<80x128xf32, #tpu.memory_space<vmem>>)
      %add3A_80 = arith.constant 1 : i32
      %add3A_81 = arith.addi %mul3A_33, %add3A_80 : i32
      "tpu.region"() ({
        %run_scoped3A_82 = tpu.sem_alloc : memref<!tpu.dma_semaphore, #tpu.memory_space<semaphore_mem>>
        %dma_start3A_83 = arith.constant 0 : i32
        %dma_start3A_84 = tpu.memref_slice %arg8[%add3A_81, %dma_start3A_83] : memref<125x80xi32, #tpu.memory_space<vmem>> -> memref<1x80xi32, #tpu.memory_space<vmem>>
        %dma_start3A_85 = tpu.memref_squeeze %dma_start3A_84 : memref<1x80xi32, #tpu.memory_space<vmem>> -> memref<80xi32, #tpu.memory_space<vmem>>
        %dma_start3A_86 = arith.constant 0 : i32
        %dma_start3A_87 = arith.constant 0 : i32
        %dma_start3A_88 = tpu.memref_slice %arg11[%dma_start3A_86, %dma_start3A_87] : memref<10240x128xf32, #tpu.memory_space<vmem_shared>> -> memref<10240x128xf32, #tpu.memory_space<vmem_shared>>
        tpu.enqueue_indirect_dma source(%arg10 : memref<80x128xf32, #tpu.memory_space<vmem>>) target(%dma_start3A_88 : memref<10240x128xf32, #tpu.memory_space<vmem_shared>>) offsets(%dma_start3A_85 : memref<80xi32, #tpu.memory_space<vmem>>) semaphore(%run_scoped3A_82 : memref<!tpu.dma_semaphore, #tpu.memory_space<semaphore_mem>>) {add = true}
        %dma_wait3A_89 = arith.constant 0 : i32
        %dma_wait3A_90 = tpu.memref_slice %arg8[%add3A_81, %dma_wait3A_89] : memref<125x80xi32, #tpu.memory_space<vmem>> -> memref<1x80xi32, #tpu.memory_space<vmem>>
        %dma_wait3A_91 = tpu.memref_squeeze %dma_wait3A_90 : memref<1x80xi32, #tpu.memory_space<vmem>> -> memref<80xi32, #tpu.memory_space<vmem>>
        %dma_wait3A_92 = arith.constant 0 : i32
        %dma_wait3A_93 = arith.constant 0 : i32
        %dma_wait3A_94 = tpu.memref_slice %arg11[%dma_wait3A_92, %dma_wait3A_93] : memref<10240x128xf32, #tpu.memory_space<vmem_shared>> -> memref<10240x128xf32, #tpu.memory_space<vmem_shared>>
        tpu.wait_indirect_dma semaphore(%run_scoped3A_82 : memref<!tpu.dma_semaphore, #tpu.memory_space<semaphore_mem>>) src(%arg10 : memref<80x128xf32, #tpu.memory_space<vmem>>) dst(%dma_wait3A_94 : memref<10240x128xf32, #tpu.memory_space<vmem_shared>>)
        tpu.yield
      }) : () -> ()
    }
    %scan3A_12 = arith.constant 62 : i32
    %dma_wait3A = arith.constant 9920 : i32
    %dma_wait3A_13 = tpu.memref_slice %arg7[%dma_wait3A] : memref<10000xi32, #tpu.memory_space<vmem>> -> memref<80xi32, #tpu.memory_space<vmem>>
    %dma_wait3A_14 = arith.constant 0 : i32
    %dma_wait3A_15 = arith.constant 0 : i32
    %dma_wait3A_16 = tpu.memref_slice %arg2[%arg0, %dma_wait3A_14, %dma_wait3A_15] : memref<2x10000x128xf32, #tpu.memory_space<hbm>> -> memref<1x10000x128xf32, #tpu.memory_space<hbm>>
    %dma_wait3A_17 = tpu.memref_squeeze %dma_wait3A_16 : memref<1x10000x128xf32, #tpu.memory_space<hbm>> -> memref<10000x128xf32, #tpu.memory_space<hbm>>
    %dma_wait3A_18 = arith.constant 0 : i32
    %dma_wait3A_19 = arith.constant 0 : i32
    %dma_wait3A_20 = tpu.memref_slice %dma_wait3A_17[%dma_wait3A_18, %dma_wait3A_19] : memref<10000x128xf32, #tpu.memory_space<hbm>> -> memref<10000x128xf32, #tpu.memory_space<hbm>>
    tpu.wait_indirect_dma semaphore(%arg12 : memref<!tpu.dma_semaphore, #tpu.memory_space<semaphore_mem>>) src(%dma_wait3A_20 : memref<10000x128xf32, #tpu.memory_space<hbm>>) dst(%arg9 : memref<80x128xf32, #tpu.memory_space<vmem>>)
    %run_scoped3A = arith.constant 124 : i32
    "tpu.region"() ({
      %run_scoped3A_28 = tpu.sem_alloc : memref<!tpu.dma_semaphore, #tpu.memory_space<semaphore_mem>>
      %dma_start3A_29 = arith.constant 0 : i32
      %dma_start3A_30 = tpu.memref_slice %arg8[%run_scoped3A, %dma_start3A_29] : memref<125x80xi32, #tpu.memory_space<vmem>> -> memref<1x80xi32, #tpu.memory_space<vmem>>
      %dma_start3A_31 = tpu.memref_squeeze %dma_start3A_30 : memref<1x80xi32, #tpu.memory_space<vmem>> -> memref<80xi32, #tpu.memory_space<vmem>>
      %dma_start3A_32 = arith.constant 0 : i32
      %dma_start3A_33 = arith.constant 0 : i32
      %dma_start3A_34 = tpu.memref_slice %arg11[%dma_start3A_32, %dma_start3A_33] : memref<10240x128xf32, #tpu.memory_space<vmem_shared>> -> memref<10240x128xf32, #tpu.memory_space<vmem_shared>>
      tpu.enqueue_indirect_dma source(%arg9 : memref<80x128xf32, #tpu.memory_space<vmem>>) target(%dma_start3A_34 : memref<10240x128xf32, #tpu.memory_space<vmem_shared>>) offsets(%dma_start3A_31 : memref<80xi32, #tpu.memory_space<vmem>>) semaphore(%run_scoped3A_28 : memref<!tpu.dma_semaphore, #tpu.memory_space<semaphore_mem>>) {add = true}
      %dma_wait3A_35 = arith.constant 0 : i32
      %dma_wait3A_36 = tpu.memref_slice %arg8[%run_scoped3A, %dma_wait3A_35] : memref<125x80xi32, #tpu.memory_space<vmem>> -> memref<1x80xi32, #tpu.memory_space<vmem>>
      %dma_wait3A_37 = tpu.memref_squeeze %dma_wait3A_36 : memref<1x80xi32, #tpu.memory_space<vmem>> -> memref<80xi32, #tpu.memory_space<vmem>>
      %dma_wait3A_38 = arith.constant 0 : i32
      %dma_wait3A_39 = arith.constant 0 : i32
      %dma_wait3A_40 = tpu.memref_slice %arg11[%dma_wait3A_38, %dma_wait3A_39] : memref<10240x128xf32, #tpu.memory_space<vmem_shared>> -> memref<10240x128xf32, #tpu.memory_space<vmem_shared>>
      tpu.wait_indirect_dma semaphore(%run_scoped3A_28 : memref<!tpu.dma_semaphore, #tpu.memory_space<semaphore_mem>>) src(%arg9 : memref<80x128xf32, #tpu.memory_space<vmem>>) dst(%dma_wait3A_40 : memref<10240x128xf32, #tpu.memory_space<vmem_shared>>)
      tpu.yield
    }) : () -> ()
    %barrier3A_21 = arith.constant 0 : index
    tpu.barrier barrier_id(%barrier3A_21)
    %lt3A = arith.constant 15 : i32
    %lt3A_22 = arith.cmpi slt, %arg1, %lt3A : i32
    %convert_element_type3A = arith.extui %lt3A_22 : i1 to i32
    %cond3A = arith.constant 0 : i32
    %cond3A_23 = arith.cmpi ne, %convert_element_type3A, %cond3A : i32
    scf.if %cond3A_23 {
      %mul3A_28 = arith.constant 640 : i32
      %mul3A_29 = arith.muli %arg1, %mul3A_28 : i32
      %mul3A_30 = arith.constant 640 : i32
      %mul3A_31 = arith.muli %arg1, %mul3A_30 : i32
      "tpu.region"() ({
        %run_scoped3A_32 = tpu.sem_alloc : memref<!tpu.dma_semaphore, #tpu.memory_space<semaphore_mem>>
        %dma_start3A_33 = arith.constant 0 : i32
        %dma_start3A_34 = arith.constant 0 : i32
        %dma_start3A_35 = tpu.memref_slice %arg6[%arg0, %dma_start3A_33, %dma_start3A_34] : memref<2x10000x128xf32, #tpu.memory_space<hbm>> -> memref<1x10000x128xf32, #tpu.memory_space<hbm>>
        %dma_start3A_36 = tpu.memref_squeeze %dma_start3A_35 : memref<1x10000x128xf32, #tpu.memory_space<hbm>> -> memref<10000x128xf32, #tpu.memory_space<hbm>>
        %dma_start3A_37 = arith.constant 0 : i32
        %dma_start3A_38 = tpu.memref_slice %dma_start3A_36[%mul3A_31, %dma_start3A_37] : memref<10000x128xf32, #tpu.memory_space<hbm>> -> memref<640x128xf32, #tpu.memory_space<hbm>>
        %dma_start3A_39 = arith.constant 0 : i32
        %dma_start3A_40 = tpu.memref_slice %arg11[%mul3A_29, %dma_start3A_39] : memref<10240x128xf32, #tpu.memory_space<vmem_shared>> -> memref<640x128xf32, #tpu.memory_space<vmem_shared>>
        tpu.enqueue_dma source(%dma_start3A_40 : memref<640x128xf32, #tpu.memory_space<vmem_shared>>) target(%dma_start3A_38 : memref<640x128xf32, #tpu.memory_space<hbm>>) target_semaphore(%run_scoped3A_32 : memref<!tpu.dma_semaphore, #tpu.memory_space<semaphore_mem>>)
        %dma_wait3A_41 = arith.constant 0 : i32
        %dma_wait3A_42 = arith.constant 0 : i32
        %dma_wait3A_43 = tpu.memref_slice %arg6[%arg0, %dma_wait3A_41, %dma_wait3A_42] : memref<2x10000x128xf32, #tpu.memory_space<hbm>> -> memref<1x10000x128xf32, #tpu.memory_space<hbm>>
        %dma_wait3A_44 = tpu.memref_squeeze %dma_wait3A_43 : memref<1x10000x128xf32, #tpu.memory_space<hbm>> -> memref<10000x128xf32, #tpu.memory_space<hbm>>
        %dma_wait3A_45 = arith.constant 0 : i32
        %dma_wait3A_46 = tpu.memref_slice %dma_wait3A_44[%mul3A_31, %dma_wait3A_45] : memref<10000x128xf32, #tpu.memory_space<hbm>> -> memref<640x128xf32, #tpu.memory_space<hbm>>
        %dma_wait3A_47 = arith.constant 0 : i32
        %dma_wait3A_48 = tpu.memref_slice %arg11[%mul3A_29, %dma_wait3A_47] : memref<10240x128xf32, #tpu.memory_space<vmem_shared>> -> memref<640x128xf32, #tpu.memory_space<vmem_shared>>
        tpu.wait_dma2 semaphore(%run_scoped3A_32 : memref<!tpu.dma_semaphore, #tpu.memory_space<semaphore_mem>>) src(%dma_wait3A_48 : memref<640x128xf32, #tpu.memory_space<vmem_shared>>) dst(%dma_wait3A_46 : memref<640x128xf32, #tpu.memory_space<hbm>>)
        tpu.yield
      }) : () -> ()
    } else {
    }
    %eq3A = arith.constant 15 : i32
    %eq3A_24 = arith.cmpi eq, %arg1, %eq3A : i32
    %convert_element_type3A_25 = arith.extui %eq3A_24 : i1 to i32
    %cond3A_26 = arith.constant 0 : i32
    %cond3A_27 = arith.cmpi ne, %convert_element_type3A_25, %cond3A_26 : i32
    scf.if %cond3A_27 {
      "tpu.region"() ({
        %run_scoped3A_28 = tpu.sem_alloc : memref<!tpu.dma_semaphore, #tpu.memory_space<semaphore_mem>>
        %dma_start3A_29 = arith.constant 0 : i32
        %dma_start3A_30 = arith.constant 0 : i32
        %dma_start3A_31 = tpu.memref_slice %arg6[%arg0, %dma_start3A_29, %dma_start3A_30] : memref<2x10000x128xf32, #tpu.memory_space<hbm>> -> memref<1x10000x128xf32, #tpu.memory_space<hbm>>
        %dma_start3A_32 = tpu.memref_squeeze %dma_start3A_31 : memref<1x10000x128xf32, #tpu.memory_space<hbm>> -> memref<10000x128xf32, #tpu.memory_space<hbm>>
        %dma_start3A_33 = arith.constant 9600 : i32
        %dma_start3A_34 = arith.constant 0 : i32
        %dma_start3A_35 = tpu.memref_slice %dma_start3A_32[%dma_start3A_33, %dma_start3A_34] : memref<10000x128xf32, #tpu.memory_space<hbm>> -> memref<400x128xf32, #tpu.memory_space<hbm>>
        %dma_start3A_36 = arith.constant 9600 : i32
        %dma_start3A_37 = arith.constant 0 : i32
        %dma_start3A_38 = tpu.memref_slice %arg11[%dma_start3A_36, %dma_start3A_37] : memref<10240x128xf32, #tpu.memory_space<vmem_shared>> -> memref<400x128xf32, #tpu.memory_space<vmem_shared>>
        tpu.enqueue_dma source(%dma_start3A_38 : memref<400x128xf32, #tpu.memory_space<vmem_shared>>) target(%dma_start3A_35 : memref<400x128xf32, #tpu.memory_space<hbm>>) target_semaphore(%run_scoped3A_28 : memref<!tpu.dma_semaphore, #tpu.memory_space<semaphore_mem>>)
        %dma_wait3A_39 = arith.constant 0 : i32
        %dma_wait3A_40 = arith.constant 0 : i32
        %dma_wait3A_41 = tpu.memref_slice %arg6[%arg0, %dma_wait3A_39, %dma_wait3A_40] : memref<2x10000x128xf32, #tpu.memory_space<hbm>> -> memref<1x10000x128xf32, #tpu.memory_space<hbm>>
        %dma_wait3A_42 = tpu.memref_squeeze %dma_wait3A_41 : memref<1x10000x128xf32, #tpu.memory_space<hbm>> -> memref<10000x128xf32, #tpu.memory_space<hbm>>
        %dma_wait3A_43 = arith.constant 9600 : i32
        %dma_wait3A_44 = arith.constant 0 : i32
        %dma_wait3A_45 = tpu.memref_slice %dma_wait3A_42[%dma_wait3A_43, %dma_wait3A_44] : memref<10000x128xf32, #tpu.memory_space<hbm>> -> memref<400x128xf32, #tpu.memory_space<hbm>>
        %dma_wait3A_46 = arith.constant 9600 : i32
        %dma_wait3A_47 = arith.constant 0 : i32
        %dma_wait3A_48 = tpu.memref_slice %arg11[%dma_wait3A_46, %dma_wait3A_47] : memref<10240x128xf32, #tpu.memory_space<vmem_shared>> -> memref<400x128xf32, #tpu.memory_space<vmem_shared>>
        tpu.wait_dma2 semaphore(%run_scoped3A_28 : memref<!tpu.dma_semaphore, #tpu.memory_space<semaphore_mem>>) src(%dma_wait3A_48 : memref<400x128xf32, #tpu.memory_space<vmem_shared>>) dst(%dma_wait3A_45 : memref<400x128xf32, #tpu.memory_space<hbm>>)
        tpu.yield
      }) : () -> ()
    } else {
    }
    return
  }
}

module attributes {stable_mosaic.version = 14 : i64} {
  func.func @_pre_body(%arg0: i32, %arg1: memref<1000x256xf32, #tpu.memory_space<vmem>>, %arg2: memref<1000x256xf32, #tpu.memory_space<vmem>>, %arg3: memref<1x256xf32, #tpu.memory_space<vmem>>, %arg4: memref<1x256xf32, #tpu.memory_space<vmem>>, %arg5: memref<256x256xf32, #tpu.memory_space<vmem>>, %arg6: memref<1x256xf32, #tpu.memory_space<vmem>>, %arg7: memref<256x256xf32, #tpu.memory_space<vmem>>, %arg8: memref<1x256xf32, #tpu.memory_space<vmem>>, %arg9: memref<256x256xf32, #tpu.memory_space<vmem>>, %arg10: memref<1x256xf32, #tpu.memory_space<vmem>>, %arg11: memref<256x64xf32, #tpu.memory_space<vmem>>, %arg12: memref<1x64xf32, #tpu.memory_space<vmem>>, %arg13: memref<256x512xf32, #tpu.memory_space<vmem>>, %arg14: memref<64x512xf32, #tpu.memory_space<vmem>>, %arg15: memref<1x512xf32, #tpu.memory_space<vmem>>, %arg16: memref<512x256xf32, #tpu.memory_space<vmem>>, %arg17: memref<1x256xf32, #tpu.memory_space<vmem>>, %arg18: memref<2x1000x128xf32, #tpu.memory_space<vmem>>) attributes {dimension_semantics = [#tpu.dimension_semantics<arbitrary>], iteration_bounds = array<i64: 10>, scalar_prefetch = 0 : i64, scratch_operands = 0 : i64, tpu.core_type = #tpu.core_type<tc>, window_params = [{transform_indices = @transform_0, window_bounds = array<i64: 1000, 256>}, {transform_indices = @transform_1, window_bounds = array<i64: 1000, 256>}, {pipeline_mode = #tpu.pipeline_mode<synchronous>, transform_indices = @transform_2, window_bounds = array<i64: 1, 256>}, {pipeline_mode = #tpu.pipeline_mode<synchronous>, transform_indices = @transform_3, window_bounds = array<i64: 1, 256>}, {pipeline_mode = #tpu.pipeline_mode<synchronous>, transform_indices = @transform_4, window_bounds = array<i64: 256, 256>}, {pipeline_mode = #tpu.pipeline_mode<synchronous>, transform_indices = @transform_5, window_bounds = array<i64: 1, 256>}, {pipeline_mode = #tpu.pipeline_mode<synchronous>, transform_indices = @transform_6, window_bounds = array<i64: 256, 256>}, {pipeline_mode = #tpu.pipeline_mode<synchronous>, transform_indices = @transform_7, window_bounds = array<i64: 1, 256>}, {pipeline_mode = #tpu.pipeline_mode<synchronous>, transform_indices = @transform_8, window_bounds = array<i64: 256, 256>}, {pipeline_mode = #tpu.pipeline_mode<synchronous>, transform_indices = @transform_9, window_bounds = array<i64: 1, 256>}, {pipeline_mode = #tpu.pipeline_mode<synchronous>, transform_indices = @transform_10, window_bounds = array<i64: 256, 64>}, {pipeline_mode = #tpu.pipeline_mode<synchronous>, transform_indices = @transform_11, window_bounds = array<i64: 1, 64>}, {pipeline_mode = #tpu.pipeline_mode<synchronous>, transform_indices = @transform_12, window_bounds = array<i64: 256, 512>}, {pipeline_mode = #tpu.pipeline_mode<synchronous>, transform_indices = @transform_13, window_bounds = array<i64: 64, 512>}, {pipeline_mode = #tpu.pipeline_mode<synchronous>, transform_indices = @transform_14, window_bounds = array<i64: 1, 512>}, {pipeline_mode = #tpu.pipeline_mode<synchronous>, transform_indices = @transform_15, window_bounds = array<i64: 512, 256>}, {pipeline_mode = #tpu.pipeline_mode<synchronous>, transform_indices = @transform_16, window_bounds = array<i64: 1, 256>}, {transform_indices = @transform_17, window_bounds = array<i64: 2, 1000, 128>}]} {
    %get3A = arith.constant 0 : index
    %get3A_0 = arith.constant 0 : index
    %get3A_1 = vector.load %arg1[%get3A, %get3A_0] : memref<1000x256xf32, #tpu.memory_space<vmem>>, vector<1000x256xf32>
    %reduce_sum3A = arith.constant dense<0.000000e+00> : vector<1000xf32>
    %reduce_sum3A_2 = vector.multi_reduction <add>, %get3A_1, %reduce_sum3A [1] : vector<1000x256xf32> to vector<1000xf32>
    %broadcast_in_dim3A = vector.shape_cast %reduce_sum3A_2 : vector<1000xf32> to vector<1000x1xf32>
    %div3A = arith.constant 2.560000e+02 : f32
    %div3A_3 = vector.broadcast %div3A : f32 to vector<1000x1xf32>
    %div3A_4 = arith.divf %broadcast_in_dim3A, %div3A_3 : vector<1000x1xf32>
    %sub3A = vector.broadcast %div3A_4 : vector<1000x1xf32> to vector<1000x256xf32>
    %sub3A_5 = arith.subf %get3A_1, %sub3A : vector<1000x256xf32>
    %mul3A = arith.mulf %sub3A_5, %sub3A_5 : vector<1000x256xf32>
    %reduce_sum3A_6 = arith.constant dense<0.000000e+00> : vector<1000xf32>
    %reduce_sum3A_7 = vector.multi_reduction <add>, %mul3A, %reduce_sum3A_6 [1] : vector<1000x256xf32> to vector<1000xf32>
    %broadcast_in_dim3A_8 = vector.shape_cast %reduce_sum3A_7 : vector<1000xf32> to vector<1000x1xf32>
    %div3A_9 = arith.constant 2.560000e+02 : f32
    %div3A_10 = vector.broadcast %div3A_9 : f32 to vector<1000x1xf32>
    %div3A_11 = arith.divf %broadcast_in_dim3A_8, %div3A_10 : vector<1000x1xf32>
    %add3A = arith.constant 9.99999997E-7 : f32
    %add3A_12 = vector.broadcast %add3A : f32 to vector<1000x1xf32>
    %add3A_13 = arith.addf %div3A_11, %add3A_12 : vector<1000x1xf32>
    %sqrt3A = math.sqrt %add3A_13 : vector<1000x1xf32>
    %div3A_14 = vector.broadcast %sqrt3A : vector<1000x1xf32> to vector<1000x256xf32>
    %div3A_15 = arith.divf %sub3A_5, %div3A_14 : vector<1000x256xf32>
    %get3A_16 = arith.constant 0 : index
    %get3A_17 = arith.constant 0 : index
    %get3A_18 = vector.load %arg3[%get3A_16, %get3A_17] : memref<1x256xf32, #tpu.memory_space<vmem>>, vector<1x256xf32>
    %mul3A_19 = vector.broadcast %get3A_18 : vector<1x256xf32> to vector<1000x256xf32>
    %mul3A_20 = arith.mulf %div3A_15, %mul3A_19 : vector<1000x256xf32>
    %get3A_21 = arith.constant 0 : index
    %get3A_22 = arith.constant 0 : index
    %get3A_23 = vector.load %arg4[%get3A_21, %get3A_22] : memref<1x256xf32, #tpu.memory_space<vmem>>, vector<1x256xf32>
    %add3A_24 = vector.broadcast %get3A_23 : vector<1x256xf32> to vector<1000x256xf32>
    %add3A_25 = arith.addf %mul3A_20, %add3A_24 : vector<1000x256xf32>
    %get3A_26 = arith.constant 0 : index
    %get3A_27 = arith.constant 0 : index
    %get3A_28 = vector.load %arg2[%get3A_26, %get3A_27] : memref<1000x256xf32, #tpu.memory_space<vmem>>, vector<1000x256xf32>
    %get3A_29 = arith.constant 0 : index
    %get3A_30 = arith.constant 0 : index
    %get3A_31 = vector.load %arg5[%get3A_29, %get3A_30] : memref<256x256xf32, #tpu.memory_space<vmem>>, vector<256x256xf32>
    %dot_general3A = arith.constant dense<0.000000e+00> : vector<1000x256xf32>
    %dot_general3A_32 = tpu.matmul %get3A_28, %get3A_31, %dot_general3A {dimension_numbers = #tpu.dot_dimension_numbers<[1], [0], [0], [1], [0, 0, 1, 1], [], []>, transpose_lhs_hint = false} : vector<1000x256xf32>, vector<256x256xf32>, vector<1000x256xf32> -> vector<1000x256xf32>
    %get3A_33 = arith.constant 0 : index
    %get3A_34 = arith.constant 0 : index
    %get3A_35 = vector.load %arg6[%get3A_33, %get3A_34] : memref<1x256xf32, #tpu.memory_space<vmem>>, vector<1x256xf32>
    %add3A_36 = vector.broadcast %get3A_35 : vector<1x256xf32> to vector<1000x256xf32>
    %add3A_37 = arith.addf %dot_general3A_32, %add3A_36 : vector<1000x256xf32>
    %integer_pow3A = arith.mulf %add3A_37, %add3A_37 : vector<1000x256xf32>
    %integer_pow3A_38 = arith.mulf %add3A_37, %integer_pow3A : vector<1000x256xf32>
    %mul3A_39 = arith.constant 4.471500e-02 : f32
    %mul3A_40 = vector.broadcast %mul3A_39 : f32 to vector<1000x256xf32>
    %mul3A_41 = arith.mulf %mul3A_40, %integer_pow3A_38 : vector<1000x256xf32>
    %add3A_42 = arith.addf %add3A_37, %mul3A_41 : vector<1000x256xf32>
    %mul3A_43 = arith.constant 0.797884583 : f32
    %mul3A_44 = vector.broadcast %mul3A_43 : f32 to vector<1000x256xf32>
    %mul3A_45 = arith.mulf %mul3A_44, %add3A_42 : vector<1000x256xf32>
    %tanh3A = math.tanh %mul3A_45 : vector<1000x256xf32>
    %add3A_46 = arith.constant 1.000000e+00 : f32
    %add3A_47 = vector.broadcast %add3A_46 : f32 to vector<1000x256xf32>
    %add3A_48 = arith.addf %add3A_47, %tanh3A : vector<1000x256xf32>
    %mul3A_49 = arith.constant 5.000000e-01 : f32
    %mul3A_50 = vector.broadcast %mul3A_49 : f32 to vector<1000x256xf32>
    %mul3A_51 = arith.mulf %mul3A_50, %add3A_48 : vector<1000x256xf32>
    %mul3A_52 = arith.mulf %add3A_37, %mul3A_51 : vector<1000x256xf32>
    %get3A_53 = arith.constant 0 : index
    %get3A_54 = arith.constant 0 : index
    %get3A_55 = vector.load %arg7[%get3A_53, %get3A_54] : memref<256x256xf32, #tpu.memory_space<vmem>>, vector<256x256xf32>
    %dot_general3A_56 = arith.constant dense<0.000000e+00> : vector<1000x256xf32>
    %dot_general3A_57 = tpu.matmul %mul3A_52, %get3A_55, %dot_general3A_56 {dimension_numbers = #tpu.dot_dimension_numbers<[1], [0], [0], [1], [0, 0, 1, 1], [], []>, transpose_lhs_hint = false} : vector<1000x256xf32>, vector<256x256xf32>, vector<1000x256xf32> -> vector<1000x256xf32>
    %get3A_58 = arith.constant 0 : index
    %get3A_59 = arith.constant 0 : index
    %get3A_60 = vector.load %arg8[%get3A_58, %get3A_59] : memref<1x256xf32, #tpu.memory_space<vmem>>, vector<1x256xf32>
    %add3A_61 = vector.broadcast %get3A_60 : vector<1x256xf32> to vector<1000x256xf32>
    %add3A_62 = arith.addf %dot_general3A_57, %add3A_61 : vector<1000x256xf32>
    %integer_pow3A_63 = arith.mulf %add3A_62, %add3A_62 : vector<1000x256xf32>
    %integer_pow3A_64 = arith.mulf %add3A_62, %integer_pow3A_63 : vector<1000x256xf32>
    %mul3A_65 = arith.constant 4.471500e-02 : f32
    %mul3A_66 = vector.broadcast %mul3A_65 : f32 to vector<1000x256xf32>
    %mul3A_67 = arith.mulf %mul3A_66, %integer_pow3A_64 : vector<1000x256xf32>
    %add3A_68 = arith.addf %add3A_62, %mul3A_67 : vector<1000x256xf32>
    %mul3A_69 = arith.constant 0.797884583 : f32
    %mul3A_70 = vector.broadcast %mul3A_69 : f32 to vector<1000x256xf32>
    %mul3A_71 = arith.mulf %mul3A_70, %add3A_68 : vector<1000x256xf32>
    %tanh3A_72 = math.tanh %mul3A_71 : vector<1000x256xf32>
    %add3A_73 = arith.constant 1.000000e+00 : f32
    %add3A_74 = vector.broadcast %add3A_73 : f32 to vector<1000x256xf32>
    %add3A_75 = arith.addf %add3A_74, %tanh3A_72 : vector<1000x256xf32>
    %mul3A_76 = arith.constant 5.000000e-01 : f32
    %mul3A_77 = vector.broadcast %mul3A_76 : f32 to vector<1000x256xf32>
    %mul3A_78 = arith.mulf %mul3A_77, %add3A_75 : vector<1000x256xf32>
    %mul3A_79 = arith.mulf %add3A_62, %mul3A_78 : vector<1000x256xf32>
    %get3A_80 = arith.constant 0 : index
    %get3A_81 = arith.constant 0 : index
    %get3A_82 = vector.load %arg9[%get3A_80, %get3A_81] : memref<256x256xf32, #tpu.memory_space<vmem>>, vector<256x256xf32>
    %dot_general3A_83 = arith.constant dense<0.000000e+00> : vector<1000x256xf32>
    %dot_general3A_84 = tpu.matmul %mul3A_79, %get3A_82, %dot_general3A_83 {dimension_numbers = #tpu.dot_dimension_numbers<[1], [0], [0], [1], [0, 0, 1, 1], [], []>, transpose_lhs_hint = false} : vector<1000x256xf32>, vector<256x256xf32>, vector<1000x256xf32> -> vector<1000x256xf32>
    %get3A_85 = arith.constant 0 : index
    %get3A_86 = arith.constant 0 : index
    %get3A_87 = vector.load %arg10[%get3A_85, %get3A_86] : memref<1x256xf32, #tpu.memory_space<vmem>>, vector<1x256xf32>
    %add3A_88 = vector.broadcast %get3A_87 : vector<1x256xf32> to vector<1000x256xf32>
    %add3A_89 = arith.addf %dot_general3A_84, %add3A_88 : vector<1000x256xf32>
    %integer_pow3A_90 = arith.mulf %add3A_89, %add3A_89 : vector<1000x256xf32>
    %integer_pow3A_91 = arith.mulf %add3A_89, %integer_pow3A_90 : vector<1000x256xf32>
    %mul3A_92 = arith.constant 4.471500e-02 : f32
    %mul3A_93 = vector.broadcast %mul3A_92 : f32 to vector<1000x256xf32>
    %mul3A_94 = arith.mulf %mul3A_93, %integer_pow3A_91 : vector<1000x256xf32>
    %add3A_95 = arith.addf %add3A_89, %mul3A_94 : vector<1000x256xf32>
    %mul3A_96 = arith.constant 0.797884583 : f32
    %mul3A_97 = vector.broadcast %mul3A_96 : f32 to vector<1000x256xf32>
    %mul3A_98 = arith.mulf %mul3A_97, %add3A_95 : vector<1000x256xf32>
    %tanh3A_99 = math.tanh %mul3A_98 : vector<1000x256xf32>
    %add3A_100 = arith.constant 1.000000e+00 : f32
    %add3A_101 = vector.broadcast %add3A_100 : f32 to vector<1000x256xf32>
    %add3A_102 = arith.addf %add3A_101, %tanh3A_99 : vector<1000x256xf32>
    %mul3A_103 = arith.constant 5.000000e-01 : f32
    %mul3A_104 = vector.broadcast %mul3A_103 : f32 to vector<1000x256xf32>
    %mul3A_105 = arith.mulf %mul3A_104, %add3A_102 : vector<1000x256xf32>
    %mul3A_106 = arith.mulf %add3A_89, %mul3A_105 : vector<1000x256xf32>
    %get3A_107 = arith.constant 0 : index
    %get3A_108 = arith.constant 0 : index
    %get3A_109 = vector.load %arg11[%get3A_107, %get3A_108] : memref<256x64xf32, #tpu.memory_space<vmem>>, vector<256x64xf32>
    %dot_general3A_110 = arith.constant dense<0.000000e+00> : vector<1000x64xf32>
    %dot_general3A_111 = tpu.matmul %mul3A_106, %get3A_109, %dot_general3A_110 {dimension_numbers = #tpu.dot_dimension_numbers<[1], [0], [0], [1], [0, 0, 1, 1], [], []>, transpose_lhs_hint = false} : vector<1000x256xf32>, vector<256x64xf32>, vector<1000x64xf32> -> vector<1000x64xf32>
    %get3A_112 = arith.constant 0 : index
    %get3A_113 = arith.constant 0 : index
    %get3A_114 = vector.load %arg12[%get3A_112, %get3A_113] : memref<1x64xf32, #tpu.memory_space<vmem>>, vector<1x64xf32>
    %add3A_115 = vector.broadcast %get3A_114 : vector<1x64xf32> to vector<1000x64xf32>
    %add3A_116 = arith.addf %dot_general3A_111, %add3A_115 : vector<1000x64xf32>
    %get3A_117 = arith.constant 0 : index
    %get3A_118 = arith.constant 0 : index
    %get3A_119 = vector.load %arg13[%get3A_117, %get3A_118] : memref<256x512xf32, #tpu.memory_space<vmem>>, vector<256x512xf32>
    %dot_general3A_120 = arith.constant dense<0.000000e+00> : vector<1000x512xf32>
    %dot_general3A_121 = tpu.matmul %add3A_25, %get3A_119, %dot_general3A_120 {dimension_numbers = #tpu.dot_dimension_numbers<[1], [0], [0], [1], [0, 0, 1, 1], [], []>, transpose_lhs_hint = false} : vector<1000x256xf32>, vector<256x512xf32>, vector<1000x512xf32> -> vector<1000x512xf32>
    %get3A_122 = arith.constant 0 : index
    %get3A_123 = arith.constant 0 : index
    %get3A_124 = vector.load %arg14[%get3A_122, %get3A_123] : memref<64x512xf32, #tpu.memory_space<vmem>>, vector<64x512xf32>
    %dot_general3A_125 = arith.constant dense<0.000000e+00> : vector<1000x512xf32>
    %dot_general3A_126 = tpu.matmul %add3A_116, %get3A_124, %dot_general3A_125 {dimension_numbers = #tpu.dot_dimension_numbers<[1], [0], [0], [1], [0, 0, 1, 1], [], []>, transpose_lhs_hint = false} : vector<1000x64xf32>, vector<64x512xf32>, vector<1000x512xf32> -> vector<1000x512xf32>
    %add3A_127 = arith.addf %dot_general3A_121, %dot_general3A_126 : vector<1000x512xf32>
    %get3A_128 = arith.constant 0 : index
    %get3A_129 = arith.constant 0 : index
    %get3A_130 = vector.load %arg15[%get3A_128, %get3A_129] : memref<1x512xf32, #tpu.memory_space<vmem>>, vector<1x512xf32>
    %add3A_131 = vector.broadcast %get3A_130 : vector<1x512xf32> to vector<1000x512xf32>
    %add3A_132 = arith.addf %add3A_127, %add3A_131 : vector<1000x512xf32>
    %integer_pow3A_133 = arith.mulf %add3A_132, %add3A_132 : vector<1000x512xf32>
    %integer_pow3A_134 = arith.mulf %add3A_132, %integer_pow3A_133 : vector<1000x512xf32>
    %mul3A_135 = arith.constant 4.471500e-02 : f32
    %mul3A_136 = vector.broadcast %mul3A_135 : f32 to vector<1000x512xf32>
    %mul3A_137 = arith.mulf %mul3A_136, %integer_pow3A_134 : vector<1000x512xf32>
    %add3A_138 = arith.addf %add3A_132, %mul3A_137 : vector<1000x512xf32>
    %mul3A_139 = arith.constant 0.797884583 : f32
    %mul3A_140 = vector.broadcast %mul3A_139 : f32 to vector<1000x512xf32>
    %mul3A_141 = arith.mulf %mul3A_140, %add3A_138 : vector<1000x512xf32>
    %tanh3A_142 = math.tanh %mul3A_141 : vector<1000x512xf32>
    %add3A_143 = arith.constant 1.000000e+00 : f32
    %add3A_144 = vector.broadcast %add3A_143 : f32 to vector<1000x512xf32>
    %add3A_145 = arith.addf %add3A_144, %tanh3A_142 : vector<1000x512xf32>
    %mul3A_146 = arith.constant 5.000000e-01 : f32
    %mul3A_147 = vector.broadcast %mul3A_146 : f32 to vector<1000x512xf32>
    %mul3A_148 = arith.mulf %mul3A_147, %add3A_145 : vector<1000x512xf32>
    %mul3A_149 = arith.mulf %add3A_132, %mul3A_148 : vector<1000x512xf32>
    %get3A_150 = arith.constant 0 : index
    %get3A_151 = arith.constant 0 : index
    %get3A_152 = vector.load %arg16[%get3A_150, %get3A_151] : memref<512x256xf32, #tpu.memory_space<vmem>>, vector<512x256xf32>
    %dot_general3A_153 = arith.constant dense<0.000000e+00> : vector<1000x256xf32>
    %dot_general3A_154 = tpu.matmul %mul3A_149, %get3A_152, %dot_general3A_153 {dimension_numbers = #tpu.dot_dimension_numbers<[1], [0], [0], [1], [0, 0, 1, 1], [], []>, transpose_lhs_hint = false} : vector<1000x512xf32>, vector<512x256xf32>, vector<1000x256xf32> -> vector<1000x256xf32>
    %get3A_155 = arith.constant 0 : index
    %get3A_156 = arith.constant 0 : index
    %get3A_157 = vector.load %arg17[%get3A_155, %get3A_156] : memref<1x256xf32, #tpu.memory_space<vmem>>, vector<1x256xf32>
    %add3A_158 = vector.broadcast %get3A_157 : vector<1x256xf32> to vector<1000x256xf32>
    %add3A_159 = arith.addf %dot_general3A_154, %add3A_158 : vector<1000x256xf32>
    %integer_pow3A_160 = arith.mulf %add3A_159, %add3A_159 : vector<1000x256xf32>
    %integer_pow3A_161 = arith.mulf %add3A_159, %integer_pow3A_160 : vector<1000x256xf32>
    %mul3A_162 = arith.constant 4.471500e-02 : f32
    %mul3A_163 = vector.broadcast %mul3A_162 : f32 to vector<1000x256xf32>
    %mul3A_164 = arith.mulf %mul3A_163, %integer_pow3A_161 : vector<1000x256xf32>
    %add3A_165 = arith.addf %add3A_159, %mul3A_164 : vector<1000x256xf32>
    %mul3A_166 = arith.constant 0.797884583 : f32
    %mul3A_167 = vector.broadcast %mul3A_166 : f32 to vector<1000x256xf32>
    %mul3A_168 = arith.mulf %mul3A_167, %add3A_165 : vector<1000x256xf32>
    %tanh3A_169 = math.tanh %mul3A_168 : vector<1000x256xf32>
    %add3A_170 = arith.constant 1.000000e+00 : f32
    %add3A_171 = vector.broadcast %add3A_170 : f32 to vector<1000x256xf32>
    %add3A_172 = arith.addf %add3A_171, %tanh3A_169 : vector<1000x256xf32>
    %mul3A_173 = arith.constant 5.000000e-01 : f32
    %mul3A_174 = vector.broadcast %mul3A_173 : f32 to vector<1000x256xf32>
    %mul3A_175 = arith.mulf %mul3A_174, %add3A_172 : vector<1000x256xf32>
    %mul3A_176 = arith.mulf %add3A_159, %mul3A_175 : vector<1000x256xf32>
    %slice3A = vector.extract_strided_slice %mul3A_176 {offsets = [0, 0], sizes = [1000, 128], strides = [1, 1]} : vector<1000x256xf32> to vector<1000x128xf32>
    %swap3A = arith.constant 0 : index
    %swap3A_177 = arith.constant 0 : index
    %swap3A_178 = arith.constant 0 : index
    %swap3A_179 = vector.load %arg18[%swap3A, %swap3A_177, %swap3A_178] : memref<2x1000x128xf32, #tpu.memory_space<vmem>>, vector<1x1000x128xf32>
    %swap3A_180 = vector.shape_cast %swap3A_179 : vector<1x1000x128xf32> to vector<1000x128xf32>
    %swap3A_181 = vector.shape_cast %slice3A : vector<1000x128xf32> to vector<1x1000x128xf32>
    tpu.vector_store %arg18[%swap3A, %swap3A_177, %swap3A_178], %swap3A_181 {strides = array<i32>} : memref<2x1000x128xf32, #tpu.memory_space<vmem>>, vector<1x1000x128xf32>,
    %slice3A_182 = vector.extract_strided_slice %mul3A_176 {offsets = [0, 128], sizes = [1000, 128], strides = [1, 1]} : vector<1000x256xf32> to vector<1000x128xf32>
    %swap3A_183 = arith.constant 1 : index
    %swap3A_184 = arith.constant 0 : index
    %swap3A_185 = arith.constant 0 : index
    %swap3A_186 = vector.load %arg18[%swap3A_183, %swap3A_184, %swap3A_185] : memref<2x1000x128xf32, #tpu.memory_space<vmem>>, vector<1x1000x128xf32>
    %swap3A_187 = vector.shape_cast %swap3A_186 : vector<1x1000x128xf32> to vector<1000x128xf32>
    %swap3A_188 = vector.shape_cast %slice3A_182 : vector<1000x128xf32> to vector<1x1000x128xf32>
    tpu.vector_store %arg18[%swap3A_183, %swap3A_184, %swap3A_185], %swap3A_188 {strides = array<i32>} : memref<2x1000x128xf32, #tpu.memory_space<vmem>>, vector<1x1000x128xf32>,
    return
  }
  func.func @transform_0(%arg0: i32) -> (i32, i32) {
    %c0_i32 = arith.constant 0 : i32
    %c0_i32_0 = arith.constant 0 : i32
    return %arg0, %c0_i32 : i32, i32
  }
  func.func @transform_1(%arg0: i32) -> (i32, i32) {
    %c0_i32 = arith.constant 0 : i32
    %c0_i32_0 = arith.constant 0 : i32
    return %arg0, %c0_i32 : i32, i32
  }
  func.func @transform_2(%arg0: i32) -> (i32, i32) {
    %c0_i32 = arith.constant 0 : i32
    %c0_i32_0 = arith.constant 0 : i32
    %c0_i32_1 = arith.constant 0 : i32
    return %c0_i32, %c0_i32_0 : i32, i32
  }
  func.func @transform_3(%arg0: i32) -> (i32, i32) {
    %c0_i32 = arith.constant 0 : i32
    %c0_i32_0 = arith.constant 0 : i32
    %c0_i32_1 = arith.constant 0 : i32
    return %c0_i32, %c0_i32_0 : i32, i32
  }
  func.func @transform_4(%arg0: i32) -> (i32, i32) {
    %c0_i32 = arith.constant 0 : i32
    %c0_i32_0 = arith.constant 0 : i32
    %c0_i32_1 = arith.constant 0 : i32
    return %c0_i32, %c0_i32_0 : i32, i32
  }
  func.func @transform_5(%arg0: i32) -> (i32, i32) {
    %c0_i32 = arith.constant 0 : i32
    %c0_i32_0 = arith.constant 0 : i32
    %c0_i32_1 = arith.constant 0 : i32
    return %c0_i32, %c0_i32_0 : i32, i32
  }
  func.func @transform_6(%arg0: i32) -> (i32, i32) {
    %c0_i32 = arith.constant 0 : i32
    %c0_i32_0 = arith.constant 0 : i32
    %c0_i32_1 = arith.constant 0 : i32
    return %c0_i32, %c0_i32_0 : i32, i32
  }
  func.func @transform_7(%arg0: i32) -> (i32, i32) {
    %c0_i32 = arith.constant 0 : i32
    %c0_i32_0 = arith.constant 0 : i32
    %c0_i32_1 = arith.constant 0 : i32
    return %c0_i32, %c0_i32_0 : i32, i32
  }
  func.func @transform_8(%arg0: i32) -> (i32, i32) {
    %c0_i32 = arith.constant 0 : i32
    %c0_i32_0 = arith.constant 0 : i32
    %c0_i32_1 = arith.constant 0 : i32
    return %c0_i32, %c0_i32_0 : i32, i32
  }
  func.func @transform_9(%arg0: i32) -> (i32, i32) {
    %c0_i32 = arith.constant 0 : i32
    %c0_i32_0 = arith.constant 0 : i32
    %c0_i32_1 = arith.constant 0 : i32
    return %c0_i32, %c0_i32_0 : i32, i32
  }
  func.func @transform_10(%arg0: i32) -> (i32, i32) {
    %c0_i32 = arith.constant 0 : i32
    %c0_i32_0 = arith.constant 0 : i32
    %c0_i32_1 = arith.constant 0 : i32
    return %c0_i32, %c0_i32_0 : i32, i32
  }
  func.func @transform_11(%arg0: i32) -> (i32, i32) {
    %c0_i32 = arith.constant 0 : i32
    %c0_i32_0 = arith.constant 0 : i32
    %c0_i32_1 = arith.constant 0 : i32
    return %c0_i32, %c0_i32_0 : i32, i32
  }
  func.func @transform_12(%arg0: i32) -> (i32, i32) {
    %c0_i32 = arith.constant 0 : i32
    %c0_i32_0 = arith.constant 0 : i32
    %c0_i32_1 = arith.constant 0 : i32
    return %c0_i32, %c0_i32_0 : i32, i32
  }
  func.func @transform_13(%arg0: i32) -> (i32, i32) {
    %c0_i32 = arith.constant 0 : i32
    %c0_i32_0 = arith.constant 0 : i32
    %c0_i32_1 = arith.constant 0 : i32
    return %c0_i32, %c0_i32_0 : i32, i32
  }
  func.func @transform_14(%arg0: i32) -> (i32, i32) {
    %c0_i32 = arith.constant 0 : i32
    %c0_i32_0 = arith.constant 0 : i32
    %c0_i32_1 = arith.constant 0 : i32
    return %c0_i32, %c0_i32_0 : i32, i32
  }
  func.func @transform_15(%arg0: i32) -> (i32, i32) {
    %c0_i32 = arith.constant 0 : i32
    %c0_i32_0 = arith.constant 0 : i32
    %c0_i32_1 = arith.constant 0 : i32
    return %c0_i32, %c0_i32_0 : i32, i32
  }
  func.func @transform_16(%arg0: i32) -> (i32, i32) {
    %c0_i32 = arith.constant 0 : i32
    %c0_i32_0 = arith.constant 0 : i32
    %c0_i32_1 = arith.constant 0 : i32
    return %c0_i32, %c0_i32_0 : i32, i32
  }
  func.func @transform_17(%arg0: i32) -> (i32, i32, i32) {
    %c0_i32 = arith.constant 0 : i32
    %c0_i32_0 = arith.constant 0 : i32
    %c0_i32_1 = arith.constant 0 : i32
    return %c0_i32, %arg0, %c0_i32_0 : i32, i32, i32
  }
}

module attributes {stable_mosaic.version = 14 : i64} {
  func.func @_cg_body(%arg0: i32, %arg1: memref<2x1000x128xf32, #tpu.memory_space<vmem>>, %arg2: memref<2x1000x128xf32, #tpu.memory_space<vmem>>, %arg3: memref<2x1000x128xf32, #tpu.memory_space<vmem>>, %arg4: memref<1000x16xf32, #tpu.memory_space<vmem>>, %arg5: memref<1000x16xf32, #tpu.memory_space<vmem>>, %arg6: memref<128x256xf32, #tpu.memory_space<vmem>>, %arg7: memref<128x256xf32, #tpu.memory_space<vmem>>, %arg8: memref<128x256xf32, #tpu.memory_space<vmem>>, %arg9: memref<128x256xf32, #tpu.memory_space<vmem>>, %arg10: memref<1x256xf32, #tpu.memory_space<vmem>>, %arg11: memref<128x256xf32, #tpu.memory_space<vmem>>, %arg12: memref<128x256xf32, #tpu.memory_space<vmem>>, %arg13: memref<128x256xf32, #tpu.memory_space<vmem>>, %arg14: memref<128x256xf32, #tpu.memory_space<vmem>>, %arg15: memref<1x256xf32, #tpu.memory_space<vmem>>, %arg16: memref<1x256xf32, #tpu.memory_space<vmem>>, %arg17: memref<1x256xf32, #tpu.memory_space<vmem>>, %arg18: memref<1x256xf32, #tpu.memory_space<vmem>>, %arg19: memref<2x1000x128xf32, #tpu.memory_space<vmem>>, %arg20: memref<10000x256xf32, #tpu.memory_space<vmem>>, %arg21: memref<8x256xf32, #tpu.memory_space<vmem>>) attributes {dimension_semantics = [#tpu.dimension_semantics<arbitrary>], iteration_bounds = array<i64: 20>, scalar_prefetch = 0 : i64, scratch_operands = 2 : i64, tpu.core_type = #tpu.core_type<tc>, window_params = [{transform_indices = @transform_0, window_bounds = array<i64: 2, 1000, 128>}, {transform_indices = @transform_1, window_bounds = array<i64: 2, 1000, 128>}, {transform_indices = @transform_2, window_bounds = array<i64: 2, 1000, 128>}, {transform_indices = @transform_3, window_bounds = array<i64: 1000, 16>}, {transform_indices = @transform_4, window_bounds = array<i64: 1000, 16>}, {pipeline_mode = #tpu.pipeline_mode<synchronous>, transform_indices = @transform_5, window_bounds = array<i64: 128, 256>}, {pipeline_mode = #tpu.pipeline_mode<synchronous>, transform_indices = @transform_6, window_bounds = array<i64: 128, 256>}, {pipeline_mode = #tpu.pipeline_mode<synchronous>, transform_indices = @transform_7, window_bounds = array<i64: 128, 256>}, {pipeline_mode = #tpu.pipeline_mode<synchronous>, transform_indices = @transform_8, window_bounds = array<i64: 128, 256>}, {pipeline_mode = #tpu.pipeline_mode<synchronous>, transform_indices = @transform_9, window_bounds = array<i64: 1, 256>}, {pipeline_mode = #tpu.pipeline_mode<synchronous>, transform_indices = @transform_10, window_bounds = array<i64: 128, 256>}, {pipeline_mode = #tpu.pipeline_mode<synchronous>, transform_indices = @transform_11, window_bounds = array<i64: 128, 256>}, {pipeline_mode = #tpu.pipeline_mode<synchronous>, transform_indices = @transform_12, window_bounds = array<i64: 128, 256>}, {pipeline_mode = #tpu.pipeline_mode<synchronous>, transform_indices = @transform_13, window_bounds = array<i64: 128, 256>}, {pipeline_mode = #tpu.pipeline_mode<synchronous>, transform_indices = @transform_14, window_bounds = array<i64: 1, 256>}, {pipeline_mode = #tpu.pipeline_mode<synchronous>, transform_indices = @transform_15, window_bounds = array<i64: 1, 256>}, {pipeline_mode = #tpu.pipeline_mode<synchronous>, transform_indices = @transform_16, window_bounds = array<i64: 1, 256>}, {pipeline_mode = #tpu.pipeline_mode<synchronous>, transform_indices = @transform_17, window_bounds = array<i64: 1, 256>}, {transform_indices = @transform_18, window_bounds = array<i64: 2, 1000, 128>}]} {
    %lt3A = arith.constant 10 : i32
    %lt3A_0 = arith.cmpi slt, %arg0, %lt3A : i32
    %convert_element_type3A = arith.extui %lt3A_0 : i1 to i32
    %cond3A = arith.constant 0 : i32
    %cond3A_1 = arith.cmpi ne, %convert_element_type3A, %cond3A : i32
    scf.if %cond3A_1 {
      %get3A = arith.constant 0 : index
      %get3A_6 = arith.constant 0 : index
      %get3A_7 = arith.constant 0 : index
      %get3A_8 = vector.load %arg1[%get3A, %get3A_6, %get3A_7] : memref<2x1000x128xf32, #tpu.memory_space<vmem>>, vector<1x1000x128xf32>
      %get3A_9 = vector.shape_cast %get3A_8 : vector<1x1000x128xf32> to vector<1000x128xf32>
      %get3A_10 = arith.constant 1 : index
      %get3A_11 = arith.constant 0 : index
      %get3A_12 = arith.constant 0 : index
      %get3A_13 = vector.load %arg1[%get3A_10, %get3A_11, %get3A_12] : memref<2x1000x128xf32, #tpu.memory_space<vmem>>, vector<1x1000x128xf32>
      %get3A_14 = vector.shape_cast %get3A_13 : vector<1x1000x128xf32> to vector<1000x128xf32>
      %get3A_15 = arith.constant 0 : index
      %get3A_16 = arith.constant 0 : index
      %get3A_17 = vector.load %arg4[%get3A_15, %get3A_16] : memref<1000x16xf32, #tpu.memory_space<vmem>>, vector<1000x16xf32>
      %slice3A = vector.extract_strided_slice %get3A_17 {offsets = [0, 0], sizes = [1000, 1], strides = [1, 1]} : vector<1000x16xf32> to vector<1000x1xf32>
      %max3A = arith.constant 1.000000e+00 : f32
      %max3A_18 = vector.broadcast %max3A : f32 to vector<1000x1xf32>
      %max3A_19 = arith.maximumf %slice3A, %max3A_18 : vector<1000x1xf32>
      %get3A_20 = arith.constant 0 : index
      %get3A_21 = arith.constant 0 : index
      %get3A_22 = vector.load %arg5[%get3A_20, %get3A_21] : memref<1000x16xf32, #tpu.memory_space<vmem>>, vector<1000x16xf32>
      %slice3A_23 = vector.extract_strided_slice %get3A_22 {offsets = [0, 0], sizes = [1000, 1], strides = [1, 1]} : vector<1000x16xf32> to vector<1000x1xf32>
      %max3A_24 = arith.constant 1.000000e+00 : f32
      %max3A_25 = vector.broadcast %max3A_24 : f32 to vector<1000x1xf32>
      %max3A_26 = arith.maximumf %slice3A_23, %max3A_25 : vector<1000x1xf32>
      %get3A_27 = arith.constant 0 : index
      %get3A_28 = arith.constant 0 : index
      %get3A_29 = arith.constant 0 : index
      %get3A_30 = vector.load %arg2[%get3A_27, %get3A_28, %get3A_29] : memref<2x1000x128xf32, #tpu.memory_space<vmem>>, vector<1x1000x128xf32>
      %get3A_31 = vector.shape_cast %get3A_30 : vector<1x1000x128xf32> to vector<1000x128xf32>
      %div3A = vector.broadcast %max3A_19 : vector<1000x1xf32> to vector<1000x128xf32>
      %div3A_32 = arith.divf %get3A_31, %div3A : vector<1000x128xf32>
      %get3A_33 = arith.constant 1 : index
      %get3A_34 = arith.constant 0 : index
      %get3A_35 = arith.constant 0 : index
      %get3A_36 = vector.load %arg2[%get3A_33, %get3A_34, %get3A_35] : memref<2x1000x128xf32, #tpu.memory_space<vmem>>, vector<1x1000x128xf32>
      %get3A_37 = vector.shape_cast %get3A_36 : vector<1x1000x128xf32> to vector<1000x128xf32>
      %div3A_38 = vector.broadcast %max3A_19 : vector<1000x1xf32> to vector<1000x128xf32>
      %div3A_39 = arith.divf %get3A_37, %div3A_38 : vector<1000x128xf32>
      %get3A_40 = arith.constant 0 : index
      %get3A_41 = arith.constant 0 : index
      %get3A_42 = arith.constant 0 : index
      %get3A_43 = vector.load %arg3[%get3A_40, %get3A_41, %get3A_42] : memref<2x1000x128xf32, #tpu.memory_space<vmem>>, vector<1x1000x128xf32>
      %get3A_44 = vector.shape_cast %get3A_43 : vector<1x1000x128xf32> to vector<1000x128xf32>
      %div3A_45 = vector.broadcast %max3A_26 : vector<1000x1xf32> to vector<1000x128xf32>
      %div3A_46 = arith.divf %get3A_44, %div3A_45 : vector<1000x128xf32>
      %get3A_47 = arith.constant 1 : index
      %get3A_48 = arith.constant 0 : index
      %get3A_49 = arith.constant 0 : index
      %get3A_50 = vector.load %arg3[%get3A_47, %get3A_48, %get3A_49] : memref<2x1000x128xf32, #tpu.memory_space<vmem>>, vector<1x1000x128xf32>
      %get3A_51 = vector.shape_cast %get3A_50 : vector<1x1000x128xf32> to vector<1000x128xf32>
      %div3A_52 = vector.broadcast %max3A_26 : vector<1000x1xf32> to vector<1000x128xf32>
      %div3A_53 = arith.divf %get3A_51, %div3A_52 : vector<1000x128xf32>
      %get3A_54 = arith.constant 0 : index
      %get3A_55 = arith.constant 0 : index
      %get3A_56 = vector.load %arg6[%get3A_54, %get3A_55] : memref<128x256xf32, #tpu.memory_space<vmem>>, vector<128x256xf32>
      %dot_general3A = arith.constant dense<0.000000e+00> : vector<1000x256xf32>
      %dot_general3A_57 = tpu.matmul %get3A_9, %get3A_56, %dot_general3A {dimension_numbers = #tpu.dot_dimension_numbers<[1], [0], [0], [1], [0, 0, 1, 1], [], []>, transpose_lhs_hint = false} : vector<1000x128xf32>, vector<128x256xf32>, vector<1000x256xf32> -> vector<1000x256xf32>
      %get3A_58 = arith.constant 0 : index
      %get3A_59 = arith.constant 0 : index
      %get3A_60 = vector.load %arg7[%get3A_58, %get3A_59] : memref<128x256xf32, #tpu.memory_space<vmem>>, vector<128x256xf32>
      %dot_general3A_61 = arith.constant dense<0.000000e+00> : vector<1000x256xf32>
      %dot_general3A_62 = tpu.matmul %get3A_14, %get3A_60, %dot_general3A_61 {dimension_numbers = #tpu.dot_dimension_numbers<[1], [0], [0], [1], [0, 0, 1, 1], [], []>, transpose_lhs_hint = false} : vector<1000x128xf32>, vector<128x256xf32>, vector<1000x256xf32> -> vector<1000x256xf32>
      %add3A = arith.addf %dot_general3A_57, %dot_general3A_62 : vector<1000x256xf32>
      %get3A_63 = arith.constant 0 : index
      %get3A_64 = arith.constant 0 : index
      %get3A_65 = vector.load %arg8[%get3A_63, %get3A_64] : memref<128x256xf32, #tpu.memory_space<vmem>>, vector<128x256xf32>
      %dot_general3A_66 = arith.constant dense<0.000000e+00> : vector<1000x256xf32>
      %dot_general3A_67 = tpu.matmul %div3A_32, %get3A_65, %dot_general3A_66 {dimension_numbers = #tpu.dot_dimension_numbers<[1], [0], [0], [1], [0, 0, 1, 1], [], []>, transpose_lhs_hint = false} : vector<1000x128xf32>, vector<128x256xf32>, vector<1000x256xf32> -> vector<1000x256xf32>
      %add3A_68 = arith.addf %add3A, %dot_general3A_67 : vector<1000x256xf32>
      %get3A_69 = arith.constant 0 : index
      %get3A_70 = arith.constant 0 : index
      %get3A_71 = vector.load %arg9[%get3A_69, %get3A_70] : memref<128x256xf32, #tpu.memory_space<vmem>>, vector<128x256xf32>
      %dot_general3A_72 = arith.constant dense<0.000000e+00> : vector<1000x256xf32>
      %dot_general3A_73 = tpu.matmul %div3A_39, %get3A_71, %dot_general3A_72 {dimension_numbers = #tpu.dot_dimension_numbers<[1], [0], [0], [1], [0, 0, 1, 1], [], []>, transpose_lhs_hint = false} : vector<1000x128xf32>, vector<128x256xf32>, vector<1000x256xf32> -> vector<1000x256xf32>
      %add3A_74 = arith.addf %add3A_68, %dot_general3A_73 : vector<1000x256xf32>
      %get3A_75 = arith.constant 0 : index
      %get3A_76 = arith.constant 0 : index
      %get3A_77 = vector.load %arg10[%get3A_75, %get3A_76] : memref<1x256xf32, #tpu.memory_space<vmem>>, vector<1x256xf32>
      %add3A_78 = vector.broadcast %get3A_77 : vector<1x256xf32> to vector<1000x256xf32>
      %add3A_79 = arith.addf %add3A_74, %add3A_78 : vector<1000x256xf32>
      %get3A_80 = arith.constant 0 : index
      %get3A_81 = arith.constant 0 : index
      %get3A_82 = vector.load %arg11[%get3A_80, %get3A_81] : memref<128x256xf32, #tpu.memory_space<vmem>>, vector<128x256xf32>
      %dot_general3A_83 = arith.constant dense<0.000000e+00> : vector<1000x256xf32>
      %dot_general3A_84 = tpu.matmul %get3A_9, %get3A_82, %dot_general3A_83 {dimension_numbers = #tpu.dot_dimension_numbers<[1], [0], [0], [1], [0, 0, 1, 1], [], []>, transpose_lhs_hint = false} : vector<1000x128xf32>, vector<128x256xf32>, vector<1000x256xf32> -> vector<1000x256xf32>
      %add3A_85 = arith.addf %add3A_79, %dot_general3A_84 : vector<1000x256xf32>
      %get3A_86 = arith.constant 0 : index
      %get3A_87 = arith.constant 0 : index
      %get3A_88 = vector.load %arg12[%get3A_86, %get3A_87] : memref<128x256xf32, #tpu.memory_space<vmem>>, vector<128x256xf32>
      %dot_general3A_89 = arith.constant dense<0.000000e+00> : vector<1000x256xf32>
      %dot_general3A_90 = tpu.matmul %get3A_14, %get3A_88, %dot_general3A_89 {dimension_numbers = #tpu.dot_dimension_numbers<[1], [0], [0], [1], [0, 0, 1, 1], [], []>, transpose_lhs_hint = false} : vector<1000x128xf32>, vector<128x256xf32>, vector<1000x256xf32> -> vector<1000x256xf32>
      %add3A_91 = arith.addf %add3A_85, %dot_general3A_90 : vector<1000x256xf32>
      %get3A_92 = arith.constant 0 : index
      %get3A_93 = arith.constant 0 : index
      %get3A_94 = vector.load %arg13[%get3A_92, %get3A_93] : memref<128x256xf32, #tpu.memory_space<vmem>>, vector<128x256xf32>
      %dot_general3A_95 = arith.constant dense<0.000000e+00> : vector<1000x256xf32>
      %dot_general3A_96 = tpu.matmul %div3A_46, %get3A_94, %dot_general3A_95 {dimension_numbers = #tpu.dot_dimension_numbers<[1], [0], [0], [1], [0, 0, 1, 1], [], []>, transpose_lhs_hint = false} : vector<1000x128xf32>, vector<128x256xf32>, vector<1000x256xf32> -> vector<1000x256xf32>
      %add3A_97 = arith.addf %add3A_91, %dot_general3A_96 : vector<1000x256xf32>
      %get3A_98 = arith.constant 0 : index
      %get3A_99 = arith.constant 0 : index
      %get3A_100 = vector.load %arg14[%get3A_98, %get3A_99] : memref<128x256xf32, #tpu.memory_space<vmem>>, vector<128x256xf32>
      %dot_general3A_101 = arith.constant dense<0.000000e+00> : vector<1000x256xf32>
      %dot_general3A_102 = tpu.matmul %div3A_53, %get3A_100, %dot_general3A_101 {dimension_numbers = #tpu.dot_dimension_numbers<[1], [0], [0], [1], [0, 0, 1, 1], [], []>, transpose_lhs_hint = false} : vector<1000x128xf32>, vector<128x256xf32>, vector<1000x256xf32> -> vector<1000x256xf32>
      %add3A_103 = arith.addf %add3A_97, %dot_general3A_102 : vector<1000x256xf32>
      %get3A_104 = arith.constant 0 : index
      %get3A_105 = arith.constant 0 : index
      %get3A_106 = vector.load %arg15[%get3A_104, %get3A_105] : memref<1x256xf32, #tpu.memory_space<vmem>>, vector<1x256xf32>
      %add3A_107 = vector.broadcast %get3A_106 : vector<1x256xf32> to vector<1000x256xf32>
      %add3A_108 = arith.addf %add3A_103, %add3A_107 : vector<1000x256xf32>
      %mul3A = arith.constant 1000 : i32
      %mul3A_109 = arith.muli %arg0, %mul3A : i32
      %swap3A = arith.index_cast %mul3A_109 : i32 to index
      %swap3A_110 = arith.constant 0 : index
      %swap3A_111 = vector.load %arg20[%swap3A, %swap3A_110] : memref<10000x256xf32, #tpu.memory_space<vmem>>, vector<1000x256xf32>
      tpu.vector_store %arg20[%swap3A, %swap3A_110], %add3A_108 {strides = array<i32>} : memref<10000x256xf32, #tpu.memory_space<vmem>>, vector<1000x256xf32>,
      %eq3A = arith.constant 0 : i32
      %eq3A_112 = arith.cmpi eq, %arg0, %eq3A : i32
      %convert_element_type3A_113 = arith.extui %eq3A_112 : i1 to i32
      %cond3A_114 = arith.constant 0 : i32
      %cond3A_115 = arith.cmpi ne, %convert_element_type3A_113, %cond3A_114 : i32
      scf.if %cond3A_115 {
        %broadcast_in_dim3A_135 = arith.constant 0.000000e+00 : f32
        %broadcast_in_dim3A_136 = vector.broadcast %broadcast_in_dim3A_135 : f32 to vector<8x256xf32>
        %swap3A_137 = arith.constant 0 : index
        %swap3A_138 = arith.constant 0 : index
        %swap3A_139 = vector.load %arg21[%swap3A_137, %swap3A_138] : memref<8x256xf32, #tpu.memory_space<vmem>>, vector<8x256xf32>
        tpu.vector_store %arg21[%swap3A_137, %swap3A_138], %broadcast_in_dim3A_136 {strides = array<i32>} : memref<8x256xf32, #tpu.memory_space<vmem>>, vector<8x256xf32>,
      } else {
      }
      %get3A_116 = arith.constant 0 : index
      %get3A_117 = arith.constant 0 : index
      %get3A_118 = vector.load %arg21[%get3A_116, %get3A_117] : memref<8x256xf32, #tpu.memory_space<vmem>>, vector<1x256xf32>
      %reduce_sum3A = arith.constant dense<0.000000e+00> : vector<256xf32>
      %reduce_sum3A_119 = vector.multi_reduction <add>, %add3A_108, %reduce_sum3A [0] : vector<1000x256xf32> to vector<256xf32>
      %broadcast_in_dim3A = vector.shape_cast %reduce_sum3A_119 : vector<256xf32> to vector<1x256xf32>
      %add3A_120 = arith.addf %get3A_118, %broadcast_in_dim3A : vector<1x256xf32>
      %swap3A_121 = arith.constant 0 : index
      %swap3A_122 = arith.constant 0 : index
      %swap3A_123 = vector.load %arg21[%swap3A_121, %swap3A_122] : memref<8x256xf32, #tpu.memory_space<vmem>>, vector<1x256xf32>
      tpu.vector_store %arg21[%swap3A_121, %swap3A_122], %add3A_120 {strides = array<i32>} : memref<8x256xf32, #tpu.memory_space<vmem>>, vector<1x256xf32>,
      %get3A_124 = arith.constant 1 : index
      %get3A_125 = arith.constant 0 : index
      %get3A_126 = vector.load %arg21[%get3A_124, %get3A_125] : memref<8x256xf32, #tpu.memory_space<vmem>>, vector<1x256xf32>
      %mul3A_127 = arith.mulf %add3A_108, %add3A_108 : vector<1000x256xf32>
      %reduce_sum3A_128 = arith.constant dense<0.000000e+00> : vector<256xf32>
      %reduce_sum3A_129 = vector.multi_reduction <add>, %mul3A_127, %reduce_sum3A_128 [0] : vector<1000x256xf32> to vector<256xf32>
      %broadcast_in_dim3A_130 = vector.shape_cast %reduce_sum3A_129 : vector<256xf32> to vector<1x256xf32>
      %add3A_131 = arith.addf %get3A_126, %broadcast_in_dim3A_130 : vector<1x256xf32>
      %swap3A_132 = arith.constant 1 : index
      %swap3A_133 = arith.constant 0 : index
      %swap3A_134 = vector.load %arg21[%swap3A_132, %swap3A_133] : memref<8x256xf32, #tpu.memory_space<vmem>>, vector<1x256xf32>
      tpu.vector_store %arg21[%swap3A_132, %swap3A_133], %add3A_131 {strides = array<i32>} : memref<8x256xf32, #tpu.memory_space<vmem>>, vector<1x256xf32>,
    } else {
    }
    %ge3A = arith.constant 10 : i32
    %ge3A_2 = arith.cmpi sge, %arg0, %ge3A : i32
    %convert_element_type3A_3 = arith.extui %ge3A_2 : i1 to i32
    %cond3A_4 = arith.constant 0 : i32
    %cond3A_5 = arith.cmpi ne, %convert_element_type3A_3, %cond3A_4 : i32
    scf.if %cond3A_5 {
      %sub3A = arith.constant 10 : i32
      %sub3A_6 = arith.subi %arg0, %sub3A : i32
      %get3A = arith.constant 0 : index
      %get3A_7 = arith.constant 0 : index
      %get3A_8 = vector.load %arg18[%get3A, %get3A_7] : memref<1x256xf32, #tpu.memory_space<vmem>>, vector<1x256xf32>
      %get3A_9 = arith.constant 0 : index
      %get3A_10 = arith.constant 0 : index
      %get3A_11 = vector.load %arg21[%get3A_9, %get3A_10] : memref<8x256xf32, #tpu.memory_space<vmem>>, vector<1x256xf32>
      %mul3A = arith.constant 9.99999974E-5 : f32
      %mul3A_12 = vector.broadcast %mul3A : f32 to vector<1x256xf32>
      %mul3A_13 = arith.mulf %get3A_11, %mul3A_12 : vector<1x256xf32>
      %get3A_14 = arith.constant 1 : index
      %get3A_15 = arith.constant 0 : index
      %get3A_16 = vector.load %arg21[%get3A_14, %get3A_15] : memref<8x256xf32, #tpu.memory_space<vmem>>, vector<1x256xf32>
      %mul3A_17 = arith.constant 9.99999974E-5 : f32
      %mul3A_18 = vector.broadcast %mul3A_17 : f32 to vector<1x256xf32>
      %mul3A_19 = arith.mulf %get3A_16, %mul3A_18 : vector<1x256xf32>
      %mul3A_20 = arith.constant 2.000000e+00 : f32
      %mul3A_21 = vector.broadcast %mul3A_20 : f32 to vector<1x256xf32>
      %mul3A_22 = arith.mulf %mul3A_21, %get3A_8 : vector<1x256xf32>
      %mul3A_23 = arith.mulf %get3A_8, %get3A_8 : vector<1x256xf32>
      %sub3A_24 = arith.subf %mul3A_22, %mul3A_23 : vector<1x256xf32>
      %mul3A_25 = arith.mulf %sub3A_24, %mul3A_13 : vector<1x256xf32>
      %mul3A_26 = arith.mulf %mul3A_25, %mul3A_13 : vector<1x256xf32>
      %sub3A_27 = arith.subf %mul3A_19, %mul3A_26 : vector<1x256xf32>
      %mul3A_28 = arith.constant 1000 : i32
      %mul3A_29 = arith.muli %sub3A_6, %mul3A_28 : i32
      %get3A_30 = arith.index_cast %mul3A_29 : i32 to index
      %get3A_31 = arith.constant 0 : index
      %get3A_32 = vector.load %arg20[%get3A_30, %get3A_31] : memref<10000x256xf32, #tpu.memory_space<vmem>>, vector<1000x256xf32>
      %mul3A_33 = arith.mulf %get3A_8, %mul3A_13 : vector<1x256xf32>
      %sub3A_34 = vector.broadcast %mul3A_33 : vector<1x256xf32> to vector<1000x256xf32>
      %sub3A_35 = arith.subf %get3A_32, %sub3A_34 : vector<1000x256xf32>
      %get3A_36 = arith.constant 0 : index
      %get3A_37 = arith.constant 0 : index
      %get3A_38 = vector.load %arg16[%get3A_36, %get3A_37] : memref<1x256xf32, #tpu.memory_space<vmem>>, vector<1x256xf32>
      %mul3A_39 = vector.broadcast %get3A_38 : vector<1x256xf32> to vector<1000x256xf32>
      %mul3A_40 = arith.mulf %mul3A_39, %sub3A_35 : vector<1000x256xf32>
      %add3A = arith.constant 9.99999974E-6 : f32
      %add3A_41 = vector.broadcast %add3A : f32 to vector<1x256xf32>
      %add3A_42 = arith.addf %sub3A_27, %add3A_41 : vector<1x256xf32>
      %sqrt3A = math.sqrt %add3A_42 : vector<1x256xf32>
      %div3A = vector.broadcast %sqrt3A : vector<1x256xf32> to vector<1000x256xf32>
      %div3A_43 = arith.divf %mul3A_40, %div3A : vector<1000x256xf32>
      %get3A_44 = arith.constant 0 : index
      %get3A_45 = arith.constant 0 : index
      %get3A_46 = vector.load %arg17[%get3A_44, %get3A_45] : memref<1x256xf32, #tpu.memory_space<vmem>>, vector<1x256xf32>
      %add3A_47 = vector.broadcast %get3A_46 : vector<1x256xf32> to vector<1000x256xf32>
      %add3A_48 = arith.addf %div3A_43, %add3A_47 : vector<1000x256xf32>
      %integer_pow3A = arith.mulf %add3A_48, %add3A_48 : vector<1000x256xf32>
      %integer_pow3A_49 = arith.mulf %add3A_48, %integer_pow3A : vector<1000x256xf32>
      %mul3A_50 = arith.constant 4.471500e-02 : f32
      %mul3A_51 = vector.broadcast %mul3A_50 : f32 to vector<1000x256xf32>
      %mul3A_52 = arith.mulf %mul3A_51, %integer_pow3A_49 : vector<1000x256xf32>
      %add3A_53 = arith.addf %add3A_48, %mul3A_52 : vector<1000x256xf32>
      %mul3A_54 = arith.constant 0.797884583 : f32
      %mul3A_55 = vector.broadcast %mul3A_54 : f32 to vector<1000x256xf32>
      %mul3A_56 = arith.mulf %mul3A_55, %add3A_53 : vector<1000x256xf32>
      %tanh3A = math.tanh %mul3A_56 : vector<1000x256xf32>
      %add3A_57 = arith.constant 1.000000e+00 : f32
      %add3A_58 = vector.broadcast %add3A_57 : f32 to vector<1000x256xf32>
      %add3A_59 = arith.addf %add3A_58, %tanh3A : vector<1000x256xf32>
      %mul3A_60 = arith.constant 5.000000e-01 : f32
      %mul3A_61 = vector.broadcast %mul3A_60 : f32 to vector<1000x256xf32>
      %mul3A_62 = arith.mulf %mul3A_61, %add3A_59 : vector<1000x256xf32>
      %mul3A_63 = arith.mulf %add3A_48, %mul3A_62 : vector<1000x256xf32>
      %slice3A = vector.extract_strided_slice %mul3A_63 {offsets = [0, 0], sizes = [1000, 128], strides = [1, 1]} : vector<1000x256xf32> to vector<1000x128xf32>
      %swap3A = arith.constant 0 : index
      %swap3A_64 = arith.constant 0 : index
      %swap3A_65 = arith.constant 0 : index
      %swap3A_66 = vector.load %arg19[%swap3A, %swap3A_64, %swap3A_65] : memref<2x1000x128xf32, #tpu.memory_space<vmem>>, vector<1x1000x128xf32>
      %swap3A_67 = vector.shape_cast %swap3A_66 : vector<1x1000x128xf32> to vector<1000x128xf32>
      %swap3A_68 = vector.shape_cast %slice3A : vector<1000x128xf32> to vector<1x1000x128xf32>
      tpu.vector_store %arg19[%swap3A, %swap3A_64, %swap3A_65], %swap3A_68 {strides = array<i32>} : memref<2x1000x128xf32, #tpu.memory_space<vmem>>, vector<1x1000x128xf32>,
      %slice3A_69 = vector.extract_strided_slice %mul3A_63 {offsets = [0, 128], sizes = [1000, 128], strides = [1, 1]} : vector<1000x256xf32> to vector<1000x128xf32>
      %swap3A_70 = arith.constant 1 : index
      %swap3A_71 = arith.constant 0 : index
      %swap3A_72 = arith.constant 0 : index
      %swap3A_73 = vector.load %arg19[%swap3A_70, %swap3A_71, %swap3A_72] : memref<2x1000x128xf32, #tpu.memory_space<vmem>>, vector<1x1000x128xf32>
      %swap3A_74 = vector.shape_cast %swap3A_73 : vector<1x1000x128xf32> to vector<1000x128xf32>
      %swap3A_75 = vector.shape_cast %slice3A_69 : vector<1000x128xf32> to vector<1x1000x128xf32>
      tpu.vector_store %arg19[%swap3A_70, %swap3A_71, %swap3A_72], %swap3A_75 {strides = array<i32>} : memref<2x1000x128xf32, #tpu.memory_space<vmem>>, vector<1x1000x128xf32>,
    } else {
    }
    return
  }
  func.func @transform_0(%arg0: i32) -> (i32, i32, i32) {
    %lt3A = arith.constant 10 : i32
    %lt3A_0 = arith.cmpi slt, %arg0, %lt3A : i32
    %sub3A = arith.constant 10 : i32
    %sub3A_1 = arith.subi %arg0, %sub3A : i32
    %select_n3A = arith.select %lt3A_0, %arg0, %sub3A_1 : i32
    %c0_i32 = arith.constant 0 : i32
    %c0_i32_2 = arith.constant 0 : i32
    %c0_i32_3 = arith.constant 0 : i32
    return %c0_i32, %select_n3A, %c0_i32_2 : i32, i32, i32
  }
  func.func @transform_1(%arg0: i32) -> (i32, i32, i32) {
    %lt3A = arith.constant 10 : i32
    %lt3A_0 = arith.cmpi slt, %arg0, %lt3A : i32
    %sub3A = arith.constant 10 : i32
    %sub3A_1 = arith.subi %arg0, %sub3A : i32
    %select_n3A = arith.select %lt3A_0, %arg0, %sub3A_1 : i32
    %c0_i32 = arith.constant 0 : i32
    %c0_i32_2 = arith.constant 0 : i32
    %c0_i32_3 = arith.constant 0 : i32
    return %c0_i32, %select_n3A, %c0_i32_2 : i32, i32, i32
  }
  func.func @transform_2(%arg0: i32) -> (i32, i32, i32) {
    %lt3A = arith.constant 10 : i32
    %lt3A_0 = arith.cmpi slt, %arg0, %lt3A : i32
    %sub3A = arith.constant 10 : i32
    %sub3A_1 = arith.subi %arg0, %sub3A : i32
    %select_n3A = arith.select %lt3A_0, %arg0, %sub3A_1 : i32
    %c0_i32 = arith.constant 0 : i32
    %c0_i32_2 = arith.constant 0 : i32
    %c0_i32_3 = arith.constant 0 : i32
    return %c0_i32, %select_n3A, %c0_i32_2 : i32, i32, i32
  }
  func.func @transform_3(%arg0: i32) -> (i32, i32) {
    %lt3A = arith.constant 10 : i32
    %lt3A_0 = arith.cmpi slt, %arg0, %lt3A : i32
    %sub3A = arith.constant 10 : i32
    %sub3A_1 = arith.subi %arg0, %sub3A : i32
    %select_n3A = arith.select %lt3A_0, %arg0, %sub3A_1 : i32
    %c0_i32 = arith.constant 0 : i32
    %c0_i32_2 = arith.constant 0 : i32
    return %select_n3A, %c0_i32 : i32, i32
  }
  func.func @transform_4(%arg0: i32) -> (i32, i32) {
    %lt3A = arith.constant 10 : i32
    %lt3A_0 = arith.cmpi slt, %arg0, %lt3A : i32
    %sub3A = arith.constant 10 : i32
    %sub3A_1 = arith.subi %arg0, %sub3A : i32
    %select_n3A = arith.select %lt3A_0, %arg0, %sub3A_1 : i32
    %c0_i32 = arith.constant 0 : i32
    %c0_i32_2 = arith.constant 0 : i32
    return %select_n3A, %c0_i32 : i32, i32
  }
  func.func @transform_5(%arg0: i32) -> (i32, i32) {
    %c0_i32 = arith.constant 0 : i32
    %c0_i32_0 = arith.constant 0 : i32
    %c0_i32_1 = arith.constant 0 : i32
    return %c0_i32, %c0_i32_0 : i32, i32
  }
  func.func @transform_6(%arg0: i32) -> (i32, i32) {
    %c0_i32 = arith.constant 0 : i32
    %c0_i32_0 = arith.constant 0 : i32
    %c0_i32_1 = arith.constant 0 : i32
    return %c0_i32, %c0_i32_0 : i32, i32
  }
  func.func @transform_7(%arg0: i32) -> (i32, i32) {
    %c0_i32 = arith.constant 0 : i32
    %c0_i32_0 = arith.constant 0 : i32
    %c0_i32_1 = arith.constant 0 : i32
    return %c0_i32, %c0_i32_0 : i32, i32
  }
  func.func @transform_8(%arg0: i32) -> (i32, i32) {
    %c0_i32 = arith.constant 0 : i32
    %c0_i32_0 = arith.constant 0 : i32
    %c0_i32_1 = arith.constant 0 : i32
    return %c0_i32, %c0_i32_0 : i32, i32
  }
  func.func @transform_9(%arg0: i32) -> (i32, i32) {
    %c0_i32 = arith.constant 0 : i32
    %c0_i32_0 = arith.constant 0 : i32
    %c0_i32_1 = arith.constant 0 : i32
    return %c0_i32, %c0_i32_0 : i32, i32
  }
  func.func @transform_10(%arg0: i32) -> (i32, i32) {
    %c0_i32 = arith.constant 0 : i32
    %c0_i32_0 = arith.constant 0 : i32
    %c0_i32_1 = arith.constant 0 : i32
    return %c0_i32, %c0_i32_0 : i32, i32
  }
  func.func @transform_11(%arg0: i32) -> (i32, i32) {
    %c0_i32 = arith.constant 0 : i32
    %c0_i32_0 = arith.constant 0 : i32
    %c0_i32_1 = arith.constant 0 : i32
    return %c0_i32, %c0_i32_0 : i32, i32
  }
  func.func @transform_12(%arg0: i32) -> (i32, i32) {
    %c0_i32 = arith.constant 0 : i32
    %c0_i32_0 = arith.constant 0 : i32
    %c0_i32_1 = arith.constant 0 : i32
    return %c0_i32, %c0_i32_0 : i32, i32
  }
  func.func @transform_13(%arg0: i32) -> (i32, i32) {
    %c0_i32 = arith.constant 0 : i32
    %c0_i32_0 = arith.constant 0 : i32
    %c0_i32_1 = arith.constant 0 : i32
    return %c0_i32, %c0_i32_0 : i32, i32
  }
  func.func @transform_14(%arg0: i32) -> (i32, i32) {
    %c0_i32 = arith.constant 0 : i32
    %c0_i32_0 = arith.constant 0 : i32
    %c0_i32_1 = arith.constant 0 : i32
    return %c0_i32, %c0_i32_0 : i32, i32
  }
  func.func @transform_15(%arg0: i32) -> (i32, i32) {
    %c0_i32 = arith.constant 0 : i32
    %c0_i32_0 = arith.constant 0 : i32
    %c0_i32_1 = arith.constant 0 : i32
    return %c0_i32, %c0_i32_0 : i32, i32
  }
  func.func @transform_16(%arg0: i32) -> (i32, i32) {
    %c0_i32 = arith.constant 0 : i32
    %c0_i32_0 = arith.constant 0 : i32
    %c0_i32_1 = arith.constant 0 : i32
    return %c0_i32, %c0_i32_0 : i32, i32
  }
  func.func @transform_17(%arg0: i32) -> (i32, i32) {
    %c0_i32 = arith.constant 0 : i32
    %c0_i32_0 = arith.constant 0 : i32
    %c0_i32_1 = arith.constant 0 : i32
    return %c0_i32, %c0_i32_0 : i32, i32
  }
  func.func @transform_18(%arg0: i32) -> (i32, i32, i32) {
    %sub3A = arith.constant 10 : i32
    %sub3A_0 = arith.subi %arg0, %sub3A : i32
    %max3A = arith.constant 0 : i32
    %max3A_1 = arith.maxsi %sub3A_0, %max3A : i32
    %c0_i32 = arith.constant 0 : i32
    %c0_i32_2 = arith.constant 0 : i32
    %c0_i32_3 = arith.constant 0 : i32
    return %c0_i32, %max3A_1, %c0_i32_2 : i32, i32, i32
  }
}

module attributes {stable_mosaic.version = 14 : i64} {
  func.func @_ch_body(%arg0: i32, %arg1: memref<2x1000x128xf32, #tpu.memory_space<vmem>>, %arg2: memref<2x1000x128xf32, #tpu.memory_space<vmem>>, %arg3: memref<2x1000x128xf32, #tpu.memory_space<vmem>>, %arg4: memref<1000x16xf32, #tpu.memory_space<vmem>>, %arg5: memref<1000x16xf32, #tpu.memory_space<vmem>>, %arg6: memref<128x256xf32, #tpu.memory_space<vmem>>, %arg7: memref<128x256xf32, #tpu.memory_space<vmem>>, %arg8: memref<128x256xf32, #tpu.memory_space<vmem>>, %arg9: memref<128x256xf32, #tpu.memory_space<vmem>>, %arg10: memref<1x256xf32, #tpu.memory_space<vmem>>, %arg11: memref<128x256xf32, #tpu.memory_space<vmem>>, %arg12: memref<128x256xf32, #tpu.memory_space<vmem>>, %arg13: memref<128x256xf32, #tpu.memory_space<vmem>>, %arg14: memref<128x256xf32, #tpu.memory_space<vmem>>, %arg15: memref<1x256xf32, #tpu.memory_space<vmem>>, %arg16: memref<1x256xf32, #tpu.memory_space<vmem>>, %arg17: memref<1x256xf32, #tpu.memory_space<vmem>>, %arg18: memref<1x256xf32, #tpu.memory_space<vmem>>, %arg19: memref<128x100xf32, #tpu.memory_space<vmem>>, %arg20: memref<128x100xf32, #tpu.memory_space<vmem>>, %arg21: memref<256x100xf32, #tpu.memory_space<vmem>>, %arg22: memref<1x100xf32, #tpu.memory_space<vmem>>, %arg23: memref<100x100xf32, #tpu.memory_space<vmem>>, %arg24: memref<1x100xf32, #tpu.memory_space<vmem>>, %arg25: memref<1000x20xf32, #tpu.memory_space<vmem>>, %arg26: memref<100x100xf32, #tpu.memory_space<vmem>>, %arg27: memref<20x100xf32, #tpu.memory_space<vmem>>, %arg28: memref<1x100xf32, #tpu.memory_space<vmem>>, %arg29: memref<100x100xf32, #tpu.memory_space<vmem>>, %arg30: memref<1x100xf32, #tpu.memory_space<vmem>>, %arg31: memref<100x128xf32, #tpu.memory_space<vmem>>, %arg32: memref<1x128xf32, #tpu.memory_space<vmem>>, %arg33: memref<128x512xf32, #tpu.memory_space<vmem>>, %arg34: memref<1000x128xf32, #tpu.memory_space<vmem>>, %arg35: memref<10000x256xf32, #tpu.memory_space<vmem>>, %arg36: memref<8x256xf32, #tpu.memory_space<vmem>>) attributes {dimension_semantics = [#tpu.dimension_semantics<arbitrary>], iteration_bounds = array<i64: 20>, scalar_prefetch = 0 : i64, scratch_operands = 2 : i64, tpu.core_type = #tpu.core_type<tc>, window_params = [{transform_indices = @transform_0, window_bounds = array<i64: 2, 1000, 128>}, {transform_indices = @transform_1, window_bounds = array<i64: 2, 1000, 128>}, {transform_indices = @transform_2, window_bounds = array<i64: 2, 1000, 128>}, {transform_indices = @transform_3, window_bounds = array<i64: 1000, 16>}, {transform_indices = @transform_4, window_bounds = array<i64: 1000, 16>}, {pipeline_mode = #tpu.pipeline_mode<synchronous>, transform_indices = @transform_5, window_bounds = array<i64: 128, 256>}, {pipeline_mode = #tpu.pipeline_mode<synchronous>, transform_indices = @transform_6, window_bounds = array<i64: 128, 256>}, {pipeline_mode = #tpu.pipeline_mode<synchronous>, transform_indices = @transform_7, window_bounds = array<i64: 128, 256>}, {pipeline_mode = #tpu.pipeline_mode<synchronous>, transform_indices = @transform_8, window_bounds = array<i64: 128, 256>}, {pipeline_mode = #tpu.pipeline_mode<synchronous>, transform_indices = @transform_9, window_bounds = array<i64: 1, 256>}, {pipeline_mode = #tpu.pipeline_mode<synchronous>, transform_indices = @transform_10, window_bounds = array<i64: 128, 256>}, {pipeline_mode = #tpu.pipeline_mode<synchronous>, transform_indices = @transform_11, window_bounds = array<i64: 128, 256>}, {pipeline_mode = #tpu.pipeline_mode<synchronous>, transform_indices = @transform_12, window_bounds = array<i64: 128, 256>}, {pipeline_mode = #tpu.pipeline_mode<synchronous>, transform_indices = @transform_13, window_bounds = array<i64: 128, 256>}, {pipeline_mode = #tpu.pipeline_mode<synchronous>, transform_indices = @transform_14, window_bounds = array<i64: 1, 256>}, {pipeline_mode = #tpu.pipeline_mode<synchronous>, transform_indices = @transform_15, window_bounds = array<i64: 1, 256>}, {pipeline_mode = #tpu.pipeline_mode<synchronous>, transform_indices = @transform_16, window_bounds = array<i64: 1, 256>}, {pipeline_mode = #tpu.pipeline_mode<synchronous>, transform_indices = @transform_17, window_bounds = array<i64: 1, 256>}, {pipeline_mode = #tpu.pipeline_mode<synchronous>, transform_indices = @transform_18, window_bounds = array<i64: 128, 100>}, {pipeline_mode = #tpu.pipeline_mode<synchronous>, transform_indices = @transform_19, window_bounds = array<i64: 128, 100>}, {pipeline_mode = #tpu.pipeline_mode<synchronous>, transform_indices = @transform_20, window_bounds = array<i64: 256, 100>}, {pipeline_mode = #tpu.pipeline_mode<synchronous>, transform_indices = @transform_21, window_bounds = array<i64: 1, 100>}, {pipeline_mode = #tpu.pipeline_mode<synchronous>, transform_indices = @transform_22, window_bounds = array<i64: 100, 100>}, {pipeline_mode = #tpu.pipeline_mode<synchronous>, transform_indices = @transform_23, window_bounds = array<i64: 1, 100>}, {transform_indices = @transform_24, window_bounds = array<i64: 1000, 20>}, {pipeline_mode = #tpu.pipeline_mode<synchronous>, transform_indices = @transform_25, window_bounds = array<i64: 100, 100>}, {pipeline_mode = #tpu.pipeline_mode<synchronous>, transform_indices = @transform_26, window_bounds = array<i64: 20, 100>}, {pipeline_mode = #tpu.pipeline_mode<synchronous>, transform_indices = @transform_27, window_bounds = array<i64: 1, 100>}, {pipeline_mode = #tpu.pipeline_mode<synchronous>, transform_indices = @transform_28, window_bounds = array<i64: 100, 100>}, {pipeline_mode = #tpu.pipeline_mode<synchronous>, transform_indices = @transform_29, window_bounds = array<i64: 1, 100>}, {pipeline_mode = #tpu.pipeline_mode<synchronous>, transform_indices = @transform_30, window_bounds = array<i64: 100, 128>}, {pipeline_mode = #tpu.pipeline_mode<synchronous>, transform_indices = @transform_31, window_bounds = array<i64: 1, 128>}, {pipeline_mode = #tpu.pipeline_mode<synchronous>, transform_indices = @transform_32, window_bounds = array<i64: 128, 512>}, {transform_indices = @transform_33, window_bounds = array<i64: 1000, 128>}]} {
    %lt3A = arith.constant 10 : i32
    %lt3A_0 = arith.cmpi slt, %arg0, %lt3A : i32
    %convert_element_type3A = arith.extui %lt3A_0 : i1 to i32
    %cond3A = arith.constant 0 : i32
    %cond3A_1 = arith.cmpi ne, %convert_element_type3A, %cond3A : i32
    scf.if %cond3A_1 {
      %get3A = arith.constant 0 : index
      %get3A_6 = arith.constant 0 : index
      %get3A_7 = arith.constant 0 : index
      %get3A_8 = vector.load %arg1[%get3A, %get3A_6, %get3A_7] : memref<2x1000x128xf32, #tpu.memory_space<vmem>>, vector<1x1000x128xf32>
      %get3A_9 = vector.shape_cast %get3A_8 : vector<1x1000x128xf32> to vector<1000x128xf32>
      %get3A_10 = arith.constant 1 : index
      %get3A_11 = arith.constant 0 : index
      %get3A_12 = arith.constant 0 : index
      %get3A_13 = vector.load %arg1[%get3A_10, %get3A_11, %get3A_12] : memref<2x1000x128xf32, #tpu.memory_space<vmem>>, vector<1x1000x128xf32>
      %get3A_14 = vector.shape_cast %get3A_13 : vector<1x1000x128xf32> to vector<1000x128xf32>
      %get3A_15 = arith.constant 0 : index
      %get3A_16 = arith.constant 0 : index
      %get3A_17 = vector.load %arg4[%get3A_15, %get3A_16] : memref<1000x16xf32, #tpu.memory_space<vmem>>, vector<1000x16xf32>
      %slice3A = vector.extract_strided_slice %get3A_17 {offsets = [0, 0], sizes = [1000, 1], strides = [1, 1]} : vector<1000x16xf32> to vector<1000x1xf32>
      %max3A = arith.constant 1.000000e+00 : f32
      %max3A_18 = vector.broadcast %max3A : f32 to vector<1000x1xf32>
      %max3A_19 = arith.maximumf %slice3A, %max3A_18 : vector<1000x1xf32>
      %get3A_20 = arith.constant 0 : index
      %get3A_21 = arith.constant 0 : index
      %get3A_22 = vector.load %arg5[%get3A_20, %get3A_21] : memref<1000x16xf32, #tpu.memory_space<vmem>>, vector<1000x16xf32>
      %slice3A_23 = vector.extract_strided_slice %get3A_22 {offsets = [0, 0], sizes = [1000, 1], strides = [1, 1]} : vector<1000x16xf32> to vector<1000x1xf32>
      %max3A_24 = arith.constant 1.000000e+00 : f32
      %max3A_25 = vector.broadcast %max3A_24 : f32 to vector<1000x1xf32>
      %max3A_26 = arith.maximumf %slice3A_23, %max3A_25 : vector<1000x1xf32>
      %get3A_27 = arith.constant 0 : index
      %get3A_28 = arith.constant 0 : index
      %get3A_29 = arith.constant 0 : index
      %get3A_30 = vector.load %arg2[%get3A_27, %get3A_28, %get3A_29] : memref<2x1000x128xf32, #tpu.memory_space<vmem>>, vector<1x1000x128xf32>
      %get3A_31 = vector.shape_cast %get3A_30 : vector<1x1000x128xf32> to vector<1000x128xf32>
      %div3A = vector.broadcast %max3A_19 : vector<1000x1xf32> to vector<1000x128xf32>
      %div3A_32 = arith.divf %get3A_31, %div3A : vector<1000x128xf32>
      %get3A_33 = arith.constant 1 : index
      %get3A_34 = arith.constant 0 : index
      %get3A_35 = arith.constant 0 : index
      %get3A_36 = vector.load %arg2[%get3A_33, %get3A_34, %get3A_35] : memref<2x1000x128xf32, #tpu.memory_space<vmem>>, vector<1x1000x128xf32>
      %get3A_37 = vector.shape_cast %get3A_36 : vector<1x1000x128xf32> to vector<1000x128xf32>
      %div3A_38 = vector.broadcast %max3A_19 : vector<1000x1xf32> to vector<1000x128xf32>
      %div3A_39 = arith.divf %get3A_37, %div3A_38 : vector<1000x128xf32>
      %get3A_40 = arith.constant 0 : index
      %get3A_41 = arith.constant 0 : index
      %get3A_42 = arith.constant 0 : index
      %get3A_43 = vector.load %arg3[%get3A_40, %get3A_41, %get3A_42] : memref<2x1000x128xf32, #tpu.memory_space<vmem>>, vector<1x1000x128xf32>
      %get3A_44 = vector.shape_cast %get3A_43 : vector<1x1000x128xf32> to vector<1000x128xf32>
      %div3A_45 = vector.broadcast %max3A_26 : vector<1000x1xf32> to vector<1000x128xf32>
      %div3A_46 = arith.divf %get3A_44, %div3A_45 : vector<1000x128xf32>
      %get3A_47 = arith.constant 1 : index
      %get3A_48 = arith.constant 0 : index
      %get3A_49 = arith.constant 0 : index
      %get3A_50 = vector.load %arg3[%get3A_47, %get3A_48, %get3A_49] : memref<2x1000x128xf32, #tpu.memory_space<vmem>>, vector<1x1000x128xf32>
      %get3A_51 = vector.shape_cast %get3A_50 : vector<1x1000x128xf32> to vector<1000x128xf32>
      %div3A_52 = vector.broadcast %max3A_26 : vector<1000x1xf32> to vector<1000x128xf32>
      %div3A_53 = arith.divf %get3A_51, %div3A_52 : vector<1000x128xf32>
      %get3A_54 = arith.constant 0 : index
      %get3A_55 = arith.constant 0 : index
      %get3A_56 = vector.load %arg6[%get3A_54, %get3A_55] : memref<128x256xf32, #tpu.memory_space<vmem>>, vector<128x256xf32>
      %dot_general3A = arith.constant dense<0.000000e+00> : vector<1000x256xf32>
      %dot_general3A_57 = tpu.matmul %get3A_9, %get3A_56, %dot_general3A {dimension_numbers = #tpu.dot_dimension_numbers<[1], [0], [0], [1], [0, 0, 1, 1], [], []>, transpose_lhs_hint = false} : vector<1000x128xf32>, vector<128x256xf32>, vector<1000x256xf32> -> vector<1000x256xf32>
      %get3A_58 = arith.constant 0 : index
      %get3A_59 = arith.constant 0 : index
      %get3A_60 = vector.load %arg7[%get3A_58, %get3A_59] : memref<128x256xf32, #tpu.memory_space<vmem>>, vector<128x256xf32>
      %dot_general3A_61 = arith.constant dense<0.000000e+00> : vector<1000x256xf32>
      %dot_general3A_62 = tpu.matmul %get3A_14, %get3A_60, %dot_general3A_61 {dimension_numbers = #tpu.dot_dimension_numbers<[1], [0], [0], [1], [0, 0, 1, 1], [], []>, transpose_lhs_hint = false} : vector<1000x128xf32>, vector<128x256xf32>, vector<1000x256xf32> -> vector<1000x256xf32>
      %add3A = arith.addf %dot_general3A_57, %dot_general3A_62 : vector<1000x256xf32>
      %get3A_63 = arith.constant 0 : index
      %get3A_64 = arith.constant 0 : index
      %get3A_65 = vector.load %arg8[%get3A_63, %get3A_64] : memref<128x256xf32, #tpu.memory_space<vmem>>, vector<128x256xf32>
      %dot_general3A_66 = arith.constant dense<0.000000e+00> : vector<1000x256xf32>
      %dot_general3A_67 = tpu.matmul %div3A_32, %get3A_65, %dot_general3A_66 {dimension_numbers = #tpu.dot_dimension_numbers<[1], [0], [0], [1], [0, 0, 1, 1], [], []>, transpose_lhs_hint = false} : vector<1000x128xf32>, vector<128x256xf32>, vector<1000x256xf32> -> vector<1000x256xf32>
      %add3A_68 = arith.addf %add3A, %dot_general3A_67 : vector<1000x256xf32>
      %get3A_69 = arith.constant 0 : index
      %get3A_70 = arith.constant 0 : index
      %get3A_71 = vector.load %arg9[%get3A_69, %get3A_70] : memref<128x256xf32, #tpu.memory_space<vmem>>, vector<128x256xf32>
      %dot_general3A_72 = arith.constant dense<0.000000e+00> : vector<1000x256xf32>
      %dot_general3A_73 = tpu.matmul %div3A_39, %get3A_71, %dot_general3A_72 {dimension_numbers = #tpu.dot_dimension_numbers<[1], [0], [0], [1], [0, 0, 1, 1], [], []>, transpose_lhs_hint = false} : vector<1000x128xf32>, vector<128x256xf32>, vector<1000x256xf32> -> vector<1000x256xf32>
      %add3A_74 = arith.addf %add3A_68, %dot_general3A_73 : vector<1000x256xf32>
      %get3A_75 = arith.constant 0 : index
      %get3A_76 = arith.constant 0 : index
      %get3A_77 = vector.load %arg10[%get3A_75, %get3A_76] : memref<1x256xf32, #tpu.memory_space<vmem>>, vector<1x256xf32>
      %add3A_78 = vector.broadcast %get3A_77 : vector<1x256xf32> to vector<1000x256xf32>
      %add3A_79 = arith.addf %add3A_74, %add3A_78 : vector<1000x256xf32>
      %get3A_80 = arith.constant 0 : index
      %get3A_81 = arith.constant 0 : index
      %get3A_82 = vector.load %arg11[%get3A_80, %get3A_81] : memref<128x256xf32, #tpu.memory_space<vmem>>, vector<128x256xf32>
      %dot_general3A_83 = arith.constant dense<0.000000e+00> : vector<1000x256xf32>
      %dot_general3A_84 = tpu.matmul %get3A_9, %get3A_82, %dot_general3A_83 {dimension_numbers = #tpu.dot_dimension_numbers<[1], [0], [0], [1], [0, 0, 1, 1], [], []>, transpose_lhs_hint = false} : vector<1000x128xf32>, vector<128x256xf32>, vector<1000x256xf32> -> vector<1000x256xf32>
      %add3A_85 = arith.addf %add3A_79, %dot_general3A_84 : vector<1000x256xf32>
      %get3A_86 = arith.constant 0 : index
      %get3A_87 = arith.constant 0 : index
      %get3A_88 = vector.load %arg12[%get3A_86, %get3A_87] : memref<128x256xf32, #tpu.memory_space<vmem>>, vector<128x256xf32>
      %dot_general3A_89 = arith.constant dense<0.000000e+00> : vector<1000x256xf32>
      %dot_general3A_90 = tpu.matmul %get3A_14, %get3A_88, %dot_general3A_89 {dimension_numbers = #tpu.dot_dimension_numbers<[1], [0], [0], [1], [0, 0, 1, 1], [], []>, transpose_lhs_hint = false} : vector<1000x128xf32>, vector<128x256xf32>, vector<1000x256xf32> -> vector<1000x256xf32>
      %add3A_91 = arith.addf %add3A_85, %dot_general3A_90 : vector<1000x256xf32>
      %get3A_92 = arith.constant 0 : index
      %get3A_93 = arith.constant 0 : index
      %get3A_94 = vector.load %arg13[%get3A_92, %get3A_93] : memref<128x256xf32, #tpu.memory_space<vmem>>, vector<128x256xf32>
      %dot_general3A_95 = arith.constant dense<0.000000e+00> : vector<1000x256xf32>
      %dot_general3A_96 = tpu.matmul %div3A_46, %get3A_94, %dot_general3A_95 {dimension_numbers = #tpu.dot_dimension_numbers<[1], [0], [0], [1], [0, 0, 1, 1], [], []>, transpose_lhs_hint = false} : vector<1000x128xf32>, vector<128x256xf32>, vector<1000x256xf32> -> vector<1000x256xf32>
      %add3A_97 = arith.addf %add3A_91, %dot_general3A_96 : vector<1000x256xf32>
      %get3A_98 = arith.constant 0 : index
      %get3A_99 = arith.constant 0 : index
      %get3A_100 = vector.load %arg14[%get3A_98, %get3A_99] : memref<128x256xf32, #tpu.memory_space<vmem>>, vector<128x256xf32>
      %dot_general3A_101 = arith.constant dense<0.000000e+00> : vector<1000x256xf32>
      %dot_general3A_102 = tpu.matmul %div3A_53, %get3A_100, %dot_general3A_101 {dimension_numbers = #tpu.dot_dimension_numbers<[1], [0], [0], [1], [0, 0, 1, 1], [], []>, transpose_lhs_hint = false} : vector<1000x128xf32>, vector<128x256xf32>, vector<1000x256xf32> -> vector<1000x256xf32>
      %add3A_103 = arith.addf %add3A_97, %dot_general3A_102 : vector<1000x256xf32>
      %get3A_104 = arith.constant 0 : index
      %get3A_105 = arith.constant 0 : index
      %get3A_106 = vector.load %arg15[%get3A_104, %get3A_105] : memref<1x256xf32, #tpu.memory_space<vmem>>, vector<1x256xf32>
      %add3A_107 = vector.broadcast %get3A_106 : vector<1x256xf32> to vector<1000x256xf32>
      %add3A_108 = arith.addf %add3A_103, %add3A_107 : vector<1000x256xf32>
      %mul3A = arith.constant 1000 : i32
      %mul3A_109 = arith.muli %arg0, %mul3A : i32
      %swap3A = arith.index_cast %mul3A_109 : i32 to index
      %swap3A_110 = arith.constant 0 : index
      %swap3A_111 = vector.load %arg35[%swap3A, %swap3A_110] : memref<10000x256xf32, #tpu.memory_space<vmem>>, vector<1000x256xf32>
      tpu.vector_store %arg35[%swap3A, %swap3A_110], %add3A_108 {strides = array<i32>} : memref<10000x256xf32, #tpu.memory_space<vmem>>, vector<1000x256xf32>,
      %eq3A = arith.constant 0 : i32
      %eq3A_112 = arith.cmpi eq, %arg0, %eq3A : i32
      %convert_element_type3A_113 = arith.extui %eq3A_112 : i1 to i32
      %cond3A_114 = arith.constant 0 : i32
      %cond3A_115 = arith.cmpi ne, %convert_element_type3A_113, %cond3A_114 : i32
      scf.if %cond3A_115 {
        %broadcast_in_dim3A_135 = arith.constant 0.000000e+00 : f32
        %broadcast_in_dim3A_136 = vector.broadcast %broadcast_in_dim3A_135 : f32 to vector<8x256xf32>
        %swap3A_137 = arith.constant 0 : index
        %swap3A_138 = arith.constant 0 : index
        %swap3A_139 = vector.load %arg36[%swap3A_137, %swap3A_138] : memref<8x256xf32, #tpu.memory_space<vmem>>, vector<8x256xf32>
        tpu.vector_store %arg36[%swap3A_137, %swap3A_138], %broadcast_in_dim3A_136 {strides = array<i32>} : memref<8x256xf32, #tpu.memory_space<vmem>>, vector<8x256xf32>,
      } else {
      }
      %get3A_116 = arith.constant 0 : index
      %get3A_117 = arith.constant 0 : index
      %get3A_118 = vector.load %arg36[%get3A_116, %get3A_117] : memref<8x256xf32, #tpu.memory_space<vmem>>, vector<1x256xf32>
      %reduce_sum3A = arith.constant dense<0.000000e+00> : vector<256xf32>
      %reduce_sum3A_119 = vector.multi_reduction <add>, %add3A_108, %reduce_sum3A [0] : vector<1000x256xf32> to vector<256xf32>
      %broadcast_in_dim3A = vector.shape_cast %reduce_sum3A_119 : vector<256xf32> to vector<1x256xf32>
      %add3A_120 = arith.addf %get3A_118, %broadcast_in_dim3A : vector<1x256xf32>
      %swap3A_121 = arith.constant 0 : index
      %swap3A_122 = arith.constant 0 : index
      %swap3A_123 = vector.load %arg36[%swap3A_121, %swap3A_122] : memref<8x256xf32, #tpu.memory_space<vmem>>, vector<1x256xf32>
      tpu.vector_store %arg36[%swap3A_121, %swap3A_122], %add3A_120 {strides = array<i32>} : memref<8x256xf32, #tpu.memory_space<vmem>>, vector<1x256xf32>,
      %get3A_124 = arith.constant 1 : index
      %get3A_125 = arith.constant 0 : index
      %get3A_126 = vector.load %arg36[%get3A_124, %get3A_125] : memref<8x256xf32, #tpu.memory_space<vmem>>, vector<1x256xf32>
      %mul3A_127 = arith.mulf %add3A_108, %add3A_108 : vector<1000x256xf32>
      %reduce_sum3A_128 = arith.constant dense<0.000000e+00> : vector<256xf32>
      %reduce_sum3A_129 = vector.multi_reduction <add>, %mul3A_127, %reduce_sum3A_128 [0] : vector<1000x256xf32> to vector<256xf32>
      %broadcast_in_dim3A_130 = vector.shape_cast %reduce_sum3A_129 : vector<256xf32> to vector<1x256xf32>
      %add3A_131 = arith.addf %get3A_126, %broadcast_in_dim3A_130 : vector<1x256xf32>
      %swap3A_132 = arith.constant 1 : index
      %swap3A_133 = arith.constant 0 : index
      %swap3A_134 = vector.load %arg36[%swap3A_132, %swap3A_133] : memref<8x256xf32, #tpu.memory_space<vmem>>, vector<1x256xf32>
      tpu.vector_store %arg36[%swap3A_132, %swap3A_133], %add3A_131 {strides = array<i32>} : memref<8x256xf32, #tpu.memory_space<vmem>>, vector<1x256xf32>,
    } else {
    }
    %ge3A = arith.constant 10 : i32
    %ge3A_2 = arith.cmpi sge, %arg0, %ge3A : i32
    %convert_element_type3A_3 = arith.extui %ge3A_2 : i1 to i32
    %cond3A_4 = arith.constant 0 : i32
    %cond3A_5 = arith.cmpi ne, %convert_element_type3A_3, %cond3A_4 : i32
    scf.if %cond3A_5 {
      %sub3A = arith.constant 10 : i32
      %sub3A_6 = arith.subi %arg0, %sub3A : i32
      %get3A = arith.constant 0 : index
      %get3A_7 = arith.constant 0 : index
      %get3A_8 = vector.load %arg18[%get3A, %get3A_7] : memref<1x256xf32, #tpu.memory_space<vmem>>, vector<1x256xf32>
      %get3A_9 = arith.constant 0 : index
      %get3A_10 = arith.constant 0 : index
      %get3A_11 = vector.load %arg36[%get3A_9, %get3A_10] : memref<8x256xf32, #tpu.memory_space<vmem>>, vector<1x256xf32>
      %mul3A = arith.constant 9.99999974E-5 : f32
      %mul3A_12 = vector.broadcast %mul3A : f32 to vector<1x256xf32>
      %mul3A_13 = arith.mulf %get3A_11, %mul3A_12 : vector<1x256xf32>
      %get3A_14 = arith.constant 1 : index
      %get3A_15 = arith.constant 0 : index
      %get3A_16 = vector.load %arg36[%get3A_14, %get3A_15] : memref<8x256xf32, #tpu.memory_space<vmem>>, vector<1x256xf32>
      %mul3A_17 = arith.constant 9.99999974E-5 : f32
      %mul3A_18 = vector.broadcast %mul3A_17 : f32 to vector<1x256xf32>
      %mul3A_19 = arith.mulf %get3A_16, %mul3A_18 : vector<1x256xf32>
      %mul3A_20 = arith.constant 2.000000e+00 : f32
      %mul3A_21 = vector.broadcast %mul3A_20 : f32 to vector<1x256xf32>
      %mul3A_22 = arith.mulf %mul3A_21, %get3A_8 : vector<1x256xf32>
      %mul3A_23 = arith.mulf %get3A_8, %get3A_8 : vector<1x256xf32>
      %sub3A_24 = arith.subf %mul3A_22, %mul3A_23 : vector<1x256xf32>
      %mul3A_25 = arith.mulf %sub3A_24, %mul3A_13 : vector<1x256xf32>
      %mul3A_26 = arith.mulf %mul3A_25, %mul3A_13 : vector<1x256xf32>
      %sub3A_27 = arith.subf %mul3A_19, %mul3A_26 : vector<1x256xf32>
      %mul3A_28 = arith.constant 1000 : i32
      %mul3A_29 = arith.muli %sub3A_6, %mul3A_28 : i32
      %get3A_30 = arith.index_cast %mul3A_29 : i32 to index
      %get3A_31 = arith.constant 0 : index
      %get3A_32 = vector.load %arg35[%get3A_30, %get3A_31] : memref<10000x256xf32, #tpu.memory_space<vmem>>, vector<1000x256xf32>
      %mul3A_33 = arith.mulf %get3A_8, %mul3A_13 : vector<1x256xf32>
      %sub3A_34 = vector.broadcast %mul3A_33 : vector<1x256xf32> to vector<1000x256xf32>
      %sub3A_35 = arith.subf %get3A_32, %sub3A_34 : vector<1000x256xf32>
      %get3A_36 = arith.constant 0 : index
      %get3A_37 = arith.constant 0 : index
      %get3A_38 = vector.load %arg16[%get3A_36, %get3A_37] : memref<1x256xf32, #tpu.memory_space<vmem>>, vector<1x256xf32>
      %mul3A_39 = vector.broadcast %get3A_38 : vector<1x256xf32> to vector<1000x256xf32>
      %mul3A_40 = arith.mulf %mul3A_39, %sub3A_35 : vector<1000x256xf32>
      %add3A = arith.constant 9.99999974E-6 : f32
      %add3A_41 = vector.broadcast %add3A : f32 to vector<1x256xf32>
      %add3A_42 = arith.addf %sub3A_27, %add3A_41 : vector<1x256xf32>
      %sqrt3A = math.sqrt %add3A_42 : vector<1x256xf32>
      %div3A = vector.broadcast %sqrt3A : vector<1x256xf32> to vector<1000x256xf32>
      %div3A_43 = arith.divf %mul3A_40, %div3A : vector<1000x256xf32>
      %get3A_44 = arith.constant 0 : index
      %get3A_45 = arith.constant 0 : index
      %get3A_46 = vector.load %arg17[%get3A_44, %get3A_45] : memref<1x256xf32, #tpu.memory_space<vmem>>, vector<1x256xf32>
      %add3A_47 = vector.broadcast %get3A_46 : vector<1x256xf32> to vector<1000x256xf32>
      %add3A_48 = arith.addf %div3A_43, %add3A_47 : vector<1000x256xf32>
      %integer_pow3A = arith.mulf %add3A_48, %add3A_48 : vector<1000x256xf32>
      %integer_pow3A_49 = arith.mulf %add3A_48, %integer_pow3A : vector<1000x256xf32>
      %mul3A_50 = arith.constant 4.471500e-02 : f32
      %mul3A_51 = vector.broadcast %mul3A_50 : f32 to vector<1000x256xf32>
      %mul3A_52 = arith.mulf %mul3A_51, %integer_pow3A_49 : vector<1000x256xf32>
      %add3A_53 = arith.addf %add3A_48, %mul3A_52 : vector<1000x256xf32>
      %mul3A_54 = arith.constant 0.797884583 : f32
      %mul3A_55 = vector.broadcast %mul3A_54 : f32 to vector<1000x256xf32>
      %mul3A_56 = arith.mulf %mul3A_55, %add3A_53 : vector<1000x256xf32>
      %tanh3A = math.tanh %mul3A_56 : vector<1000x256xf32>
      %add3A_57 = arith.constant 1.000000e+00 : f32
      %add3A_58 = vector.broadcast %add3A_57 : f32 to vector<1000x256xf32>
      %add3A_59 = arith.addf %add3A_58, %tanh3A : vector<1000x256xf32>
      %mul3A_60 = arith.constant 5.000000e-01 : f32
      %mul3A_61 = vector.broadcast %mul3A_60 : f32 to vector<1000x256xf32>
      %mul3A_62 = arith.mulf %mul3A_61, %add3A_59 : vector<1000x256xf32>
      %mul3A_63 = arith.mulf %add3A_48, %mul3A_62 : vector<1000x256xf32>
      %get3A_64 = arith.constant 0 : index
      %get3A_65 = arith.constant 0 : index
      %get3A_66 = arith.constant 0 : index
      %get3A_67 = vector.load %arg1[%get3A_64, %get3A_65, %get3A_66] : memref<2x1000x128xf32, #tpu.memory_space<vmem>>, vector<1x1000x128xf32>
      %get3A_68 = vector.shape_cast %get3A_67 : vector<1x1000x128xf32> to vector<1000x128xf32>
      %get3A_69 = arith.constant 0 : index
      %get3A_70 = arith.constant 0 : index
      %get3A_71 = vector.load %arg19[%get3A_69, %get3A_70] : memref<128x100xf32, #tpu.memory_space<vmem>>, vector<128x100xf32>
      %dot_general3A = arith.constant dense<0.000000e+00> : vector<1000x100xf32>
      %dot_general3A_72 = tpu.matmul %get3A_68, %get3A_71, %dot_general3A {dimension_numbers = #tpu.dot_dimension_numbers<[1], [0], [0], [1], [0, 0, 1, 1], [], []>, transpose_lhs_hint = false} : vector<1000x128xf32>, vector<128x100xf32>, vector<1000x100xf32> -> vector<1000x100xf32>
      %get3A_73 = arith.constant 1 : index
      %get3A_74 = arith.constant 0 : index
      %get3A_75 = arith.constant 0 : index
      %get3A_76 = vector.load %arg1[%get3A_73, %get3A_74, %get3A_75] : memref<2x1000x128xf32, #tpu.memory_space<vmem>>, vector<1x1000x128xf32>
      %get3A_77 = vector.shape_cast %get3A_76 : vector<1x1000x128xf32> to vector<1000x128xf32>
      %get3A_78 = arith.constant 0 : index
      %get3A_79 = arith.constant 0 : index
      %get3A_80 = vector.load %arg20[%get3A_78, %get3A_79] : memref<128x100xf32, #tpu.memory_space<vmem>>, vector<128x100xf32>
      %dot_general3A_81 = arith.constant dense<0.000000e+00> : vector<1000x100xf32>
      %dot_general3A_82 = tpu.matmul %get3A_77, %get3A_80, %dot_general3A_81 {dimension_numbers = #tpu.dot_dimension_numbers<[1], [0], [0], [1], [0, 0, 1, 1], [], []>, transpose_lhs_hint = false} : vector<1000x128xf32>, vector<128x100xf32>, vector<1000x100xf32> -> vector<1000x100xf32>
      %add3A_83 = arith.addf %dot_general3A_72, %dot_general3A_82 : vector<1000x100xf32>
      %get3A_84 = arith.constant 0 : index
      %get3A_85 = arith.constant 0 : index
      %get3A_86 = vector.load %arg21[%get3A_84, %get3A_85] : memref<256x100xf32, #tpu.memory_space<vmem>>, vector<256x100xf32>
      %dot_general3A_87 = arith.constant dense<0.000000e+00> : vector<1000x100xf32>
      %dot_general3A_88 = tpu.matmul %mul3A_63, %get3A_86, %dot_general3A_87 {dimension_numbers = #tpu.dot_dimension_numbers<[1], [0], [0], [1], [0, 0, 1, 1], [], []>, transpose_lhs_hint = false} : vector<1000x256xf32>, vector<256x100xf32>, vector<1000x100xf32> -> vector<1000x100xf32>
      %add3A_89 = arith.addf %add3A_83, %dot_general3A_88 : vector<1000x100xf32>
      %get3A_90 = arith.constant 0 : index
      %get3A_91 = arith.constant 0 : index
      %get3A_92 = vector.load %arg22[%get3A_90, %get3A_91] : memref<1x100xf32, #tpu.memory_space<vmem>>, vector<1x100xf32>
      %add3A_93 = vector.broadcast %get3A_92 : vector<1x100xf32> to vector<1000x100xf32>
      %add3A_94 = arith.addf %add3A_89, %add3A_93 : vector<1000x100xf32>
      %integer_pow3A_95 = arith.mulf %add3A_94, %add3A_94 : vector<1000x100xf32>
      %integer_pow3A_96 = arith.mulf %add3A_94, %integer_pow3A_95 : vector<1000x100xf32>
      %mul3A_97 = arith.constant 4.471500e-02 : f32
      %mul3A_98 = vector.broadcast %mul3A_97 : f32 to vector<1000x100xf32>
      %mul3A_99 = arith.mulf %mul3A_98, %integer_pow3A_96 : vector<1000x100xf32>
      %add3A_100 = arith.addf %add3A_94, %mul3A_99 : vector<1000x100xf32>
      %mul3A_101 = arith.constant 0.797884583 : f32
      %mul3A_102 = vector.broadcast %mul3A_101 : f32 to vector<1000x100xf32>
      %mul3A_103 = arith.mulf %mul3A_102, %add3A_100 : vector<1000x100xf32>
      %tanh3A_104 = math.tanh %mul3A_103 : vector<1000x100xf32>
      %add3A_105 = arith.constant 1.000000e+00 : f32
      %add3A_106 = vector.broadcast %add3A_105 : f32 to vector<1000x100xf32>
      %add3A_107 = arith.addf %add3A_106, %tanh3A_104 : vector<1000x100xf32>
      %mul3A_108 = arith.constant 5.000000e-01 : f32
      %mul3A_109 = vector.broadcast %mul3A_108 : f32 to vector<1000x100xf32>
      %mul3A_110 = arith.mulf %mul3A_109, %add3A_107 : vector<1000x100xf32>
      %mul3A_111 = arith.mulf %add3A_94, %mul3A_110 : vector<1000x100xf32>
      %get3A_112 = arith.constant 0 : index
      %get3A_113 = arith.constant 0 : index
      %get3A_114 = vector.load %arg23[%get3A_112, %get3A_113] : memref<100x100xf32, #tpu.memory_space<vmem>>, vector<100x100xf32>
      %dot_general3A_115 = arith.constant dense<0.000000e+00> : vector<1000x100xf32>
      %dot_general3A_116 = tpu.matmul %mul3A_111, %get3A_114, %dot_general3A_115 {dimension_numbers = #tpu.dot_dimension_numbers<[1], [0], [0], [1], [0, 0, 1, 1], [], []>, transpose_lhs_hint = false} : vector<1000x100xf32>, vector<100x100xf32>, vector<1000x100xf32> -> vector<1000x100xf32>
      %get3A_117 = arith.constant 0 : index
      %get3A_118 = arith.constant 0 : index
      %get3A_119 = vector.load %arg24[%get3A_117, %get3A_118] : memref<1x100xf32, #tpu.memory_space<vmem>>, vector<1x100xf32>
      %add3A_120 = vector.broadcast %get3A_119 : vector<1x100xf32> to vector<1000x100xf32>
      %add3A_121 = arith.addf %dot_general3A_116, %add3A_120 : vector<1000x100xf32>
      %integer_pow3A_122 = arith.mulf %add3A_121, %add3A_121 : vector<1000x100xf32>
      %integer_pow3A_123 = arith.mulf %add3A_121, %integer_pow3A_122 : vector<1000x100xf32>
      %mul3A_124 = arith.constant 4.471500e-02 : f32
      %mul3A_125 = vector.broadcast %mul3A_124 : f32 to vector<1000x100xf32>
      %mul3A_126 = arith.mulf %mul3A_125, %integer_pow3A_123 : vector<1000x100xf32>
      %add3A_127 = arith.addf %add3A_121, %mul3A_126 : vector<1000x100xf32>
      %mul3A_128 = arith.constant 0.797884583 : f32
      %mul3A_129 = vector.broadcast %mul3A_128 : f32 to vector<1000x100xf32>
      %mul3A_130 = arith.mulf %mul3A_129, %add3A_127 : vector<1000x100xf32>
      %tanh3A_131 = math.tanh %mul3A_130 : vector<1000x100xf32>
      %add3A_132 = arith.constant 1.000000e+00 : f32
      %add3A_133 = vector.broadcast %add3A_132 : f32 to vector<1000x100xf32>
      %add3A_134 = arith.addf %add3A_133, %tanh3A_131 : vector<1000x100xf32>
      %mul3A_135 = arith.constant 5.000000e-01 : f32
      %mul3A_136 = vector.broadcast %mul3A_135 : f32 to vector<1000x100xf32>
      %mul3A_137 = arith.mulf %mul3A_136, %add3A_134 : vector<1000x100xf32>
      %mul3A_138 = arith.mulf %add3A_121, %mul3A_137 : vector<1000x100xf32>
      %get3A_139 = arith.constant 0 : index
      %get3A_140 = arith.constant 0 : index
      %get3A_141 = vector.load %arg26[%get3A_139, %get3A_140] : memref<100x100xf32, #tpu.memory_space<vmem>>, vector<100x100xf32>
      %dot_general3A_142 = arith.constant dense<0.000000e+00> : vector<1000x100xf32>
      %dot_general3A_143 = tpu.matmul %mul3A_138, %get3A_141, %dot_general3A_142 {dimension_numbers = #tpu.dot_dimension_numbers<[1], [0], [0], [1], [0, 0, 1, 1], [], []>, transpose_lhs_hint = false} : vector<1000x100xf32>, vector<100x100xf32>, vector<1000x100xf32> -> vector<1000x100xf32>
      %get3A_144 = arith.constant 0 : index
      %get3A_145 = arith.constant 0 : index
      %get3A_146 = vector.load %arg25[%get3A_144, %get3A_145] : memref<1000x20xf32, #tpu.memory_space<vmem>>, vector<1000x20xf32>
      %get3A_147 = arith.constant 0 : index
      %get3A_148 = arith.constant 0 : index
      %get3A_149 = vector.load %arg27[%get3A_147, %get3A_148] : memref<20x100xf32, #tpu.memory_space<vmem>>, vector<20x100xf32>
      %dot_general3A_150 = arith.constant dense<0.000000e+00> : vector<1000x100xf32>
      %dot_general3A_151 = tpu.matmul %get3A_146, %get3A_149, %dot_general3A_150 {dimension_numbers = #tpu.dot_dimension_numbers<[1], [0], [0], [1], [0, 0, 1, 1], [], []>, transpose_lhs_hint = false} : vector<1000x20xf32>, vector<20x100xf32>, vector<1000x100xf32> -> vector<1000x100xf32>
      %add3A_152 = arith.addf %dot_general3A_143, %dot_general3A_151 : vector<1000x100xf32>
      %get3A_153 = arith.constant 0 : index
      %get3A_154 = arith.constant 0 : index
      %get3A_155 = vector.load %arg28[%get3A_153, %get3A_154] : memref<1x100xf32, #tpu.memory_space<vmem>>, vector<1x100xf32>
      %add3A_156 = vector.broadcast %get3A_155 : vector<1x100xf32> to vector<1000x100xf32>
      %add3A_157 = arith.addf %add3A_152, %add3A_156 : vector<1000x100xf32>
      %integer_pow3A_158 = arith.mulf %add3A_157, %add3A_157 : vector<1000x100xf32>
      %integer_pow3A_159 = arith.mulf %add3A_157, %integer_pow3A_158 : vector<1000x100xf32>
      %mul3A_160 = arith.constant 4.471500e-02 : f32
      %mul3A_161 = vector.broadcast %mul3A_160 : f32 to vector<1000x100xf32>
      %mul3A_162 = arith.mulf %mul3A_161, %integer_pow3A_159 : vector<1000x100xf32>
      %add3A_163 = arith.addf %add3A_157, %mul3A_162 : vector<1000x100xf32>
      %mul3A_164 = arith.constant 0.797884583 : f32
      %mul3A_165 = vector.broadcast %mul3A_164 : f32 to vector<1000x100xf32>
      %mul3A_166 = arith.mulf %mul3A_165, %add3A_163 : vector<1000x100xf32>
      %tanh3A_167 = math.tanh %mul3A_166 : vector<1000x100xf32>
      %add3A_168 = arith.constant 1.000000e+00 : f32
      %add3A_169 = vector.broadcast %add3A_168 : f32 to vector<1000x100xf32>
      %add3A_170 = arith.addf %add3A_169, %tanh3A_167 : vector<1000x100xf32>
      %mul3A_171 = arith.constant 5.000000e-01 : f32
      %mul3A_172 = vector.broadcast %mul3A_171 : f32 to vector<1000x100xf32>
      %mul3A_173 = arith.mulf %mul3A_172, %add3A_170 : vector<1000x100xf32>
      %mul3A_174 = arith.mulf %add3A_157, %mul3A_173 : vector<1000x100xf32>
      %get3A_175 = arith.constant 0 : index
      %get3A_176 = arith.constant 0 : index
      %get3A_177 = vector.load %arg29[%get3A_175, %get3A_176] : memref<100x100xf32, #tpu.memory_space<vmem>>, vector<100x100xf32>
      %dot_general3A_178 = arith.constant dense<0.000000e+00> : vector<1000x100xf32>
      %dot_general3A_179 = tpu.matmul %mul3A_174, %get3A_177, %dot_general3A_178 {dimension_numbers = #tpu.dot_dimension_numbers<[1], [0], [0], [1], [0, 0, 1, 1], [], []>, transpose_lhs_hint = false} : vector<1000x100xf32>, vector<100x100xf32>, vector<1000x100xf32> -> vector<1000x100xf32>
      %get3A_180 = arith.constant 0 : index
      %get3A_181 = arith.constant 0 : index
      %get3A_182 = vector.load %arg30[%get3A_180, %get3A_181] : memref<1x100xf32, #tpu.memory_space<vmem>>, vector<1x100xf32>
      %add3A_183 = vector.broadcast %get3A_182 : vector<1x100xf32> to vector<1000x100xf32>
      %add3A_184 = arith.addf %dot_general3A_179, %add3A_183 : vector<1000x100xf32>
      %integer_pow3A_185 = arith.mulf %add3A_184, %add3A_184 : vector<1000x100xf32>
      %integer_pow3A_186 = arith.mulf %add3A_184, %integer_pow3A_185 : vector<1000x100xf32>
      %mul3A_187 = arith.constant 4.471500e-02 : f32
      %mul3A_188 = vector.broadcast %mul3A_187 : f32 to vector<1000x100xf32>
      %mul3A_189 = arith.mulf %mul3A_188, %integer_pow3A_186 : vector<1000x100xf32>
      %add3A_190 = arith.addf %add3A_184, %mul3A_189 : vector<1000x100xf32>
      %mul3A_191 = arith.constant 0.797884583 : f32
      %mul3A_192 = vector.broadcast %mul3A_191 : f32 to vector<1000x100xf32>
      %mul3A_193 = arith.mulf %mul3A_192, %add3A_190 : vector<1000x100xf32>
      %tanh3A_194 = math.tanh %mul3A_193 : vector<1000x100xf32>
      %add3A_195 = arith.constant 1.000000e+00 : f32
      %add3A_196 = vector.broadcast %add3A_195 : f32 to vector<1000x100xf32>
      %add3A_197 = arith.addf %add3A_196, %tanh3A_194 : vector<1000x100xf32>
      %mul3A_198 = arith.constant 5.000000e-01 : f32
      %mul3A_199 = vector.broadcast %mul3A_198 : f32 to vector<1000x100xf32>
      %mul3A_200 = arith.mulf %mul3A_199, %add3A_197 : vector<1000x100xf32>
      %mul3A_201 = arith.mulf %add3A_184, %mul3A_200 : vector<1000x100xf32>
      %get3A_202 = arith.constant 0 : index
      %get3A_203 = arith.constant 0 : index
      %get3A_204 = vector.load %arg31[%get3A_202, %get3A_203] : memref<100x128xf32, #tpu.memory_space<vmem>>, vector<100x128xf32>
      %dot_general3A_205 = arith.constant dense<0.000000e+00> : vector<1000x128xf32>
      %dot_general3A_206 = tpu.matmul %mul3A_201, %get3A_204, %dot_general3A_205 {dimension_numbers = #tpu.dot_dimension_numbers<[1], [0], [0], [1], [0, 0, 1, 1], [], []>, transpose_lhs_hint = false} : vector<1000x100xf32>, vector<100x128xf32>, vector<1000x128xf32> -> vector<1000x128xf32>
      %get3A_207 = arith.constant 0 : index
      %get3A_208 = arith.constant 0 : index
      %get3A_209 = vector.load %arg32[%get3A_207, %get3A_208] : memref<1x128xf32, #tpu.memory_space<vmem>>, vector<1x128xf32>
      %add3A_210 = vector.broadcast %get3A_209 : vector<1x128xf32> to vector<1000x128xf32>
      %add3A_211 = arith.addf %dot_general3A_206, %add3A_210 : vector<1000x128xf32>
      %tanh3A_212 = math.tanh %add3A_211 : vector<1000x128xf32>
      %get3A_213 = arith.constant 0 : index
      %get3A_214 = arith.constant 0 : index
      %get3A_215 = vector.load %arg33[%get3A_213, %get3A_214] : memref<128x512xf32, #tpu.memory_space<vmem>>, vector<128x512xf32>
      %mul3A_216 = arith.mulf %get3A_215, %get3A_215 : vector<128x512xf32>
      %reduce_sum3A = arith.constant dense<0.000000e+00> : vector<512xf32>
      %reduce_sum3A_217 = vector.multi_reduction <add>, %mul3A_216, %reduce_sum3A [0] : vector<128x512xf32> to vector<512xf32>
      %broadcast_in_dim3A = vector.shape_cast %reduce_sum3A_217 : vector<512xf32> to vector<1x512xf32>
      %dot_general3A_218 = arith.constant dense<0.000000e+00> : vector<1000x512xf32>
      %dot_general3A_219 = tpu.matmul %tanh3A_212, %get3A_215, %dot_general3A_218 {dimension_numbers = #tpu.dot_dimension_numbers<[1], [0], [0], [1], [0, 0, 1, 1], [], []>, transpose_lhs_hint = false} : vector<1000x128xf32>, vector<128x512xf32>, vector<1000x512xf32> -> vector<1000x512xf32>
      %mul3A_220 = arith.constant 2.000000e+00 : f32
      %mul3A_221 = vector.broadcast %mul3A_220 : f32 to vector<1000x512xf32>
      %mul3A_222 = arith.mulf %mul3A_221, %dot_general3A_219 : vector<1000x512xf32>
      %sub3A_223 = vector.broadcast %broadcast_in_dim3A : vector<1x512xf32> to vector<1000x512xf32>
      %sub3A_224 = arith.subf %sub3A_223, %mul3A_222 : vector<1000x512xf32>
      %reduce_min3A = arith.constant dense<0x7F800000> : vector<1000xf32>
      %reduce_min3A_225 = vector.multi_reduction <minimumf>, %sub3A_224, %reduce_min3A [1] : vector<1000x512xf32> to vector<1000xf32>
      %broadcast_in_dim3A_226 = vector.shape_cast %reduce_min3A_225 : vector<1000xf32> to vector<1000x1xf32>
      %iota3A = tpu.iota {dimensions = array<i32: 1>} : vector<1000x512xi32>
      %eq3A = vector.broadcast %broadcast_in_dim3A_226 : vector<1000x1xf32> to vector<1000x512xf32>
      %eq3A_227 = arith.cmpf oeq, %sub3A_224, %eq3A : vector<1000x512xf32>
      %jit3A = arith.constant 512 : i32
      %broadcast_in_dim3A_228 = vector.broadcast %jit3A : i32 to vector<1000x512xi32>
      %select_n3A = arith.select %eq3A_227, %iota3A, %broadcast_in_dim3A_228 : vector<1000x512xi1>, vector<1000x512xi32>
      %reduce_min3A_229 = arith.constant dense<2147483647> : vector<1000xi32>
      %reduce_min3A_230 = vector.multi_reduction <minsi>, %select_n3A, %reduce_min3A_229 [1] : vector<1000x512xi32> to vector<1000xi32>
      %broadcast_in_dim3A_231 = vector.shape_cast %reduce_min3A_230 : vector<1000xi32> to vector<1000x1xi32>
      %eq3A_232 = vector.broadcast %broadcast_in_dim3A_231 : vector<1000x1xi32> to vector<1000x512xi32>
      %eq3A_233 = arith.cmpi eq, %iota3A, %eq3A_232 : vector<1000x512xi32>
      %convert_element_type3A_234 = arith.extui %eq3A_233 : vector<1000x512xi1> to vector<1000x512xi32>
      %convert_element_type3A_235 = arith.sitofp %convert_element_type3A_234 : vector<1000x512xi32> to vector<1000x512xf32>
      %dot_general3A_236 = arith.constant dense<0.000000e+00> : vector<1000x128xf32>
      %dot_general3A_237 = tpu.matmul %convert_element_type3A_235, %get3A_215, %dot_general3A_236 {dimension_numbers = #tpu.dot_dimension_numbers<[1], [1], [0], [0], [0, 0, 1, 0], [], []>, transpose_lhs_hint = false} : vector<1000x512xf32>, vector<128x512xf32>, vector<1000x128xf32> -> vector<1000x128xf32>
      %sub3A_238 = arith.subf %dot_general3A_237, %tanh3A_212 : vector<1000x128xf32>
      %add3A_239 = arith.addf %tanh3A_212, %sub3A_238 : vector<1000x128xf32>
      %swap3A = arith.constant 0 : index
      %swap3A_240 = arith.constant 0 : index
      %swap3A_241 = vector.load %arg34[%swap3A, %swap3A_240] : memref<1000x128xf32, #tpu.memory_space<vmem>>, vector<1000x128xf32>
      tpu.vector_store %arg34[%swap3A, %swap3A_240], %add3A_239 {strides = array<i32>} : memref<1000x128xf32, #tpu.memory_space<vmem>>, vector<1000x128xf32>,
    } else {
    }
    return
  }
  func.func @transform_0(%arg0: i32) -> (i32, i32, i32) {
    %lt3A = arith.constant 10 : i32
    %lt3A_0 = arith.cmpi slt, %arg0, %lt3A : i32
    %sub3A = arith.constant 10 : i32
    %sub3A_1 = arith.subi %arg0, %sub3A : i32
    %select_n3A = arith.select %lt3A_0, %arg0, %sub3A_1 : i32
    %c0_i32 = arith.constant 0 : i32
    %c0_i32_2 = arith.constant 0 : i32
    %c0_i32_3 = arith.constant 0 : i32
    return %c0_i32, %select_n3A, %c0_i32_2 : i32, i32, i32
  }
  func.func @transform_1(%arg0: i32) -> (i32, i32, i32) {
    %lt3A = arith.constant 10 : i32
    %lt3A_0 = arith.cmpi slt, %arg0, %lt3A : i32
    %sub3A = arith.constant 10 : i32
    %sub3A_1 = arith.subi %arg0, %sub3A : i32
    %select_n3A = arith.select %lt3A_0, %arg0, %sub3A_1 : i32
    %c0_i32 = arith.constant 0 : i32
    %c0_i32_2 = arith.constant 0 : i32
    %c0_i32_3 = arith.constant 0 : i32
    return %c0_i32, %select_n3A, %c0_i32_2 : i32, i32, i32
  }
  func.func @transform_2(%arg0: i32) -> (i32, i32, i32) {
    %lt3A = arith.constant 10 : i32
    %lt3A_0 = arith.cmpi slt, %arg0, %lt3A : i32
    %sub3A = arith.constant 10 : i32
    %sub3A_1 = arith.subi %arg0, %sub3A : i32
    %select_n3A = arith.select %lt3A_0, %arg0, %sub3A_1 : i32
    %c0_i32 = arith.constant 0 : i32
    %c0_i32_2 = arith.constant 0 : i32
    %c0_i32_3 = arith.constant 0 : i32
    return %c0_i32, %select_n3A, %c0_i32_2 : i32, i32, i32
  }
  func.func @transform_3(%arg0: i32) -> (i32, i32) {
    %lt3A = arith.constant 10 : i32
    %lt3A_0 = arith.cmpi slt, %arg0, %lt3A : i32
    %sub3A = arith.constant 10 : i32
    %sub3A_1 = arith.subi %arg0, %sub3A : i32
    %select_n3A = arith.select %lt3A_0, %arg0, %sub3A_1 : i32
    %c0_i32 = arith.constant 0 : i32
    %c0_i32_2 = arith.constant 0 : i32
    return %select_n3A, %c0_i32 : i32, i32
  }
  func.func @transform_4(%arg0: i32) -> (i32, i32) {
    %lt3A = arith.constant 10 : i32
    %lt3A_0 = arith.cmpi slt, %arg0, %lt3A : i32
    %sub3A = arith.constant 10 : i32
    %sub3A_1 = arith.subi %arg0, %sub3A : i32
    %select_n3A = arith.select %lt3A_0, %arg0, %sub3A_1 : i32
    %c0_i32 = arith.constant 0 : i32
    %c0_i32_2 = arith.constant 0 : i32
    return %select_n3A, %c0_i32 : i32, i32
  }
  func.func @transform_5(%arg0: i32) -> (i32, i32) {
    %c0_i32 = arith.constant 0 : i32
    %c0_i32_0 = arith.constant 0 : i32
    %c0_i32_1 = arith.constant 0 : i32
    return %c0_i32, %c0_i32_0 : i32, i32
  }
  func.func @transform_6(%arg0: i32) -> (i32, i32) {
    %c0_i32 = arith.constant 0 : i32
    %c0_i32_0 = arith.constant 0 : i32
    %c0_i32_1 = arith.constant 0 : i32
    return %c0_i32, %c0_i32_0 : i32, i32
  }
  func.func @transform_7(%arg0: i32) -> (i32, i32) {
    %c0_i32 = arith.constant 0 : i32
    %c0_i32_0 = arith.constant 0 : i32
    %c0_i32_1 = arith.constant 0 : i32
    return %c0_i32, %c0_i32_0 : i32, i32
  }
  func.func @transform_8(%arg0: i32) -> (i32, i32) {
    %c0_i32 = arith.constant 0 : i32
    %c0_i32_0 = arith.constant 0 : i32
    %c0_i32_1 = arith.constant 0 : i32
    return %c0_i32, %c0_i32_0 : i32, i32
  }
  func.func @transform_9(%arg0: i32) -> (i32, i32) {
    %c0_i32 = arith.constant 0 : i32
    %c0_i32_0 = arith.constant 0 : i32
    %c0_i32_1 = arith.constant 0 : i32
    return %c0_i32, %c0_i32_0 : i32, i32
  }
  func.func @transform_10(%arg0: i32) -> (i32, i32) {
    %c0_i32 = arith.constant 0 : i32
    %c0_i32_0 = arith.constant 0 : i32
    %c0_i32_1 = arith.constant 0 : i32
    return %c0_i32, %c0_i32_0 : i32, i32
  }
  func.func @transform_11(%arg0: i32) -> (i32, i32) {
    %c0_i32 = arith.constant 0 : i32
    %c0_i32_0 = arith.constant 0 : i32
    %c0_i32_1 = arith.constant 0 : i32
    return %c0_i32, %c0_i32_0 : i32, i32
  }
  func.func @transform_12(%arg0: i32) -> (i32, i32) {
    %c0_i32 = arith.constant 0 : i32
    %c0_i32_0 = arith.constant 0 : i32
    %c0_i32_1 = arith.constant 0 : i32
    return %c0_i32, %c0_i32_0 : i32, i32
  }
  func.func @transform_13(%arg0: i32) -> (i32, i32) {
    %c0_i32 = arith.constant 0 : i32
    %c0_i32_0 = arith.constant 0 : i32
    %c0_i32_1 = arith.constant 0 : i32
    return %c0_i32, %c0_i32_0 : i32, i32
  }
  func.func @transform_14(%arg0: i32) -> (i32, i32) {
    %c0_i32 = arith.constant 0 : i32
    %c0_i32_0 = arith.constant 0 : i32
    %c0_i32_1 = arith.constant 0 : i32
    return %c0_i32, %c0_i32_0 : i32, i32
  }
  func.func @transform_15(%arg0: i32) -> (i32, i32) {
    %c0_i32 = arith.constant 0 : i32
    %c0_i32_0 = arith.constant 0 : i32
    %c0_i32_1 = arith.constant 0 : i32
    return %c0_i32, %c0_i32_0 : i32, i32
  }
  func.func @transform_16(%arg0: i32) -> (i32, i32) {
    %c0_i32 = arith.constant 0 : i32
    %c0_i32_0 = arith.constant 0 : i32
    %c0_i32_1 = arith.constant 0 : i32
    return %c0_i32, %c0_i32_0 : i32, i32
  }
  func.func @transform_17(%arg0: i32) -> (i32, i32) {
    %c0_i32 = arith.constant 0 : i32
    %c0_i32_0 = arith.constant 0 : i32
    %c0_i32_1 = arith.constant 0 : i32
    return %c0_i32, %c0_i32_0 : i32, i32
  }
  func.func @transform_18(%arg0: i32) -> (i32, i32) {
    %c0_i32 = arith.constant 0 : i32
    %c0_i32_0 = arith.constant 0 : i32
    %c0_i32_1 = arith.constant 0 : i32
    return %c0_i32, %c0_i32_0 : i32, i32
  }
  func.func @transform_19(%arg0: i32) -> (i32, i32) {
    %c0_i32 = arith.constant 0 : i32
    %c0_i32_0 = arith.constant 0 : i32
    %c0_i32_1 = arith.constant 0 : i32
    return %c0_i32, %c0_i32_0 : i32, i32
  }
  func.func @transform_20(%arg0: i32) -> (i32, i32) {
    %c0_i32 = arith.constant 0 : i32
    %c0_i32_0 = arith.constant 0 : i32
    %c0_i32_1 = arith.constant 0 : i32
    return %c0_i32, %c0_i32_0 : i32, i32
  }
  func.func @transform_21(%arg0: i32) -> (i32, i32) {
    %c0_i32 = arith.constant 0 : i32
    %c0_i32_0 = arith.constant 0 : i32
    %c0_i32_1 = arith.constant 0 : i32
    return %c0_i32, %c0_i32_0 : i32, i32
  }
  func.func @transform_22(%arg0: i32) -> (i32, i32) {
    %c0_i32 = arith.constant 0 : i32
    %c0_i32_0 = arith.constant 0 : i32
    %c0_i32_1 = arith.constant 0 : i32
    return %c0_i32, %c0_i32_0 : i32, i32
  }
  func.func @transform_23(%arg0: i32) -> (i32, i32) {
    %c0_i32 = arith.constant 0 : i32
    %c0_i32_0 = arith.constant 0 : i32
    %c0_i32_1 = arith.constant 0 : i32
    return %c0_i32, %c0_i32_0 : i32, i32
  }
  func.func @transform_24(%arg0: i32) -> (i32, i32) {
    %lt3A = arith.constant 10 : i32
    %lt3A_0 = arith.cmpi slt, %arg0, %lt3A : i32
    %sub3A = arith.constant 10 : i32
    %sub3A_1 = arith.subi %arg0, %sub3A : i32
    %select_n3A = arith.select %lt3A_0, %arg0, %sub3A_1 : i32
    %c0_i32 = arith.constant 0 : i32
    %c0_i32_2 = arith.constant 0 : i32
    return %select_n3A, %c0_i32 : i32, i32
  }
  func.func @transform_25(%arg0: i32) -> (i32, i32) {
    %c0_i32 = arith.constant 0 : i32
    %c0_i32_0 = arith.constant 0 : i32
    %c0_i32_1 = arith.constant 0 : i32
    return %c0_i32, %c0_i32_0 : i32, i32
  }
  func.func @transform_26(%arg0: i32) -> (i32, i32) {
    %c0_i32 = arith.constant 0 : i32
    %c0_i32_0 = arith.constant 0 : i32
    %c0_i32_1 = arith.constant 0 : i32
    return %c0_i32, %c0_i32_0 : i32, i32
  }
  func.func @transform_27(%arg0: i32) -> (i32, i32) {
    %c0_i32 = arith.constant 0 : i32
    %c0_i32_0 = arith.constant 0 : i32
    %c0_i32_1 = arith.constant 0 : i32
    return %c0_i32, %c0_i32_0 : i32, i32
  }
  func.func @transform_28(%arg0: i32) -> (i32, i32) {
    %c0_i32 = arith.constant 0 : i32
    %c0_i32_0 = arith.constant 0 : i32
    %c0_i32_1 = arith.constant 0 : i32
    return %c0_i32, %c0_i32_0 : i32, i32
  }
  func.func @transform_29(%arg0: i32) -> (i32, i32) {
    %c0_i32 = arith.constant 0 : i32
    %c0_i32_0 = arith.constant 0 : i32
    %c0_i32_1 = arith.constant 0 : i32
    return %c0_i32, %c0_i32_0 : i32, i32
  }
  func.func @transform_30(%arg0: i32) -> (i32, i32) {
    %c0_i32 = arith.constant 0 : i32
    %c0_i32_0 = arith.constant 0 : i32
    %c0_i32_1 = arith.constant 0 : i32
    return %c0_i32, %c0_i32_0 : i32, i32
  }
  func.func @transform_31(%arg0: i32) -> (i32, i32) {
    %c0_i32 = arith.constant 0 : i32
    %c0_i32_0 = arith.constant 0 : i32
    %c0_i32_1 = arith.constant 0 : i32
    return %c0_i32, %c0_i32_0 : i32, i32
  }
  func.func @transform_32(%arg0: i32) -> (i32, i32) {
    %c0_i32 = arith.constant 0 : i32
    %c0_i32_0 = arith.constant 0 : i32
    %c0_i32_1 = arith.constant 0 : i32
    return %c0_i32, %c0_i32_0 : i32, i32
  }
  func.func @transform_33(%arg0: i32) -> (i32, i32) {
    %sub3A = arith.constant 10 : i32
    %sub3A_0 = arith.subi %arg0, %sub3A : i32
    %max3A = arith.constant 0 : i32
    %max3A_1 = arith.maxsi %sub3A_0, %max3A : i32
    %c0_i32 = arith.constant 0 : i32
    %c0_i32_2 = arith.constant 0 : i32
    return %max3A_1, %c0_i32 : i32, i32
  }
}

</mosaic_0001>

<sc_bundles>
// kernel: kernel.10.cloned.1.call-start
scs
__scs_entry_jumppad:
0x0: {  	(pc) =	sbr.rel $0x88, $3  }
0x1: {  	(tag) =	ssettag $0x0;
	lr =	simm.s32 $0x1  }
0x2: {  	[smem:$0x3F71] =	sst lr;
	_ =	strace $0xD0000000  }
0x3: {  	_ = 	snop  }
0x4: {  	_ = 	snop  }
0x5: {  	_ = 	snop  }
0x6: {  	_ = 	snop  }
0x7: {  	_ = 	snop  }
__scs_overlays_trampoline_lowered:
0x8: {  	[smem:$0x3F80] =	sst s0  }
0x9: {  	[smem:$0x3F81] =	sst s1  }
0xa: {  	[smem:$0x3F82] =	sst s2  }
0xb: {  	[smem:$0x3F83] =	sst s3  }
0xc: {  	[smem:$0x3F84] =	sst s4  }
0xd: {  	[smem:$0x3F85] =	sst s5  }
0xe: {  	[smem:$0x3F86] =	sst s6  }
0xf: {  	[smem:$0x3F87] =	sst s7  }
0x10: {  	[smem:$0x3F88] =	sst s8  }
0x11: {  	[smem:$0x3F89] =	sst s9;
	s0 =	simm.s32 @!p0 $0x0  }
0x12: {  	s1 =	sld [smem:$0x3F6F];
	s0 =	simm.s32 @p0 $0x1  }
0x13: {  	[smem:$0x3F8A] =	sst s0;
	s0 =	simm.s32 @!p1 $0x0  }
0x14: {  	s2 =	sld [smem:$0x3F6E];
	s0 =	simm.s32 @p1 $0x1  }
0x15: {  	[smem:$0x3F8B] =	sst s0;
	s0 =	simm.s32 @!p2 $0x0  }
0x16: {  	s3 =	sld [smem:$0x3FDB];
	s0 =	simm.s32 @p2 $0x1  }
0x17: {  	s4 =	simm.s32 $0x1BF5;
	[smem:$0x3F8D] =	sst s0  }
0x18: {  	s0 =	sld [smem:$0x3F70];
	_ =	swait.ge [sflag:s4], $0x0  }
0x19: {  	s7 =	sld [smem:$0x3F71]  }
0x1a: {  	s8 =	sadd.s32 $0xFFFFE003, lr  }
0x1b: {  	s9 =	sadd.s32 $0xFFFFFEF7, lr;
	s5 =	simm.s32 $0xFFFFFFFF;
	p2 =	slt.u32 s8, $0xFFFFF086  }
0x1c: {  	p1 =	slt.u32 s9, $0xF7A;
	s5 =	simm.s32 @!p2 $0x0  }
0x1d: {  	s5 =	simm.s32 @p1 $0x1;
	p0 =	seq.s32 s7, s2  }
0x1e: {  	s7 =	smul.u32 @!p0 $0xF7A, s2;
	p2 =	seq.s32 @!p0 s5, $0x0  }
0x1f: {  	s9 =	smul.u32 $0xF7A, s1;
	s8 =	simm.s32 @!p0 $0x1BF5;
	p2 =	por !p2, p0  }
0x20: {  	[sflag:s8] =	ssyncset.s32 @!p0 $0xFFFFF086;
	s6 =	sadd.s32 @!p0 s3, s7;
	s7 =	simm.s32 @!p0 $0x108  }
0x21: {  	s3 =	sadd.s32 s3, s9;
	s6 =	sadd.s32 @!p0 $0x88, s6;
	s7 =	simm.s32 @p2 $0x1082  }
0x22: {  	[simem:s7], [sflag:s8] =	dma.local @!p0 [hbm:s6], $0xF7A  }
0x23: {  	s9 =	sor.u32 $0xD0000000, s2;
	s6 =	simm.s32 $0x108;
	_ =	swait.ge @!p0 [sflag:s8], $0x0  }
0x24: {  	s3 =	sadd.s32 $0x88, s3;
	s6 =	simm.s32 @!p1 $0x1082;
	[sflag:s4] =	ssyncset.s32 $0xFFFFF086  }
0x25: {  	[simem:s6], [sflag:s4] =	dma.local [hbm:s3], $0xF7A  }
0x26: {  	[smem:$0x3F71] =	sst s1;
	(tag) =	ssettag s2;
	_ =	strace s9  }
0x27: {  	s1 =	sld [smem:$0x3F81]  }
0x28: {  	s2 =	sld [smem:$0x3F82]  }
0x29: {  	s4 =	sld [smem:$0x3F84]  }
0x2a: {  	p0 =	seq.s32 s5, $0x0;
	s5 =	sld [smem:$0x3F85]  }
0x2b: {  	s6 =	sld [smem:$0x3F86]  }
0x2c: {  	s7 =	sld [smem:$0x3F87]  }
0x2d: {  	s3 =	simm.s32 $0x108;
	s8 =	sld [smem:$0x3F88]  }
0x2e: {  	s3 =	simm.s32 @!p0 $0x1082;
	s9 =	sld [smem:$0x3F89]  }
0x2f: {  	lr =	sadd.s32 s0, s3;
	s0 =	sld [smem:$0x3F80]  }
0x30: {  	s3 =	sld [smem:$0x3F83]  }
0x31: {  	[smem:$0x3F8C] =	sst s10  }
0x32: {  	s10 =	sld [smem:$0x3F8A];
	_ =	sdelay $0x3  }
0x33: {  	p0 =	seq.s32 s10, $0x1;
	s10 =	sld [smem:$0x3F8C];
	_ =	sdelay $0x3  }
0x34: {  	[smem:$0x3F8C] =	sst s10  }
0x35: {  	s10 =	sld [smem:$0x3F8B];
	_ =	sdelay $0x3  }
0x36: {  	p1 =	seq.s32 s10, $0x1;
	s10 =	sld [smem:$0x3F8C];
	_ =	sdelay $0x3  }
0x37: {  	[smem:$0x3F8C] =	sst s10  }
0x38: {  	s10 =	sld [smem:$0x3F8D]  }
0x39: {  	_ = 	snop;
	(pc) =	sbr.ind lr, $3  }
0x3a: {  	_ = 	snop  }
0x3b: {  	_ = 	snop  }
0x3c: {  	p2 =	seq.s32 s10, $0x1;
	s10 =	sld [smem:$0x3F8C]  }
0x3d: {  	_ =	shalt  }
0x3e: {  	_ =	shalt  }
0x3f: {  	_ =	shalt  }
0x40: {  	_ =	shalt  }
0x41: {  	_ =	shalt  }
0x42: {  	_ =	shalt  }
0x43: {  	_ =	shalt  }
0x44: {  	_ =	shalt  }
0x45: {  	_ =	shalt  }
0x46: {  	_ =	shalt  }
0x47: {  	_ =	shalt  }
0x48: {  	_ =	shalt  }
0x49: {  	_ =	shalt  }
0x4a: {  	_ =	shalt  }
0x4b: {  	_ =	shalt  }
0x4c: {  	_ =	shalt  }
0x4d: {  	_ =	shalt  }
0x4e: {  	_ =	shalt  }
0x4f: {  	_ =	shalt  }
0x50: {  	_ =	shalt  }
0x51: {  	_ =	shalt  }
0x52: {  	_ =	shalt  }
0x53: {  	_ =	shalt  }
0x54: {  	_ =	shalt  }
0x55: {  	_ =	shalt  }
0x56: {  	_ =	shalt  }
0x57: {  	_ =	shalt  }
0x58: {  	_ =	shalt  }
0x59: {  	_ =	shalt  }
0x5a: {  	_ =	shalt  }
0x5b: {  	_ =	shalt  }
0x5c: {  	_ =	shalt  }
0x5d: {  	_ =	shalt  }
0x5e: {  	_ =	shalt  }
0x5f: {  	_ =	shalt  }
0x60: {  	_ =	shalt  }
0x61: {  	_ =	shalt  }
0x62: {  	_ =	shalt  }
0x63: {  	_ =	shalt  }
0x64: {  	_ =	shalt  }
0x65: {  	_ =	shalt  }
0x66: {  	_ =	shalt  }
0x67: {  	_ =	shalt  }
0x68: {  	_ =	shalt  }
0x69: {  	_ =	shalt  }
0x6a: {  	_ =	shalt  }
0x6b: {  	_ =	shalt  }
0x6c: {  	_ =	shalt  }
0x6d: {  	_ =	shalt  }
0x6e: {  	_ =	shalt  }
0x6f: {  	_ =	shalt  }
0x70: {  	_ =	shalt  }
0x71: {  	_ =	shalt  }
0x72: {  	_ =	shalt  }
0x73: {  	_ =	shalt  }
0x74: {  	_ =	shalt  }
0x75: {  	_ =	shalt  }
0x76: {  	_ =	shalt  }
0x77: {  	_ =	shalt  }
0x78: {  	_ =	shalt  }
0x79: {  	_ =	shalt  }
0x7a: {  	_ =	shalt  }
0x7b: {  	_ =	shalt  }
0x7c: {  	_ =	shalt  }
0x7d: {  	_ =	shalt  }
0x7e: {  	_ =	shalt  }
0x7f: {  	_ =	shalt  }
0x80: {  	_ =	shalt  }
0x81: {  	_ =	shalt  }
0x82: {  	_ =	shalt  }
0x83: {  	_ =	shalt  }
0x84: {  	_ =	shalt  }
0x85: {  	_ =	shalt  }
0x86: {  	_ =	shalt  }
0x87: {  	_ =	shalt  }
.Lfunc_end0:
.L_simem_size_0:
called_computation_lowered:
.L_overlay_start_0:
0x88: {  	s2 =	sld [smem:$0x3FD9]  }
0x89: {  	s3 =	sld [smem:$0x3FFE];
	_ =	sdelay $0x1  }
0x8a: {  	s1 =	srdreg.scid  }
0x8b: {  	s0 =	sand.u32 $0x1, s1  }
0x8c: {  	s17 =	sshll.u32 s0, $0xA;
	s2 =	sadd.s32 s3, s2  }
0x8d: {  	s2 =	sadd.s32 s2, s17  }
0x8e: {  	[smem:$0x3F98] =	sst s2  }
0x8f: {  	_ = 	snop  }
0x90: {  	s2 =	sld [smem:$0x3FD0];
	(tm) =	ssettm $0x1  }
0x91: {  	s18 =	sld [smem:$0x3FFB];
	_ =	sdelay $0x3  }
0x92: {  	_ =	strace s18  }
0x93: {  	s3 =	sld [smem:$0x3FFC];
	_ =	sdelay $0x3  }
0x94: {  	_ =	strace s3  }
0x95: {  	s3 =	sld [smem:$0x3FFD];
	_ =	sdelay $0x3  }
0x96: {  	_ =	strace s3  }
0x97: {  	_ =	strace $0x8FFFFFFF  }
0x98: {  	s19 =	sld [smem:$0x3FDB];
	_ =	sdelay $0x1  }
0x99: {  	s4 =	simm.s32 $_scs_section_size  }
0x9a: {  	s5 =	simm.s32 $_size__tile_overlayer_lowered;
	s6 =	simm.s32 $_tile_overlayer_lowered  }
0x9b: {  	s22 =	simm.s32 $0x1BFF;
	s21 =	sshll.u32 s6, $0x1;
	s3 =	sadd.s32 s4, s19  }
0x9c: {  	s7 =	simm.s32 $0x0;
	s20 =	sshll.u32 s5, $0x1;
	s5 =	sadd.s32 s21, s3  }
0x9d: {  	[timem:s7], [sflag:s22] =	dma.local [hbm:s5], s20  }
0x9e: {  	_ =	swait.ge [sflag:s22], s20  }
0x9f: {  	s4 =	ssub.s32 $0x0, s20;
	[sflag:s22] =	ssyncset.done $0x0  }
0xa0: {  	[sflag:s22] =	ssyncadd.s32 s4;
	_ =	sdelay $0x1  }
0xa1: {  	s23 =	simm.s32 $0x1B8B  }
0xa2: {  	_ =	swait.ge [sflag:s23], $0x1  }
0xa3: {  	[sflag:s23] =	ssyncset.done $0x0  }
0xa4: {  	s25 =	simm.s32 $0x1B8E;
	s24 =	sld [smem:$0x3FFE];
	[sflag:s23] =	ssyncadd.s32 $0xFFFFFFFF  }
0xa5: {  	s26 =	simm.s32 $execute0_lowered;
	[smem:$0x3FD2] =	sst s25  }
0xa6: {  	s5 =	sshll.u32 s26, $0x1;
	_ =	strace $0x80000046;
	[dreg:$0x1] =	wrdreg $0xFFFFFFFF  }
0xa7: {  	s28 =	simm.s32 $_size_execute0_lowered;
	s3 =	sadd.s32 s3, s5;
	[dreg:$0x0] =	wrdreg $0x0  }
0xa8: {  	s5 =	sshll.u32 s28, $0x1;
	[dreg:$0x2] =	wrdreg s3  }
0xa9: {  	[dreg:$0x3] =	wrdreg s5  }
0xaa: {  	[dreg:$0x4] =	wrdreg $0xC0  }
0xab: {  	_ =	task [dreg:s7], $0x5FFFF  }
0xac: {  	[dreg:$0x1] =	wrdreg $0xFFFFFFFF  }
0xad: {  	[dreg:$0x0] =	wrdreg $0x60  }
0xae: {  	[dreg:$0x2] =	wrdreg s2  }
0xaf: {  	[dreg:$0x3] =	wrdreg s24  }
0xb0: {  	[dreg:$0x4] =	wrdreg $0x68000  }
0xb1: {  	[dreg:$0x5] =	wrdreg $0x9  }
0xb2: {  	_ =	task.clear_ibuf [dreg:s7], $0x6FFFF;
	_ =	strace $0x90000046  }
0xb3: {  	s29 =	simm.s32 $0x9;
	_ =	strace $0x80000048  }
0xb4: {  	_ =	swait.ge [sflag:s29], $0x1  }
0xb5: {  	[sflag:s29] =	ssyncadd.s32 $0xFFFFFFFF  }
0xb6: {  	_ =	strace $0x90000048  }
0xb7: {  	_ =	sfence  }
0xb8: {  	s30 =	sld [smem:$0x0];
	_ =	sdelay $0x2  }
0xb9: {  	s31 =	sshll.u32 s1, $0xD;
	s1 =	sshrl.u32 s1, $0x2  }
0xba: {  	s3 =	sand.u32 $0x4000, s31;
	s1 =	sadd.s32 s1, s30  }
0xbb: {  	s0 =	sor.u32 s3, s0;
	s1 =	sshll.u32 s1, $0x11  }
0xbc: {  	s0 =	sor.u32 s1, s0  }
0xbd: {  	s0 =	sadd.s32 $0x8F2B, s0  }
0xbe: {  	[sflag:s0] =	ssyncadd.remote.s32 $0x1  }
0xbf: {  	_ =	sfence.sel $0xFFFF  }
0xc0: {  	[dreg:$0x0] =	wrdreg $0xFFFFFFFF;
	(pc) =	sbr.abs _section_cstart, $3  }
0xc1: {  	[dreg:$0x1] =	wrdreg $0xFFFFFFFF  }
0xc2: {  	_ =	task.clear_ibuf [dreg:s7], $0x2FFFF;
	_ =	strace $0x9FFFFFFF  }
0xc3: {  	(tm) =	ssettm $0x7FFFFFFF  }
tec
execute0_lowered:
.L_overlay_start_1:
0x0: {  	(tag) =	ssettag $0x1  }
0x1: {  	s6 =	rddreg [dreg:$0x0]  }
0x2: {  	s4 =	rddreg [dreg:$0x1];
	s0 =	stileid.u32  }
0x3: {  	s1 =	srdreg.scid;
	s2 =	rddreg [dreg:$0x2];
	s3 =	simm.s32 $0x0  }
0x4: {  	s14 =	smul.u32 $0x2800, s0;
	s7 =	sand.u32 $0x1, s1;
	s1 =	rddreg [dreg:$0x3]  }
0x5: {  	[smem:$0x7FF] =	sst s3;
	s8 =	smul.u32 $0x50000, s0;
	s29 =	sshll.u32 s0, $0x6  }
0x6: {  	s31 =	sshll.u32 s0, $0xB;
	s13 =	sadd.s32 $0x12C000, s2;
	p0 =	seq.s32 s0, $0xF  }
0x7: {  	s5 =	smul.u32 $0x27100, s7;
	_ =	strace $0x80000047;
	s10 =	ssub.s32 $0x2, s7  }
0x8: {  	s7 =	sshll.u32 s7, $0xF;
	s13 =	sshrl.u32 @p0 s13, $0x3;
	s9 =	sadd.s32 s14, s4  }
0x9: {  	s25 =	sshrl.u32 s10, $0x1;
	s26 =	sshrl.u32 s8, $0x2;
	s30 =	sadd.s32 s6, s7  }
0xa: {  	s8 =	simm.s32 $0x1;
	s11 =	sadd.s32 s5, s4;
	s28 =	ssub.s32 s10, s25  }
0xb: {  	s15 =	sadd.s32 s26, s2;
	s4 =	sadd.s32 $0x7A00, s9;
	s5 =	sor.u32 $0x1C01, s29  }
0xc: {  	s9 =	sadd.s32 s31, s30;
	s10 =	simm.s32 $0x50;
	s16 =	sadd.s32 $0x2FA00, s11  }
0xd: {  	s6 =	smax.u32 s28, $0x1;
	s7 =	sshrl.u32 s15, $0x3;
	s11 =	simm.s32 $0x4000  }
0xe: {  	v0 =	vimm.f32 $1.000000000e+00;
	s15 =	sshrl.u32 @!p0 s15, $0x3;
	s12 =	sadd.s32 @p0 $0x25800, s16;
	s14 =	sadd.s32 @!p0 s14, s16  }
.LBB2_1:
0xf: {  	s16 =	simm.s32 $0x200;
	s17 =	simm.s32 $0x0  }
.LBB2_2:
0x10: {  	p1 =	sne.s32 s16, $0x9E00;
	[tilespmem:s17+$0x4000] =	vst v0;
	s17 =	smov.u32 s16;
	s16 =	sadd.s32 $0x200, s16  }
.Ltmp0:
0x11: {  	(pc) =	sbr.rel @p1 .LBB2_2-.Ltmp0, $2  }
0x12: {  	_ =	sdelay $0x2  }
0x13: {  	s17 =	sshra.s32 s17, $0x2  }
0x14: {  	[tilespmem:s17+$0x4000] =	vst v0  }
0x15: {  	[spmem:s7], [sflag:s5] =	dma.local [hbm:s4], $0x2800  }
0x16: {  	_ =	swait.ge [sflag:s8], $0x2800  }
0x17: {  	[sflag:s8] =	ssyncset.done $0x0  }
0x18: {  	s16 =	simm.s32 $0x0;
	[sflag:s8] =	ssyncadd.s32 $0xFFFFD800  }
0x19: {  	[tilespmem:s16], [sflag:$0x1] =	stream.linear.gather [hbm4b:s9+s16], $0x3E80, $0x38;
	[tilespmem:$0x9000] =	vst v63  }
0x1a: {  	_ =	swait.ge [sflag:s8], $0x3E80  }
0x1b: {  	[sflag:s8] =	ssyncset.done $0x0  }
0x1c: {  	[sflag:s8] =	ssyncadd.s32 $0xFFFFC180  }
0x1d: {  	s31 =	simm.s32 $0x0;
	[bflag:$0x0] =	sbarrier.arrive $0xFFFF  }
0x1e: {  	[spmem:s2] =	stream.indirect.scatter.add.f32 [tilespmem:s11], [sflag:$0x1], $0x10, s31, s10, $0xb8;
	[tilespmem:$0x9000] =	vst v63  }
0x1f: {  	_ =	swait.ge [sflag:s8], $0x500  }
0x20: {  	s16 =	simm.s32 $0x200;
	[sflag:s8] =	ssyncset.done $0x0  }
.LBB2_4:
0x21: {  	s17 =	sshra.s32 s16, $0x2;
	[sflag:s8] =	ssyncadd.s32 $0xFFFFFB00;
	p1 =	sne.s32 s16, $0xF800  }
0x22: {  	[spmem:s2] =	stream.indirect.scatter.add.f32 [tilespmem:s11], [sflag:$0x1], $0x10, s17, s10, $0xb8;
	[tilespmem:$0x9000] =	vst v63  }
.Ltmp1:
0x23: {  	_ = 	snop;
	(pc) =	sbr.rel @p1 .LBB2_4-.Ltmp1, $4  }
0x24: {  	_ = 	snop  }
0x25: {  	s16 =	sadd.s32 $0x200, s16  }
0x26: {  	_ =	swait.ge [sflag:s8], $0x500  }
0x27: {  	[sflag:s8] =	ssyncset.done $0x0  }
0x28: {  	[sflag:s8] =	ssyncadd.s32 $0xFFFFFB00  }
0x29: {  	s16 =	simm.s32 @p0 $0x1;
	[bflag:$0x0] =	sbarrier.arrive $0xFFFF  }
0x2a: {  	[hbm:s12], [sflag:s5] =	dma.local @p0 [spmem:s13], $0x1900  }
0x2b: {  	s3 =	sadd.s32 $0x1, s3;
	_ =	swait.ge @p0 [sflag:s16], $0x1900  }
0x2c: {  	p1 =	sne.s32 s3, s6;
	[sflag:s16] =	ssyncset.done @p0 $0x0  }
.Ltmp2:
0x2d: {  	[sflag:s16] =	ssyncadd.s32 @p0 $0xFFFFE700;
	s16 =	simm.s32 @!p0 $0x1;
	(pc) =	sbr.rel @p1 .LBB2_1-.Ltmp2, $4  }
0x2e: {  	[hbm:s14], [sflag:s5] =	dma.local @!p0 [spmem:s15], $0x2800  }
0x2f: {  	_ =	swait.ge @!p0 [sflag:s16], $0x2800  }
0x30: {  	[sflag:s16] =	ssyncset.done @!p0 $0x0  }
0x31: {  	[sflag:s16] =	ssyncadd.s32 @!p0 $0xFFFFD800  }
0x32: {  	_ =	sfence.sel $0x180000  }
0x33: {  	[bflag:$0x0] =	sbarrier.arrive $0xFFFF  }
0x34: {  	p0 =	sne.s32 s0, $0x0;
	_ =	strace $0x90000047  }
0x35: {  	s0 =	sadd.s32 @!p0 $0x100000, s1;
	[bflag:$0x2] =	sbarrier.arrive $0xFFFF  }
0x36: {  	[sflag:s0] =	ssyncadd.tile.s32 @!p0 $0x1;
	_ =	shalt  }
.Lfunc_end2:
_tile_overlayer_lowered:
.L_overlay_start_2:
0x37: {  	(tag) =	ssettag $0x2  }
0x38: {  	s0 =	rddreg [dreg:$0x0];
	s2 =	stileid.u32  }
0x39: {  	s1 =	rddreg [dreg:$0x1];
	p0 =	sne.s32 s2, $0x0  }
0x3a: {  	s3 =	rddreg [dreg:$0x2];
	[bflag:$0x3] =	sbarrier.arrive $0xFFFF;
	s2 =	simm.s32 @!p0 $0x1C01  }
0x3b: {  	[timem:s3], [sflag:s2] =	dma.local @!p0 [hbm:s0], s1  }
0x3c: {  	s0 =	simm.s32 @!p0 $0x1  }
0x3d: {  	_ =	swait.ge @!p0 [sflag:s0], s1  }
0x3e: {  	s1 =	ssub.s32 @!p0 $0x0, s1;
	[sflag:s0] =	ssyncset.done @!p0 $0x0  }
0x3f: {  	[sflag:s0] =	ssyncadd.s32 @!p0 s1  }
0x40: {  	[bflag:$0x3] =	sbarrier.arrive $0xFFFF  }
0x41: {  	_ =	shalt  }

// kernel: kernel.13.cloned.1.call-start
scs
__scs_entry_jumppad:
0x0: {  	(pc) =	sbr.rel $0x88, $3  }
0x1: {  	(tag) =	ssettag $0x0;
	lr =	simm.s32 $0x1  }
0x2: {  	[smem:$0x3F71] =	sst lr;
	_ =	strace $0xD0000000  }
0x3: {  	_ = 	snop  }
0x4: {  	_ = 	snop  }
0x5: {  	_ = 	snop  }
0x6: {  	_ = 	snop  }
0x7: {  	_ = 	snop  }
__scs_overlays_trampoline_lowered:
0x8: {  	[smem:$0x3F80] =	sst s0  }
0x9: {  	[smem:$0x3F81] =	sst s1  }
0xa: {  	[smem:$0x3F82] =	sst s2  }
0xb: {  	[smem:$0x3F83] =	sst s3  }
0xc: {  	[smem:$0x3F84] =	sst s4  }
0xd: {  	[smem:$0x3F85] =	sst s5  }
0xe: {  	[smem:$0x3F86] =	sst s6  }
0xf: {  	[smem:$0x3F87] =	sst s7  }
0x10: {  	[smem:$0x3F88] =	sst s8  }
0x11: {  	[smem:$0x3F89] =	sst s9;
	s0 =	simm.s32 @!p0 $0x0  }
0x12: {  	s1 =	sld [smem:$0x3F6F];
	s0 =	simm.s32 @p0 $0x1  }
0x13: {  	[smem:$0x3F8A] =	sst s0;
	s0 =	simm.s32 @!p1 $0x0  }
0x14: {  	s2 =	sld [smem:$0x3F6E];
	s0 =	simm.s32 @p1 $0x1  }
0x15: {  	[smem:$0x3F8B] =	sst s0;
	s0 =	simm.s32 @!p2 $0x0  }
0x16: {  	s3 =	sld [smem:$0x3FDB];
	s0 =	simm.s32 @p2 $0x1  }
0x17: {  	s4 =	simm.s32 $0x1BF5;
	[smem:$0x3F8D] =	sst s0  }
0x18: {  	s0 =	sld [smem:$0x3F70];
	_ =	swait.ge [sflag:s4], $0x0  }
0x19: {  	s7 =	sld [smem:$0x3F71]  }
0x1a: {  	s8 =	sadd.s32 $0xFFFFE003, lr  }
0x1b: {  	s9 =	sadd.s32 $0xFFFFFEF7, lr;
	s5 =	simm.s32 $0xFFFFFFFF;
	p2 =	slt.u32 s8, $0xFFFFF086  }
0x1c: {  	p1 =	slt.u32 s9, $0xF7A;
	s5 =	simm.s32 @!p2 $0x0  }
0x1d: {  	s5 =	simm.s32 @p1 $0x1;
	p0 =	seq.s32 s7, s2  }
0x1e: {  	s7 =	smul.u32 @!p0 $0xF7A, s2;
	p2 =	seq.s32 @!p0 s5, $0x0  }
0x1f: {  	s9 =	smul.u32 $0xF7A, s1;
	s8 =	simm.s32 @!p0 $0x1BF5;
	p2 =	por !p2, p0  }
0x20: {  	[sflag:s8] =	ssyncset.s32 @!p0 $0xFFFFF086;
	s6 =	sadd.s32 @!p0 s3, s7;
	s7 =	simm.s32 @!p0 $0x108  }
0x21: {  	s3 =	sadd.s32 s3, s9;
	s6 =	sadd.s32 @!p0 $0x88, s6;
	s7 =	simm.s32 @p2 $0x1082  }
0x22: {  	[simem:s7], [sflag:s8] =	dma.local @!p0 [hbm:s6], $0xF7A  }
0x23: {  	s9 =	sor.u32 $0xD0000000, s2;
	s6 =	simm.s32 $0x108;
	_ =	swait.ge @!p0 [sflag:s8], $0x0  }
0x24: {  	s3 =	sadd.s32 $0x88, s3;
	s6 =	simm.s32 @!p1 $0x1082;
	[sflag:s4] =	ssyncset.s32 $0xFFFFF086  }
0x25: {  	[simem:s6], [sflag:s4] =	dma.local [hbm:s3], $0xF7A  }
0x26: {  	[smem:$0x3F71] =	sst s1;
	(tag) =	ssettag s2;
	_ =	strace s9  }
0x27: {  	s1 =	sld [smem:$0x3F81]  }
0x28: {  	s2 =	sld [smem:$0x3F82]  }
0x29: {  	s4 =	sld [smem:$0x3F84]  }
0x2a: {  	p0 =	seq.s32 s5, $0x0;
	s5 =	sld [smem:$0x3F85]  }
0x2b: {  	s6 =	sld [smem:$0x3F86]  }
0x2c: {  	s7 =	sld [smem:$0x3F87]  }
0x2d: {  	s3 =	simm.s32 $0x108;
	s8 =	sld [smem:$0x3F88]  }
0x2e: {  	s3 =	simm.s32 @!p0 $0x1082;
	s9 =	sld [smem:$0x3F89]  }
0x2f: {  	lr =	sadd.s32 s0, s3;
	s0 =	sld [smem:$0x3F80]  }
0x30: {  	s3 =	sld [smem:$0x3F83]  }
0x31: {  	[smem:$0x3F8C] =	sst s10  }
0x32: {  	s10 =	sld [smem:$0x3F8A];
	_ =	sdelay $0x3  }
0x33: {  	p0 =	seq.s32 s10, $0x1;
	s10 =	sld [smem:$0x3F8C];
	_ =	sdelay $0x3  }
0x34: {  	[smem:$0x3F8C] =	sst s10  }
0x35: {  	s10 =	sld [smem:$0x3F8B];
	_ =	sdelay $0x3  }
0x36: {  	p1 =	seq.s32 s10, $0x1;
	s10 =	sld [smem:$0x3F8C];
	_ =	sdelay $0x3  }
0x37: {  	[smem:$0x3F8C] =	sst s10  }
0x38: {  	s10 =	sld [smem:$0x3F8D]  }
0x39: {  	_ = 	snop;
	(pc) =	sbr.ind lr, $3  }
0x3a: {  	_ = 	snop  }
0x3b: {  	_ = 	snop  }
0x3c: {  	p2 =	seq.s32 s10, $0x1;
	s10 =	sld [smem:$0x3F8C]  }
0x3d: {  	_ =	shalt  }
0x3e: {  	_ =	shalt  }
0x3f: {  	_ =	shalt  }
0x40: {  	_ =	shalt  }
0x41: {  	_ =	shalt  }
0x42: {  	_ =	shalt  }
0x43: {  	_ =	shalt  }
0x44: {  	_ =	shalt  }
0x45: {  	_ =	shalt  }
0x46: {  	_ =	shalt  }
0x47: {  	_ =	shalt  }
0x48: {  	_ =	shalt  }
0x49: {  	_ =	shalt  }
0x4a: {  	_ =	shalt  }
0x4b: {  	_ =	shalt  }
0x4c: {  	_ =	shalt  }
0x4d: {  	_ =	shalt  }
0x4e: {  	_ =	shalt  }
0x4f: {  	_ =	shalt  }
0x50: {  	_ =	shalt  }
0x51: {  	_ =	shalt  }
0x52: {  	_ =	shalt  }
0x53: {  	_ =	shalt  }
0x54: {  	_ =	shalt  }
0x55: {  	_ =	shalt  }
0x56: {  	_ =	shalt  }
0x57: {  	_ =	shalt  }
0x58: {  	_ =	shalt  }
0x59: {  	_ =	shalt  }
0x5a: {  	_ =	shalt  }
0x5b: {  	_ =	shalt  }
0x5c: {  	_ =	shalt  }
0x5d: {  	_ =	shalt  }
0x5e: {  	_ =	shalt  }
0x5f: {  	_ =	shalt  }
0x60: {  	_ =	shalt  }
0x61: {  	_ =	shalt  }
0x62: {  	_ =	shalt  }
0x63: {  	_ =	shalt  }
0x64: {  	_ =	shalt  }
0x65: {  	_ =	shalt  }
0x66: {  	_ =	shalt  }
0x67: {  	_ =	shalt  }
0x68: {  	_ =	shalt  }
0x69: {  	_ =	shalt  }
0x6a: {  	_ =	shalt  }
0x6b: {  	_ =	shalt  }
0x6c: {  	_ =	shalt  }
0x6d: {  	_ =	shalt  }
0x6e: {  	_ =	shalt  }
0x6f: {  	_ =	shalt  }
0x70: {  	_ =	shalt  }
0x71: {  	_ =	shalt  }
0x72: {  	_ =	shalt  }
0x73: {  	_ =	shalt  }
0x74: {  	_ =	shalt  }
0x75: {  	_ =	shalt  }
0x76: {  	_ =	shalt  }
0x77: {  	_ =	shalt  }
0x78: {  	_ =	shalt  }
0x79: {  	_ =	shalt  }
0x7a: {  	_ =	shalt  }
0x7b: {  	_ =	shalt  }
0x7c: {  	_ =	shalt  }
0x7d: {  	_ =	shalt  }
0x7e: {  	_ =	shalt  }
0x7f: {  	_ =	shalt  }
0x80: {  	_ =	shalt  }
0x81: {  	_ =	shalt  }
0x82: {  	_ =	shalt  }
0x83: {  	_ =	shalt  }
0x84: {  	_ =	shalt  }
0x85: {  	_ =	shalt  }
0x86: {  	_ =	shalt  }
0x87: {  	_ =	shalt  }
.Lfunc_end0:
.L_simem_size_0:
called_computation.1_lowered:
.L_overlay_start_0:
0x88: {  	s2 =	sld [smem:$0x3FD9]  }
0x89: {  	s3 =	sld [smem:$0x3FFE];
	_ =	sdelay $0x1  }
0x8a: {  	s1 =	srdreg.scid  }
0x8b: {  	s0 =	sand.u32 $0x1, s1  }
0x8c: {  	s17 =	sshll.u32 s0, $0xA;
	s2 =	sadd.s32 s3, s2  }
0x8d: {  	s2 =	sadd.s32 s2, s17  }
0x8e: {  	[smem:$0x3F98] =	sst s2  }
0x8f: {  	_ = 	snop  }
0x90: {  	(tm) =	ssettm $0x1  }
0x91: {  	s18 =	sld [smem:$0x3FFB];
	_ =	sdelay $0x3  }
0x92: {  	_ =	strace s18  }
0x93: {  	s2 =	sld [smem:$0x3FFC];
	_ =	sdelay $0x3  }
0x94: {  	_ =	strace s2  }
0x95: {  	s2 =	sld [smem:$0x3FFD];
	_ =	sdelay $0x3  }
0x96: {  	_ =	strace s2  }
0x97: {  	_ =	strace $0x8FFFFFFF  }
0x98: {  	s19 =	sld [smem:$0x3FDB];
	_ =	sdelay $0x1  }
0x99: {  	s20 =	simm.s32 $_scs_section_size  }
0x9a: {  	s4 =	simm.s32 $_size__tile_overlayer_lowered;
	s5 =	simm.s32 $_tile_overlayer_lowered  }
0x9b: {  	s6 =	simm.s32 $0x1BFF;
	s21 =	sshll.u32 s5, $0x1;
	s3 =	sadd.s32 s20, s19  }
0x9c: {  	s22 =	simm.s32 $0x0;
	s4 =	sshll.u32 s4, $0x1;
	s5 =	sadd.s32 s21, s3  }
0x9d: {  	[timem:s22], [sflag:s6] =	dma.local [hbm:s5], s4  }
0x9e: {  	_ =	swait.ge [sflag:s6], s4  }
0x9f: {  	s4 =	ssub.s32 $0x0, s4;
	[sflag:s6] =	ssyncset.done $0x0  }
0xa0: {  	[sflag:s6] =	ssyncadd.s32 s4;
	_ =	sdelay $0x1  }
0xa1: {  	s23 =	simm.s32 $0x1B8B  }
0xa2: {  	_ =	swait.ge [sflag:s23], $0x1  }
0xa3: {  	[sflag:s23] =	ssyncset.done $0x0  }
0xa4: {  	[sflag:s23] =	ssyncadd.s32 $0xFFFFFFFF  }
0xa5: {  	s4 =	sld [smem:$0x0]  }
0xa6: {  	s5 =	sand.u32 $0xFFFFFFFE, s1  }
0xa7: {  	p0 =	sne.s32 s1, s5  }
0xa8: {  	s5 =	sshll.u32 @p0 s5, $0xE  }
0xa9: {  	s5 =	sadd.s32 @p0 $0x11B8D, s5;
	s6 =	sshll.u32 @p0 s4, $0x11  }
0xaa: {  	s5 =	sor.u32 @p0 s6, s5  }
0xab: {  	[sflag:s5] =	ssyncadd.remote.s32 @p0 $0x1;
	_ =	sdelay $0x1  }
0xac: {  	s5 =	simm.s32 @p0 $0x1B8D  }
0xad: {  	_ =	swait.eq @p0 [sflag:s5], $0x1  }
0xae: {  	[sflag:s5] =	ssyncadd.s32 @p0 $0xFFFFFFFF  }
0xaf: {  	s6 =	sshll.u32 @!p0 s1, $0xE  }
0xb0: {  	s6 =	sor.u32 @!p0 $0x4000, s6;
	s5 =	simm.s32 @!p0 $0x1B8D  }
0xb1: {  	s4 =	sshll.u32 @!p0 s4, $0x11;
	s6 =	sadd.s32 @!p0 $0x11B8D, s6;
	_ =	swait.eq @!p0 [sflag:s5], $0x1  }
0xb2: {  	s4 =	sor.u32 @!p0 s4, s6;
	[sflag:s5] =	ssyncadd.s32 @!p0 $0xFFFFFFFF  }
0xb3: {  	s25 =	simm.s32 $0x1B8E;
	s24 =	sld [smem:$0x3FFE];
	[sflag:s4] =	ssyncadd.remote.s32 @!p0 $0x1  }
0xb4: {  	s26 =	simm.s32 $execute0_lowered;
	[smem:$0x3FD2] =	sst s25  }
0xb5: {  	s5 =	sshll.u32 s26, $0x1;
	_ =	strace $0x8000004C;
	[dreg:$0x1] =	wrdreg $0xFFFFFFFF  }
0xb6: {  	s28 =	simm.s32 $_size_execute0_lowered;
	s3 =	sadd.s32 s3, s5;
	[dreg:$0x0] =	wrdreg $0x0  }
0xb7: {  	s5 =	sshll.u32 s28, $0x1;
	[dreg:$0x2] =	wrdreg s3  }
0xb8: {  	[dreg:$0x3] =	wrdreg s5  }
0xb9: {  	[dreg:$0x4] =	wrdreg $0xC0  }
0xba: {  	_ =	task [dreg:s22], $0x5FFFF  }
0xbb: {  	[dreg:$0x1] =	wrdreg $0xFFFFFFFF  }
0xbc: {  	[dreg:$0x0] =	wrdreg $0x60  }
0xbd: {  	[dreg:$0x2] =	wrdreg s24  }
0xbe: {  	[dreg:$0x3] =	wrdreg $0xB7800  }
0xbf: {  	[dreg:$0x4] =	wrdreg $0xA  }
0xc0: {  	_ =	task.clear_ibuf [dreg:s22], $0x5FFFF;
	_ =	strace $0x9000004C  }
0xc1: {  	s29 =	simm.s32 $0xA;
	_ =	strace $0x8000004E  }
0xc2: {  	_ =	swait.ge [sflag:s29], $0x1  }
0xc3: {  	[sflag:s29] =	ssyncadd.s32 $0xFFFFFFFF  }
0xc4: {  	_ =	strace $0x9000004E  }
0xc5: {  	_ =	sfence  }
0xc6: {  	s30 =	sld [smem:$0x0];
	_ =	sdelay $0x2  }
0xc7: {  	s31 =	sshll.u32 s1, $0xD;
	s1 =	sshrl.u32 s1, $0x2  }
0xc8: {  	s4 =	sand.u32 $0x4000, s31;
	s1 =	sadd.s32 s1, s30  }
0xc9: {  	s0 =	sor.u32 s4, s0;
	s1 =	sshll.u32 s1, $0x11  }
0xca: {  	s0 =	sor.u32 s1, s0  }
0xcb: {  	s0 =	sadd.s32 $0x8F2B, s0  }
0xcc: {  	[sflag:s0] =	ssyncadd.remote.s32 $0x1  }
0xcd: {  	_ =	sfence.sel $0xFFFF  }
0xce: {  	[dreg:$0x0] =	wrdreg $0xFFFFFFFF;
	(pc) =	sbr.abs _section_cstart, $3  }
0xcf: {  	[dreg:$0x1] =	wrdreg $0xFFFFFFFF  }
0xd0: {  	_ =	task.clear_ibuf [dreg:s22], $0x2FFFF;
	_ =	strace $0x9FFFFFFF  }
0xd1: {  	(tm) =	ssettm $0x7FFFFFFF  }
tec
execute0_lowered:
.L_overlay_start_1:
0x0: {  	(tag) =	ssettag $0x1  }
0x1: {  	s4 =	rddreg [dreg:$0x0]  }
0x2: {  	s2 =	rddreg [dreg:$0x1]  }
0x3: {  	s1 =	stileid.u32;
	s0 =	rddreg [dreg:$0x2];
	s3 =	simm.s32 $0x0  }
0x4: {  	s7 =	srdreg.scid;
	s13 =	simm.s32 $0x80;
	s14 =	simm.s32 $0x400  }
0x5: {  	s15 =	simm.s32 $0x2780;
	s16 =	simm.s32 $0x50;
	s17 =	simm.s32 $0x6780  }
0x6: {  	s18 =	simm.s32 $0x8F80;
	s19 =	simm.s32 $0x1;
	s20 =	simm.s32 $0x2  }
0x7: {  	s21 =	simm.s32 $0x6580;
	s5 =	sshrl.u32 s1, $0x3;
	s6 =	sshll.u32 s1, $0x7  }
0x8: {  	[smem:$0x7FF] =	sst s3;
	s24 =	smul.u32 $0x2800, s1;
	s25 =	sand.u32 $0x1, s7  }
0x9: {  	s26 =	sshll.u32 s1, $0xB;
	s9 =	smul.u32 $0x50000, s1;
	s31 =	sshll.u32 s1, $0x6  }
0xa: {  	s23 =	sadd.s32 $0x12C000, s2;
	p0 =	seq.s32 s1, $0xF;
	s5 =	smul.u32 $0x13C00, s5  }
0xb: {  	s6 =	sand.u32 $0x380, s6;
	_ =	strace $0x8000004D;
	s7 =	smul.u32 $0x27100, s25  }
0xc: {  	s10 =	sadd.s32 s26, s4;
	s23 =	sshrl.u32 @p0 s23, $0x3;
	s28 =	sadd.s32 s24, s4  }
0xd: {  	s30 =	sshrl.u32 s9, $0x2;
	s5 =	sor.u32 s6, s5;
	s6 =	ssub.s32 $0x2, s25  }
0xe: {  	s11 =	sadd.s32 s7, s4;
	s5 =	sshrl.u32 s5, $0x3;
	s29 =	sshrl.u32 s6, $0x1  }
0xf: {  	s9 =	sadd.s32 $0x8AC00, s11;
	s25 =	sadd.s32 $0x15C000, s11;
	s8 =	sadd.s32 s5, s4  }
0x10: {  	s12 =	ssub.s32 s6, s29;
	s4 =	sadd.s32 s30, s2;
	s5 =	sadd.s32 $0xD8E00, s28  }
0x11: {  	s6 =	sor.u32 $0x1C03, s31;
	s22 =	sadd.s32 @p0 $0x25800, s25;
	s24 =	sadd.s32 @!p0 s24, s25  }
0x12: {  	s25 =	simm.s32 $0x0;
	s7 =	sadd.s32 $0x157000, s8;
	s8 =	sadd.s32 $0x14F000, s10  }
0x13: {  	s10 =	smax.u32 s12, $0x1;
	s11 =	sshrl.u32 s4, $0x3;
	s12 =	simm.s32 $0x3  }
.LBB2_1:
0x14: {  	[spmem:s11], [sflag:s6] =	dma.local [hbm:s5], $0x2800  }
0x15: {  	_ =	swait.ge [sflag:s12], $0x2800  }
0x16: {  	[sflag:s12] =	ssyncset.done $0x0  }
0x17: {  	[sflag:s12] =	ssyncadd.s32 $0xFFFFD800  }
0x18: {  	[tilespmem:s3], [sflag:$0x3] =	stream.strided.gather [hbm4b:s7+s13], $0x2780, s14, s13, $0x38;
	[tilespmem:$0x1F780] =	vst v63  }
0x19: {  	_ =	swait.ge [sflag:s12], $0x2780  }
0x1a: {  	[sflag:s12] =	ssyncset.done $0x0  }
0x1b: {  	[sflag:s12] =	ssyncadd.s32 $0xFFFFD880  }
0x1c: {  	[tilespmem:s15], [sflag:$0x3] =	stream.linear.gather [hbm4b:s8+s3], $0x3E80, $0x38;
	[tilespmem:$0x1F780] =	vst v63  }
0x1d: {  	_ =	swait.ge [sflag:s12], $0x3E80  }
0x1e: {  	[sflag:s12] =	ssyncset.done $0x0  }
0x1f: {  	[sflag:s12] =	ssyncadd.s32 $0xFFFFC180  }
0x20: {  	[bflag:$0x0] =	sbarrier.arrive $0xFFFF  }
0x21: {  	[tilespmem:s17], [sflag:$0x1] =	stream.indirect.gather [hbm4b:s9+s16], $0x80, s3, s16, $0xb8;
	[tilespmem:$0x1F780] =	vst v63  }
0x22: {  	s26 =	simm.s32 $0x50  }
0x23: {  	[tilespmem:s18], [sflag:$0x2] =	stream.indirect.gather [hbm4b:s9+s16], $0x80, s26, s16, $0xb8;
	[tilespmem:$0x1F780] =	vst v63  }
0x24: {  	_ =	swait.ge [sflag:s19], $0x2800  }
0x25: {  	[sflag:s19] =	ssyncset.done $0x0  }
0x26: {  	s31 =	simm.s32 $0x2780;
	[sflag:s19] =	ssyncadd.s32 $0xFFFFD800  }
0x27: {  	[spmem:s2] =	stream.indirect.scatter.add.f32 [tilespmem:s17], [sflag:$0x3], $0x80, s31, s16, $0xb8;
	[tilespmem:$0x1F780] =	vst v63  }
0x28: {  	_ =	swait.ge [sflag:s12], $0x2800  }
0x29: {  	[sflag:s12] =	ssyncset.done $0x0  }
0x2a: {  	s30 =	simm.s32 $0xA0;
	[sflag:s12] =	ssyncadd.s32 $0xFFFFD800  }
0x2b: {  	[tilespmem:s17], [sflag:$0x1] =	stream.indirect.gather [hbm4b:s9+s16], $0x80, s30, s16, $0xb8;
	[tilespmem:$0x1F780] =	vst v63  }
0x2c: {  	_ =	swait.ge [sflag:s20], $0x2800  }
0x2d: {  	[sflag:s20] =	ssyncset.done $0x0  }
0x2e: {  	s31 =	simm.s32 $0x2800;
	[sflag:s20] =	ssyncadd.s32 $0xFFFFD800  }
0x2f: {  	[spmem:s2] =	stream.indirect.scatter.add.f32 [tilespmem:s18], [sflag:$0x3], $0x80, s31, s16, $0xb8;
	[tilespmem:$0x1F780] =	vst v63  }
0x30: {  	s28 =	simm.s32 $0x400;
	_ =	swait.ge [sflag:s12], $0x2800  }
0x31: {  	s29 =	simm.s32 $0x800;
	s26 =	simm.s32 $0x140;
	[sflag:s12] =	ssyncset.done $0x0  }
.LBB2_2:
0x32: {  	p1 =	sne.s32 s29, $0xF400;
	s30 =	sadd.s32 $0xFFFFFFB0, s26;
	[sflag:s12] =	ssyncadd.s32 $0xFFFFD800  }
0x33: {  	[tilespmem:s18], [sflag:$0x2] =	stream.indirect.gather [hbm4b:s9+s16], $0x80, s30, s16, $0xb8;
	[tilespmem:$0x1F780] =	vst v63  }
0x34: {  	s30 =	smov.u32 s29;
	s29 =	sadd.s32 $0x400, s29;
	_ =	swait.ge [sflag:s19], $0x2800  }
0x35: {  	s31 =	sshra.s32 s28, $0x2;
	s28 =	smov.u32 s30;
	[sflag:s19] =	ssyncset.done $0x0  }
0x36: {  	s30 =	sadd.s32 $0x2780, s31;
	[sflag:s19] =	ssyncadd.s32 $0xFFFFD800  }
0x37: {  	[spmem:s2] =	stream.indirect.scatter.add.f32 [tilespmem:s17], [sflag:$0x3], $0x80, s30, s16, $0xb8;
	[tilespmem:$0x1F780] =	vst v63  }
0x38: {  	_ =	swait.ge [sflag:s12], $0x2800  }
0x39: {  	[sflag:s12] =	ssyncset.done $0x0  }
0x3a: {  	[sflag:s12] =	ssyncadd.s32 $0xFFFFD800  }
0x3b: {  	[tilespmem:s17], [sflag:$0x1] =	stream.indirect.gather [hbm4b:s9+s16], $0x80, s26, s16, $0xb8;
	[tilespmem:$0x1F780] =	vst v63  }
0x3c: {  	_ =	swait.ge [sflag:s20], $0x2800  }
.Ltmp0:
0x3d: {  	[sflag:s20] =	ssyncset.done $0x0;
	(pc) =	sbr.rel @p1 .LBB2_2-.Ltmp0, $4  }
0x3e: {  	s30 =	sadd.s32 $0x2800, s31;
	[sflag:s20] =	ssyncadd.s32 $0xFFFFD800  }
0x3f: {  	[spmem:s2] =	stream.indirect.scatter.add.f32 [tilespmem:s18], [sflag:$0x3], $0x80, s30, s16, $0xb8;
	[tilespmem:$0x1F780] =	vst v63  }
0x40: {  	_ =	swait.ge [sflag:s12], $0x2800  }
0x41: {  	s26 =	sadd.s32 $0xA0, s26;
	[sflag:s12] =	ssyncset.done $0x0  }
0x42: {  	s29 =	sadd.s32 $0xFFFFFFB0, s26;
	[sflag:s12] =	ssyncadd.s32 $0xFFFFD800  }
0x43: {  	[tilespmem:s18], [sflag:$0x2] =	stream.indirect.gather [hbm4b:s9+s16], $0x80, s29, s16, $0xb8;
	[tilespmem:$0x1F780] =	vst v63  }
0x44: {  	_ =	swait.ge [sflag:s19], $0x2800  }
0x45: {  	s28 =	sshra.s32 s28, $0x2;
	[sflag:s19] =	ssyncset.done $0x0  }
0x46: {  	s30 =	sadd.s32 $0x2780, s28;
	[sflag:s19] =	ssyncadd.s32 $0xFFFFD800  }
0x47: {  	[spmem:s2] =	stream.indirect.scatter.add.f32 [tilespmem:s17], [sflag:$0x3], $0x80, s30, s16, $0xb8;
	[tilespmem:$0x1F780] =	vst v63  }
0x48: {  	_ =	swait.ge [sflag:s12], $0x2800  }
0x49: {  	[sflag:s12] =	ssyncset.done $0x0  }
0x4a: {  	[sflag:s12] =	ssyncadd.s32 $0xFFFFD800  }
0x4b: {  	[tilespmem:s17], [sflag:$0x1] =	stream.indirect.gather [hbm4b:s9+s16], $0x80, s26, s16, $0xb8;
	[tilespmem:$0x1F780] =	vst v63  }
0x4c: {  	_ =	swait.ge [sflag:s20], $0x2800  }
0x4d: {  	[sflag:s20] =	ssyncset.done $0x0  }
0x4e: {  	s31 =	sadd.s32 $0x2800, s28;
	[sflag:s20] =	ssyncadd.s32 $0xFFFFD800  }
0x4f: {  	[spmem:s2] =	stream.indirect.scatter.add.f32 [tilespmem:s18], [sflag:$0x3], $0x80, s31, s16, $0xb8;
	[tilespmem:$0x1F780] =	vst v63  }
0x50: {  	_ =	swait.ge [sflag:s12], $0x2800  }
0x51: {  	[sflag:s12] =	ssyncset.done $0x0  }
0x52: {  	[sflag:s12] =	ssyncadd.s32 $0xFFFFD800  }
0x53: {  	_ =	swait.ge [sflag:s19], $0x2800  }
0x54: {  	[sflag:s19] =	ssyncset.done $0x0  }
0x55: {  	[sflag:s19] =	ssyncadd.s32 $0xFFFFD800  }
0x56: {  	[spmem:s2] =	stream.indirect.scatter.add.f32 [tilespmem:s17], [sflag:$0x3], $0x80, s21, s16, $0xb8;
	[tilespmem:$0x1F780] =	vst v63  }
0x57: {  	_ =	swait.ge [sflag:s12], $0x2800  }
0x58: {  	[sflag:s12] =	ssyncset.done $0x0  }
0x59: {  	[sflag:s12] =	ssyncadd.s32 $0xFFFFD800  }
0x5a: {  	s26 =	simm.s32 @p0 $0x3;
	[bflag:$0x0] =	sbarrier.arrive $0xFFFF  }
0x5b: {  	[hbm:s22], [sflag:s6] =	dma.local @p0 [spmem:s23], $0x1900  }
0x5c: {  	_ =	swait.ge @p0 [sflag:s26], $0x1900  }
0x5d: {  	s25 =	sadd.s32 $0x1, s25;
	[sflag:s26] =	ssyncset.done @p0 $0x0  }
0x5e: {  	p1 =	sne.s32 s25, s10;
	[sflag:s26] =	ssyncadd.s32 @p0 $0xFFFFE700;
	s26 =	sshrl.u32 @!p0 s4, $0x3  }
0x5f: {  	[hbm:s24], [sflag:s6] =	dma.local @!p0 [spmem:s26], $0x2800  }
.Ltmp1:
0x60: {  	_ = 	snop;
	(pc) =	sbr.rel @p1 .LBB2_1-.Ltmp1, $4  }
0x61: {  	s26 =	simm.s32 @!p0 $0x3  }
0x62: {  	_ =	swait.ge @!p0 [sflag:s26], $0x2800  }
0x63: {  	[sflag:s26] =	ssyncset.done @!p0 $0x0  }
0x64: {  	[sflag:s26] =	ssyncadd.s32 @!p0 $0xFFFFD800  }
0x65: {  	_ =	sfence.sel $0x180000  }
0x66: {  	[bflag:$0x0] =	sbarrier.arrive $0xFFFF  }
0x67: {  	p0 =	sne.s32 s1, $0x0;
	_ =	strace $0x9000004D  }
0x68: {  	s0 =	sadd.s32 @!p0 $0x100000, s0;
	[bflag:$0x2] =	sbarrier.arrive $0xFFFF  }
0x69: {  	[sflag:s0] =	ssyncadd.tile.s32 @!p0 $0x1;
	_ =	shalt  }
.Lfunc_end2:
_tile_overlayer_lowered:
.L_overlay_start_2:
0x6a: {  	(tag) =	ssettag $0x2  }
0x6b: {  	s0 =	rddreg [dreg:$0x0];
	s2 =	stileid.u32  }
0x6c: {  	s1 =	rddreg [dreg:$0x1];
	p0 =	sne.s32 s2, $0x0  }
0x6d: {  	s3 =	rddreg [dreg:$0x2];
	[bflag:$0x3] =	sbarrier.arrive $0xFFFF;
	s2 =	simm.s32 @!p0 $0x1C03  }
0x6e: {  	[timem:s3], [sflag:s2] =	dma.local @!p0 [hbm:s0], s1  }
0x6f: {  	s0 =	simm.s32 @!p0 $0x3  }
0x70: {  	_ =	swait.ge @!p0 [sflag:s0], s1  }
0x71: {  	s1 =	ssub.s32 @!p0 $0x0, s1;
	[sflag:s0] =	ssyncset.done @!p0 $0x0  }
0x72: {  	[sflag:s0] =	ssyncadd.s32 @!p0 s1  }
0x73: {  	[bflag:$0x3] =	sbarrier.arrive $0xFFFF  }
0x74: {  	_ =	shalt  }

// kernel: kernel.16.cloned.1.call-start
scs
__scs_entry_jumppad:
0x0: {  	(pc) =	sbr.rel $0x88, $3  }
0x1: {  	(tag) =	ssettag $0x0;
	lr =	simm.s32 $0x1  }
0x2: {  	[smem:$0x3F71] =	sst lr;
	_ =	strace $0xD0000000  }
0x3: {  	_ = 	snop  }
0x4: {  	_ = 	snop  }
0x5: {  	_ = 	snop  }
0x6: {  	_ = 	snop  }
0x7: {  	_ = 	snop  }
__scs_overlays_trampoline_lowered:
0x8: {  	[smem:$0x3F80] =	sst s0  }
0x9: {  	[smem:$0x3F81] =	sst s1  }
0xa: {  	[smem:$0x3F82] =	sst s2  }
0xb: {  	[smem:$0x3F83] =	sst s3  }
0xc: {  	[smem:$0x3F84] =	sst s4  }
0xd: {  	[smem:$0x3F85] =	sst s5  }
0xe: {  	[smem:$0x3F86] =	sst s6  }
0xf: {  	[smem:$0x3F87] =	sst s7  }
0x10: {  	[smem:$0x3F88] =	sst s8  }
0x11: {  	[smem:$0x3F89] =	sst s9;
	s0 =	simm.s32 @!p0 $0x0  }
0x12: {  	s1 =	sld [smem:$0x3F6F];
	s0 =	simm.s32 @p0 $0x1  }
0x13: {  	[smem:$0x3F8A] =	sst s0;
	s0 =	simm.s32 @!p1 $0x0  }
0x14: {  	s2 =	sld [smem:$0x3F6E];
	s0 =	simm.s32 @p1 $0x1  }
0x15: {  	[smem:$0x3F8B] =	sst s0;
	s0 =	simm.s32 @!p2 $0x0  }
0x16: {  	s3 =	sld [smem:$0x3FDB];
	s0 =	simm.s32 @p2 $0x1  }
0x17: {  	s4 =	simm.s32 $0x1BF5;
	[smem:$0x3F8D] =	sst s0  }
0x18: {  	s0 =	sld [smem:$0x3F70];
	_ =	swait.ge [sflag:s4], $0x0  }
0x19: {  	s7 =	sld [smem:$0x3F71]  }
0x1a: {  	s8 =	sadd.s32 $0xFFFFE003, lr  }
0x1b: {  	s9 =	sadd.s32 $0xFFFFFEF7, lr;
	s5 =	simm.s32 $0xFFFFFFFF;
	p2 =	slt.u32 s8, $0xFFFFF086  }
0x1c: {  	p1 =	slt.u32 s9, $0xF7A;
	s5 =	simm.s32 @!p2 $0x0  }
0x1d: {  	s5 =	simm.s32 @p1 $0x1;
	p0 =	seq.s32 s7, s2  }
0x1e: {  	s7 =	smul.u32 @!p0 $0xF7A, s2;
	p2 =	seq.s32 @!p0 s5, $0x0  }
0x1f: {  	s9 =	smul.u32 $0xF7A, s1;
	s8 =	simm.s32 @!p0 $0x1BF5;
	p2 =	por !p2, p0  }
0x20: {  	[sflag:s8] =	ssyncset.s32 @!p0 $0xFFFFF086;
	s6 =	sadd.s32 @!p0 s3, s7;
	s7 =	simm.s32 @!p0 $0x108  }
0x21: {  	s3 =	sadd.s32 s3, s9;
	s6 =	sadd.s32 @!p0 $0x88, s6;
	s7 =	simm.s32 @p2 $0x1082  }
0x22: {  	[simem:s7], [sflag:s8] =	dma.local @!p0 [hbm:s6], $0xF7A  }
0x23: {  	s9 =	sor.u32 $0xD0000000, s2;
	s6 =	simm.s32 $0x108;
	_ =	swait.ge @!p0 [sflag:s8], $0x0  }
0x24: {  	s3 =	sadd.s32 $0x88, s3;
	s6 =	simm.s32 @!p1 $0x1082;
	[sflag:s4] =	ssyncset.s32 $0xFFFFF086  }
0x25: {  	[simem:s6], [sflag:s4] =	dma.local [hbm:s3], $0xF7A  }
0x26: {  	[smem:$0x3F71] =	sst s1;
	(tag) =	ssettag s2;
	_ =	strace s9  }
0x27: {  	s1 =	sld [smem:$0x3F81]  }
0x28: {  	s2 =	sld [smem:$0x3F82]  }
0x29: {  	s4 =	sld [smem:$0x3F84]  }
0x2a: {  	p0 =	seq.s32 s5, $0x0;
	s5 =	sld [smem:$0x3F85]  }
0x2b: {  	s6 =	sld [smem:$0x3F86]  }
0x2c: {  	s7 =	sld [smem:$0x3F87]  }
0x2d: {  	s3 =	simm.s32 $0x108;
	s8 =	sld [smem:$0x3F88]  }
0x2e: {  	s3 =	simm.s32 @!p0 $0x1082;
	s9 =	sld [smem:$0x3F89]  }
0x2f: {  	lr =	sadd.s32 s0, s3;
	s0 =	sld [smem:$0x3F80]  }
0x30: {  	s3 =	sld [smem:$0x3F83]  }
0x31: {  	[smem:$0x3F8C] =	sst s10  }
0x32: {  	s10 =	sld [smem:$0x3F8A];
	_ =	sdelay $0x3  }
0x33: {  	p0 =	seq.s32 s10, $0x1;
	s10 =	sld [smem:$0x3F8C];
	_ =	sdelay $0x3  }
0x34: {  	[smem:$0x3F8C] =	sst s10  }
0x35: {  	s10 =	sld [smem:$0x3F8B];
	_ =	sdelay $0x3  }
0x36: {  	p1 =	seq.s32 s10, $0x1;
	s10 =	sld [smem:$0x3F8C];
	_ =	sdelay $0x3  }
0x37: {  	[smem:$0x3F8C] =	sst s10  }
0x38: {  	s10 =	sld [smem:$0x3F8D]  }
0x39: {  	_ = 	snop;
	(pc) =	sbr.ind lr, $3  }
0x3a: {  	_ = 	snop  }
0x3b: {  	_ = 	snop  }
0x3c: {  	p2 =	seq.s32 s10, $0x1;
	s10 =	sld [smem:$0x3F8C]  }
0x3d: {  	_ =	shalt  }
0x3e: {  	_ =	shalt  }
0x3f: {  	_ =	shalt  }
0x40: {  	_ =	shalt  }
0x41: {  	_ =	shalt  }
0x42: {  	_ =	shalt  }
0x43: {  	_ =	shalt  }
0x44: {  	_ =	shalt  }
0x45: {  	_ =	shalt  }
0x46: {  	_ =	shalt  }
0x47: {  	_ =	shalt  }
0x48: {  	_ =	shalt  }
0x49: {  	_ =	shalt  }
0x4a: {  	_ =	shalt  }
0x4b: {  	_ =	shalt  }
0x4c: {  	_ =	shalt  }
0x4d: {  	_ =	shalt  }
0x4e: {  	_ =	shalt  }
0x4f: {  	_ =	shalt  }
0x50: {  	_ =	shalt  }
0x51: {  	_ =	shalt  }
0x52: {  	_ =	shalt  }
0x53: {  	_ =	shalt  }
0x54: {  	_ =	shalt  }
0x55: {  	_ =	shalt  }
0x56: {  	_ =	shalt  }
0x57: {  	_ =	shalt  }
0x58: {  	_ =	shalt  }
0x59: {  	_ =	shalt  }
0x5a: {  	_ =	shalt  }
0x5b: {  	_ =	shalt  }
0x5c: {  	_ =	shalt  }
0x5d: {  	_ =	shalt  }
0x5e: {  	_ =	shalt  }
0x5f: {  	_ =	shalt  }
0x60: {  	_ =	shalt  }
0x61: {  	_ =	shalt  }
0x62: {  	_ =	shalt  }
0x63: {  	_ =	shalt  }
0x64: {  	_ =	shalt  }
0x65: {  	_ =	shalt  }
0x66: {  	_ =	shalt  }
0x67: {  	_ =	shalt  }
0x68: {  	_ =	shalt  }
0x69: {  	_ =	shalt  }
0x6a: {  	_ =	shalt  }
0x6b: {  	_ =	shalt  }
0x6c: {  	_ =	shalt  }
0x6d: {  	_ =	shalt  }
0x6e: {  	_ =	shalt  }
0x6f: {  	_ =	shalt  }
0x70: {  	_ =	shalt  }
0x71: {  	_ =	shalt  }
0x72: {  	_ =	shalt  }
0x73: {  	_ =	shalt  }
0x74: {  	_ =	shalt  }
0x75: {  	_ =	shalt  }
0x76: {  	_ =	shalt  }
0x77: {  	_ =	shalt  }
0x78: {  	_ =	shalt  }
0x79: {  	_ =	shalt  }
0x7a: {  	_ =	shalt  }
0x7b: {  	_ =	shalt  }
0x7c: {  	_ =	shalt  }
0x7d: {  	_ =	shalt  }
0x7e: {  	_ =	shalt  }
0x7f: {  	_ =	shalt  }
0x80: {  	_ =	shalt  }
0x81: {  	_ =	shalt  }
0x82: {  	_ =	shalt  }
0x83: {  	_ =	shalt  }
0x84: {  	_ =	shalt  }
0x85: {  	_ =	shalt  }
0x86: {  	_ =	shalt  }
0x87: {  	_ =	shalt  }
.Lfunc_end0:
.L_simem_size_0:
called_computation.2_lowered:
.L_overlay_start_0:
0x88: {  	s2 =	sld [smem:$0x3FD9]  }
0x89: {  	s3 =	sld [smem:$0x3FFE];
	_ =	sdelay $0x1  }
0x8a: {  	s1 =	srdreg.scid  }
0x8b: {  	s0 =	sand.u32 $0x1, s1  }
0x8c: {  	s17 =	sshll.u32 s0, $0xA;
	s2 =	sadd.s32 s3, s2  }
0x8d: {  	s2 =	sadd.s32 s2, s17  }
0x8e: {  	[smem:$0x3F98] =	sst s2  }
0x8f: {  	_ = 	snop  }
0x90: {  	(tm) =	ssettm $0x1  }
0x91: {  	s18 =	sld [smem:$0x3FFB];
	_ =	sdelay $0x3  }
0x92: {  	_ =	strace s18  }
0x93: {  	s2 =	sld [smem:$0x3FFC];
	_ =	sdelay $0x3  }
0x94: {  	_ =	strace s2  }
0x95: {  	s2 =	sld [smem:$0x3FFD];
	_ =	sdelay $0x3  }
0x96: {  	_ =	strace s2  }
0x97: {  	_ =	strace $0x8FFFFFFF  }
0x98: {  	s19 =	sld [smem:$0x3FDB];
	_ =	sdelay $0x1  }
0x99: {  	s20 =	simm.s32 $_scs_section_size  }
0x9a: {  	s4 =	simm.s32 $_size__tile_overlayer_lowered;
	s5 =	simm.s32 $_tile_overlayer_lowered  }
0x9b: {  	s6 =	simm.s32 $0x1BFF;
	s21 =	sshll.u32 s5, $0x1;
	s3 =	sadd.s32 s20, s19  }
0x9c: {  	s22 =	simm.s32 $0x0;
	s4 =	sshll.u32 s4, $0x1;
	s5 =	sadd.s32 s21, s3  }
0x9d: {  	[timem:s22], [sflag:s6] =	dma.local [hbm:s5], s4  }
0x9e: {  	_ =	swait.ge [sflag:s6], s4  }
0x9f: {  	s4 =	ssub.s32 $0x0, s4;
	[sflag:s6] =	ssyncset.done $0x0  }
0xa0: {  	[sflag:s6] =	ssyncadd.s32 s4;
	_ =	sdelay $0x1  }
0xa1: {  	s23 =	simm.s32 $0x1B8B  }
0xa2: {  	_ =	swait.ge [sflag:s23], $0x1  }
0xa3: {  	[sflag:s23] =	ssyncset.done $0x0  }
0xa4: {  	[sflag:s23] =	ssyncadd.s32 $0xFFFFFFFF  }
0xa5: {  	s4 =	sld [smem:$0x0]  }
0xa6: {  	s5 =	sand.u32 $0xFFFFFFFE, s1  }
0xa7: {  	p0 =	sne.s32 s1, s5  }
0xa8: {  	s5 =	sshll.u32 @p0 s5, $0xE  }
0xa9: {  	s5 =	sadd.s32 @p0 $0x11B8D, s5;
	s6 =	sshll.u32 @p0 s4, $0x11  }
0xaa: {  	s5 =	sor.u32 @p0 s6, s5  }
0xab: {  	[sflag:s5] =	ssyncadd.remote.s32 @p0 $0x1;
	_ =	sdelay $0x1  }
0xac: {  	s5 =	simm.s32 @p0 $0x1B8D  }
0xad: {  	_ =	swait.eq @p0 [sflag:s5], $0x1  }
0xae: {  	[sflag:s5] =	ssyncadd.s32 @p0 $0xFFFFFFFF  }
0xaf: {  	s6 =	sshll.u32 @!p0 s1, $0xE  }
0xb0: {  	s6 =	sor.u32 @!p0 $0x4000, s6;
	s5 =	simm.s32 @!p0 $0x1B8D  }
0xb1: {  	s4 =	sshll.u32 @!p0 s4, $0x11;
	s6 =	sadd.s32 @!p0 $0x11B8D, s6;
	_ =	swait.eq @!p0 [sflag:s5], $0x1  }
0xb2: {  	s4 =	sor.u32 @!p0 s4, s6;
	[sflag:s5] =	ssyncadd.s32 @!p0 $0xFFFFFFFF  }
0xb3: {  	s25 =	simm.s32 $0x1B8E;
	s24 =	sld [smem:$0x3FFE];
	[sflag:s4] =	ssyncadd.remote.s32 @!p0 $0x1  }
0xb4: {  	s26 =	simm.s32 $execute0_lowered;
	[smem:$0x3FD2] =	sst s25  }
0xb5: {  	s5 =	sshll.u32 s26, $0x1;
	_ =	strace $0x80000049;
	[dreg:$0x1] =	wrdreg $0xFFFFFFFF  }
0xb6: {  	s28 =	simm.s32 $_size_execute0_lowered;
	s3 =	sadd.s32 s3, s5;
	[dreg:$0x0] =	wrdreg $0x0  }
0xb7: {  	s5 =	sshll.u32 s28, $0x1;
	[dreg:$0x2] =	wrdreg s3  }
0xb8: {  	[dreg:$0x3] =	wrdreg s5  }
0xb9: {  	[dreg:$0x4] =	wrdreg $0xC0  }
0xba: {  	_ =	task [dreg:s22], $0x5FFFF  }
0xbb: {  	[dreg:$0x1] =	wrdreg $0xFFFFFFFF  }
0xbc: {  	[dreg:$0x0] =	wrdreg $0x60  }
0xbd: {  	[dreg:$0x2] =	wrdreg s24  }
0xbe: {  	[dreg:$0x3] =	wrdreg $0xB7800  }
0xbf: {  	[dreg:$0x4] =	wrdreg $0xB  }
0xc0: {  	_ =	task.clear_ibuf [dreg:s22], $0x5FFFF;
	_ =	strace $0x90000049  }
0xc1: {  	s29 =	simm.s32 $0xB;
	_ =	strace $0x8000004B  }
0xc2: {  	_ =	swait.ge [sflag:s29], $0x1  }
0xc3: {  	[sflag:s29] =	ssyncadd.s32 $0xFFFFFFFF  }
0xc4: {  	_ =	strace $0x9000004B  }
0xc5: {  	_ =	sfence  }
0xc6: {  	s30 =	sld [smem:$0x0];
	_ =	sdelay $0x2  }
0xc7: {  	s31 =	sshll.u32 s1, $0xD;
	s1 =	sshrl.u32 s1, $0x2  }
0xc8: {  	s4 =	sand.u32 $0x4000, s31;
	s1 =	sadd.s32 s1, s30  }
0xc9: {  	s0 =	sor.u32 s4, s0;
	s1 =	sshll.u32 s1, $0x11  }
0xca: {  	s0 =	sor.u32 s1, s0  }
0xcb: {  	s0 =	sadd.s32 $0x8F2B, s0  }
0xcc: {  	[sflag:s0] =	ssyncadd.remote.s32 $0x1  }
0xcd: {  	_ =	sfence.sel $0xFFFF  }
0xce: {  	[dreg:$0x0] =	wrdreg $0xFFFFFFFF;
	(pc) =	sbr.abs _section_cstart, $3  }
0xcf: {  	[dreg:$0x1] =	wrdreg $0xFFFFFFFF  }
0xd0: {  	_ =	task.clear_ibuf [dreg:s22], $0x2FFFF;
	_ =	strace $0x9FFFFFFF  }
0xd1: {  	(tm) =	ssettm $0x7FFFFFFF  }
tec
execute0_lowered:
.L_overlay_start_1:
0x0: {  	(tag) =	ssettag $0x1  }
0x1: {  	s4 =	rddreg [dreg:$0x0]  }
0x2: {  	s2 =	rddreg [dreg:$0x1]  }
0x3: {  	s1 =	stileid.u32;
	s0 =	rddreg [dreg:$0x2];
	s3 =	simm.s32 $0x0  }
0x4: {  	s7 =	srdreg.scid;
	s13 =	simm.s32 $0x80;
	s14 =	simm.s32 $0x400  }
0x5: {  	s15 =	simm.s32 $0x2780;
	s16 =	simm.s32 $0x50;
	s17 =	simm.s32 $0x6780  }
0x6: {  	s18 =	simm.s32 $0x8F80;
	s19 =	simm.s32 $0x1;
	s20 =	simm.s32 $0x2  }
0x7: {  	s21 =	simm.s32 $0x6580;
	s5 =	sshrl.u32 s1, $0x3;
	s6 =	sshll.u32 s1, $0x7  }
0x8: {  	[smem:$0x7FF] =	sst s3;
	s24 =	smul.u32 $0x2800, s1;
	s25 =	sand.u32 $0x1, s7  }
0x9: {  	s26 =	sshll.u32 s1, $0xB;
	s9 =	smul.u32 $0x50000, s1;
	s31 =	sshll.u32 s1, $0x6  }
0xa: {  	s23 =	sadd.s32 $0x12C000, s2;
	p0 =	seq.s32 s1, $0xF;
	s5 =	smul.u32 $0x13C00, s5  }
0xb: {  	s6 =	sand.u32 $0x380, s6;
	_ =	strace $0x8000004A;
	s7 =	smul.u32 $0x27100, s25  }
0xc: {  	s10 =	sadd.s32 s26, s4;
	s23 =	sshrl.u32 @p0 s23, $0x3;
	s28 =	sadd.s32 s24, s4  }
0xd: {  	s30 =	sshrl.u32 s9, $0x2;
	s5 =	sor.u32 s6, s5;
	s6 =	ssub.s32 $0x2, s25  }
0xe: {  	s11 =	sadd.s32 s7, s4;
	s5 =	sshrl.u32 s5, $0x3;
	s29 =	sshrl.u32 s6, $0x1  }
0xf: {  	s9 =	sadd.s32 $0x8AC00, s11;
	s25 =	sadd.s32 $0x100E00, s11;
	s8 =	sadd.s32 s5, s4  }
0x10: {  	s12 =	ssub.s32 s6, s29;
	s4 =	sadd.s32 s30, s2;
	s5 =	sadd.s32 $0xD8E00, s28  }
0x11: {  	s6 =	sor.u32 $0x1C03, s31;
	s22 =	sadd.s32 @p0 $0x25800, s25;
	s24 =	sadd.s32 @!p0 s24, s25  }
0x12: {  	s25 =	simm.s32 $0x0;
	s7 =	sadd.s32 $0x85C00, s8;
	s8 =	sadd.s32 $0x7DC00, s10  }
0x13: {  	s10 =	smax.u32 s12, $0x1;
	s11 =	sshrl.u32 s4, $0x3;
	s12 =	simm.s32 $0x3  }
.LBB2_1:
0x14: {  	[spmem:s11], [sflag:s6] =	dma.local [hbm:s5], $0x2800  }
0x15: {  	_ =	swait.ge [sflag:s12], $0x2800  }
0x16: {  	[sflag:s12] =	ssyncset.done $0x0  }
0x17: {  	[sflag:s12] =	ssyncadd.s32 $0xFFFFD800  }
0x18: {  	[tilespmem:s3], [sflag:$0x3] =	stream.strided.gather [hbm4b:s7+s13], $0x2780, s14, s13, $0x38;
	[tilespmem:$0x1F780] =	vst v63  }
0x19: {  	_ =	swait.ge [sflag:s12], $0x2780  }
0x1a: {  	[sflag:s12] =	ssyncset.done $0x0  }
0x1b: {  	[sflag:s12] =	ssyncadd.s32 $0xFFFFD880  }
0x1c: {  	[tilespmem:s15], [sflag:$0x3] =	stream.linear.gather [hbm4b:s8+s3], $0x3E80, $0x38;
	[tilespmem:$0x1F780] =	vst v63  }
0x1d: {  	_ =	swait.ge [sflag:s12], $0x3E80  }
0x1e: {  	[sflag:s12] =	ssyncset.done $0x0  }
0x1f: {  	[sflag:s12] =	ssyncadd.s32 $0xFFFFC180  }
0x20: {  	[bflag:$0x0] =	sbarrier.arrive $0xFFFF  }
0x21: {  	[tilespmem:s17], [sflag:$0x1] =	stream.indirect.gather [hbm4b:s9+s16], $0x80, s3, s16, $0xb8;
	[tilespmem:$0x1F780] =	vst v63  }
0x22: {  	s26 =	simm.s32 $0x50  }
0x23: {  	[tilespmem:s18], [sflag:$0x2] =	stream.indirect.gather [hbm4b:s9+s16], $0x80, s26, s16, $0xb8;
	[tilespmem:$0x1F780] =	vst v63  }
0x24: {  	_ =	swait.ge [sflag:s19], $0x2800  }
0x25: {  	[sflag:s19] =	ssyncset.done $0x0  }
0x26: {  	s31 =	simm.s32 $0x2780;
	[sflag:s19] =	ssyncadd.s32 $0xFFFFD800  }
0x27: {  	[spmem:s2] =	stream.indirect.scatter.add.f32 [tilespmem:s17], [sflag:$0x3], $0x80, s31, s16, $0xb8;
	[tilespmem:$0x1F780] =	vst v63  }
0x28: {  	_ =	swait.ge [sflag:s12], $0x2800  }
0x29: {  	[sflag:s12] =	ssyncset.done $0x0  }
0x2a: {  	s30 =	simm.s32 $0xA0;
	[sflag:s12] =	ssyncadd.s32 $0xFFFFD800  }
0x2b: {  	[tilespmem:s17], [sflag:$0x1] =	stream.indirect.gather [hbm4b:s9+s16], $0x80, s30, s16, $0xb8;
	[tilespmem:$0x1F780] =	vst v63  }
0x2c: {  	_ =	swait.ge [sflag:s20], $0x2800  }
0x2d: {  	[sflag:s20] =	ssyncset.done $0x0  }
0x2e: {  	s31 =	simm.s32 $0x2800;
	[sflag:s20] =	ssyncadd.s32 $0xFFFFD800  }
0x2f: {  	[spmem:s2] =	stream.indirect.scatter.add.f32 [tilespmem:s18], [sflag:$0x3], $0x80, s31, s16, $0xb8;
	[tilespmem:$0x1F780] =	vst v63  }
0x30: {  	s28 =	simm.s32 $0x400;
	_ =	swait.ge [sflag:s12], $0x2800  }
0x31: {  	s29 =	simm.s32 $0x800;
	s26 =	simm.s32 $0x140;
	[sflag:s12] =	ssyncset.done $0x0  }
.LBB2_2:
0x32: {  	p1 =	sne.s32 s29, $0xF400;
	s30 =	sadd.s32 $0xFFFFFFB0, s26;
	[sflag:s12] =	ssyncadd.s32 $0xFFFFD800  }
0x33: {  	[tilespmem:s18], [sflag:$0x2] =	stream.indirect.gather [hbm4b:s9+s16], $0x80, s30, s16, $0xb8;
	[tilespmem:$0x1F780] =	vst v63  }
0x34: {  	s30 =	smov.u32 s29;
	s29 =	sadd.s32 $0x400, s29;
	_ =	swait.ge [sflag:s19], $0x2800  }
0x35: {  	s31 =	sshra.s32 s28, $0x2;
	s28 =	smov.u32 s30;
	[sflag:s19] =	ssyncset.done $0x0  }
0x36: {  	s30 =	sadd.s32 $0x2780, s31;
	[sflag:s19] =	ssyncadd.s32 $0xFFFFD800  }
0x37: {  	[spmem:s2] =	stream.indirect.scatter.add.f32 [tilespmem:s17], [sflag:$0x3], $0x80, s30, s16, $0xb8;
	[tilespmem:$0x1F780] =	vst v63  }
0x38: {  	_ =	swait.ge [sflag:s12], $0x2800  }
0x39: {  	[sflag:s12] =	ssyncset.done $0x0  }
0x3a: {  	[sflag:s12] =	ssyncadd.s32 $0xFFFFD800  }
0x3b: {  	[tilespmem:s17], [sflag:$0x1] =	stream.indirect.gather [hbm4b:s9+s16], $0x80, s26, s16, $0xb8;
	[tilespmem:$0x1F780] =	vst v63  }
0x3c: {  	_ =	swait.ge [sflag:s20], $0x2800  }
.Ltmp0:
0x3d: {  	[sflag:s20] =	ssyncset.done $0x0;
	(pc) =	sbr.rel @p1 .LBB2_2-.Ltmp0, $4  }
0x3e: {  	s30 =	sadd.s32 $0x2800, s31;
	[sflag:s20] =	ssyncadd.s32 $0xFFFFD800  }
0x3f: {  	[spmem:s2] =	stream.indirect.scatter.add.f32 [tilespmem:s18], [sflag:$0x3], $0x80, s30, s16, $0xb8;
	[tilespmem:$0x1F780] =	vst v63  }
0x40: {  	_ =	swait.ge [sflag:s12], $0x2800  }
0x41: {  	s26 =	sadd.s32 $0xA0, s26;
	[sflag:s12] =	ssyncset.done $0x0  }
0x42: {  	s29 =	sadd.s32 $0xFFFFFFB0, s26;
	[sflag:s12] =	ssyncadd.s32 $0xFFFFD800  }
0x43: {  	[tilespmem:s18], [sflag:$0x2] =	stream.indirect.gather [hbm4b:s9+s16], $0x80, s29, s16, $0xb8;
	[tilespmem:$0x1F780] =	vst v63  }
0x44: {  	_ =	swait.ge [sflag:s19], $0x2800  }
0x45: {  	s28 =	sshra.s32 s28, $0x2;
	[sflag:s19] =	ssyncset.done $0x0  }
0x46: {  	s30 =	sadd.s32 $0x2780, s28;
	[sflag:s19] =	ssyncadd.s32 $0xFFFFD800  }
0x47: {  	[spmem:s2] =	stream.indirect.scatter.add.f32 [tilespmem:s17], [sflag:$0x3], $0x80, s30, s16, $0xb8;
	[tilespmem:$0x1F780] =	vst v63  }
0x48: {  	_ =	swait.ge [sflag:s12], $0x2800  }
0x49: {  	[sflag:s12] =	ssyncset.done $0x0  }
0x4a: {  	[sflag:s12] =	ssyncadd.s32 $0xFFFFD800  }
0x4b: {  	[tilespmem:s17], [sflag:$0x1] =	stream.indirect.gather [hbm4b:s9+s16], $0x80, s26, s16, $0xb8;
	[tilespmem:$0x1F780] =	vst v63  }
0x4c: {  	_ =	swait.ge [sflag:s20], $0x2800  }
0x4d: {  	[sflag:s20] =	ssyncset.done $0x0  }
0x4e: {  	s31 =	sadd.s32 $0x2800, s28;
	[sflag:s20] =	ssyncadd.s32 $0xFFFFD800  }
0x4f: {  	[spmem:s2] =	stream.indirect.scatter.add.f32 [tilespmem:s18], [sflag:$0x3], $0x80, s31, s16, $0xb8;
	[tilespmem:$0x1F780] =	vst v63  }
0x50: {  	_ =	swait.ge [sflag:s12], $0x2800  }
0x51: {  	[sflag:s12] =	ssyncset.done $0x0  }
0x52: {  	[sflag:s12] =	ssyncadd.s32 $0xFFFFD800  }
0x53: {  	_ =	swait.ge [sflag:s19], $0x2800  }
0x54: {  	[sflag:s19] =	ssyncset.done $0x0  }
0x55: {  	[sflag:s19] =	ssyncadd.s32 $0xFFFFD800  }
0x56: {  	[spmem:s2] =	stream.indirect.scatter.add.f32 [tilespmem:s17], [sflag:$0x3], $0x80, s21, s16, $0xb8;
	[tilespmem:$0x1F780] =	vst v63  }
0x57: {  	_ =	swait.ge [sflag:s12], $0x2800  }
0x58: {  	[sflag:s12] =	ssyncset.done $0x0  }
0x59: {  	[sflag:s12] =	ssyncadd.s32 $0xFFFFD800  }
0x5a: {  	s26 =	simm.s32 @p0 $0x3;
	[bflag:$0x0] =	sbarrier.arrive $0xFFFF  }
0x5b: {  	[hbm:s22], [sflag:s6] =	dma.local @p0 [spmem:s23], $0x1900  }
0x5c: {  	_ =	swait.ge @p0 [sflag:s26], $0x1900  }
0x5d: {  	s25 =	sadd.s32 $0x1, s25;
	[sflag:s26] =	ssyncset.done @p0 $0x0  }
0x5e: {  	p1 =	sne.s32 s25, s10;
	[sflag:s26] =	ssyncadd.s32 @p0 $0xFFFFE700;
	s26 =	sshrl.u32 @!p0 s4, $0x3  }
0x5f: {  	[hbm:s24], [sflag:s6] =	dma.local @!p0 [spmem:s26], $0x2800  }
.Ltmp1:
0x60: {  	_ = 	snop;
	(pc) =	sbr.rel @p1 .LBB2_1-.Ltmp1, $4  }
0x61: {  	s26 =	simm.s32 @!p0 $0x3  }
0x62: {  	_ =	swait.ge @!p0 [sflag:s26], $0x2800  }
0x63: {  	[sflag:s26] =	ssyncset.done @!p0 $0x0  }
0x64: {  	[sflag:s26] =	ssyncadd.s32 @!p0 $0xFFFFD800  }
0x65: {  	_ =	sfence.sel $0x180000  }
0x66: {  	[bflag:$0x0] =	sbarrier.arrive $0xFFFF  }
0x67: {  	p0 =	sne.s32 s1, $0x0;
	_ =	strace $0x9000004A  }
0x68: {  	s0 =	sadd.s32 @!p0 $0x100000, s0;
	[bflag:$0x2] =	sbarrier.arrive $0xFFFF  }
0x69: {  	[sflag:s0] =	ssyncadd.tile.s32 @!p0 $0x1;
	_ =	shalt  }
.Lfunc_end2:
_tile_overlayer_lowered:
.L_overlay_start_2:
0x6a: {  	(tag) =	ssettag $0x2  }
0x6b: {  	s0 =	rddreg [dreg:$0x0];
	s2 =	stileid.u32  }
0x6c: {  	s1 =	rddreg [dreg:$0x1];
	p0 =	sne.s32 s2, $0x0  }
0x6d: {  	s3 =	rddreg [dreg:$0x2];
	[bflag:$0x3] =	sbarrier.arrive $0xFFFF;
	s2 =	simm.s32 @!p0 $0x1C03  }
0x6e: {  	[timem:s3], [sflag:s2] =	dma.local @!p0 [hbm:s0], s1  }
0x6f: {  	s0 =	simm.s32 @!p0 $0x3  }
0x70: {  	_ =	swait.ge @!p0 [sflag:s0], s1  }
0x71: {  	s1 =	ssub.s32 @!p0 $0x0, s1;
	[sflag:s0] =	ssyncset.done @!p0 $0x0  }
0x72: {  	[sflag:s0] =	ssyncadd.s32 @!p0 s1  }
0x73: {  	[bflag:$0x3] =	sbarrier.arrive $0xFFFF  }
0x74: {  	_ =	shalt  }

// kernel: kernel.19.cloned.1.call-start
scs
__scs_entry_jumppad:
0x0: {  	(pc) =	sbr.rel $0x88, $3  }
0x1: {  	(tag) =	ssettag $0x0;
	lr =	simm.s32 $0x1  }
0x2: {  	[smem:$0x3F71] =	sst lr;
	_ =	strace $0xD0000000  }
0x3: {  	_ = 	snop  }
0x4: {  	_ = 	snop  }
0x5: {  	_ = 	snop  }
0x6: {  	_ = 	snop  }
0x7: {  	_ = 	snop  }
__scs_overlays_trampoline_lowered:
0x8: {  	[smem:$0x3F80] =	sst s0  }
0x9: {  	[smem:$0x3F81] =	sst s1  }
0xa: {  	[smem:$0x3F82] =	sst s2  }
0xb: {  	[smem:$0x3F83] =	sst s3  }
0xc: {  	[smem:$0x3F84] =	sst s4  }
0xd: {  	[smem:$0x3F85] =	sst s5  }
0xe: {  	[smem:$0x3F86] =	sst s6  }
0xf: {  	[smem:$0x3F87] =	sst s7  }
0x10: {  	[smem:$0x3F88] =	sst s8  }
0x11: {  	[smem:$0x3F89] =	sst s9;
	s0 =	simm.s32 @!p0 $0x0  }
0x12: {  	s1 =	sld [smem:$0x3F6F];
	s0 =	simm.s32 @p0 $0x1  }
0x13: {  	[smem:$0x3F8A] =	sst s0;
	s0 =	simm.s32 @!p1 $0x0  }
0x14: {  	s2 =	sld [smem:$0x3F6E];
	s0 =	simm.s32 @p1 $0x1  }
0x15: {  	[smem:$0x3F8B] =	sst s0;
	s0 =	simm.s32 @!p2 $0x0  }
0x16: {  	s3 =	sld [smem:$0x3FDB];
	s0 =	simm.s32 @p2 $0x1  }
0x17: {  	s4 =	simm.s32 $0x1BF5;
	[smem:$0x3F8D] =	sst s0  }
0x18: {  	s0 =	sld [smem:$0x3F70];
	_ =	swait.ge [sflag:s4], $0x0  }
0x19: {  	s7 =	sld [smem:$0x3F71]  }
0x1a: {  	s8 =	sadd.s32 $0xFFFFE003, lr  }
0x1b: {  	s9 =	sadd.s32 $0xFFFFFEF7, lr;
	s5 =	simm.s32 $0xFFFFFFFF;
	p2 =	slt.u32 s8, $0xFFFFF086  }
0x1c: {  	p1 =	slt.u32 s9, $0xF7A;
	s5 =	simm.s32 @!p2 $0x0  }
0x1d: {  	s5 =	simm.s32 @p1 $0x1;
	p0 =	seq.s32 s7, s2  }
0x1e: {  	s7 =	smul.u32 @!p0 $0xF7A, s2;
	p2 =	seq.s32 @!p0 s5, $0x0  }
0x1f: {  	s9 =	smul.u32 $0xF7A, s1;
	s8 =	simm.s32 @!p0 $0x1BF5;
	p2 =	por !p2, p0  }
0x20: {  	[sflag:s8] =	ssyncset.s32 @!p0 $0xFFFFF086;
	s6 =	sadd.s32 @!p0 s3, s7;
	s7 =	simm.s32 @!p0 $0x108  }
0x21: {  	s3 =	sadd.s32 s3, s9;
	s6 =	sadd.s32 @!p0 $0x88, s6;
	s7 =	simm.s32 @p2 $0x1082  }
0x22: {  	[simem:s7], [sflag:s8] =	dma.local @!p0 [hbm:s6], $0xF7A  }
0x23: {  	s9 =	sor.u32 $0xD0000000, s2;
	s6 =	simm.s32 $0x108;
	_ =	swait.ge @!p0 [sflag:s8], $0x0  }
0x24: {  	s3 =	sadd.s32 $0x88, s3;
	s6 =	simm.s32 @!p1 $0x1082;
	[sflag:s4] =	ssyncset.s32 $0xFFFFF086  }
0x25: {  	[simem:s6], [sflag:s4] =	dma.local [hbm:s3], $0xF7A  }
0x26: {  	[smem:$0x3F71] =	sst s1;
	(tag) =	ssettag s2;
	_ =	strace s9  }
0x27: {  	s1 =	sld [smem:$0x3F81]  }
0x28: {  	s2 =	sld [smem:$0x3F82]  }
0x29: {  	s4 =	sld [smem:$0x3F84]  }
0x2a: {  	p0 =	seq.s32 s5, $0x0;
	s5 =	sld [smem:$0x3F85]  }
0x2b: {  	s6 =	sld [smem:$0x3F86]  }
0x2c: {  	s7 =	sld [smem:$0x3F87]  }
0x2d: {  	s3 =	simm.s32 $0x108;
	s8 =	sld [smem:$0x3F88]  }
0x2e: {  	s3 =	simm.s32 @!p0 $0x1082;
	s9 =	sld [smem:$0x3F89]  }
0x2f: {  	lr =	sadd.s32 s0, s3;
	s0 =	sld [smem:$0x3F80]  }
0x30: {  	s3 =	sld [smem:$0x3F83]  }
0x31: {  	[smem:$0x3F8C] =	sst s10  }
0x32: {  	s10 =	sld [smem:$0x3F8A];
	_ =	sdelay $0x3  }
0x33: {  	p0 =	seq.s32 s10, $0x1;
	s10 =	sld [smem:$0x3F8C];
	_ =	sdelay $0x3  }
0x34: {  	[smem:$0x3F8C] =	sst s10  }
0x35: {  	s10 =	sld [smem:$0x3F8B];
	_ =	sdelay $0x3  }
0x36: {  	p1 =	seq.s32 s10, $0x1;
	s10 =	sld [smem:$0x3F8C];
	_ =	sdelay $0x3  }
0x37: {  	[smem:$0x3F8C] =	sst s10  }
0x38: {  	s10 =	sld [smem:$0x3F8D]  }
0x39: {  	_ = 	snop;
	(pc) =	sbr.ind lr, $3  }
0x3a: {  	_ = 	snop  }
0x3b: {  	_ = 	snop  }
0x3c: {  	p2 =	seq.s32 s10, $0x1;
	s10 =	sld [smem:$0x3F8C]  }
0x3d: {  	_ =	shalt  }
0x3e: {  	_ =	shalt  }
0x3f: {  	_ =	shalt  }
0x40: {  	_ =	shalt  }
0x41: {  	_ =	shalt  }
0x42: {  	_ =	shalt  }
0x43: {  	_ =	shalt  }
0x44: {  	_ =	shalt  }
0x45: {  	_ =	shalt  }
0x46: {  	_ =	shalt  }
0x47: {  	_ =	shalt  }
0x48: {  	_ =	shalt  }
0x49: {  	_ =	shalt  }
0x4a: {  	_ =	shalt  }
0x4b: {  	_ =	shalt  }
0x4c: {  	_ =	shalt  }
0x4d: {  	_ =	shalt  }
0x4e: {  	_ =	shalt  }
0x4f: {  	_ =	shalt  }
0x50: {  	_ =	shalt  }
0x51: {  	_ =	shalt  }
0x52: {  	_ =	shalt  }
0x53: {  	_ =	shalt  }
0x54: {  	_ =	shalt  }
0x55: {  	_ =	shalt  }
0x56: {  	_ =	shalt  }
0x57: {  	_ =	shalt  }
0x58: {  	_ =	shalt  }
0x59: {  	_ =	shalt  }
0x5a: {  	_ =	shalt  }
0x5b: {  	_ =	shalt  }
0x5c: {  	_ =	shalt  }
0x5d: {  	_ =	shalt  }
0x5e: {  	_ =	shalt  }
0x5f: {  	_ =	shalt  }
0x60: {  	_ =	shalt  }
0x61: {  	_ =	shalt  }
0x62: {  	_ =	shalt  }
0x63: {  	_ =	shalt  }
0x64: {  	_ =	shalt  }
0x65: {  	_ =	shalt  }
0x66: {  	_ =	shalt  }
0x67: {  	_ =	shalt  }
0x68: {  	_ =	shalt  }
0x69: {  	_ =	shalt  }
0x6a: {  	_ =	shalt  }
0x6b: {  	_ =	shalt  }
0x6c: {  	_ =	shalt  }
0x6d: {  	_ =	shalt  }
0x6e: {  	_ =	shalt  }
0x6f: {  	_ =	shalt  }
0x70: {  	_ =	shalt  }
0x71: {  	_ =	shalt  }
0x72: {  	_ =	shalt  }
0x73: {  	_ =	shalt  }
0x74: {  	_ =	shalt  }
0x75: {  	_ =	shalt  }
0x76: {  	_ =	shalt  }
0x77: {  	_ =	shalt  }
0x78: {  	_ =	shalt  }
0x79: {  	_ =	shalt  }
0x7a: {  	_ =	shalt  }
0x7b: {  	_ =	shalt  }
0x7c: {  	_ =	shalt  }
0x7d: {  	_ =	shalt  }
0x7e: {  	_ =	shalt  }
0x7f: {  	_ =	shalt  }
0x80: {  	_ =	shalt  }
0x81: {  	_ =	shalt  }
0x82: {  	_ =	shalt  }
0x83: {  	_ =	shalt  }
0x84: {  	_ =	shalt  }
0x85: {  	_ =	shalt  }
0x86: {  	_ =	shalt  }
0x87: {  	_ =	shalt  }
.Lfunc_end0:
.L_simem_size_0:
called_computation.3_lowered:
.L_overlay_start_0:
0x88: {  	s2 =	sld [smem:$0x3FD9]  }
0x89: {  	s3 =	sld [smem:$0x3FFE];
	_ =	sdelay $0x1  }
0x8a: {  	s1 =	srdreg.scid  }
0x8b: {  	s0 =	sand.u32 $0x1, s1  }
0x8c: {  	s17 =	sshll.u32 s0, $0xA;
	s2 =	sadd.s32 s3, s2  }
0x8d: {  	s2 =	sadd.s32 s2, s17  }
0x8e: {  	[smem:$0x3F98] =	sst s2  }
0x8f: {  	_ = 	snop  }
0x90: {  	(tm) =	ssettm $0x1  }
0x91: {  	s18 =	sld [smem:$0x3FFB];
	_ =	sdelay $0x3  }
0x92: {  	_ =	strace s18  }
0x93: {  	s2 =	sld [smem:$0x3FFC];
	_ =	sdelay $0x3  }
0x94: {  	_ =	strace s2  }
0x95: {  	s2 =	sld [smem:$0x3FFD];
	_ =	sdelay $0x3  }
0x96: {  	_ =	strace s2  }
0x97: {  	_ =	strace $0x8FFFFFFF  }
0x98: {  	s19 =	sld [smem:$0x3FDB];
	_ =	sdelay $0x1  }
0x99: {  	s20 =	simm.s32 $_scs_section_size  }
0x9a: {  	s4 =	simm.s32 $_size__tile_overlayer_lowered;
	s5 =	simm.s32 $_tile_overlayer_lowered  }
0x9b: {  	s6 =	simm.s32 $0x1BFF;
	s21 =	sshll.u32 s5, $0x1;
	s3 =	sadd.s32 s20, s19  }
0x9c: {  	s22 =	simm.s32 $0x0;
	s4 =	sshll.u32 s4, $0x1;
	s5 =	sadd.s32 s21, s3  }
0x9d: {  	[timem:s22], [sflag:s6] =	dma.local [hbm:s5], s4  }
0x9e: {  	_ =	swait.ge [sflag:s6], s4  }
0x9f: {  	s4 =	ssub.s32 $0x0, s4;
	[sflag:s6] =	ssyncset.done $0x0  }
0xa0: {  	[sflag:s6] =	ssyncadd.s32 s4;
	_ =	sdelay $0x1  }
0xa1: {  	s23 =	simm.s32 $0x1B8B  }
0xa2: {  	_ =	swait.ge [sflag:s23], $0x1  }
0xa3: {  	[sflag:s23] =	ssyncset.done $0x0  }
0xa4: {  	[sflag:s23] =	ssyncadd.s32 $0xFFFFFFFF  }
0xa5: {  	s4 =	sld [smem:$0x0]  }
0xa6: {  	s5 =	sand.u32 $0xFFFFFFFE, s1  }
0xa7: {  	p0 =	sne.s32 s1, s5  }
0xa8: {  	s5 =	sshll.u32 @p0 s5, $0xE  }
0xa9: {  	s5 =	sadd.s32 @p0 $0x11B8D, s5;
	s6 =	sshll.u32 @p0 s4, $0x11  }
0xaa: {  	s5 =	sor.u32 @p0 s6, s5  }
0xab: {  	[sflag:s5] =	ssyncadd.remote.s32 @p0 $0x1;
	_ =	sdelay $0x1  }
0xac: {  	s5 =	simm.s32 @p0 $0x1B8D  }
0xad: {  	_ =	swait.eq @p0 [sflag:s5], $0x1  }
0xae: {  	[sflag:s5] =	ssyncadd.s32 @p0 $0xFFFFFFFF  }
0xaf: {  	s6 =	sshll.u32 @!p0 s1, $0xE  }
0xb0: {  	s6 =	sor.u32 @!p0 $0x4000, s6;
	s5 =	simm.s32 @!p0 $0x1B8D  }
0xb1: {  	s4 =	sshll.u32 @!p0 s4, $0x11;
	s6 =	sadd.s32 @!p0 $0x11B8D, s6;
	_ =	swait.eq @!p0 [sflag:s5], $0x1  }
0xb2: {  	s4 =	sor.u32 @!p0 s4, s6;
	[sflag:s5] =	ssyncadd.s32 @!p0 $0xFFFFFFFF  }
0xb3: {  	s25 =	simm.s32 $0x1B8E;
	s24 =	sld [smem:$0x3FFE];
	[sflag:s4] =	ssyncadd.remote.s32 @!p0 $0x1  }
0xb4: {  	s26 =	simm.s32 $execute0_lowered;
	[smem:$0x3FD2] =	sst s25  }
0xb5: {  	s5 =	sshll.u32 s26, $0x1;
	_ =	strace $0x80000052;
	[dreg:$0x1] =	wrdreg $0xFFFFFFFF  }
0xb6: {  	s28 =	simm.s32 $_size_execute0_lowered;
	s3 =	sadd.s32 s3, s5;
	[dreg:$0x0] =	wrdreg $0x0  }
0xb7: {  	s5 =	sshll.u32 s28, $0x1;
	[dreg:$0x2] =	wrdreg s3  }
0xb8: {  	[dreg:$0x3] =	wrdreg s5  }
0xb9: {  	[dreg:$0x4] =	wrdreg $0xC0  }
0xba: {  	_ =	task [dreg:s22], $0x5FFFF  }
0xbb: {  	[dreg:$0x1] =	wrdreg $0xFFFFFFFF  }
0xbc: {  	[dreg:$0x0] =	wrdreg $0x60  }
0xbd: {  	[dreg:$0x2] =	wrdreg s24  }
0xbe: {  	[dreg:$0x3] =	wrdreg $0xB7800  }
0xbf: {  	[dreg:$0x4] =	wrdreg $0x9  }
0xc0: {  	_ =	task.clear_ibuf [dreg:s22], $0x5FFFF;
	_ =	strace $0x90000052  }
0xc1: {  	s29 =	simm.s32 $0x9;
	_ =	strace $0x80000054  }
0xc2: {  	_ =	swait.ge [sflag:s29], $0x1  }
0xc3: {  	[sflag:s29] =	ssyncadd.s32 $0xFFFFFFFF  }
0xc4: {  	_ =	strace $0x90000054  }
0xc5: {  	_ =	sfence  }
0xc6: {  	s30 =	sld [smem:$0x0];
	_ =	sdelay $0x2  }
0xc7: {  	s31 =	sshll.u32 s1, $0xD;
	s1 =	sshrl.u32 s1, $0x2  }
0xc8: {  	s4 =	sand.u32 $0x4000, s31;
	s1 =	sadd.s32 s1, s30  }
0xc9: {  	s0 =	sor.u32 s4, s0;
	s1 =	sshll.u32 s1, $0x11  }
0xca: {  	s0 =	sor.u32 s1, s0  }
0xcb: {  	s0 =	sadd.s32 $0x8F2B, s0  }
0xcc: {  	[sflag:s0] =	ssyncadd.remote.s32 $0x1  }
0xcd: {  	_ =	sfence.sel $0xFFFF  }
0xce: {  	[dreg:$0x0] =	wrdreg $0xFFFFFFFF;
	(pc) =	sbr.abs _section_cstart, $3  }
0xcf: {  	[dreg:$0x1] =	wrdreg $0xFFFFFFFF  }
0xd0: {  	_ =	task.clear_ibuf [dreg:s22], $0x2FFFF;
	_ =	strace $0x9FFFFFFF  }
0xd1: {  	(tm) =	ssettm $0x7FFFFFFF  }
tec
execute0_lowered:
.L_overlay_start_1:
0x0: {  	(tag) =	ssettag $0x1  }
0x1: {  	s4 =	rddreg [dreg:$0x0]  }
0x2: {  	s2 =	rddreg [dreg:$0x1]  }
0x3: {  	s1 =	stileid.u32;
	s0 =	rddreg [dreg:$0x2];
	s3 =	simm.s32 $0x0  }
0x4: {  	s7 =	srdreg.scid;
	s13 =	simm.s32 $0x80;
	s14 =	simm.s32 $0x400  }
0x5: {  	s15 =	simm.s32 $0x2780;
	s16 =	simm.s32 $0x50;
	s17 =	simm.s32 $0x6780  }
0x6: {  	s18 =	simm.s32 $0x8F80;
	s19 =	simm.s32 $0x1;
	s20 =	simm.s32 $0x2  }
0x7: {  	s21 =	simm.s32 $0x6580;
	s5 =	sshrl.u32 s1, $0x3;
	s6 =	sshll.u32 s1, $0x7  }
0x8: {  	[smem:$0x7FF] =	sst s3;
	s24 =	smul.u32 $0x2800, s1;
	s25 =	sand.u32 $0x1, s7  }
0x9: {  	s26 =	sshll.u32 s1, $0xB;
	s9 =	smul.u32 $0x50000, s1;
	s31 =	sshll.u32 s1, $0x6  }
0xa: {  	s23 =	sadd.s32 $0x12C000, s2;
	p0 =	seq.s32 s1, $0xF;
	s5 =	smul.u32 $0x13C00, s5  }
0xb: {  	s6 =	sand.u32 $0x380, s6;
	_ =	strace $0x80000053;
	s7 =	smul.u32 $0x27100, s25  }
0xc: {  	s10 =	sadd.s32 s26, s4;
	s23 =	sshrl.u32 @p0 s23, $0x3;
	s28 =	sadd.s32 s24, s4  }
0xd: {  	s30 =	sshrl.u32 s9, $0x2;
	s5 =	sor.u32 s6, s5;
	s6 =	ssub.s32 $0x2, s25  }
0xe: {  	s11 =	sadd.s32 s7, s4;
	s5 =	sshrl.u32 s5, $0x3;
	s29 =	sshrl.u32 s6, $0x1  }
0xf: {  	s9 =	sadd.s32 $0x8AC00, s11;
	s25 =	sadd.s32 $0x7A00, s11;
	s8 =	sadd.s32 s5, s4  }
0x10: {  	s12 =	ssub.s32 s6, s29;
	s4 =	sadd.s32 s30, s2;
	s5 =	sadd.s32 $0xD8E00, s28  }
0x11: {  	s6 =	sor.u32 $0x1C03, s31;
	s22 =	sadd.s32 @p0 $0x25800, s25;
	s24 =	sadd.s32 @!p0 s24, s25  }
0x12: {  	s25 =	simm.s32 $0x0;
	s7 =	sadd.s32 $0x157000, s8;
	s8 =	sadd.s32 $0x14F000, s10  }
0x13: {  	s10 =	smax.u32 s12, $0x1;
	s11 =	sshrl.u32 s4, $0x3;
	s12 =	simm.s32 $0x3  }
.LBB2_1:
0x14: {  	[spmem:s11], [sflag:s6] =	dma.local [hbm:s5], $0x2800  }
0x15: {  	_ =	swait.ge [sflag:s12], $0x2800  }
0x16: {  	[sflag:s12] =	ssyncset.done $0x0  }
0x17: {  	[sflag:s12] =	ssyncadd.s32 $0xFFFFD800  }
0x18: {  	[tilespmem:s3], [sflag:$0x3] =	stream.strided.gather [hbm4b:s7+s13], $0x2780, s14, s13, $0x38;
	[tilespmem:$0x1F780] =	vst v63  }
0x19: {  	_ =	swait.ge [sflag:s12], $0x2780  }
0x1a: {  	[sflag:s12] =	ssyncset.done $0x0  }
0x1b: {  	[sflag:s12] =	ssyncadd.s32 $0xFFFFD880  }
0x1c: {  	[tilespmem:s15], [sflag:$0x3] =	stream.linear.gather [hbm4b:s8+s3], $0x3E80, $0x38;
	[tilespmem:$0x1F780] =	vst v63  }
0x1d: {  	_ =	swait.ge [sflag:s12], $0x3E80  }
0x1e: {  	[sflag:s12] =	ssyncset.done $0x0  }
0x1f: {  	[sflag:s12] =	ssyncadd.s32 $0xFFFFC180  }
0x20: {  	[bflag:$0x0] =	sbarrier.arrive $0xFFFF  }
0x21: {  	[tilespmem:s17], [sflag:$0x1] =	stream.indirect.gather [hbm4b:s9+s16], $0x80, s3, s16, $0xb8;
	[tilespmem:$0x1F780] =	vst v63  }
0x22: {  	s26 =	simm.s32 $0x50  }
0x23: {  	[tilespmem:s18], [sflag:$0x2] =	stream.indirect.gather [hbm4b:s9+s16], $0x80, s26, s16, $0xb8;
	[tilespmem:$0x1F780] =	vst v63  }
0x24: {  	_ =	swait.ge [sflag:s19], $0x2800  }
0x25: {  	[sflag:s19] =	ssyncset.done $0x0  }
0x26: {  	s31 =	simm.s32 $0x2780;
	[sflag:s19] =	ssyncadd.s32 $0xFFFFD800  }
0x27: {  	[spmem:s2] =	stream.indirect.scatter.add.f32 [tilespmem:s17], [sflag:$0x3], $0x80, s31, s16, $0xb8;
	[tilespmem:$0x1F780] =	vst v63  }
0x28: {  	_ =	swait.ge [sflag:s12], $0x2800  }
0x29: {  	[sflag:s12] =	ssyncset.done $0x0  }
0x2a: {  	s30 =	simm.s32 $0xA0;
	[sflag:s12] =	ssyncadd.s32 $0xFFFFD800  }
0x2b: {  	[tilespmem:s17], [sflag:$0x1] =	stream.indirect.gather [hbm4b:s9+s16], $0x80, s30, s16, $0xb8;
	[tilespmem:$0x1F780] =	vst v63  }
0x2c: {  	_ =	swait.ge [sflag:s20], $0x2800  }
0x2d: {  	[sflag:s20] =	ssyncset.done $0x0  }
0x2e: {  	s31 =	simm.s32 $0x2800;
	[sflag:s20] =	ssyncadd.s32 $0xFFFFD800  }
0x2f: {  	[spmem:s2] =	stream.indirect.scatter.add.f32 [tilespmem:s18], [sflag:$0x3], $0x80, s31, s16, $0xb8;
	[tilespmem:$0x1F780] =	vst v63  }
0x30: {  	s28 =	simm.s32 $0x400;
	_ =	swait.ge [sflag:s12], $0x2800  }
0x31: {  	s29 =	simm.s32 $0x800;
	s26 =	simm.s32 $0x140;
	[sflag:s12] =	ssyncset.done $0x0  }
.LBB2_2:
0x32: {  	p1 =	sne.s32 s29, $0xF400;
	s30 =	sadd.s32 $0xFFFFFFB0, s26;
	[sflag:s12] =	ssyncadd.s32 $0xFFFFD800  }
0x33: {  	[tilespmem:s18], [sflag:$0x2] =	stream.indirect.gather [hbm4b:s9+s16], $0x80, s30, s16, $0xb8;
	[tilespmem:$0x1F780] =	vst v63  }
0x34: {  	s30 =	smov.u32 s29;
	s29 =	sadd.s32 $0x400, s29;
	_ =	swait.ge [sflag:s19], $0x2800  }
0x35: {  	s31 =	sshra.s32 s28, $0x2;
	s28 =	smov.u32 s30;
	[sflag:s19] =	ssyncset.done $0x0  }
0x36: {  	s30 =	sadd.s32 $0x2780, s31;
	[sflag:s19] =	ssyncadd.s32 $0xFFFFD800  }
0x37: {  	[spmem:s2] =	stream.indirect.scatter.add.f32 [tilespmem:s17], [sflag:$0x3], $0x80, s30, s16, $0xb8;
	[tilespmem:$0x1F780] =	vst v63  }
0x38: {  	_ =	swait.ge [sflag:s12], $0x2800  }
0x39: {  	[sflag:s12] =	ssyncset.done $0x0  }
0x3a: {  	[sflag:s12] =	ssyncadd.s32 $0xFFFFD800  }
0x3b: {  	[tilespmem:s17], [sflag:$0x1] =	stream.indirect.gather [hbm4b:s9+s16], $0x80, s26, s16, $0xb8;
	[tilespmem:$0x1F780] =	vst v63  }
0x3c: {  	_ =	swait.ge [sflag:s20], $0x2800  }
.Ltmp0:
0x3d: {  	[sflag:s20] =	ssyncset.done $0x0;
	(pc) =	sbr.rel @p1 .LBB2_2-.Ltmp0, $4  }
0x3e: {  	s30 =	sadd.s32 $0x2800, s31;
	[sflag:s20] =	ssyncadd.s32 $0xFFFFD800  }
0x3f: {  	[spmem:s2] =	stream.indirect.scatter.add.f32 [tilespmem:s18], [sflag:$0x3], $0x80, s30, s16, $0xb8;
	[tilespmem:$0x1F780] =	vst v63  }
0x40: {  	_ =	swait.ge [sflag:s12], $0x2800  }
0x41: {  	s26 =	sadd.s32 $0xA0, s26;
	[sflag:s12] =	ssyncset.done $0x0  }
0x42: {  	s29 =	sadd.s32 $0xFFFFFFB0, s26;
	[sflag:s12] =	ssyncadd.s32 $0xFFFFD800  }
0x43: {  	[tilespmem:s18], [sflag:$0x2] =	stream.indirect.gather [hbm4b:s9+s16], $0x80, s29, s16, $0xb8;
	[tilespmem:$0x1F780] =	vst v63  }
0x44: {  	_ =	swait.ge [sflag:s19], $0x2800  }
0x45: {  	s28 =	sshra.s32 s28, $0x2;
	[sflag:s19] =	ssyncset.done $0x0  }
0x46: {  	s30 =	sadd.s32 $0x2780, s28;
	[sflag:s19] =	ssyncadd.s32 $0xFFFFD800  }
0x47: {  	[spmem:s2] =	stream.indirect.scatter.add.f32 [tilespmem:s17], [sflag:$0x3], $0x80, s30, s16, $0xb8;
	[tilespmem:$0x1F780] =	vst v63  }
0x48: {  	_ =	swait.ge [sflag:s12], $0x2800  }
0x49: {  	[sflag:s12] =	ssyncset.done $0x0  }
0x4a: {  	[sflag:s12] =	ssyncadd.s32 $0xFFFFD800  }
0x4b: {  	[tilespmem:s17], [sflag:$0x1] =	stream.indirect.gather [hbm4b:s9+s16], $0x80, s26, s16, $0xb8;
	[tilespmem:$0x1F780] =	vst v63  }
0x4c: {  	_ =	swait.ge [sflag:s20], $0x2800  }
0x4d: {  	[sflag:s20] =	ssyncset.done $0x0  }
0x4e: {  	s31 =	sadd.s32 $0x2800, s28;
	[sflag:s20] =	ssyncadd.s32 $0xFFFFD800  }
0x4f: {  	[spmem:s2] =	stream.indirect.scatter.add.f32 [tilespmem:s18], [sflag:$0x3], $0x80, s31, s16, $0xb8;
	[tilespmem:$0x1F780] =	vst v63  }
0x50: {  	_ =	swait.ge [sflag:s12], $0x2800  }
0x51: {  	[sflag:s12] =	ssyncset.done $0x0  }
0x52: {  	[sflag:s12] =	ssyncadd.s32 $0xFFFFD800  }
0x53: {  	_ =	swait.ge [sflag:s19], $0x2800  }
0x54: {  	[sflag:s19] =	ssyncset.done $0x0  }
0x55: {  	[sflag:s19] =	ssyncadd.s32 $0xFFFFD800  }
0x56: {  	[spmem:s2] =	stream.indirect.scatter.add.f32 [tilespmem:s17], [sflag:$0x3], $0x80, s21, s16, $0xb8;
	[tilespmem:$0x1F780] =	vst v63  }
0x57: {  	_ =	swait.ge [sflag:s12], $0x2800  }
0x58: {  	[sflag:s12] =	ssyncset.done $0x0  }
0x59: {  	[sflag:s12] =	ssyncadd.s32 $0xFFFFD800  }
0x5a: {  	s26 =	simm.s32 @p0 $0x3;
	[bflag:$0x0] =	sbarrier.arrive $0xFFFF  }
0x5b: {  	[hbm:s22], [sflag:s6] =	dma.local @p0 [spmem:s23], $0x1900  }
0x5c: {  	_ =	swait.ge @p0 [sflag:s26], $0x1900  }
0x5d: {  	s25 =	sadd.s32 $0x1, s25;
	[sflag:s26] =	ssyncset.done @p0 $0x0  }
0x5e: {  	p1 =	sne.s32 s25, s10;
	[sflag:s26] =	ssyncadd.s32 @p0 $0xFFFFE700;
	s26 =	sshrl.u32 @!p0 s4, $0x3  }
0x5f: {  	[hbm:s24], [sflag:s6] =	dma.local @!p0 [spmem:s26], $0x2800  }
.Ltmp1:
0x60: {  	_ = 	snop;
	(pc) =	sbr.rel @p1 .LBB2_1-.Ltmp1, $4  }
0x61: {  	s26 =	simm.s32 @!p0 $0x3  }
0x62: {  	_ =	swait.ge @!p0 [sflag:s26], $0x2800  }
0x63: {  	[sflag:s26] =	ssyncset.done @!p0 $0x0  }
0x64: {  	[sflag:s26] =	ssyncadd.s32 @!p0 $0xFFFFD800  }
0x65: {  	_ =	sfence.sel $0x180000  }
0x66: {  	[bflag:$0x0] =	sbarrier.arrive $0xFFFF  }
0x67: {  	p0 =	sne.s32 s1, $0x0;
	_ =	strace $0x90000053  }
0x68: {  	s0 =	sadd.s32 @!p0 $0x100000, s0;
	[bflag:$0x2] =	sbarrier.arrive $0xFFFF  }
0x69: {  	[sflag:s0] =	ssyncadd.tile.s32 @!p0 $0x1;
	_ =	shalt  }
.Lfunc_end2:
_tile_overlayer_lowered:
.L_overlay_start_2:
0x6a: {  	(tag) =	ssettag $0x2  }
0x6b: {  	s0 =	rddreg [dreg:$0x0];
	s2 =	stileid.u32  }
0x6c: {  	s1 =	rddreg [dreg:$0x1];
	p0 =	sne.s32 s2, $0x0  }
0x6d: {  	s3 =	rddreg [dreg:$0x2];
	[bflag:$0x3] =	sbarrier.arrive $0xFFFF;
	s2 =	simm.s32 @!p0 $0x1C03  }
0x6e: {  	[timem:s3], [sflag:s2] =	dma.local @!p0 [hbm:s0], s1  }
0x6f: {  	s0 =	simm.s32 @!p0 $0x3  }
0x70: {  	_ =	swait.ge @!p0 [sflag:s0], s1  }
0x71: {  	s1 =	ssub.s32 @!p0 $0x0, s1;
	[sflag:s0] =	ssyncset.done @!p0 $0x0  }
0x72: {  	[sflag:s0] =	ssyncadd.s32 @!p0 s1  }
0x73: {  	[bflag:$0x3] =	sbarrier.arrive $0xFFFF  }
0x74: {  	_ =	shalt  }

// kernel: kernel.22.cloned.1.call-start
scs
__scs_entry_jumppad:
0x0: {  	(pc) =	sbr.rel $0x88, $3  }
0x1: {  	(tag) =	ssettag $0x0;
	lr =	simm.s32 $0x1  }
0x2: {  	[smem:$0x3F71] =	sst lr;
	_ =	strace $0xD0000000  }
0x3: {  	_ = 	snop  }
0x4: {  	_ = 	snop  }
0x5: {  	_ = 	snop  }
0x6: {  	_ = 	snop  }
0x7: {  	_ = 	snop  }
__scs_overlays_trampoline_lowered:
0x8: {  	[smem:$0x3F80] =	sst s0  }
0x9: {  	[smem:$0x3F81] =	sst s1  }
0xa: {  	[smem:$0x3F82] =	sst s2  }
0xb: {  	[smem:$0x3F83] =	sst s3  }
0xc: {  	[smem:$0x3F84] =	sst s4  }
0xd: {  	[smem:$0x3F85] =	sst s5  }
0xe: {  	[smem:$0x3F86] =	sst s6  }
0xf: {  	[smem:$0x3F87] =	sst s7  }
0x10: {  	[smem:$0x3F88] =	sst s8  }
0x11: {  	[smem:$0x3F89] =	sst s9;
	s0 =	simm.s32 @!p0 $0x0  }
0x12: {  	s1 =	sld [smem:$0x3F6F];
	s0 =	simm.s32 @p0 $0x1  }
0x13: {  	[smem:$0x3F8A] =	sst s0;
	s0 =	simm.s32 @!p1 $0x0  }
0x14: {  	s2 =	sld [smem:$0x3F6E];
	s0 =	simm.s32 @p1 $0x1  }
0x15: {  	[smem:$0x3F8B] =	sst s0;
	s0 =	simm.s32 @!p2 $0x0  }
0x16: {  	s3 =	sld [smem:$0x3FDB];
	s0 =	simm.s32 @p2 $0x1  }
0x17: {  	s4 =	simm.s32 $0x1BF5;
	[smem:$0x3F8D] =	sst s0  }
0x18: {  	s0 =	sld [smem:$0x3F70];
	_ =	swait.ge [sflag:s4], $0x0  }
0x19: {  	s7 =	sld [smem:$0x3F71]  }
0x1a: {  	s8 =	sadd.s32 $0xFFFFE003, lr  }
0x1b: {  	s9 =	sadd.s32 $0xFFFFFEF7, lr;
	s5 =	simm.s32 $0xFFFFFFFF;
	p2 =	slt.u32 s8, $0xFFFFF086  }
0x1c: {  	p1 =	slt.u32 s9, $0xF7A;
	s5 =	simm.s32 @!p2 $0x0  }
0x1d: {  	s5 =	simm.s32 @p1 $0x1;
	p0 =	seq.s32 s7, s2  }
0x1e: {  	s7 =	smul.u32 @!p0 $0xF7A, s2;
	p2 =	seq.s32 @!p0 s5, $0x0  }
0x1f: {  	s9 =	smul.u32 $0xF7A, s1;
	s8 =	simm.s32 @!p0 $0x1BF5;
	p2 =	por !p2, p0  }
0x20: {  	[sflag:s8] =	ssyncset.s32 @!p0 $0xFFFFF086;
	s6 =	sadd.s32 @!p0 s3, s7;
	s7 =	simm.s32 @!p0 $0x108  }
0x21: {  	s3 =	sadd.s32 s3, s9;
	s6 =	sadd.s32 @!p0 $0x88, s6;
	s7 =	simm.s32 @p2 $0x1082  }
0x22: {  	[simem:s7], [sflag:s8] =	dma.local @!p0 [hbm:s6], $0xF7A  }
0x23: {  	s9 =	sor.u32 $0xD0000000, s2;
	s6 =	simm.s32 $0x108;
	_ =	swait.ge @!p0 [sflag:s8], $0x0  }
0x24: {  	s3 =	sadd.s32 $0x88, s3;
	s6 =	simm.s32 @!p1 $0x1082;
	[sflag:s4] =	ssyncset.s32 $0xFFFFF086  }
0x25: {  	[simem:s6], [sflag:s4] =	dma.local [hbm:s3], $0xF7A  }
0x26: {  	[smem:$0x3F71] =	sst s1;
	(tag) =	ssettag s2;
	_ =	strace s9  }
0x27: {  	s1 =	sld [smem:$0x3F81]  }
0x28: {  	s2 =	sld [smem:$0x3F82]  }
0x29: {  	s4 =	sld [smem:$0x3F84]  }
0x2a: {  	p0 =	seq.s32 s5, $0x0;
	s5 =	sld [smem:$0x3F85]  }
0x2b: {  	s6 =	sld [smem:$0x3F86]  }
0x2c: {  	s7 =	sld [smem:$0x3F87]  }
0x2d: {  	s3 =	simm.s32 $0x108;
	s8 =	sld [smem:$0x3F88]  }
0x2e: {  	s3 =	simm.s32 @!p0 $0x1082;
	s9 =	sld [smem:$0x3F89]  }
0x2f: {  	lr =	sadd.s32 s0, s3;
	s0 =	sld [smem:$0x3F80]  }
0x30: {  	s3 =	sld [smem:$0x3F83]  }
0x31: {  	[smem:$0x3F8C] =	sst s10  }
0x32: {  	s10 =	sld [smem:$0x3F8A];
	_ =	sdelay $0x3  }
0x33: {  	p0 =	seq.s32 s10, $0x1;
	s10 =	sld [smem:$0x3F8C];
	_ =	sdelay $0x3  }
0x34: {  	[smem:$0x3F8C] =	sst s10  }
0x35: {  	s10 =	sld [smem:$0x3F8B];
	_ =	sdelay $0x3  }
0x36: {  	p1 =	seq.s32 s10, $0x1;
	s10 =	sld [smem:$0x3F8C];
	_ =	sdelay $0x3  }
0x37: {  	[smem:$0x3F8C] =	sst s10  }
0x38: {  	s10 =	sld [smem:$0x3F8D]  }
0x39: {  	_ = 	snop;
	(pc) =	sbr.ind lr, $3  }
0x3a: {  	_ = 	snop  }
0x3b: {  	_ = 	snop  }
0x3c: {  	p2 =	seq.s32 s10, $0x1;
	s10 =	sld [smem:$0x3F8C]  }
0x3d: {  	_ =	shalt  }
0x3e: {  	_ =	shalt  }
0x3f: {  	_ =	shalt  }
0x40: {  	_ =	shalt  }
0x41: {  	_ =	shalt  }
0x42: {  	_ =	shalt  }
0x43: {  	_ =	shalt  }
0x44: {  	_ =	shalt  }
0x45: {  	_ =	shalt  }
0x46: {  	_ =	shalt  }
0x47: {  	_ =	shalt  }
0x48: {  	_ =	shalt  }
0x49: {  	_ =	shalt  }
0x4a: {  	_ =	shalt  }
0x4b: {  	_ =	shalt  }
0x4c: {  	_ =	shalt  }
0x4d: {  	_ =	shalt  }
0x4e: {  	_ =	shalt  }
0x4f: {  	_ =	shalt  }
0x50: {  	_ =	shalt  }
0x51: {  	_ =	shalt  }
0x52: {  	_ =	shalt  }
0x53: {  	_ =	shalt  }
0x54: {  	_ =	shalt  }
0x55: {  	_ =	shalt  }
0x56: {  	_ =	shalt  }
0x57: {  	_ =	shalt  }
0x58: {  	_ =	shalt  }
0x59: {  	_ =	shalt  }
0x5a: {  	_ =	shalt  }
0x5b: {  	_ =	shalt  }
0x5c: {  	_ =	shalt  }
0x5d: {  	_ =	shalt  }
0x5e: {  	_ =	shalt  }
0x5f: {  	_ =	shalt  }
0x60: {  	_ =	shalt  }
0x61: {  	_ =	shalt  }
0x62: {  	_ =	shalt  }
0x63: {  	_ =	shalt  }
0x64: {  	_ =	shalt  }
0x65: {  	_ =	shalt  }
0x66: {  	_ =	shalt  }
0x67: {  	_ =	shalt  }
0x68: {  	_ =	shalt  }
0x69: {  	_ =	shalt  }
0x6a: {  	_ =	shalt  }
0x6b: {  	_ =	shalt  }
0x6c: {  	_ =	shalt  }
0x6d: {  	_ =	shalt  }
0x6e: {  	_ =	shalt  }
0x6f: {  	_ =	shalt  }
0x70: {  	_ =	shalt  }
0x71: {  	_ =	shalt  }
0x72: {  	_ =	shalt  }
0x73: {  	_ =	shalt  }
0x74: {  	_ =	shalt  }
0x75: {  	_ =	shalt  }
0x76: {  	_ =	shalt  }
0x77: {  	_ =	shalt  }
0x78: {  	_ =	shalt  }
0x79: {  	_ =	shalt  }
0x7a: {  	_ =	shalt  }
0x7b: {  	_ =	shalt  }
0x7c: {  	_ =	shalt  }
0x7d: {  	_ =	shalt  }
0x7e: {  	_ =	shalt  }
0x7f: {  	_ =	shalt  }
0x80: {  	_ =	shalt  }
0x81: {  	_ =	shalt  }
0x82: {  	_ =	shalt  }
0x83: {  	_ =	shalt  }
0x84: {  	_ =	shalt  }
0x85: {  	_ =	shalt  }
0x86: {  	_ =	shalt  }
0x87: {  	_ =	shalt  }
.Lfunc_end0:
.L_simem_size_0:
called_computation.4_lowered:
.L_overlay_start_0:
0x88: {  	s2 =	sld [smem:$0x3FD9]  }
0x89: {  	s3 =	sld [smem:$0x3FFE];
	_ =	sdelay $0x1  }
0x8a: {  	s1 =	srdreg.scid  }
0x8b: {  	s0 =	sand.u32 $0x1, s1  }
0x8c: {  	s16 =	sshll.u32 s0, $0xA;
	s2 =	sadd.s32 s3, s2  }
0x8d: {  	s2 =	sadd.s32 s2, s16  }
0x8e: {  	[smem:$0x3F98] =	sst s2  }
0x8f: {  	_ = 	snop  }
0x90: {  	(tm) =	ssettm $0x1  }
0x91: {  	s17 =	sld [smem:$0x3FFB];
	_ =	sdelay $0x3  }
0x92: {  	_ =	strace s17  }
0x93: {  	s2 =	sld [smem:$0x3FFC];
	_ =	sdelay $0x3  }
0x94: {  	_ =	strace s2  }
0x95: {  	s2 =	sld [smem:$0x3FFD];
	_ =	sdelay $0x3  }
0x96: {  	_ =	strace s2  }
0x97: {  	_ =	strace $0x8FFFFFFF  }
0x98: {  	s18 =	sld [smem:$0x3FDB];
	_ =	sdelay $0x1  }
0x99: {  	s19 =	simm.s32 $_scs_section_size  }
0x9a: {  	s4 =	simm.s32 $_size__tile_overlayer_lowered;
	s5 =	simm.s32 $_tile_overlayer_lowered  }
0x9b: {  	s22 =	simm.s32 $0x1BFF;
	s21 =	sshll.u32 s5, $0x1;
	s2 =	sadd.s32 s19, s18  }
0x9c: {  	s6 =	simm.s32 $0x0;
	s20 =	sshll.u32 s4, $0x1;
	s4 =	sadd.s32 s21, s2  }
0x9d: {  	[timem:s6], [sflag:s22] =	dma.local [hbm:s4], s20  }
0x9e: {  	_ =	swait.ge [sflag:s22], s20  }
0x9f: {  	s3 =	ssub.s32 $0x0, s20;
	[sflag:s22] =	ssyncset.done $0x0  }
0xa0: {  	[sflag:s22] =	ssyncadd.s32 s3;
	_ =	sdelay $0x1  }
0xa1: {  	s23 =	simm.s32 $0x1B8B  }
0xa2: {  	_ =	swait.ge [sflag:s23], $0x1  }
0xa3: {  	[sflag:s23] =	ssyncset.done $0x0  }
0xa4: {  	s25 =	simm.s32 $0x1B8E;
	s24 =	sld [smem:$0x3FFE];
	[sflag:s23] =	ssyncadd.s32 $0xFFFFFFFF  }
0xa5: {  	s26 =	simm.s32 $execute0_lowered;
	[smem:$0x3FD2] =	sst s25  }
0xa6: {  	s4 =	sshll.u32 s26, $0x1;
	_ =	strace $0x8000004F;
	[dreg:$0x1] =	wrdreg $0xFFFFFFFF  }
0xa7: {  	s28 =	simm.s32 $_size_execute0_lowered;
	s2 =	sadd.s32 s2, s4;
	[dreg:$0x0] =	wrdreg $0x0  }
0xa8: {  	s4 =	sshll.u32 s28, $0x1;
	[dreg:$0x2] =	wrdreg s2  }
0xa9: {  	[dreg:$0x3] =	wrdreg s4  }
0xaa: {  	[dreg:$0x4] =	wrdreg $0xC0  }
0xab: {  	_ =	task [dreg:s6], $0x5FFFF  }
0xac: {  	[dreg:$0x1] =	wrdreg $0xFFFFFFFF  }
0xad: {  	[dreg:$0x0] =	wrdreg $0x60  }
0xae: {  	[dreg:$0x2] =	wrdreg s24  }
0xaf: {  	[dreg:$0x3] =	wrdreg $0xB7800  }
0xb0: {  	[dreg:$0x4] =	wrdreg $0xA  }
0xb1: {  	_ =	task.clear_ibuf [dreg:s6], $0x5FFFF;
	_ =	strace $0x9000004F  }
0xb2: {  	s29 =	simm.s32 $0xA;
	_ =	strace $0x80000051  }
0xb3: {  	_ =	swait.ge [sflag:s29], $0x1  }
0xb4: {  	[sflag:s29] =	ssyncadd.s32 $0xFFFFFFFF  }
0xb5: {  	_ =	strace $0x90000051  }
0xb6: {  	_ =	sfence  }
0xb7: {  	s30 =	sld [smem:$0x0];
	_ =	sdelay $0x2  }
0xb8: {  	s31 =	sshll.u32 s1, $0xD;
	s1 =	sshrl.u32 s1, $0x2  }
0xb9: {  	s3 =	sand.u32 $0x4000, s31;
	s1 =	sadd.s32 s1, s30  }
0xba: {  	s0 =	sor.u32 s3, s0;
	s1 =	sshll.u32 s1, $0x11  }
0xbb: {  	s0 =	sor.u32 s1, s0  }
0xbc: {  	s0 =	sadd.s32 $0x8F2B, s0  }
0xbd: {  	[sflag:s0] =	ssyncadd.remote.s32 $0x1  }
0xbe: {  	_ =	sfence.sel $0xFFFF  }
0xbf: {  	[dreg:$0x0] =	wrdreg $0xFFFFFFFF;
	(pc) =	sbr.abs _section_cstart, $3  }
0xc0: {  	[dreg:$0x1] =	wrdreg $0xFFFFFFFF  }
0xc1: {  	_ =	task.clear_ibuf [dreg:s6], $0x2FFFF;
	_ =	strace $0x9FFFFFFF  }
0xc2: {  	(tm) =	ssettm $0x7FFFFFFF  }
0xc3: {  	_ =	shalt  }
tec
execute0_lowered:
.L_overlay_start_1:
0x0: {  	(tag) =	ssettag $0x1  }
0x1: {  	s4 =	rddreg [dreg:$0x0]  }
0x2: {  	s2 =	rddreg [dreg:$0x1]  }
0x3: {  	s1 =	stileid.u32;
	s0 =	rddreg [dreg:$0x2];
	s3 =	simm.s32 $0x0  }
0x4: {  	s7 =	srdreg.scid;
	s13 =	simm.s32 $0x80;
	s14 =	simm.s32 $0x400  }
0x5: {  	s15 =	simm.s32 $0x2780;
	s16 =	simm.s32 $0x50;
	s17 =	simm.s32 $0x6780  }
0x6: {  	s18 =	simm.s32 $0x8F80;
	s19 =	simm.s32 $0x1;
	s20 =	simm.s32 $0x2  }
0x7: {  	s21 =	simm.s32 $0x6580;
	s5 =	sshrl.u32 s1, $0x3;
	s6 =	sshll.u32 s1, $0x7  }
0x8: {  	[smem:$0x7FF] =	sst s3;
	s24 =	smul.u32 $0x2800, s1;
	s25 =	sand.u32 $0x1, s7  }
0x9: {  	s26 =	sshll.u32 s1, $0xB;
	s9 =	smul.u32 $0x50000, s1;
	s31 =	sshll.u32 s1, $0x6  }
0xa: {  	s23 =	sadd.s32 $0x12C000, s2;
	p0 =	seq.s32 s1, $0xF;
	s5 =	smul.u32 $0x13C00, s5  }
0xb: {  	s6 =	sand.u32 $0x380, s6;
	_ =	strace $0x80000050;
	s7 =	smul.u32 $0x27100, s25  }
0xc: {  	s10 =	sadd.s32 s26, s4;
	s23 =	sshrl.u32 @p0 s23, $0x3;
	s28 =	sadd.s32 s24, s4  }
0xd: {  	s30 =	sshrl.u32 s9, $0x2;
	s5 =	sor.u32 s6, s5;
	s6 =	ssub.s32 $0x2, s25  }
0xe: {  	s11 =	sadd.s32 s7, s4;
	s5 =	sshrl.u32 s5, $0x3;
	s29 =	sshrl.u32 s6, $0x1  }
0xf: {  	s9 =	sadd.s32 $0x8AC00, s11;
	s25 =	sadd.s32 $0x100E00, s11;
	s8 =	sadd.s32 s5, s4  }
0x10: {  	s12 =	ssub.s32 s6, s29;
	s4 =	sadd.s32 s30, s2;
	s5 =	sadd.s32 $0xD8E00, s28  }
0x11: {  	s6 =	sor.u32 $0x1C03, s31;
	s22 =	sadd.s32 @p0 $0x25800, s25;
	s24 =	sadd.s32 @!p0 s24, s25  }
0x12: {  	s25 =	simm.s32 $0x0;
	s7 =	sadd.s32 $0x85C00, s8;
	s8 =	sadd.s32 $0x7DC00, s10  }
0x13: {  	s10 =	smax.u32 s12, $0x1;
	s11 =	sshrl.u32 s4, $0x3;
	s12 =	simm.s32 $0x3  }
.LBB2_1:
0x14: {  	[spmem:s11], [sflag:s6] =	dma.local [hbm:s5], $0x2800  }
0x15: {  	_ =	swait.ge [sflag:s12], $0x2800  }
0x16: {  	[sflag:s12] =	ssyncset.done $0x0  }
0x17: {  	[sflag:s12] =	ssyncadd.s32 $0xFFFFD800  }
0x18: {  	[tilespmem:s3], [sflag:$0x3] =	stream.strided.gather [hbm4b:s7+s13], $0x2780, s14, s13, $0x38;
	[tilespmem:$0x1F780] =	vst v63  }
0x19: {  	_ =	swait.ge [sflag:s12], $0x2780  }
0x1a: {  	[sflag:s12] =	ssyncset.done $0x0  }
0x1b: {  	[sflag:s12] =	ssyncadd.s32 $0xFFFFD880  }
0x1c: {  	[tilespmem:s15], [sflag:$0x3] =	stream.linear.gather [hbm4b:s8+s3], $0x3E80, $0x38;
	[tilespmem:$0x1F780] =	vst v63  }
0x1d: {  	_ =	swait.ge [sflag:s12], $0x3E80  }
0x1e: {  	[sflag:s12] =	ssyncset.done $0x0  }
0x1f: {  	[sflag:s12] =	ssyncadd.s32 $0xFFFFC180  }
0x20: {  	[bflag:$0x0] =	sbarrier.arrive $0xFFFF  }
0x21: {  	[tilespmem:s17], [sflag:$0x1] =	stream.indirect.gather [hbm4b:s9+s16], $0x80, s3, s16, $0xb8;
	[tilespmem:$0x1F780] =	vst v63  }
0x22: {  	s26 =	simm.s32 $0x50  }
0x23: {  	[tilespmem:s18], [sflag:$0x2] =	stream.indirect.gather [hbm4b:s9+s16], $0x80, s26, s16, $0xb8;
	[tilespmem:$0x1F780] =	vst v63  }
0x24: {  	_ =	swait.ge [sflag:s19], $0x2800  }
0x25: {  	[sflag:s19] =	ssyncset.done $0x0  }
0x26: {  	s31 =	simm.s32 $0x2780;
	[sflag:s19] =	ssyncadd.s32 $0xFFFFD800  }
0x27: {  	[spmem:s2] =	stream.indirect.scatter.add.f32 [tilespmem:s17], [sflag:$0x3], $0x80, s31, s16, $0xb8;
	[tilespmem:$0x1F780] =	vst v63  }
0x28: {  	_ =	swait.ge [sflag:s12], $0x2800  }
0x29: {  	[sflag:s12] =	ssyncset.done $0x0  }
0x2a: {  	s30 =	simm.s32 $0xA0;
	[sflag:s12] =	ssyncadd.s32 $0xFFFFD800  }
0x2b: {  	[tilespmem:s17], [sflag:$0x1] =	stream.indirect.gather [hbm4b:s9+s16], $0x80, s30, s16, $0xb8;
	[tilespmem:$0x1F780] =	vst v63  }
0x2c: {  	_ =	swait.ge [sflag:s20], $0x2800  }
0x2d: {  	[sflag:s20] =	ssyncset.done $0x0  }
0x2e: {  	s31 =	simm.s32 $0x2800;
	[sflag:s20] =	ssyncadd.s32 $0xFFFFD800  }
0x2f: {  	[spmem:s2] =	stream.indirect.scatter.add.f32 [tilespmem:s18], [sflag:$0x3], $0x80, s31, s16, $0xb8;
	[tilespmem:$0x1F780] =	vst v63  }
0x30: {  	s28 =	simm.s32 $0x400;
	_ =	swait.ge [sflag:s12], $0x2800  }
0x31: {  	s29 =	simm.s32 $0x800;
	s26 =	simm.s32 $0x140;
	[sflag:s12] =	ssyncset.done $0x0  }
.LBB2_2:
0x32: {  	p1 =	sne.s32 s29, $0xF400;
	s30 =	sadd.s32 $0xFFFFFFB0, s26;
	[sflag:s12] =	ssyncadd.s32 $0xFFFFD800  }
0x33: {  	[tilespmem:s18], [sflag:$0x2] =	stream.indirect.gather [hbm4b:s9+s16], $0x80, s30, s16, $0xb8;
	[tilespmem:$0x1F780] =	vst v63  }
0x34: {  	s30 =	smov.u32 s29;
	s29 =	sadd.s32 $0x400, s29;
	_ =	swait.ge [sflag:s19], $0x2800  }
0x35: {  	s31 =	sshra.s32 s28, $0x2;
	s28 =	smov.u32 s30;
	[sflag:s19] =	ssyncset.done $0x0  }
0x36: {  	s30 =	sadd.s32 $0x2780, s31;
	[sflag:s19] =	ssyncadd.s32 $0xFFFFD800  }
0x37: {  	[spmem:s2] =	stream.indirect.scatter.add.f32 [tilespmem:s17], [sflag:$0x3], $0x80, s30, s16, $0xb8;
	[tilespmem:$0x1F780] =	vst v63  }
0x38: {  	_ =	swait.ge [sflag:s12], $0x2800  }
0x39: {  	[sflag:s12] =	ssyncset.done $0x0  }
0x3a: {  	[sflag:s12] =	ssyncadd.s32 $0xFFFFD800  }
0x3b: {  	[tilespmem:s17], [sflag:$0x1] =	stream.indirect.gather [hbm4b:s9+s16], $0x80, s26, s16, $0xb8;
	[tilespmem:$0x1F780] =	vst v63  }
0x3c: {  	_ =	swait.ge [sflag:s20], $0x2800  }
.Ltmp0:
0x3d: {  	[sflag:s20] =	ssyncset.done $0x0;
	(pc) =	sbr.rel @p1 .LBB2_2-.Ltmp0, $4  }
0x3e: {  	s30 =	sadd.s32 $0x2800, s31;
	[sflag:s20] =	ssyncadd.s32 $0xFFFFD800  }
0x3f: {  	[spmem:s2] =	stream.indirect.scatter.add.f32 [tilespmem:s18], [sflag:$0x3], $0x80, s30, s16, $0xb8;
	[tilespmem:$0x1F780] =	vst v63  }
0x40: {  	_ =	swait.ge [sflag:s12], $0x2800  }
0x41: {  	s26 =	sadd.s32 $0xA0, s26;
	[sflag:s12] =	ssyncset.done $0x0  }
0x42: {  	s29 =	sadd.s32 $0xFFFFFFB0, s26;
	[sflag:s12] =	ssyncadd.s32 $0xFFFFD800  }
0x43: {  	[tilespmem:s18], [sflag:$0x2] =	stream.indirect.gather [hbm4b:s9+s16], $0x80, s29, s16, $0xb8;
	[tilespmem:$0x1F780] =	vst v63  }
0x44: {  	_ =	swait.ge [sflag:s19], $0x2800  }
0x45: {  	s28 =	sshra.s32 s28, $0x2;
	[sflag:s19] =	ssyncset.done $0x0  }
0x46: {  	s30 =	sadd.s32 $0x2780, s28;
	[sflag:s19] =	ssyncadd.s32 $0xFFFFD800  }
0x47: {  	[spmem:s2] =	stream.indirect.scatter.add.f32 [tilespmem:s17], [sflag:$0x3], $0x80, s30, s16, $0xb8;
	[tilespmem:$0x1F780] =	vst v63  }
0x48: {  	_ =	swait.ge [sflag:s12], $0x2800  }
0x49: {  	[sflag:s12] =	ssyncset.done $0x0  }
0x4a: {  	[sflag:s12] =	ssyncadd.s32 $0xFFFFD800  }
0x4b: {  	[tilespmem:s17], [sflag:$0x1] =	stream.indirect.gather [hbm4b:s9+s16], $0x80, s26, s16, $0xb8;
	[tilespmem:$0x1F780] =	vst v63  }
0x4c: {  	_ =	swait.ge [sflag:s20], $0x2800  }
0x4d: {  	[sflag:s20] =	ssyncset.done $0x0  }
0x4e: {  	s31 =	sadd.s32 $0x2800, s28;
	[sflag:s20] =	ssyncadd.s32 $0xFFFFD800  }
0x4f: {  	[spmem:s2] =	stream.indirect.scatter.add.f32 [tilespmem:s18], [sflag:$0x3], $0x80, s31, s16, $0xb8;
	[tilespmem:$0x1F780] =	vst v63  }
0x50: {  	_ =	swait.ge [sflag:s12], $0x2800  }
0x51: {  	[sflag:s12] =	ssyncset.done $0x0  }
0x52: {  	[sflag:s12] =	ssyncadd.s32 $0xFFFFD800  }
0x53: {  	_ =	swait.ge [sflag:s19], $0x2800  }
0x54: {  	[sflag:s19] =	ssyncset.done $0x0  }
0x55: {  	[sflag:s19] =	ssyncadd.s32 $0xFFFFD800  }
0x56: {  	[spmem:s2] =	stream.indirect.scatter.add.f32 [tilespmem:s17], [sflag:$0x3], $0x80, s21, s16, $0xb8;
	[tilespmem:$0x1F780] =	vst v63  }
0x57: {  	_ =	swait.ge [sflag:s12], $0x2800  }
0x58: {  	[sflag:s12] =	ssyncset.done $0x0  }
0x59: {  	[sflag:s12] =	ssyncadd.s32 $0xFFFFD800  }
0x5a: {  	s26 =	simm.s32 @p0 $0x3;
	[bflag:$0x0] =	sbarrier.arrive $0xFFFF  }
0x5b: {  	[hbm:s22], [sflag:s6] =	dma.local @p0 [spmem:s23], $0x1900  }
0x5c: {  	_ =	swait.ge @p0 [sflag:s26], $0x1900  }
0x5d: {  	s25 =	sadd.s32 $0x1, s25;
	[sflag:s26] =	ssyncset.done @p0 $0x0  }
0x5e: {  	p1 =	sne.s32 s25, s10;
	[sflag:s26] =	ssyncadd.s32 @p0 $0xFFFFE700;
	s26 =	sshrl.u32 @!p0 s4, $0x3  }
0x5f: {  	[hbm:s24], [sflag:s6] =	dma.local @!p0 [spmem:s26], $0x2800  }
.Ltmp1:
0x60: {  	_ = 	snop;
	(pc) =	sbr.rel @p1 .LBB2_1-.Ltmp1, $4  }
0x61: {  	s26 =	simm.s32 @!p0 $0x3  }
0x62: {  	_ =	swait.ge @!p0 [sflag:s26], $0x2800  }
0x63: {  	[sflag:s26] =	ssyncset.done @!p0 $0x0  }
0x64: {  	[sflag:s26] =	ssyncadd.s32 @!p0 $0xFFFFD800  }
0x65: {  	_ =	sfence.sel $0x180000  }
0x66: {  	[bflag:$0x0] =	sbarrier.arrive $0xFFFF  }
0x67: {  	p0 =	sne.s32 s1, $0x0;
	_ =	strace $0x90000050  }
0x68: {  	s0 =	sadd.s32 @!p0 $0x100000, s0;
	[bflag:$0x2] =	sbarrier.arrive $0xFFFF  }
0x69: {  	[sflag:s0] =	ssyncadd.tile.s32 @!p0 $0x1;
	_ =	shalt  }
.Lfunc_end2:
_tile_overlayer_lowered:
.L_overlay_start_2:
0x6a: {  	(tag) =	ssettag $0x2  }
0x6b: {  	s0 =	rddreg [dreg:$0x0];
	s2 =	stileid.u32  }
0x6c: {  	s1 =	rddreg [dreg:$0x1];
	p0 =	sne.s32 s2, $0x0  }
0x6d: {  	s3 =	rddreg [dreg:$0x2];
	[bflag:$0x3] =	sbarrier.arrive $0xFFFF;
	s2 =	simm.s32 @!p0 $0x1C03  }
0x6e: {  	[timem:s3], [sflag:s2] =	dma.local @!p0 [hbm:s0], s1  }
0x6f: {  	s0 =	simm.s32 @!p0 $0x3  }
0x70: {  	_ =	swait.ge @!p0 [sflag:s0], s1  }
0x71: {  	s1 =	ssub.s32 @!p0 $0x0, s1;
	[sflag:s0] =	ssyncset.done @!p0 $0x0  }
0x72: {  	[sflag:s0] =	ssyncadd.s32 @!p0 s1  }
0x73: {  	[bflag:$0x3] =	sbarrier.arrive $0xFFFF  }
0x74: {  	_ =	shalt  }

</sc_bundles>
